<compile_context>
chip_gen: v7x
topology: tpu7x:2x2x1
jax: 0.10.2.dev20260603
libtpu: 0.0.44.dev20260713+nightly
codegen_flags: <defaults>
</compile_context>

<pallas_src>
import functools

import jax
import jax.numpy as jnp
from jax import lax
from jax.experimental import pallas as pl
from jax.experimental.pallas import tpu as pltpu
from jax.experimental.pallas import tpu_sc as plsc

EMB = 768
NJ = EMB // 16
EPS = 1e-6
NW = 32
CHUNK = 32
NB = 4

ROW_POS8 = 16
ROW_SEG = 24
ROW_ZERO = 27
ROW_GAMMA = 28
ROW_BETA = 29
NSMALL = 30

_MAGIC = 0x5F3759DF


def _rsqrt_vec(v):
    magic = jnp.full((16,), _MAGIC, jnp.int32)
    y = plsc.bitcast(magic - lax.shift_right_logical(plsc.bitcast(v, jnp.int32), 1),
                     jnp.float32)
    half = v * 0.5
    for _ in range(3):
        y = y * (1.5 - half * y * y)
    return y


def _fused_body(n_src_chunks, gidx_hbm, pos_hbm, segt_hbm, g_hbm, b_hbm,
                sb_hbm, oidx_hbm, table_hbm,
                out_hbm, pk_hbm, pv_hbm, tw_hbm,
                idx_v, sb_v, oi_v, small_v, rows_v, sem_g, sem_w):
    wid = lax.axis_index("s") * 2 + lax.axis_index("c")
    per_w = gidx_hbm.shape[1]
    n_chunks = per_w // CHUNK
    n_pos_w = pos_hbm.shape[0] // NW

    pltpu.sync_copy(gidx_hbm.at[wid], idx_v)
    pltpu.sync_copy(sb_hbm.at[wid], sb_v)
    pltpu.sync_copy(oidx_hbm.at[wid], oi_v)
    pltpu.sync_copy(pos_hbm.at[pl.ds(n_pos_w * wid, n_pos_w)],
                    small_v.at[pl.ds(0, n_pos_w)])
    pltpu.sync_copy(pos_hbm.at[pl.ds(0, ROW_SEG - ROW_POS8)],
                    small_v.at[pl.ds(ROW_POS8, ROW_SEG - ROW_POS8)])
    pltpu.sync_copy(segt_hbm, small_v.at[pl.ds(ROW_SEG, ROW_ZERO - ROW_SEG)])
    pltpu.sync_copy(g_hbm, small_v.at[ROW_GAMMA])
    pltpu.sync_copy(b_hbm, small_v.at[ROW_BETA])

    inv_n = jnp.float32(1.0 / EMB)

    def gather_chunk(k):
        slot = lax.rem(k, NB)
        pltpu.async_copy(
            table_hbm.at[idx_v.at[pl.ds(k * CHUNK, CHUNK)]],
            rows_v.at[slot], sem_g)

    def _stats(accs, accq):
        mean_v, rstd_v = [], []
        for r in range(len(accs)):
            mean = jnp.sum(accs[r]) * inv_n
            var = jnp.maximum(jnp.sum(accq[r]) * inv_n - mean * mean, 0.0) + EPS
            mean_v.append(jnp.full((16,), mean))
            rstd_v.append(_rsqrt_vec(jnp.full((16,), var)))
        return mean_v, rstd_v

    def _pass2(slot, rr0, mean_v, rstd_v):
        nr = len(mean_v)

        @plsc.parallel_loop(0, NJ, unroll=4)
        def _p2(j):
            o = 16 * j
            gv = small_v[ROW_GAMMA, pl.ds(o, 16)]
            bv = small_v[ROW_BETA, pl.ds(o, 16)]
            for r in range(nr):
                x = rows_v[slot, rr0 + r, pl.ds(o, 16)]
                y = (x - mean_v[r]) * rstd_v[r] * gv + bv
                rows_v[slot, rr0 + r, pl.ds(o, 16)] = y

    GR = 8

    def compute_src_chunk(c, slot):
        def group_body(g, _):
            rr0 = GR * g
            i0 = c * CHUNK + rr0
            sb = []
            for r in range(GR):
                isplat = jnp.full((16,), i0 + r, jnp.int32)
                sb.append(plsc.load_gather(sb_v, [isplat])[0])
            zero = jnp.zeros((16,), jnp.float32)
            carry0 = (zero,) * (2 * GR)

            @plsc.parallel_loop(0, NJ, unroll=4, carry=carry0)
            def _p1(j, acc):
                o = 16 * j
                pv = small_v[c, pl.ds(o, 16)]
                ns, nq = [], []
                for r in range(GR):
                    x = rows_v[slot, rr0 + r, pl.ds(o, 16)] + pv
                    x = x + small_v[sb[r], pl.ds(o, 16)]
                    rows_v[slot, rr0 + r, pl.ds(o, 16)] = x
                    ns.append(acc[r] + x)
                    nq.append(acc[GR + r] + x * x)
                return tuple(ns) + tuple(nq)

            acc = _p1
            mean_v, rstd_v = _stats(acc[:GR], acc[GR:])
            _pass2(slot, rr0, mean_v, rstd_v)
            return _

        lax.fori_loop(0, CHUNK // GR, group_body, 0)

    def compute_prop_chunk(slot):
        def group_body(g, _):
            rr0 = GR * g
            zero = jnp.zeros((16,), jnp.float32)
            carry0 = (zero,) * (2 * GR)

            @plsc.parallel_loop(0, NJ, unroll=4, carry=carry0)
            def _p1(j, acc):
                o = 16 * j
                ns, nq = [], []
                for r in range(GR):
                    pv = small_v[ROW_POS8 + (r % 8), pl.ds(o, 16)]
                    x = rows_v[slot, rr0 + r, pl.ds(o, 16)] + pv
                    rows_v[slot, rr0 + r, pl.ds(o, 16)] = x
                    ns.append(acc[r] + x)
                    nq.append(acc[GR + r] + x * x)
                return tuple(ns) + tuple(nq)

            acc = _p1
            mean_v, rstd_v = _stats(acc[:GR], acc[GR:])
            _pass2(slot, rr0, mean_v, rstd_v)
            return _

        lax.fori_loop(0, CHUNK // GR, group_body, 0)

    def compute_chunk(c, slot):
        @pl.when(c < n_src_chunks)
        def _src():
            compute_src_chunk(c, slot)

        @pl.when(c >= n_src_chunks)
        def _prop():
            compute_prop_chunk(slot)

    def wait_gather(slot):
        pltpu.make_async_copy(
            table_hbm.at[pl.ds(0, CHUNK)], rows_v.at[slot], sem_g).wait()

    def wait_scatter(slot):
        pltpu.make_async_copy(
            rows_v.at[slot], out_hbm.at[pl.ds(0, CHUNK)], sem_w).wait()

    gather_chunk(0)
    gather_chunk(1)

    n_prop_per_out = pk_hbm.shape[0]

    def chunk_body(c, _):
        slot = lax.rem(c, NB)

        @pl.when(c >= NB - 2)
        def _wait_old_scatter():
            wait_scatter(lax.rem(c + 2, NB))

        @pl.when(c + 2 < n_chunks)
        def _issue_next_gather():
            gather_chunk(c + 2)

        wait_gather(slot)
        compute_chunk(c, slot)
        q0 = (per_w - n_src_chunks * CHUNK) * wid + CHUNK * (c - n_src_chunks)
        d = lax.div(q0, n_prop_per_out)

        @pl.when(c < n_src_chunks)
        def _w0():
            pltpu.async_copy(rows_v.at[slot], out_hbm.at[oi_v.at[c]], sem_w)

        @pl.when((c >= n_src_chunks) & (d == 0))
        def _w1():
            pltpu.async_copy(rows_v.at[slot], pk_hbm.at[oi_v.at[c]], sem_w)

        @pl.when((c >= n_src_chunks) & (d == 1))
        def _w2():
            pltpu.async_copy(rows_v.at[slot], pv_hbm.at[oi_v.at[c]], sem_w)

        @pl.when((c >= n_src_chunks) & (d == 2))
        def _w3():
            pltpu.async_copy(rows_v.at[slot], tw_hbm.at[oi_v.at[c]], sem_w)

        return _

    lax.fori_loop(0, n_chunks, chunk_body, 0)
    for _ in range(NB - 2):
        wait_scatter(0)


def _fused_sc(gidx, pos_table, seg_table, gamma, beta, sb, oidx, word_table,
              n_src, n_prop1, n_src_chunks):
    per_w = gidx.shape[1]
    row = lambda m: jax.ShapeDtypeStruct((m, EMB), jnp.float32)
    return pl.kernel(
        functools.partial(_fused_body, n_src_chunks),
        out_type=(row(n_src), row(n_prop1), row(n_prop1), row(n_prop1)),
        mesh=plsc.VectorSubcoreMesh(core_axis_name="c", subcore_axis_name="s"),
        compiler_params=pltpu.CompilerParams(needs_layout_passes=False),
        scratch_types=[
            pltpu.VMEM((per_w,), jnp.int32),
            pltpu.VMEM((per_w,), jnp.int32),
            pltpu.VMEM((per_w // CHUNK, CHUNK), jnp.int32),
            pltpu.VMEM((NSMALL, EMB), jnp.float32),
            pltpu.VMEM((NB, CHUNK, EMB), jnp.float32),
            pltpu.SemaphoreType.DMA,
            pltpu.SemaphoreType.DMA,
        ],
    )(gidx, pos_table, seg_table, gamma, beta, sb, oidx, word_table)


def kernel(src, seg, prop_keys, prop_values, target_words,
           word_table, pos_table, seg_table, gamma, beta):
    b, l = src.shape
    _, t, k = prop_keys.shape
    n_src = b * l
    n_prop = 3 * b * t * k
    n = n_src + n_prop
    src_per_w = n_src // NW
    prop_per_w = n_prop // NW
    per_w = n // NW
    n_chunks = per_w // CHUNK
    src_chunks = src_per_w // CHUNK

    i32 = jnp.int32
    src_t = src.astype(i32).T.reshape(NW, src_per_w)
    propflat = jnp.concatenate([
        prop_keys.reshape(-1), prop_values.reshape(-1), target_words.reshape(-1),
    ]).astype(i32).reshape(NW, prop_per_w)
    gidx = jnp.concatenate([src_t, propflat], axis=1)

    i_loc = jnp.arange(per_w, dtype=i32)
    prow_src = i_loc[:src_per_w] // b
    prow_prop = ROW_POS8 + (i_loc[:prop_per_w] % k)
    prow = jnp.broadcast_to(
        jnp.concatenate([prow_src, prow_prop])[None], (NW, per_w))
    seg_t = seg.astype(i32).T.reshape(NW, src_per_w)
    srow = jnp.concatenate(
        [ROW_SEG + seg_t, jnp.full((NW, prop_per_w), ROW_ZERO, i32)], axis=1)
    sb = srow
    del prow

    w_ids = jnp.arange(NW, dtype=i32)[:, None]
    o_src = w_ids * src_per_w + i_loc[None, :src_per_w]
    oidx_src = (o_src % b) * l + o_src // b
    oidx_prop = (w_ids * prop_per_w + i_loc[None, :prop_per_w]) % (b * t * k)
    oidx = jnp.concatenate([oidx_src, oidx_prop], axis=1).reshape(
        NW, n_chunks, CHUNK)

    out0, out1, out2, out3 = _fused_sc(
        gidx, pos_table, seg_table, gamma, beta, sb, oidx, word_table,
        n_src, b * t * k, src_chunks)

    emb = out0.reshape(b, l, EMB)
    pk_e = out1.reshape(b, t, k, EMB)
    pv_e = out2.reshape(b, t, k, EMB)
    tw_e = out3.reshape(b, t, k, EMB)
    return (emb, pk_e, pv_e, tw_e)

# --- scband reference (transcript-rebuilt; emitter-appended) ---
"""Pipeline reference for scband-storylinepropcls-embedding-54090818125969 (READ-ONLY COPY).

The authoritative reference and input builder live on the scoring server;
editing this copy changes nothing except your own understanding.
"""

import jax, jax.numpy as jnp
import numpy as np

VOCAB = 100000
EMB = 768
MAX_LEN = 512
EPS = 1e-6


def layer_norm(x, gamma, beta):
    mean = jnp.mean(x, axis=-1, keepdims=True)
    var = jnp.mean((x - mean) ** 2, axis=-1, keepdims=True)
    return gamma * (x - mean) / jnp.sqrt(var + EPS) + beta


def setup_inputs(seed: int = 0) -> dict:
    key = jax.random.key(seed)
    ks = jax.random.split(key, 10)
    src = jax.random.randint(ks[0], (32, 512), 0, VOCAB, dtype=jnp.int64 if jax.config.read('jax_enable_x64') else jnp.int32)
    seg = jax.random.randint(ks[1], (32, 512), 0, 3, dtype=src.dtype)
    prop_keys = jax.random.randint(ks[2], (32, 20, 8), 0, VOCAB, dtype=src.dtype)
    prop_values = jax.random.randint(ks[3], (32, 20, 8), 0, VOCAB, dtype=src.dtype)
    target_words = jax.random.randint(ks[4], (32, 20, 8), 0, VOCAB, dtype=src.dtype)
    word_table = jax.random.normal(ks[5], (VOCAB, EMB), dtype=jnp.float32) * 0.02
    pos_table = jax.random.normal(ks[6], (MAX_LEN, EMB), dtype=jnp.float32) * 0.02
    seg_table = jax.random.normal(ks[7], (3, EMB), dtype=jnp.float32) * 0.02
    gamma = jnp.ones((EMB,), dtype=jnp.float32)
    beta = jnp.zeros((EMB,), dtype=jnp.float32)
    return {"src": src, "seg": seg, "prop_keys": prop_keys, "prop_values": prop_values,
            "target_words": target_words, "word_table": word_table, "pos_table": pos_table,
            "seg_table": seg_table, "gamma": gamma, "beta": beta}


def reference(src, seg, prop_keys, prop_values, target_words,
              word_table, pos_table, seg_table, gamma, beta):
    # main sequence embedding (dropout is identity in eval mode)
    L = src.shape[1]
    word_emb = jnp.take(word_table, src, axis=0)
    pos_emb = jnp.take(pos_table, jnp.arange(L), axis=0)[None, :, :]
    seg_emb = jnp.take(seg_table, seg, axis=0)
    emb = layer_norm(word_emb + pos_emb + seg_emb, gamma, beta)

    K = prop_keys.shape[2]
    pk_word = jnp.take(word_table, prop_keys, axis=0)
    pk_pos = jnp.take(pos_table, jnp.arange(K), axis=0)[None, None, :, :]
    prop_keys_emb = layer_norm(pk_word + pk_pos, gamma, beta)

    pv_word = jnp.take(word_table, prop_values, axis=0)
    # NOTE: original module (faithfully) adds prop_keys_pos_emb to prop_values
    prop_values_emb = layer_norm(pv_word + pk_pos, gamma, beta)

    tw_word = jnp.take(word_table, target_words, axis=0)
    tw_pos = jnp.take(pos_table, jnp.arange(target_words.shape[2]), axis=0)[None, None, :, :]
    target_words_emb = layer_norm(tw_word + tw_pos, gamma, beta)

    return (emb, prop_keys_emb, prop_values_emb, target_words_emb)

if __name__ == "__main__":
    import jax
    _d = setup_inputs()
    print(jax.jit(kernel)(*tuple(_d.values())))

</pallas_src>

<mosaic_0001>
#map = affine_map<(d0, d1) -> (0, 0)>
#map1 = affine_map<(d0, d1) -> (0)>
#map2 = affine_map<(d0, d1) -> (0, 0, 0)>
module attributes {stable_mosaic.version = 14 : i64} {
  func.func @_fused_body(%arg0: i32, %arg1: i32, %arg2: memref<32x992xi32, #tpu.memory_space<hbm>>, %arg3: memref<512x768xf32, #tpu.memory_space<hbm>>, %arg4: memref<3x768xf32, #tpu.memory_space<hbm>>, %arg5: memref<768xf32, #tpu.memory_space<hbm>>, %arg6: memref<768xf32, #tpu.memory_space<hbm>>, %arg7: memref<32x992xi32, #tpu.memory_space<hbm>>, %arg8: memref<32x31x32xi32, #tpu.memory_space<hbm>>, %arg9: memref<100000x768xf32, #tpu.memory_space<hbm>>, %arg10: memref<16384x768xf32, #tpu.memory_space<hbm>>, %arg11: memref<5120x768xf32, #tpu.memory_space<hbm>>, %arg12: memref<5120x768xf32, #tpu.memory_space<hbm>>, %arg13: memref<5120x768xf32, #tpu.memory_space<hbm>>, %arg14: memref<992xi32, #tpu.memory_space<vmem>>, %arg15: memref<992xi32, #tpu.memory_space<vmem>>, %arg16: memref<31x32xi32, #tpu.memory_space<vmem>>, %arg17: memref<30x768xf32, #tpu.memory_space<vmem>>, %arg18: memref<4x32x768xf32, #tpu.memory_space<vmem>>, %arg19: memref<!tpu.dma_semaphore, #tpu.memory_space<semaphore_mem>>, %arg20: memref<!tpu.dma_semaphore, #tpu.memory_space<semaphore_mem>>) attributes {dimension_semantics = [#tpu.dimension_semantics<core_parallel>, #tpu.dimension_semantics<subcore_parallel>], iteration_bounds = array<i64: 2, 16>, scalar_prefetch = 0 : i64, scratch_operands = 7 : i64, tpu.core_type = #tpu.core_type<sc_vector_subcore>, window_params = [{transform_indices = #map}, {transform_indices = #map}, {transform_indices = #map}, {transform_indices = #map1}, {transform_indices = #map1}, {transform_indices = #map}, {transform_indices = #map2}, {transform_indices = #map}, {transform_indices = #map}, {transform_indices = #map}, {transform_indices = #map}, {transform_indices = #map}]} {
    %mul3A = arith.constant 2 : i32
    %mul3A_0 = arith.muli %arg1, %mul3A : i32
    %add3A = arith.addi %mul3A_0, %arg0 : i32
    "tpu.region"() ({
      %run_scoped3A_61 = tpu.sem_alloc : memref<!tpu.dma_semaphore, #tpu.memory_space<semaphore_mem>>
      %dma_start3A_62 = arith.constant 0 : i32
      %dma_start3A_63 = tpu.memref_slice %arg2[%add3A, %dma_start3A_62] : memref<32x992xi32, #tpu.memory_space<hbm>> -> memref<1x992xi32, #tpu.memory_space<hbm>>
      %dma_start3A_64 = tpu.memref_squeeze %dma_start3A_63 : memref<1x992xi32, #tpu.memory_space<hbm>> -> memref<992xi32, #tpu.memory_space<hbm>>
      %dma_start3A_65 = arith.constant 0 : i32
      %dma_start3A_66 = tpu.memref_slice %arg2[%add3A, %dma_start3A_65] : memref<32x992xi32, #tpu.memory_space<hbm>> -> memref<1x992xi32, #tpu.memory_space<hbm>>
      %dma_start3A_67 = tpu.memref_squeeze %dma_start3A_66 : memref<1x992xi32, #tpu.memory_space<hbm>> -> memref<992xi32, #tpu.memory_space<hbm>>
      tpu.enqueue_dma source(%dma_start3A_67 : memref<992xi32, #tpu.memory_space<hbm>>) target(%arg14 : memref<992xi32, #tpu.memory_space<vmem>>) target_semaphore(%run_scoped3A_61 : memref<!tpu.dma_semaphore, #tpu.memory_space<semaphore_mem>>)
      %dma_wait3A_68 = arith.constant 0 : i32
      %dma_wait3A_69 = tpu.memref_slice %arg2[%add3A, %dma_wait3A_68] : memref<32x992xi32, #tpu.memory_space<hbm>> -> memref<1x992xi32, #tpu.memory_space<hbm>>
      %dma_wait3A_70 = tpu.memref_squeeze %dma_wait3A_69 : memref<1x992xi32, #tpu.memory_space<hbm>> -> memref<992xi32, #tpu.memory_space<hbm>>
      %dma_wait3A_71 = arith.constant 0 : i32
      %dma_wait3A_72 = tpu.memref_slice %arg2[%add3A, %dma_wait3A_71] : memref<32x992xi32, #tpu.memory_space<hbm>> -> memref<1x992xi32, #tpu.memory_space<hbm>>
      %dma_wait3A_73 = tpu.memref_squeeze %dma_wait3A_72 : memref<1x992xi32, #tpu.memory_space<hbm>> -> memref<992xi32, #tpu.memory_space<hbm>>
      tpu.wait_dma2 semaphore(%run_scoped3A_61 : memref<!tpu.dma_semaphore, #tpu.memory_space<semaphore_mem>>) src(%dma_wait3A_73 : memref<992xi32, #tpu.memory_space<hbm>>) dst(%arg14 : memref<992xi32, #tpu.memory_space<vmem>>)
      tpu.yield
    }) : () -> ()
    "tpu.region"() ({
      %run_scoped3A_61 = tpu.sem_alloc : memref<!tpu.dma_semaphore, #tpu.memory_space<semaphore_mem>>
      %dma_start3A_62 = arith.constant 0 : i32
      %dma_start3A_63 = tpu.memref_slice %arg7[%add3A, %dma_start3A_62] : memref<32x992xi32, #tpu.memory_space<hbm>> -> memref<1x992xi32, #tpu.memory_space<hbm>>
      %dma_start3A_64 = tpu.memref_squeeze %dma_start3A_63 : memref<1x992xi32, #tpu.memory_space<hbm>> -> memref<992xi32, #tpu.memory_space<hbm>>
      %dma_start3A_65 = arith.constant 0 : i32
      %dma_start3A_66 = tpu.memref_slice %arg7[%add3A, %dma_start3A_65] : memref<32x992xi32, #tpu.memory_space<hbm>> -> memref<1x992xi32, #tpu.memory_space<hbm>>
      %dma_start3A_67 = tpu.memref_squeeze %dma_start3A_66 : memref<1x992xi32, #tpu.memory_space<hbm>> -> memref<992xi32, #tpu.memory_space<hbm>>
      tpu.enqueue_dma source(%dma_start3A_67 : memref<992xi32, #tpu.memory_space<hbm>>) target(%arg15 : memref<992xi32, #tpu.memory_space<vmem>>) target_semaphore(%run_scoped3A_61 : memref<!tpu.dma_semaphore, #tpu.memory_space<semaphore_mem>>)
      %dma_wait3A_68 = arith.constant 0 : i32
      %dma_wait3A_69 = tpu.memref_slice %arg7[%add3A, %dma_wait3A_68] : memref<32x992xi32, #tpu.memory_space<hbm>> -> memref<1x992xi32, #tpu.memory_space<hbm>>
      %dma_wait3A_70 = tpu.memref_squeeze %dma_wait3A_69 : memref<1x992xi32, #tpu.memory_space<hbm>> -> memref<992xi32, #tpu.memory_space<hbm>>
      %dma_wait3A_71 = arith.constant 0 : i32
      %dma_wait3A_72 = tpu.memref_slice %arg7[%add3A, %dma_wait3A_71] : memref<32x992xi32, #tpu.memory_space<hbm>> -> memref<1x992xi32, #tpu.memory_space<hbm>>
      %dma_wait3A_73 = tpu.memref_squeeze %dma_wait3A_72 : memref<1x992xi32, #tpu.memory_space<hbm>> -> memref<992xi32, #tpu.memory_space<hbm>>
      tpu.wait_dma2 semaphore(%run_scoped3A_61 : memref<!tpu.dma_semaphore, #tpu.memory_space<semaphore_mem>>) src(%dma_wait3A_73 : memref<992xi32, #tpu.memory_space<hbm>>) dst(%arg15 : memref<992xi32, #tpu.memory_space<vmem>>)
      tpu.yield
    }) : () -> ()
    "tpu.region"() ({
      %run_scoped3A_61 = tpu.sem_alloc : memref<!tpu.dma_semaphore, #tpu.memory_space<semaphore_mem>>
      %dma_start3A_62 = arith.constant 0 : i32
      %dma_start3A_63 = arith.constant 0 : i32
      %dma_start3A_64 = tpu.memref_slice %arg8[%add3A, %dma_start3A_62, %dma_start3A_63] : memref<32x31x32xi32, #tpu.memory_space<hbm>> -> memref<1x31x32xi32, #tpu.memory_space<hbm>>
      %dma_start3A_65 = tpu.memref_squeeze %dma_start3A_64 : memref<1x31x32xi32, #tpu.memory_space<hbm>> -> memref<31x32xi32, #tpu.memory_space<hbm>>
      %dma_start3A_66 = arith.constant 0 : i32
      %dma_start3A_67 = arith.constant 0 : i32
      %dma_start3A_68 = tpu.memref_slice %arg8[%add3A, %dma_start3A_66, %dma_start3A_67] : memref<32x31x32xi32, #tpu.memory_space<hbm>> -> memref<1x31x32xi32, #tpu.memory_space<hbm>>
      %dma_start3A_69 = tpu.memref_squeeze %dma_start3A_68 : memref<1x31x32xi32, #tpu.memory_space<hbm>> -> memref<31x32xi32, #tpu.memory_space<hbm>>
      tpu.enqueue_dma source(%dma_start3A_69 : memref<31x32xi32, #tpu.memory_space<hbm>>) target(%arg16 : memref<31x32xi32, #tpu.memory_space<vmem>>) target_semaphore(%run_scoped3A_61 : memref<!tpu.dma_semaphore, #tpu.memory_space<semaphore_mem>>)
      %dma_wait3A_70 = arith.constant 0 : i32
      %dma_wait3A_71 = arith.constant 0 : i32
      %dma_wait3A_72 = tpu.memref_slice %arg8[%add3A, %dma_wait3A_70, %dma_wait3A_71] : memref<32x31x32xi32, #tpu.memory_space<hbm>> -> memref<1x31x32xi32, #tpu.memory_space<hbm>>
      %dma_wait3A_73 = tpu.memref_squeeze %dma_wait3A_72 : memref<1x31x32xi32, #tpu.memory_space<hbm>> -> memref<31x32xi32, #tpu.memory_space<hbm>>
      %dma_wait3A_74 = arith.constant 0 : i32
      %dma_wait3A_75 = arith.constant 0 : i32
      %dma_wait3A_76 = tpu.memref_slice %arg8[%add3A, %dma_wait3A_74, %dma_wait3A_75] : memref<32x31x32xi32, #tpu.memory_space<hbm>> -> memref<1x31x32xi32, #tpu.memory_space<hbm>>
      %dma_wait3A_77 = tpu.memref_squeeze %dma_wait3A_76 : memref<1x31x32xi32, #tpu.memory_space<hbm>> -> memref<31x32xi32, #tpu.memory_space<hbm>>
      tpu.wait_dma2 semaphore(%run_scoped3A_61 : memref<!tpu.dma_semaphore, #tpu.memory_space<semaphore_mem>>) src(%dma_wait3A_77 : memref<31x32xi32, #tpu.memory_space<hbm>>) dst(%arg16 : memref<31x32xi32, #tpu.memory_space<vmem>>)
      tpu.yield
    }) : () -> ()
    %mul3A_1 = arith.constant 16 : i32
    %mul3A_2 = arith.muli %mul3A_1, %add3A : i32
    "tpu.region"() ({
      %run_scoped3A_61 = tpu.sem_alloc : memref<!tpu.dma_semaphore, #tpu.memory_space<semaphore_mem>>
      %dma_start3A_62 = arith.constant 0 : i32
      %dma_start3A_63 = arith.constant 0 : i32
      %dma_start3A_64 = tpu.memref_slice %arg17[%dma_start3A_62, %dma_start3A_63] : memref<30x768xf32, #tpu.memory_space<vmem>> -> memref<16x768xf32, #tpu.memory_space<vmem>>
      %dma_start3A_65 = arith.constant 0 : i32
      %dma_start3A_66 = tpu.memref_slice %arg3[%mul3A_2, %dma_start3A_65] : memref<512x768xf32, #tpu.memory_space<hbm>> -> memref<16x768xf32, #tpu.memory_space<hbm>>
      %dma_start3A_67 = arith.constant 0 : i32
      %dma_start3A_68 = arith.constant 0 : i32
      %dma_start3A_69 = tpu.memref_slice %arg17[%dma_start3A_67, %dma_start3A_68] : memref<30x768xf32, #tpu.memory_space<vmem>> -> memref<16x768xf32, #tpu.memory_space<vmem>>
      %dma_start3A_70 = arith.constant 0 : i32
      %dma_start3A_71 = tpu.memref_slice %arg3[%mul3A_2, %dma_start3A_70] : memref<512x768xf32, #tpu.memory_space<hbm>> -> memref<16x768xf32, #tpu.memory_space<hbm>>
      tpu.enqueue_dma source(%dma_start3A_71 : memref<16x768xf32, #tpu.memory_space<hbm>>) target(%dma_start3A_69 : memref<16x768xf32, #tpu.memory_space<vmem>>) target_semaphore(%run_scoped3A_61 : memref<!tpu.dma_semaphore, #tpu.memory_space<semaphore_mem>>)
      %dma_wait3A_72 = arith.constant 0 : i32
      %dma_wait3A_73 = arith.constant 0 : i32
      %dma_wait3A_74 = tpu.memref_slice %arg17[%dma_wait3A_72, %dma_wait3A_73] : memref<30x768xf32, #tpu.memory_space<vmem>> -> memref<16x768xf32, #tpu.memory_space<vmem>>
      %dma_wait3A_75 = arith.constant 0 : i32
      %dma_wait3A_76 = tpu.memref_slice %arg3[%mul3A_2, %dma_wait3A_75] : memref<512x768xf32, #tpu.memory_space<hbm>> -> memref<16x768xf32, #tpu.memory_space<hbm>>
      %dma_wait3A_77 = arith.constant 0 : i32
      %dma_wait3A_78 = arith.constant 0 : i32
      %dma_wait3A_79 = tpu.memref_slice %arg17[%dma_wait3A_77, %dma_wait3A_78] : memref<30x768xf32, #tpu.memory_space<vmem>> -> memref<16x768xf32, #tpu.memory_space<vmem>>
      %dma_wait3A_80 = arith.constant 0 : i32
      %dma_wait3A_81 = tpu.memref_slice %arg3[%mul3A_2, %dma_wait3A_80] : memref<512x768xf32, #tpu.memory_space<hbm>> -> memref<16x768xf32, #tpu.memory_space<hbm>>
      tpu.wait_dma2 semaphore(%run_scoped3A_61 : memref<!tpu.dma_semaphore, #tpu.memory_space<semaphore_mem>>) src(%dma_wait3A_81 : memref<16x768xf32, #tpu.memory_space<hbm>>) dst(%dma_wait3A_79 : memref<16x768xf32, #tpu.memory_space<vmem>>)
      tpu.yield
    }) : () -> ()
    "tpu.region"() ({
      %run_scoped3A_61 = tpu.sem_alloc : memref<!tpu.dma_semaphore, #tpu.memory_space<semaphore_mem>>
      %dma_start3A_62 = arith.constant 16 : i32
      %dma_start3A_63 = arith.constant 0 : i32
      %dma_start3A_64 = tpu.memref_slice %arg17[%dma_start3A_62, %dma_start3A_63] : memref<30x768xf32, #tpu.memory_space<vmem>> -> memref<8x768xf32, #tpu.memory_space<vmem>>
      %dma_start3A_65 = arith.constant 0 : i32
      %dma_start3A_66 = arith.constant 0 : i32
      %dma_start3A_67 = tpu.memref_slice %arg3[%dma_start3A_65, %dma_start3A_66] : memref<512x768xf32, #tpu.memory_space<hbm>> -> memref<8x768xf32, #tpu.memory_space<hbm>>
      %dma_start3A_68 = arith.constant 16 : i32
      %dma_start3A_69 = arith.constant 0 : i32
      %dma_start3A_70 = tpu.memref_slice %arg17[%dma_start3A_68, %dma_start3A_69] : memref<30x768xf32, #tpu.memory_space<vmem>> -> memref<8x768xf32, #tpu.memory_space<vmem>>
      %dma_start3A_71 = arith.constant 0 : i32
      %dma_start3A_72 = arith.constant 0 : i32
      %dma_start3A_73 = tpu.memref_slice %arg3[%dma_start3A_71, %dma_start3A_72] : memref<512x768xf32, #tpu.memory_space<hbm>> -> memref<8x768xf32, #tpu.memory_space<hbm>>
      tpu.enqueue_dma source(%dma_start3A_73 : memref<8x768xf32, #tpu.memory_space<hbm>>) target(%dma_start3A_70 : memref<8x768xf32, #tpu.memory_space<vmem>>) target_semaphore(%run_scoped3A_61 : memref<!tpu.dma_semaphore, #tpu.memory_space<semaphore_mem>>)
      %dma_wait3A_74 = arith.constant 16 : i32
      %dma_wait3A_75 = arith.constant 0 : i32
      %dma_wait3A_76 = tpu.memref_slice %arg17[%dma_wait3A_74, %dma_wait3A_75] : memref<30x768xf32, #tpu.memory_space<vmem>> -> memref<8x768xf32, #tpu.memory_space<vmem>>
      %dma_wait3A_77 = arith.constant 0 : i32
      %dma_wait3A_78 = arith.constant 0 : i32
      %dma_wait3A_79 = tpu.memref_slice %arg3[%dma_wait3A_77, %dma_wait3A_78] : memref<512x768xf32, #tpu.memory_space<hbm>> -> memref<8x768xf32, #tpu.memory_space<hbm>>
      %dma_wait3A_80 = arith.constant 16 : i32
      %dma_wait3A_81 = arith.constant 0 : i32
      %dma_wait3A_82 = tpu.memref_slice %arg17[%dma_wait3A_80, %dma_wait3A_81] : memref<30x768xf32, #tpu.memory_space<vmem>> -> memref<8x768xf32, #tpu.memory_space<vmem>>
      %dma_wait3A_83 = arith.constant 0 : i32
      %dma_wait3A_84 = arith.constant 0 : i32
      %dma_wait3A_85 = tpu.memref_slice %arg3[%dma_wait3A_83, %dma_wait3A_84] : memref<512x768xf32, #tpu.memory_space<hbm>> -> memref<8x768xf32, #tpu.memory_space<hbm>>
      tpu.wait_dma2 semaphore(%run_scoped3A_61 : memref<!tpu.dma_semaphore, #tpu.memory_space<semaphore_mem>>) src(%dma_wait3A_85 : memref<8x768xf32, #tpu.memory_space<hbm>>) dst(%dma_wait3A_82 : memref<8x768xf32, #tpu.memory_space<vmem>>)
      tpu.yield
    }) : () -> ()
    "tpu.region"() ({
      %run_scoped3A_61 = tpu.sem_alloc : memref<!tpu.dma_semaphore, #tpu.memory_space<semaphore_mem>>
      %dma_start3A_62 = arith.constant 24 : i32
      %dma_start3A_63 = arith.constant 0 : i32
      %dma_start3A_64 = tpu.memref_slice %arg17[%dma_start3A_62, %dma_start3A_63] : memref<30x768xf32, #tpu.memory_space<vmem>> -> memref<3x768xf32, #tpu.memory_space<vmem>>
      %dma_start3A_65 = arith.constant 24 : i32
      %dma_start3A_66 = arith.constant 0 : i32
      %dma_start3A_67 = tpu.memref_slice %arg17[%dma_start3A_65, %dma_start3A_66] : memref<30x768xf32, #tpu.memory_space<vmem>> -> memref<3x768xf32, #tpu.memory_space<vmem>>
      tpu.enqueue_dma source(%arg4 : memref<3x768xf32, #tpu.memory_space<hbm>>) target(%dma_start3A_67 : memref<3x768xf32, #tpu.memory_space<vmem>>) target_semaphore(%run_scoped3A_61 : memref<!tpu.dma_semaphore, #tpu.memory_space<semaphore_mem>>)
      %dma_wait3A_68 = arith.constant 24 : i32
      %dma_wait3A_69 = arith.constant 0 : i32
      %dma_wait3A_70 = tpu.memref_slice %arg17[%dma_wait3A_68, %dma_wait3A_69] : memref<30x768xf32, #tpu.memory_space<vmem>> -> memref<3x768xf32, #tpu.memory_space<vmem>>
      %dma_wait3A_71 = arith.constant 24 : i32
      %dma_wait3A_72 = arith.constant 0 : i32
      %dma_wait3A_73 = tpu.memref_slice %arg17[%dma_wait3A_71, %dma_wait3A_72] : memref<30x768xf32, #tpu.memory_space<vmem>> -> memref<3x768xf32, #tpu.memory_space<vmem>>
      tpu.wait_dma2 semaphore(%run_scoped3A_61 : memref<!tpu.dma_semaphore, #tpu.memory_space<semaphore_mem>>) src(%arg4 : memref<3x768xf32, #tpu.memory_space<hbm>>) dst(%dma_wait3A_73 : memref<3x768xf32, #tpu.memory_space<vmem>>)
      tpu.yield
    }) : () -> ()
    %run_scoped3A = arith.constant 28 : i32
    "tpu.region"() ({
      %run_scoped3A_61 = tpu.sem_alloc : memref<!tpu.dma_semaphore, #tpu.memory_space<semaphore_mem>>
      %dma_start3A_62 = arith.constant 0 : i32
      %dma_start3A_63 = tpu.memref_slice %arg17[%run_scoped3A, %dma_start3A_62] : memref<30x768xf32, #tpu.memory_space<vmem>> -> memref<1x768xf32, #tpu.memory_space<vmem>>
      %dma_start3A_64 = tpu.memref_squeeze %dma_start3A_63 : memref<1x768xf32, #tpu.memory_space<vmem>> -> memref<768xf32, #tpu.memory_space<vmem>>
      %dma_start3A_65 = arith.constant 0 : i32
      %dma_start3A_66 = tpu.memref_slice %arg17[%run_scoped3A, %dma_start3A_65] : memref<30x768xf32, #tpu.memory_space<vmem>> -> memref<1x768xf32, #tpu.memory_space<vmem>>
      %dma_start3A_67 = tpu.memref_squeeze %dma_start3A_66 : memref<1x768xf32, #tpu.memory_space<vmem>> -> memref<768xf32, #tpu.memory_space<vmem>>
      tpu.enqueue_dma source(%arg5 : memref<768xf32, #tpu.memory_space<hbm>>) target(%dma_start3A_67 : memref<768xf32, #tpu.memory_space<vmem>>) target_semaphore(%run_scoped3A_61 : memref<!tpu.dma_semaphore, #tpu.memory_space<semaphore_mem>>)
      %dma_wait3A_68 = arith.constant 0 : i32
      %dma_wait3A_69 = tpu.memref_slice %arg17[%run_scoped3A, %dma_wait3A_68] : memref<30x768xf32, #tpu.memory_space<vmem>> -> memref<1x768xf32, #tpu.memory_space<vmem>>
      %dma_wait3A_70 = tpu.memref_squeeze %dma_wait3A_69 : memref<1x768xf32, #tpu.memory_space<vmem>> -> memref<768xf32, #tpu.memory_space<vmem>>
      %dma_wait3A_71 = arith.constant 0 : i32
      %dma_wait3A_72 = tpu.memref_slice %arg17[%run_scoped3A, %dma_wait3A_71] : memref<30x768xf32, #tpu.memory_space<vmem>> -> memref<1x768xf32, #tpu.memory_space<vmem>>
      %dma_wait3A_73 = tpu.memref_squeeze %dma_wait3A_72 : memref<1x768xf32, #tpu.memory_space<vmem>> -> memref<768xf32, #tpu.memory_space<vmem>>
      tpu.wait_dma2 semaphore(%run_scoped3A_61 : memref<!tpu.dma_semaphore, #tpu.memory_space<semaphore_mem>>) src(%arg5 : memref<768xf32, #tpu.memory_space<hbm>>) dst(%dma_wait3A_73 : memref<768xf32, #tpu.memory_space<vmem>>)
      tpu.yield
    }) : () -> ()
    %run_scoped3A_3 = arith.constant 29 : i32
    "tpu.region"() ({
      %run_scoped3A_61 = tpu.sem_alloc : memref<!tpu.dma_semaphore, #tpu.memory_space<semaphore_mem>>
      %dma_start3A_62 = arith.constant 0 : i32
      %dma_start3A_63 = tpu.memref_slice %arg17[%run_scoped3A_3, %dma_start3A_62] : memref<30x768xf32, #tpu.memory_space<vmem>> -> memref<1x768xf32, #tpu.memory_space<vmem>>
      %dma_start3A_64 = tpu.memref_squeeze %dma_start3A_63 : memref<1x768xf32, #tpu.memory_space<vmem>> -> memref<768xf32, #tpu.memory_space<vmem>>
      %dma_start3A_65 = arith.constant 0 : i32
      %dma_start3A_66 = tpu.memref_slice %arg17[%run_scoped3A_3, %dma_start3A_65] : memref<30x768xf32, #tpu.memory_space<vmem>> -> memref<1x768xf32, #tpu.memory_space<vmem>>
      %dma_start3A_67 = tpu.memref_squeeze %dma_start3A_66 : memref<1x768xf32, #tpu.memory_space<vmem>> -> memref<768xf32, #tpu.memory_space<vmem>>
      tpu.enqueue_dma source(%arg6 : memref<768xf32, #tpu.memory_space<hbm>>) target(%dma_start3A_67 : memref<768xf32, #tpu.memory_space<vmem>>) target_semaphore(%run_scoped3A_61 : memref<!tpu.dma_semaphore, #tpu.memory_space<semaphore_mem>>)
      %dma_wait3A_68 = arith.constant 0 : i32
      %dma_wait3A_69 = tpu.memref_slice %arg17[%run_scoped3A_3, %dma_wait3A_68] : memref<30x768xf32, #tpu.memory_space<vmem>> -> memref<1x768xf32, #tpu.memory_space<vmem>>
      %dma_wait3A_70 = tpu.memref_squeeze %dma_wait3A_69 : memref<1x768xf32, #tpu.memory_space<vmem>> -> memref<768xf32, #tpu.memory_space<vmem>>
      %dma_wait3A_71 = arith.constant 0 : i32
      %dma_wait3A_72 = tpu.memref_slice %arg17[%run_scoped3A_3, %dma_wait3A_71] : memref<30x768xf32, #tpu.memory_space<vmem>> -> memref<1x768xf32, #tpu.memory_space<vmem>>
      %dma_wait3A_73 = tpu.memref_squeeze %dma_wait3A_72 : memref<1x768xf32, #tpu.memory_space<vmem>> -> memref<768xf32, #tpu.memory_space<vmem>>
      tpu.wait_dma2 semaphore(%run_scoped3A_61 : memref<!tpu.dma_semaphore, #tpu.memory_space<semaphore_mem>>) src(%arg6 : memref<768xf32, #tpu.memory_space<hbm>>) dst(%dma_wait3A_73 : memref<768xf32, #tpu.memory_space<vmem>>)
      tpu.yield
    }) : () -> ()
    %rem3A = arith.constant 0 : i32
    %rem3A_4 = arith.constant 4 : i32
    %rem3A_5 = arith.remsi %rem3A, %rem3A_4 : i32
    %dma_start3A = arith.constant 0 : i32
    %dma_start3A_6 = arith.constant 0 : i32
    %dma_start3A_7 = tpu.memref_slice %arg18[%rem3A_5, %dma_start3A, %dma_start3A_6] : memref<4x32x768xf32, #tpu.memory_space<vmem>> -> memref<1x32x768xf32, #tpu.memory_space<vmem>>
    %dma_start3A_8 = tpu.memref_squeeze %dma_start3A_7 : memref<1x32x768xf32, #tpu.memory_space<vmem>> -> memref<32x768xf32, #tpu.memory_space<vmem>>
    %dma_start3A_9 = arith.constant 0 : i32
    %dma_start3A_10 = tpu.memref_slice %arg14[%dma_start3A_9] : memref<992xi32, #tpu.memory_space<vmem>> -> memref<32xi32, #tpu.memory_space<vmem>>
    %dma_start3A_11 = arith.constant 0 : i32
    %dma_start3A_12 = arith.constant 0 : i32
    %dma_start3A_13 = tpu.memref_slice %arg9[%dma_start3A_11, %dma_start3A_12] : memref<100000x768xf32, #tpu.memory_space<hbm>> -> memref<100000x768xf32, #tpu.memory_space<hbm>>
    tpu.enqueue_indirect_dma source(%dma_start3A_13 : memref<100000x768xf32, #tpu.memory_space<hbm>>) target(%dma_start3A_8 : memref<32x768xf32, #tpu.memory_space<vmem>>) offsets(%dma_start3A_10 : memref<32xi32, #tpu.memory_space<vmem>>) semaphore(%arg19 : memref<!tpu.dma_semaphore, #tpu.memory_space<semaphore_mem>>)
    %rem3A_14 = arith.constant 1 : i32
    %rem3A_15 = arith.constant 4 : i32
    %rem3A_16 = arith.remsi %rem3A_14, %rem3A_15 : i32
    %dma_start3A_17 = arith.constant 0 : i32
    %dma_start3A_18 = arith.constant 0 : i32
    %dma_start3A_19 = tpu.memref_slice %arg18[%rem3A_16, %dma_start3A_17, %dma_start3A_18] : memref<4x32x768xf32, #tpu.memory_space<vmem>> -> memref<1x32x768xf32, #tpu.memory_space<vmem>>
    %dma_start3A_20 = tpu.memref_squeeze %dma_start3A_19 : memref<1x32x768xf32, #tpu.memory_space<vmem>> -> memref<32x768xf32, #tpu.memory_space<vmem>>
    %dma_start3A_21 = arith.constant 32 : i32
    %dma_start3A_22 = tpu.memref_slice %arg14[%dma_start3A_21] : memref<992xi32, #tpu.memory_space<vmem>> -> memref<32xi32, #tpu.memory_space<vmem>>
    %dma_start3A_23 = arith.constant 0 : i32
    %dma_start3A_24 = arith.constant 0 : i32
    %dma_start3A_25 = tpu.memref_slice %arg9[%dma_start3A_23, %dma_start3A_24] : memref<100000x768xf32, #tpu.memory_space<hbm>> -> memref<100000x768xf32, #tpu.memory_space<hbm>>
    tpu.enqueue_indirect_dma source(%dma_start3A_25 : memref<100000x768xf32, #tpu.memory_space<hbm>>) target(%dma_start3A_20 : memref<32x768xf32, #tpu.memory_space<vmem>>) offsets(%dma_start3A_22 : memref<32xi32, #tpu.memory_space<vmem>>) semaphore(%arg19 : memref<!tpu.dma_semaphore, #tpu.memory_space<semaphore_mem>>)
    %scan3A = arith.constant 0 : i32
    %scan3A_26 = arith.constant 0.00130208337 : f32
    %scan3A_27 = arith.constant 0 : i32
    %scan3A_28 = arith.constant 31 : i32
    %scan3A_29 = arith.addi %scan3A_27, %scan3A_28 : i32
    %scan3A_30 = arith.constant 1 : i32
    scf.for %scan3A_61 = %scan3A_27 to %scan3A_29 step %scan3A_30  : i32 {
      %rem3A_62 = arith.constant 4 : i32
      %rem3A_63 = arith.remsi %scan3A_61, %rem3A_62 : i32
      %ge3A = arith.constant 2 : i32
      %ge3A_64 = arith.cmpi sge, %scan3A_61, %ge3A : i32
      %convert_element_type3A = arith.extui %ge3A_64 : i1 to i32
      %cond3A = arith.constant 0 : i32
      %cond3A_65 = arith.cmpi ne, %convert_element_type3A, %cond3A : i32
      scf.if %cond3A_65 {
        %add3A_130 = arith.constant 2 : i32
        %add3A_131 = arith.addi %scan3A_61, %add3A_130 : i32
        %rem3A_132 = arith.constant 4 : i32
        %rem3A_133 = arith.remsi %add3A_131, %rem3A_132 : i32
        %dma_wait3A_134 = arith.constant 0 : i32
        %dma_wait3A_135 = arith.constant 0 : i32
        %dma_wait3A_136 = tpu.memref_slice %arg18[%rem3A_133, %dma_wait3A_134, %dma_wait3A_135] : memref<4x32x768xf32, #tpu.memory_space<vmem>> -> memref<1x32x768xf32, #tpu.memory_space<vmem>>
        %dma_wait3A_137 = tpu.memref_squeeze %dma_wait3A_136 : memref<1x32x768xf32, #tpu.memory_space<vmem>> -> memref<32x768xf32, #tpu.memory_space<vmem>>
        %dma_wait3A_138 = arith.constant 0 : i32
        %dma_wait3A_139 = arith.constant 0 : i32
        %dma_wait3A_140 = tpu.memref_slice %arg10[%dma_wait3A_138, %dma_wait3A_139] : memref<16384x768xf32, #tpu.memory_space<hbm>> -> memref<32x768xf32, #tpu.memory_space<hbm>>
        %dma_wait3A_141 = arith.constant 0 : i32
        %dma_wait3A_142 = arith.constant 0 : i32
        %dma_wait3A_143 = tpu.memref_slice %arg10[%dma_wait3A_141, %dma_wait3A_142] : memref<16384x768xf32, #tpu.memory_space<hbm>> -> memref<32x768xf32, #tpu.memory_space<hbm>>
        %dma_wait3A_144 = arith.constant 0 : i32
        %dma_wait3A_145 = arith.constant 0 : i32
        %dma_wait3A_146 = tpu.memref_slice %arg18[%rem3A_133, %dma_wait3A_144, %dma_wait3A_145] : memref<4x32x768xf32, #tpu.memory_space<vmem>> -> memref<1x32x768xf32, #tpu.memory_space<vmem>>
        %dma_wait3A_147 = tpu.memref_squeeze %dma_wait3A_146 : memref<1x32x768xf32, #tpu.memory_space<vmem>> -> memref<32x768xf32, #tpu.memory_space<vmem>>
        tpu.wait_dma2 semaphore(%arg20 : memref<!tpu.dma_semaphore, #tpu.memory_space<semaphore_mem>>) src(%dma_wait3A_147 : memref<32x768xf32, #tpu.memory_space<vmem>>) dst(%dma_wait3A_143 : memref<32x768xf32, #tpu.memory_space<hbm>>)
      } else {
      }
      %add3A_66 = arith.constant 2 : i32
      %add3A_67 = arith.addi %scan3A_61, %add3A_66 : i32
      %lt3A = arith.constant 31 : i32
      %lt3A_68 = arith.cmpi slt, %add3A_67, %lt3A : i32
      %convert_element_type3A_69 = arith.extui %lt3A_68 : i1 to i32
      %cond3A_70 = arith.constant 0 : i32
      %cond3A_71 = arith.cmpi ne, %convert_element_type3A_69, %cond3A_70 : i32
      scf.if %cond3A_71 {
        %add3A_130 = arith.constant 2 : i32
        %add3A_131 = arith.addi %scan3A_61, %add3A_130 : i32
        %rem3A_132 = arith.constant 4 : i32
        %rem3A_133 = arith.remsi %add3A_131, %rem3A_132 : i32
        %mul3A_134 = arith.constant 32 : i32
        %mul3A_135 = arith.muli %add3A_131, %mul3A_134 : i32
        %dma_start3A_136 = arith.constant 0 : i32
        %dma_start3A_137 = arith.constant 0 : i32
        %dma_start3A_138 = tpu.memref_slice %arg18[%rem3A_133, %dma_start3A_136, %dma_start3A_137] : memref<4x32x768xf32, #tpu.memory_space<vmem>> -> memref<1x32x768xf32, #tpu.memory_space<vmem>>
        %dma_start3A_139 = tpu.memref_squeeze %dma_start3A_138 : memref<1x32x768xf32, #tpu.memory_space<vmem>> -> memref<32x768xf32, #tpu.memory_space<vmem>>
        %dma_start3A_140 = tpu.memref_slice %arg14[%mul3A_135] : memref<992xi32, #tpu.memory_space<vmem>> -> memref<32xi32, #tpu.memory_space<vmem>>
        %dma_start3A_141 = arith.constant 0 : i32
        %dma_start3A_142 = arith.constant 0 : i32
        %dma_start3A_143 = tpu.memref_slice %arg9[%dma_start3A_141, %dma_start3A_142] : memref<100000x768xf32, #tpu.memory_space<hbm>> -> memref<100000x768xf32, #tpu.memory_space<hbm>>
        tpu.enqueue_indirect_dma source(%dma_start3A_143 : memref<100000x768xf32, #tpu.memory_space<hbm>>) target(%dma_start3A_139 : memref<32x768xf32, #tpu.memory_space<vmem>>) offsets(%dma_start3A_140 : memref<32xi32, #tpu.memory_space<vmem>>) semaphore(%arg19 : memref<!tpu.dma_semaphore, #tpu.memory_space<semaphore_mem>>)
      } else {
      }
      %dma_wait3A_72 = arith.constant 0 : i32
      %dma_wait3A_73 = arith.constant 0 : i32
      %dma_wait3A_74 = tpu.memref_slice %arg18[%rem3A_63, %dma_wait3A_72, %dma_wait3A_73] : memref<4x32x768xf32, #tpu.memory_space<vmem>> -> memref<1x32x768xf32, #tpu.memory_space<vmem>>
      %dma_wait3A_75 = tpu.memref_squeeze %dma_wait3A_74 : memref<1x32x768xf32, #tpu.memory_space<vmem>> -> memref<32x768xf32, #tpu.memory_space<vmem>>
      %dma_wait3A_76 = arith.constant 0 : i32
      %dma_wait3A_77 = arith.constant 0 : i32
      %dma_wait3A_78 = tpu.memref_slice %arg9[%dma_wait3A_76, %dma_wait3A_77] : memref<100000x768xf32, #tpu.memory_space<hbm>> -> memref<32x768xf32, #tpu.memory_space<hbm>>
      %dma_wait3A_79 = arith.constant 0 : i32
      %dma_wait3A_80 = arith.constant 0 : i32
      %dma_wait3A_81 = tpu.memref_slice %arg18[%rem3A_63, %dma_wait3A_79, %dma_wait3A_80] : memref<4x32x768xf32, #tpu.memory_space<vmem>> -> memref<1x32x768xf32, #tpu.memory_space<vmem>>
      %dma_wait3A_82 = tpu.memref_squeeze %dma_wait3A_81 : memref<1x32x768xf32, #tpu.memory_space<vmem>> -> memref<32x768xf32, #tpu.memory_space<vmem>>
      %dma_wait3A_83 = arith.constant 0 : i32
      %dma_wait3A_84 = arith.constant 0 : i32
      %dma_wait3A_85 = tpu.memref_slice %arg9[%dma_wait3A_83, %dma_wait3A_84] : memref<100000x768xf32, #tpu.memory_space<hbm>> -> memref<32x768xf32, #tpu.memory_space<hbm>>
      tpu.wait_dma2 semaphore(%arg19 : memref<!tpu.dma_semaphore, #tpu.memory_space<semaphore_mem>>) src(%dma_wait3A_85 : memref<32x768xf32, #tpu.memory_space<hbm>>) dst(%dma_wait3A_82 : memref<32x768xf32, #tpu.memory_space<vmem>>)
      %lt3A_86 = arith.constant 16 : i32
      %lt3A_87 = arith.cmpi slt, %scan3A_61, %lt3A_86 : i32
      %convert_element_type3A_88 = arith.extui %lt3A_87 : i1 to i32
      %cond3A_89 = arith.constant 0 : i32
      %cond3A_90 = arith.cmpi ne, %convert_element_type3A_88, %cond3A_89 : i32
      scf.if %cond3A_90 {
        %scan3A_130 = arith.constant 0 : i32
        %scan3A_131 = arith.constant 0 : i32
        %scan3A_132 = arith.constant 4 : i32
        %scan3A_133 = arith.addi %scan3A_131, %scan3A_132 : i32
        %scan3A_134 = arith.constant 1 : i32
        scf.for %scan3A_136 = %scan3A_131 to %scan3A_133 step %scan3A_134  : i32 {
          %mul3A_137 = arith.constant 8 : i32
          %mul3A_138 = arith.muli %mul3A_137, %scan3A_136 : i32
          %mul3A_139 = arith.constant 32 : i32
          %mul3A_140 = arith.muli %scan3A_61, %mul3A_139 : i32
          %add3A_141 = arith.addi %mul3A_140, %mul3A_138 : i32
          %add3A_142 = arith.constant 0 : i32
          %add3A_143 = arith.addi %add3A_141, %add3A_142 : i32
          %broadcast_in_dim3A = vector.broadcast %add3A_143 : i32 to vector<16xi32>
          %gather3A = tpu.vector_load_idx %arg15[%broadcast_in_dim3A] : memref<992xi32, #tpu.memory_space<vmem>>[vector<16xi32>], vector<16xi32>,
          %slice3A = vector.extract_strided_slice %gather3A {offsets = [0], sizes = [1], strides = [1]} : vector<16xi32> to vector<1xi32>
          %squeeze3A = vector.extract %slice3A[0] : i32 from vector<1xi32>
          %add3A_144 = arith.constant 1 : i32
          %add3A_145 = arith.addi %add3A_141, %add3A_144 : i32
          %broadcast_in_dim3A_146 = vector.broadcast %add3A_145 : i32 to vector<16xi32>
          %gather3A_147 = tpu.vector_load_idx %arg15[%broadcast_in_dim3A_146] : memref<992xi32, #tpu.memory_space<vmem>>[vector<16xi32>], vector<16xi32>,
          %slice3A_148 = vector.extract_strided_slice %gather3A_147 {offsets = [0], sizes = [1], strides = [1]} : vector<16xi32> to vector<1xi32>
          %squeeze3A_149 = vector.extract %slice3A_148[0] : i32 from vector<1xi32>
          %add3A_150 = arith.constant 2 : i32
          %add3A_151 = arith.addi %add3A_141, %add3A_150 : i32
          %broadcast_in_dim3A_152 = vector.broadcast %add3A_151 : i32 to vector<16xi32>
          %gather3A_153 = tpu.vector_load_idx %arg15[%broadcast_in_dim3A_152] : memref<992xi32, #tpu.memory_space<vmem>>[vector<16xi32>], vector<16xi32>,
          %slice3A_154 = vector.extract_strided_slice %gather3A_153 {offsets = [0], sizes = [1], strides = [1]} : vector<16xi32> to vector<1xi32>
          %squeeze3A_155 = vector.extract %slice3A_154[0] : i32 from vector<1xi32>
          %add3A_156 = arith.constant 3 : i32
          %add3A_157 = arith.addi %add3A_141, %add3A_156 : i32
          %broadcast_in_dim3A_158 = vector.broadcast %add3A_157 : i32 to vector<16xi32>
          %gather3A_159 = tpu.vector_load_idx %arg15[%broadcast_in_dim3A_158] : memref<992xi32, #tpu.memory_space<vmem>>[vector<16xi32>], vector<16xi32>,
          %slice3A_160 = vector.extract_strided_slice %gather3A_159 {offsets = [0], sizes = [1], strides = [1]} : vector<16xi32> to vector<1xi32>
          %squeeze3A_161 = vector.extract %slice3A_160[0] : i32 from vector<1xi32>
          %add3A_162 = arith.constant 4 : i32
          %add3A_163 = arith.addi %add3A_141, %add3A_162 : i32
          %broadcast_in_dim3A_164 = vector.broadcast %add3A_163 : i32 to vector<16xi32>
          %gather3A_165 = tpu.vector_load_idx %arg15[%broadcast_in_dim3A_164] : memref<992xi32, #tpu.memory_space<vmem>>[vector<16xi32>], vector<16xi32>,
          %slice3A_166 = vector.extract_strided_slice %gather3A_165 {offsets = [0], sizes = [1], strides = [1]} : vector<16xi32> to vector<1xi32>
          %squeeze3A_167 = vector.extract %slice3A_166[0] : i32 from vector<1xi32>
          %add3A_168 = arith.constant 5 : i32
          %add3A_169 = arith.addi %add3A_141, %add3A_168 : i32
          %broadcast_in_dim3A_170 = vector.broadcast %add3A_169 : i32 to vector<16xi32>
          %gather3A_171 = tpu.vector_load_idx %arg15[%broadcast_in_dim3A_170] : memref<992xi32, #tpu.memory_space<vmem>>[vector<16xi32>], vector<16xi32>,
          %slice3A_172 = vector.extract_strided_slice %gather3A_171 {offsets = [0], sizes = [1], strides = [1]} : vector<16xi32> to vector<1xi32>
          %squeeze3A_173 = vector.extract %slice3A_172[0] : i32 from vector<1xi32>
          %add3A_174 = arith.constant 6 : i32
          %add3A_175 = arith.addi %add3A_141, %add3A_174 : i32
          %broadcast_in_dim3A_176 = vector.broadcast %add3A_175 : i32 to vector<16xi32>
          %gather3A_177 = tpu.vector_load_idx %arg15[%broadcast_in_dim3A_176] : memref<992xi32, #tpu.memory_space<vmem>>[vector<16xi32>], vector<16xi32>,
          %slice3A_178 = vector.extract_strided_slice %gather3A_177 {offsets = [0], sizes = [1], strides = [1]} : vector<16xi32> to vector<1xi32>
          %squeeze3A_179 = vector.extract %slice3A_178[0] : i32 from vector<1xi32>
          %add3A_180 = arith.constant 7 : i32
          %add3A_181 = arith.addi %add3A_141, %add3A_180 : i32
          %broadcast_in_dim3A_182 = vector.broadcast %add3A_181 : i32 to vector<16xi32>
          %gather3A_183 = tpu.vector_load_idx %arg15[%broadcast_in_dim3A_182] : memref<992xi32, #tpu.memory_space<vmem>>[vector<16xi32>], vector<16xi32>,
          %slice3A_184 = vector.extract_strided_slice %gather3A_183 {offsets = [0], sizes = [1], strides = [1]} : vector<16xi32> to vector<1xi32>
          %squeeze3A_185 = vector.extract %slice3A_184[0] : i32 from vector<1xi32>
          %broadcast_in_dim3A_186 = arith.constant 0.000000e+00 : f32
          %broadcast_in_dim3A_187 = vector.broadcast %broadcast_in_dim3A_186 : f32 to vector<16xf32>
          %parallel_loop3A = arith.constant 0 : i32
          %parallel_loop3A_188 = arith.constant 48 : i32
          %parallel_loop3A_189 = arith.constant 1 : i32
          %parallel_loop3A_190:16 = scf.for %parallel_loop3A_566 = %parallel_loop3A to %parallel_loop3A_188 step %parallel_loop3A_189 iter_args(%parallel_loop3A_567 = %broadcast_in_dim3A_187, %parallel_loop3A_568 = %broadcast_in_dim3A_187, %parallel_loop3A_569 = %broadcast_in_dim3A_187, %parallel_loop3A_570 = %broadcast_in_dim3A_187, %parallel_loop3A_571 = %broadcast_in_dim3A_187, %parallel_loop3A_572 = %broadcast_in_dim3A_187, %parallel_loop3A_573 = %broadcast_in_dim3A_187, %parallel_loop3A_574 = %broadcast_in_dim3A_187, %parallel_loop3A_575 = %broadcast_in_dim3A_187, %parallel_loop3A_576 = %broadcast_in_dim3A_187, %parallel_loop3A_577 = %broadcast_in_dim3A_187, %parallel_loop3A_578 = %broadcast_in_dim3A_187, %parallel_loop3A_579 = %broadcast_in_dim3A_187, %parallel_loop3A_580 = %broadcast_in_dim3A_187, %parallel_loop3A_581 = %broadcast_in_dim3A_187, %parallel_loop3A_582 = %broadcast_in_dim3A_187) -> (vector<16xf32>, vector<16xf32>, vector<16xf32>, vector<16xf32>, vector<16xf32>, vector<16xf32>, vector<16xf32>, vector<16xf32>, vector<16xf32>, vector<16xf32>, vector<16xf32>, vector<16xf32>, vector<16xf32>, vector<16xf32>, vector<16xf32>, vector<16xf32>)  : i32 {
            %parallel_loop3A_583 = arith.constant 16 : i32
            %parallel_loop3A_584 = arith.muli %parallel_loop3A_583, %parallel_loop3A_566 : i32
            %parallel_loop3A_585 = arith.index_cast %scan3A_61 : i32 to index
            %parallel_loop3A_586 = arith.index_cast %parallel_loop3A_584 : i32 to index
            %parallel_loop3A_587 = tpu.vector_load %arg17[%parallel_loop3A_585, %parallel_loop3A_586] {strides = array<i32>} : memref<30x768xf32, #tpu.memory_space<vmem>>, vector<16xf32>,
            %parallel_loop3A_588 = arith.constant 0 : i32
            %parallel_loop3A_589 = arith.addi %mul3A_138, %parallel_loop3A_588 : i32
            %parallel_loop3A_590 = arith.index_cast %rem3A_63 : i32 to index
            %parallel_loop3A_591 = arith.index_cast %parallel_loop3A_589 : i32 to index
            %parallel_loop3A_592 = arith.index_cast %parallel_loop3A_584 : i32 to index
            %parallel_loop3A_593 = tpu.vector_load %arg18[%parallel_loop3A_590, %parallel_loop3A_591, %parallel_loop3A_592] {strides = array<i32>} : memref<4x32x768xf32, #tpu.memory_space<vmem>>, vector<16xf32>,
            %parallel_loop3A_594 = arith.addf %parallel_loop3A_593, %parallel_loop3A_587 : vector<16xf32>
            %parallel_loop3A_595 = arith.index_cast %squeeze3A : i32 to index
            %parallel_loop3A_596 = arith.index_cast %parallel_loop3A_584 : i32 to index
            %parallel_loop3A_597 = tpu.vector_load %arg17[%parallel_loop3A_595, %parallel_loop3A_596] {strides = array<i32>} : memref<30x768xf32, #tpu.memory_space<vmem>>, vector<16xf32>,
            %parallel_loop3A_598 = arith.addf %parallel_loop3A_594, %parallel_loop3A_597 : vector<16xf32>
            %parallel_loop3A_599 = arith.constant 0 : i32
            %parallel_loop3A_600 = arith.addi %mul3A_138, %parallel_loop3A_599 : i32
            %parallel_loop3A_601 = arith.index_cast %rem3A_63 : i32 to index
            %parallel_loop3A_602 = arith.index_cast %parallel_loop3A_600 : i32 to index
            %parallel_loop3A_603 = arith.index_cast %parallel_loop3A_584 : i32 to index
            %parallel_loop3A_604 = tpu.vector_load %arg18[%parallel_loop3A_601, %parallel_loop3A_602, %parallel_loop3A_603] {strides = array<i32>} : memref<4x32x768xf32, #tpu.memory_space<vmem>>, vector<16xf32>,
            tpu.vector_store %arg18[%parallel_loop3A_601, %parallel_loop3A_602, %parallel_loop3A_603], %parallel_loop3A_598 {strides = array<i32>} : memref<4x32x768xf32, #tpu.memory_space<vmem>>, vector<16xf32>,
            %parallel_loop3A_605 = arith.addf %parallel_loop3A_567, %parallel_loop3A_598 : vector<16xf32>
            %parallel_loop3A_606 = arith.mulf %parallel_loop3A_598, %parallel_loop3A_598 : vector<16xf32>
            %parallel_loop3A_607 = arith.addf %parallel_loop3A_575, %parallel_loop3A_606 : vector<16xf32>
            %parallel_loop3A_608 = arith.constant 1 : i32
            %parallel_loop3A_609 = arith.addi %mul3A_138, %parallel_loop3A_608 : i32
            %parallel_loop3A_610 = arith.index_cast %rem3A_63 : i32 to index
            %parallel_loop3A_611 = arith.index_cast %parallel_loop3A_609 : i32 to index
            %parallel_loop3A_612 = arith.index_cast %parallel_loop3A_584 : i32 to index
            %parallel_loop3A_613 = tpu.vector_load %arg18[%parallel_loop3A_610, %parallel_loop3A_611, %parallel_loop3A_612] {strides = array<i32>} : memref<4x32x768xf32, #tpu.memory_space<vmem>>, vector<16xf32>,
            %parallel_loop3A_614 = arith.addf %parallel_loop3A_613, %parallel_loop3A_587 : vector<16xf32>
            %parallel_loop3A_615 = arith.index_cast %squeeze3A_149 : i32 to index
            %parallel_loop3A_616 = arith.index_cast %parallel_loop3A_584 : i32 to index
            %parallel_loop3A_617 = tpu.vector_load %arg17[%parallel_loop3A_615, %parallel_loop3A_616] {strides = array<i32>} : memref<30x768xf32, #tpu.memory_space<vmem>>, vector<16xf32>,
            %parallel_loop3A_618 = arith.addf %parallel_loop3A_614, %parallel_loop3A_617 : vector<16xf32>
            %parallel_loop3A_619 = arith.constant 1 : i32
            %parallel_loop3A_620 = arith.addi %mul3A_138, %parallel_loop3A_619 : i32
            %parallel_loop3A_621 = arith.index_cast %rem3A_63 : i32 to index
            %parallel_loop3A_622 = arith.index_cast %parallel_loop3A_620 : i32 to index
            %parallel_loop3A_623 = arith.index_cast %parallel_loop3A_584 : i32 to index
            %parallel_loop3A_624 = tpu.vector_load %arg18[%parallel_loop3A_621, %parallel_loop3A_622, %parallel_loop3A_623] {strides = array<i32>} : memref<4x32x768xf32, #tpu.memory_space<vmem>>, vector<16xf32>,
            tpu.vector_store %arg18[%parallel_loop3A_621, %parallel_loop3A_622, %parallel_loop3A_623], %parallel_loop3A_618 {strides = array<i32>} : memref<4x32x768xf32, #tpu.memory_space<vmem>>, vector<16xf32>,
            %parallel_loop3A_625 = arith.addf %parallel_loop3A_568, %parallel_loop3A_618 : vector<16xf32>
            %parallel_loop3A_626 = arith.mulf %parallel_loop3A_618, %parallel_loop3A_618 : vector<16xf32>
            %parallel_loop3A_627 = arith.addf %parallel_loop3A_576, %parallel_loop3A_626 : vector<16xf32>
            %parallel_loop3A_628 = arith.constant 2 : i32
            %parallel_loop3A_629 = arith.addi %mul3A_138, %parallel_loop3A_628 : i32
            %parallel_loop3A_630 = arith.index_cast %rem3A_63 : i32 to index
            %parallel_loop3A_631 = arith.index_cast %parallel_loop3A_629 : i32 to index
            %parallel_loop3A_632 = arith.index_cast %parallel_loop3A_584 : i32 to index
            %parallel_loop3A_633 = tpu.vector_load %arg18[%parallel_loop3A_630, %parallel_loop3A_631, %parallel_loop3A_632] {strides = array<i32>} : memref<4x32x768xf32, #tpu.memory_space<vmem>>, vector<16xf32>,
            %parallel_loop3A_634 = arith.addf %parallel_loop3A_633, %parallel_loop3A_587 : vector<16xf32>
            %parallel_loop3A_635 = arith.index_cast %squeeze3A_155 : i32 to index
            %parallel_loop3A_636 = arith.index_cast %parallel_loop3A_584 : i32 to index
            %parallel_loop3A_637 = tpu.vector_load %arg17[%parallel_loop3A_635, %parallel_loop3A_636] {strides = array<i32>} : memref<30x768xf32, #tpu.memory_space<vmem>>, vector<16xf32>,
            %parallel_loop3A_638 = arith.addf %parallel_loop3A_634, %parallel_loop3A_637 : vector<16xf32>
            %parallel_loop3A_639 = arith.constant 2 : i32
            %parallel_loop3A_640 = arith.addi %mul3A_138, %parallel_loop3A_639 : i32
            %parallel_loop3A_641 = arith.index_cast %rem3A_63 : i32 to index
            %parallel_loop3A_642 = arith.index_cast %parallel_loop3A_640 : i32 to index
            %parallel_loop3A_643 = arith.index_cast %parallel_loop3A_584 : i32 to index
            %parallel_loop3A_644 = tpu.vector_load %arg18[%parallel_loop3A_641, %parallel_loop3A_642, %parallel_loop3A_643] {strides = array<i32>} : memref<4x32x768xf32, #tpu.memory_space<vmem>>, vector<16xf32>,
            tpu.vector_store %arg18[%parallel_loop3A_641, %parallel_loop3A_642, %parallel_loop3A_643], %parallel_loop3A_638 {strides = array<i32>} : memref<4x32x768xf32, #tpu.memory_space<vmem>>, vector<16xf32>,
            %parallel_loop3A_645 = arith.addf %parallel_loop3A_569, %parallel_loop3A_638 : vector<16xf32>
            %parallel_loop3A_646 = arith.mulf %parallel_loop3A_638, %parallel_loop3A_638 : vector<16xf32>
            %parallel_loop3A_647 = arith.addf %parallel_loop3A_577, %parallel_loop3A_646 : vector<16xf32>
            %parallel_loop3A_648 = arith.constant 3 : i32
            %parallel_loop3A_649 = arith.addi %mul3A_138, %parallel_loop3A_648 : i32
            %parallel_loop3A_650 = arith.index_cast %rem3A_63 : i32 to index
            %parallel_loop3A_651 = arith.index_cast %parallel_loop3A_649 : i32 to index
            %parallel_loop3A_652 = arith.index_cast %parallel_loop3A_584 : i32 to index
            %parallel_loop3A_653 = tpu.vector_load %arg18[%parallel_loop3A_650, %parallel_loop3A_651, %parallel_loop3A_652] {strides = array<i32>} : memref<4x32x768xf32, #tpu.memory_space<vmem>>, vector<16xf32>,
            %parallel_loop3A_654 = arith.addf %parallel_loop3A_653, %parallel_loop3A_587 : vector<16xf32>
            %parallel_loop3A_655 = arith.index_cast %squeeze3A_161 : i32 to index
            %parallel_loop3A_656 = arith.index_cast %parallel_loop3A_584 : i32 to index
            %parallel_loop3A_657 = tpu.vector_load %arg17[%parallel_loop3A_655, %parallel_loop3A_656] {strides = array<i32>} : memref<30x768xf32, #tpu.memory_space<vmem>>, vector<16xf32>,
            %parallel_loop3A_658 = arith.addf %parallel_loop3A_654, %parallel_loop3A_657 : vector<16xf32>
            %parallel_loop3A_659 = arith.constant 3 : i32
            %parallel_loop3A_660 = arith.addi %mul3A_138, %parallel_loop3A_659 : i32
            %parallel_loop3A_661 = arith.index_cast %rem3A_63 : i32 to index
            %parallel_loop3A_662 = arith.index_cast %parallel_loop3A_660 : i32 to index
            %parallel_loop3A_663 = arith.index_cast %parallel_loop3A_584 : i32 to index
            %parallel_loop3A_664 = tpu.vector_load %arg18[%parallel_loop3A_661, %parallel_loop3A_662, %parallel_loop3A_663] {strides = array<i32>} : memref<4x32x768xf32, #tpu.memory_space<vmem>>, vector<16xf32>,
            tpu.vector_store %arg18[%parallel_loop3A_661, %parallel_loop3A_662, %parallel_loop3A_663], %parallel_loop3A_658 {strides = array<i32>} : memref<4x32x768xf32, #tpu.memory_space<vmem>>, vector<16xf32>,
            %parallel_loop3A_665 = arith.addf %parallel_loop3A_570, %parallel_loop3A_658 : vector<16xf32>
            %parallel_loop3A_666 = arith.mulf %parallel_loop3A_658, %parallel_loop3A_658 : vector<16xf32>
            %parallel_loop3A_667 = arith.addf %parallel_loop3A_578, %parallel_loop3A_666 : vector<16xf32>
            %parallel_loop3A_668 = arith.constant 4 : i32
            %parallel_loop3A_669 = arith.addi %mul3A_138, %parallel_loop3A_668 : i32
            %parallel_loop3A_670 = arith.index_cast %rem3A_63 : i32 to index
            %parallel_loop3A_671 = arith.index_cast %parallel_loop3A_669 : i32 to index
            %parallel_loop3A_672 = arith.index_cast %parallel_loop3A_584 : i32 to index
            %parallel_loop3A_673 = tpu.vector_load %arg18[%parallel_loop3A_670, %parallel_loop3A_671, %parallel_loop3A_672] {strides = array<i32>} : memref<4x32x768xf32, #tpu.memory_space<vmem>>, vector<16xf32>,
            %parallel_loop3A_674 = arith.addf %parallel_loop3A_673, %parallel_loop3A_587 : vector<16xf32>
            %parallel_loop3A_675 = arith.index_cast %squeeze3A_167 : i32 to index
            %parallel_loop3A_676 = arith.index_cast %parallel_loop3A_584 : i32 to index
            %parallel_loop3A_677 = tpu.vector_load %arg17[%parallel_loop3A_675, %parallel_loop3A_676] {strides = array<i32>} : memref<30x768xf32, #tpu.memory_space<vmem>>, vector<16xf32>,
            %parallel_loop3A_678 = arith.addf %parallel_loop3A_674, %parallel_loop3A_677 : vector<16xf32>
            %parallel_loop3A_679 = arith.constant 4 : i32
            %parallel_loop3A_680 = arith.addi %mul3A_138, %parallel_loop3A_679 : i32
            %parallel_loop3A_681 = arith.index_cast %rem3A_63 : i32 to index
            %parallel_loop3A_682 = arith.index_cast %parallel_loop3A_680 : i32 to index
            %parallel_loop3A_683 = arith.index_cast %parallel_loop3A_584 : i32 to index
            %parallel_loop3A_684 = tpu.vector_load %arg18[%parallel_loop3A_681, %parallel_loop3A_682, %parallel_loop3A_683] {strides = array<i32>} : memref<4x32x768xf32, #tpu.memory_space<vmem>>, vector<16xf32>,
            tpu.vector_store %arg18[%parallel_loop3A_681, %parallel_loop3A_682, %parallel_loop3A_683], %parallel_loop3A_678 {strides = array<i32>} : memref<4x32x768xf32, #tpu.memory_space<vmem>>, vector<16xf32>,
            %parallel_loop3A_685 = arith.addf %parallel_loop3A_571, %parallel_loop3A_678 : vector<16xf32>
            %parallel_loop3A_686 = arith.mulf %parallel_loop3A_678, %parallel_loop3A_678 : vector<16xf32>
            %parallel_loop3A_687 = arith.addf %parallel_loop3A_579, %parallel_loop3A_686 : vector<16xf32>
            %parallel_loop3A_688 = arith.constant 5 : i32
            %parallel_loop3A_689 = arith.addi %mul3A_138, %parallel_loop3A_688 : i32
            %parallel_loop3A_690 = arith.index_cast %rem3A_63 : i32 to index
            %parallel_loop3A_691 = arith.index_cast %parallel_loop3A_689 : i32 to index
            %parallel_loop3A_692 = arith.index_cast %parallel_loop3A_584 : i32 to index
            %parallel_loop3A_693 = tpu.vector_load %arg18[%parallel_loop3A_690, %parallel_loop3A_691, %parallel_loop3A_692] {strides = array<i32>} : memref<4x32x768xf32, #tpu.memory_space<vmem>>, vector<16xf32>,
            %parallel_loop3A_694 = arith.addf %parallel_loop3A_693, %parallel_loop3A_587 : vector<16xf32>
            %parallel_loop3A_695 = arith.index_cast %squeeze3A_173 : i32 to index
            %parallel_loop3A_696 = arith.index_cast %parallel_loop3A_584 : i32 to index
            %parallel_loop3A_697 = tpu.vector_load %arg17[%parallel_loop3A_695, %parallel_loop3A_696] {strides = array<i32>} : memref<30x768xf32, #tpu.memory_space<vmem>>, vector<16xf32>,
            %parallel_loop3A_698 = arith.addf %parallel_loop3A_694, %parallel_loop3A_697 : vector<16xf32>
            %parallel_loop3A_699 = arith.constant 5 : i32
            %parallel_loop3A_700 = arith.addi %mul3A_138, %parallel_loop3A_699 : i32
            %parallel_loop3A_701 = arith.index_cast %rem3A_63 : i32 to index
            %parallel_loop3A_702 = arith.index_cast %parallel_loop3A_700 : i32 to index
            %parallel_loop3A_703 = arith.index_cast %parallel_loop3A_584 : i32 to index
            %parallel_loop3A_704 = tpu.vector_load %arg18[%parallel_loop3A_701, %parallel_loop3A_702, %parallel_loop3A_703] {strides = array<i32>} : memref<4x32x768xf32, #tpu.memory_space<vmem>>, vector<16xf32>,
            tpu.vector_store %arg18[%parallel_loop3A_701, %parallel_loop3A_702, %parallel_loop3A_703], %parallel_loop3A_698 {strides = array<i32>} : memref<4x32x768xf32, #tpu.memory_space<vmem>>, vector<16xf32>,
            %parallel_loop3A_705 = arith.addf %parallel_loop3A_572, %parallel_loop3A_698 : vector<16xf32>
            %parallel_loop3A_706 = arith.mulf %parallel_loop3A_698, %parallel_loop3A_698 : vector<16xf32>
            %parallel_loop3A_707 = arith.addf %parallel_loop3A_580, %parallel_loop3A_706 : vector<16xf32>
            %parallel_loop3A_708 = arith.constant 6 : i32
            %parallel_loop3A_709 = arith.addi %mul3A_138, %parallel_loop3A_708 : i32
            %parallel_loop3A_710 = arith.index_cast %rem3A_63 : i32 to index
            %parallel_loop3A_711 = arith.index_cast %parallel_loop3A_709 : i32 to index
            %parallel_loop3A_712 = arith.index_cast %parallel_loop3A_584 : i32 to index
            %parallel_loop3A_713 = tpu.vector_load %arg18[%parallel_loop3A_710, %parallel_loop3A_711, %parallel_loop3A_712] {strides = array<i32>} : memref<4x32x768xf32, #tpu.memory_space<vmem>>, vector<16xf32>,
            %parallel_loop3A_714 = arith.addf %parallel_loop3A_713, %parallel_loop3A_587 : vector<16xf32>
            %parallel_loop3A_715 = arith.index_cast %squeeze3A_179 : i32 to index
            %parallel_loop3A_716 = arith.index_cast %parallel_loop3A_584 : i32 to index
            %parallel_loop3A_717 = tpu.vector_load %arg17[%parallel_loop3A_715, %parallel_loop3A_716] {strides = array<i32>} : memref<30x768xf32, #tpu.memory_space<vmem>>, vector<16xf32>,
            %parallel_loop3A_718 = arith.addf %parallel_loop3A_714, %parallel_loop3A_717 : vector<16xf32>
            %parallel_loop3A_719 = arith.constant 6 : i32
            %parallel_loop3A_720 = arith.addi %mul3A_138, %parallel_loop3A_719 : i32
            %parallel_loop3A_721 = arith.index_cast %rem3A_63 : i32 to index
            %parallel_loop3A_722 = arith.index_cast %parallel_loop3A_720 : i32 to index
            %parallel_loop3A_723 = arith.index_cast %parallel_loop3A_584 : i32 to index
            %parallel_loop3A_724 = tpu.vector_load %arg18[%parallel_loop3A_721, %parallel_loop3A_722, %parallel_loop3A_723] {strides = array<i32>} : memref<4x32x768xf32, #tpu.memory_space<vmem>>, vector<16xf32>,
            tpu.vector_store %arg18[%parallel_loop3A_721, %parallel_loop3A_722, %parallel_loop3A_723], %parallel_loop3A_718 {strides = array<i32>} : memref<4x32x768xf32, #tpu.memory_space<vmem>>, vector<16xf32>,
            %parallel_loop3A_725 = arith.addf %parallel_loop3A_573, %parallel_loop3A_718 : vector<16xf32>
            %parallel_loop3A_726 = arith.mulf %parallel_loop3A_718, %parallel_loop3A_718 : vector<16xf32>
            %parallel_loop3A_727 = arith.addf %parallel_loop3A_581, %parallel_loop3A_726 : vector<16xf32>
            %parallel_loop3A_728 = arith.constant 7 : i32
            %parallel_loop3A_729 = arith.addi %mul3A_138, %parallel_loop3A_728 : i32
            %parallel_loop3A_730 = arith.index_cast %rem3A_63 : i32 to index
            %parallel_loop3A_731 = arith.index_cast %parallel_loop3A_729 : i32 to index
            %parallel_loop3A_732 = arith.index_cast %parallel_loop3A_584 : i32 to index
            %parallel_loop3A_733 = tpu.vector_load %arg18[%parallel_loop3A_730, %parallel_loop3A_731, %parallel_loop3A_732] {strides = array<i32>} : memref<4x32x768xf32, #tpu.memory_space<vmem>>, vector<16xf32>,
            %parallel_loop3A_734 = arith.addf %parallel_loop3A_733, %parallel_loop3A_587 : vector<16xf32>
            %parallel_loop3A_735 = arith.index_cast %squeeze3A_185 : i32 to index
            %parallel_loop3A_736 = arith.index_cast %parallel_loop3A_584 : i32 to index
            %parallel_loop3A_737 = tpu.vector_load %arg17[%parallel_loop3A_735, %parallel_loop3A_736] {strides = array<i32>} : memref<30x768xf32, #tpu.memory_space<vmem>>, vector<16xf32>,
            %parallel_loop3A_738 = arith.addf %parallel_loop3A_734, %parallel_loop3A_737 : vector<16xf32>
            %parallel_loop3A_739 = arith.constant 7 : i32
            %parallel_loop3A_740 = arith.addi %mul3A_138, %parallel_loop3A_739 : i32
            %parallel_loop3A_741 = arith.index_cast %rem3A_63 : i32 to index
            %parallel_loop3A_742 = arith.index_cast %parallel_loop3A_740 : i32 to index
            %parallel_loop3A_743 = arith.index_cast %parallel_loop3A_584 : i32 to index
            %parallel_loop3A_744 = tpu.vector_load %arg18[%parallel_loop3A_741, %parallel_loop3A_742, %parallel_loop3A_743] {strides = array<i32>} : memref<4x32x768xf32, #tpu.memory_space<vmem>>, vector<16xf32>,
            tpu.vector_store %arg18[%parallel_loop3A_741, %parallel_loop3A_742, %parallel_loop3A_743], %parallel_loop3A_738 {strides = array<i32>} : memref<4x32x768xf32, #tpu.memory_space<vmem>>, vector<16xf32>,
            %parallel_loop3A_745 = arith.addf %parallel_loop3A_574, %parallel_loop3A_738 : vector<16xf32>
            %parallel_loop3A_746 = arith.mulf %parallel_loop3A_738, %parallel_loop3A_738 : vector<16xf32>
            %parallel_loop3A_747 = arith.addf %parallel_loop3A_582, %parallel_loop3A_746 : vector<16xf32>
            scf.yield %parallel_loop3A_605, %parallel_loop3A_625, %parallel_loop3A_645, %parallel_loop3A_665, %parallel_loop3A_685, %parallel_loop3A_705, %parallel_loop3A_725, %parallel_loop3A_745, %parallel_loop3A_607, %parallel_loop3A_627, %parallel_loop3A_647, %parallel_loop3A_667, %parallel_loop3A_687, %parallel_loop3A_707, %parallel_loop3A_727, %parallel_loop3A_747 : vector<16xf32>, vector<16xf32>, vector<16xf32>, vector<16xf32>, vector<16xf32>, vector<16xf32>, vector<16xf32>, vector<16xf32>, vector<16xf32>, vector<16xf32>, vector<16xf32>, vector<16xf32>, vector<16xf32>, vector<16xf32>, vector<16xf32>, vector<16xf32>
          } {sc.loop_unroll_factor = 4 : i64, sc.parallel_access}
          %reduce_sum3A = arith.constant true
          %reduce_sum3A_191 = vector.broadcast %reduce_sum3A : i1 to vector<16xi1>
          %reduce_sum3A_192 = tpu.scan <sum>, %parallel_loop3A_190#0 masked %reduce_sum3A_191 : vector<16xf32>, vector<16xi1> -> vector<16xf32>
          %reduce_sum3A_193 = vector.extract %reduce_sum3A_192[15] : f32 from vector<16xf32>
          %mul3A_194 = arith.mulf %reduce_sum3A_193, %scan3A_26 : f32
          %reduce_sum3A_195 = arith.constant true
          %reduce_sum3A_196 = vector.broadcast %reduce_sum3A_195 : i1 to vector<16xi1>
          %reduce_sum3A_197 = tpu.scan <sum>, %parallel_loop3A_190#8 masked %reduce_sum3A_196 : vector<16xf32>, vector<16xi1> -> vector<16xf32>
          %reduce_sum3A_198 = vector.extract %reduce_sum3A_197[15] : f32 from vector<16xf32>
          %mul3A_199 = arith.mulf %reduce_sum3A_198, %scan3A_26 : f32
          %mul3A_200 = arith.mulf %mul3A_194, %mul3A_194 : f32
          %sub3A_201 = arith.subf %mul3A_199, %mul3A_200 : f32
          %max3A = arith.constant 0.000000e+00 : f32
          %max3A_202 = arith.maximumf %sub3A_201, %max3A : f32
          %add3A_203 = arith.constant 9.99999997E-7 : f32
          %add3A_204 = arith.addf %max3A_202, %add3A_203 : f32
          %broadcast_in_dim3A_205 = vector.broadcast %mul3A_194 : f32 to vector<16xf32>
          %broadcast_in_dim3A_206 = vector.broadcast %add3A_204 : f32 to vector<16xf32>
          %broadcast_in_dim3A_207 = arith.constant 1597463007 : i32
          %broadcast_in_dim3A_208 = vector.broadcast %broadcast_in_dim3A_207 : i32 to vector<16xi32>
          %bitcast3A = vector.bitcast %broadcast_in_dim3A_206 : vector<16xf32> to vector<16xi32>
          %shift_right_logical3A = arith.constant 1 : i32
          %shift_right_logical3A_209 = vector.broadcast %shift_right_logical3A : i32 to vector<16xi32>
          %shift_right_logical3A_210 = arith.shrui %bitcast3A, %shift_right_logical3A_209 : vector<16xi32>
          %sub3A_211 = arith.subi %broadcast_in_dim3A_208, %shift_right_logical3A_210 : vector<16xi32>
          %bitcast3A_212 = vector.bitcast %sub3A_211 : vector<16xi32> to vector<16xf32>
          %mul3A_213 = arith.constant 5.000000e-01 : f32
          %mul3A_214 = vector.broadcast %mul3A_213 : f32 to vector<16xf32>
          %mul3A_215 = arith.mulf %broadcast_in_dim3A_206, %mul3A_214 : vector<16xf32>
          %mul3A_216 = arith.mulf %mul3A_215, %bitcast3A_212 : vector<16xf32>
          %mul3A_217 = arith.mulf %mul3A_216, %bitcast3A_212 : vector<16xf32>
          %sub3A_218 = arith.constant 1.500000e+00 : f32
          %sub3A_219 = vector.broadcast %sub3A_218 : f32 to vector<16xf32>
          %sub3A_220 = arith.subf %sub3A_219, %mul3A_217 : vector<16xf32>
          %mul3A_221 = arith.mulf %bitcast3A_212, %sub3A_220 : vector<16xf32>
          %mul3A_222 = arith.mulf %mul3A_215, %mul3A_221 : vector<16xf32>
          %mul3A_223 = arith.mulf %mul3A_222, %mul3A_221 : vector<16xf32>
          %sub3A_224 = arith.constant 1.500000e+00 : f32
          %sub3A_225 = vector.broadcast %sub3A_224 : f32 to vector<16xf32>
          %sub3A_226 = arith.subf %sub3A_225, %mul3A_223 : vector<16xf32>
          %mul3A_227 = arith.mulf %mul3A_221, %sub3A_226 : vector<16xf32>
          %mul3A_228 = arith.mulf %mul3A_215, %mul3A_227 : vector<16xf32>
          %mul3A_229 = arith.mulf %mul3A_228, %mul3A_227 : vector<16xf32>
          %sub3A_230 = arith.constant 1.500000e+00 : f32
          %sub3A_231 = vector.broadcast %sub3A_230 : f32 to vector<16xf32>
          %sub3A_232 = arith.subf %sub3A_231, %mul3A_229 : vector<16xf32>
          %mul3A_233 = arith.mulf %mul3A_227, %sub3A_232 : vector<16xf32>
          %reduce_sum3A_234 = arith.constant true
          %reduce_sum3A_235 = vector.broadcast %reduce_sum3A_234 : i1 to vector<16xi1>
          %reduce_sum3A_236 = tpu.scan <sum>, %parallel_loop3A_190#1 masked %reduce_sum3A_235 : vector<16xf32>, vector<16xi1> -> vector<16xf32>
          %reduce_sum3A_237 = vector.extract %reduce_sum3A_236[15] : f32 from vector<16xf32>
          %mul3A_238 = arith.mulf %reduce_sum3A_237, %scan3A_26 : f32
          %reduce_sum3A_239 = arith.constant true
          %reduce_sum3A_240 = vector.broadcast %reduce_sum3A_239 : i1 to vector<16xi1>
          %reduce_sum3A_241 = tpu.scan <sum>, %parallel_loop3A_190#9 masked %reduce_sum3A_240 : vector<16xf32>, vector<16xi1> -> vector<16xf32>
          %reduce_sum3A_242 = vector.extract %reduce_sum3A_241[15] : f32 from vector<16xf32>
          %mul3A_243 = arith.mulf %reduce_sum3A_242, %scan3A_26 : f32
          %mul3A_244 = arith.mulf %mul3A_238, %mul3A_238 : f32
          %sub3A_245 = arith.subf %mul3A_243, %mul3A_244 : f32
          %max3A_246 = arith.constant 0.000000e+00 : f32
          %max3A_247 = arith.maximumf %sub3A_245, %max3A_246 : f32
          %add3A_248 = arith.constant 9.99999997E-7 : f32
          %add3A_249 = arith.addf %max3A_247, %add3A_248 : f32
          %broadcast_in_dim3A_250 = vector.broadcast %mul3A_238 : f32 to vector<16xf32>
          %broadcast_in_dim3A_251 = vector.broadcast %add3A_249 : f32 to vector<16xf32>
          %broadcast_in_dim3A_252 = arith.constant 1597463007 : i32
          %broadcast_in_dim3A_253 = vector.broadcast %broadcast_in_dim3A_252 : i32 to vector<16xi32>
          %bitcast3A_254 = vector.bitcast %broadcast_in_dim3A_251 : vector<16xf32> to vector<16xi32>
          %shift_right_logical3A_255 = arith.constant 1 : i32
          %shift_right_logical3A_256 = vector.broadcast %shift_right_logical3A_255 : i32 to vector<16xi32>
          %shift_right_logical3A_257 = arith.shrui %bitcast3A_254, %shift_right_logical3A_256 : vector<16xi32>
          %sub3A_258 = arith.subi %broadcast_in_dim3A_253, %shift_right_logical3A_257 : vector<16xi32>
          %bitcast3A_259 = vector.bitcast %sub3A_258 : vector<16xi32> to vector<16xf32>
          %mul3A_260 = arith.constant 5.000000e-01 : f32
          %mul3A_261 = vector.broadcast %mul3A_260 : f32 to vector<16xf32>
          %mul3A_262 = arith.mulf %broadcast_in_dim3A_251, %mul3A_261 : vector<16xf32>
          %mul3A_263 = arith.mulf %mul3A_262, %bitcast3A_259 : vector<16xf32>
          %mul3A_264 = arith.mulf %mul3A_263, %bitcast3A_259 : vector<16xf32>
          %sub3A_265 = arith.constant 1.500000e+00 : f32
          %sub3A_266 = vector.broadcast %sub3A_265 : f32 to vector<16xf32>
          %sub3A_267 = arith.subf %sub3A_266, %mul3A_264 : vector<16xf32>
          %mul3A_268 = arith.mulf %bitcast3A_259, %sub3A_267 : vector<16xf32>
          %mul3A_269 = arith.mulf %mul3A_262, %mul3A_268 : vector<16xf32>
          %mul3A_270 = arith.mulf %mul3A_269, %mul3A_268 : vector<16xf32>
          %sub3A_271 = arith.constant 1.500000e+00 : f32
          %sub3A_272 = vector.broadcast %sub3A_271 : f32 to vector<16xf32>
          %sub3A_273 = arith.subf %sub3A_272, %mul3A_270 : vector<16xf32>
          %mul3A_274 = arith.mulf %mul3A_268, %sub3A_273 : vector<16xf32>
          %mul3A_275 = arith.mulf %mul3A_262, %mul3A_274 : vector<16xf32>
          %mul3A_276 = arith.mulf %mul3A_275, %mul3A_274 : vector<16xf32>
          %sub3A_277 = arith.constant 1.500000e+00 : f32
          %sub3A_278 = vector.broadcast %sub3A_277 : f32 to vector<16xf32>
          %sub3A_279 = arith.subf %sub3A_278, %mul3A_276 : vector<16xf32>
          %mul3A_280 = arith.mulf %mul3A_274, %sub3A_279 : vector<16xf32>
          %reduce_sum3A_281 = arith.constant true
          %reduce_sum3A_282 = vector.broadcast %reduce_sum3A_281 : i1 to vector<16xi1>
          %reduce_sum3A_283 = tpu.scan <sum>, %parallel_loop3A_190#2 masked %reduce_sum3A_282 : vector<16xf32>, vector<16xi1> -> vector<16xf32>
          %reduce_sum3A_284 = vector.extract %reduce_sum3A_283[15] : f32 from vector<16xf32>
          %mul3A_285 = arith.mulf %reduce_sum3A_284, %scan3A_26 : f32
          %reduce_sum3A_286 = arith.constant true
          %reduce_sum3A_287 = vector.broadcast %reduce_sum3A_286 : i1 to vector<16xi1>
          %reduce_sum3A_288 = tpu.scan <sum>, %parallel_loop3A_190#10 masked %reduce_sum3A_287 : vector<16xf32>, vector<16xi1> -> vector<16xf32>
          %reduce_sum3A_289 = vector.extract %reduce_sum3A_288[15] : f32 from vector<16xf32>
          %mul3A_290 = arith.mulf %reduce_sum3A_289, %scan3A_26 : f32
          %mul3A_291 = arith.mulf %mul3A_285, %mul3A_285 : f32
          %sub3A_292 = arith.subf %mul3A_290, %mul3A_291 : f32
          %max3A_293 = arith.constant 0.000000e+00 : f32
          %max3A_294 = arith.maximumf %sub3A_292, %max3A_293 : f32
          %add3A_295 = arith.constant 9.99999997E-7 : f32
          %add3A_296 = arith.addf %max3A_294, %add3A_295 : f32
          %broadcast_in_dim3A_297 = vector.broadcast %mul3A_285 : f32 to vector<16xf32>
          %broadcast_in_dim3A_298 = vector.broadcast %add3A_296 : f32 to vector<16xf32>
          %broadcast_in_dim3A_299 = arith.constant 1597463007 : i32
          %broadcast_in_dim3A_300 = vector.broadcast %broadcast_in_dim3A_299 : i32 to vector<16xi32>
          %bitcast3A_301 = vector.bitcast %broadcast_in_dim3A_298 : vector<16xf32> to vector<16xi32>
          %shift_right_logical3A_302 = arith.constant 1 : i32
          %shift_right_logical3A_303 = vector.broadcast %shift_right_logical3A_302 : i32 to vector<16xi32>
          %shift_right_logical3A_304 = arith.shrui %bitcast3A_301, %shift_right_logical3A_303 : vector<16xi32>
          %sub3A_305 = arith.subi %broadcast_in_dim3A_300, %shift_right_logical3A_304 : vector<16xi32>
          %bitcast3A_306 = vector.bitcast %sub3A_305 : vector<16xi32> to vector<16xf32>
          %mul3A_307 = arith.constant 5.000000e-01 : f32
          %mul3A_308 = vector.broadcast %mul3A_307 : f32 to vector<16xf32>
          %mul3A_309 = arith.mulf %broadcast_in_dim3A_298, %mul3A_308 : vector<16xf32>
          %mul3A_310 = arith.mulf %mul3A_309, %bitcast3A_306 : vector<16xf32>
          %mul3A_311 = arith.mulf %mul3A_310, %bitcast3A_306 : vector<16xf32>
          %sub3A_312 = arith.constant 1.500000e+00 : f32
          %sub3A_313 = vector.broadcast %sub3A_312 : f32 to vector<16xf32>
          %sub3A_314 = arith.subf %sub3A_313, %mul3A_311 : vector<16xf32>
          %mul3A_315 = arith.mulf %bitcast3A_306, %sub3A_314 : vector<16xf32>
          %mul3A_316 = arith.mulf %mul3A_309, %mul3A_315 : vector<16xf32>
          %mul3A_317 = arith.mulf %mul3A_316, %mul3A_315 : vector<16xf32>
          %sub3A_318 = arith.constant 1.500000e+00 : f32
          %sub3A_319 = vector.broadcast %sub3A_318 : f32 to vector<16xf32>
          %sub3A_320 = arith.subf %sub3A_319, %mul3A_317 : vector<16xf32>
          %mul3A_321 = arith.mulf %mul3A_315, %sub3A_320 : vector<16xf32>
          %mul3A_322 = arith.mulf %mul3A_309, %mul3A_321 : vector<16xf32>
          %mul3A_323 = arith.mulf %mul3A_322, %mul3A_321 : vector<16xf32>
          %sub3A_324 = arith.constant 1.500000e+00 : f32
          %sub3A_325 = vector.broadcast %sub3A_324 : f32 to vector<16xf32>
          %sub3A_326 = arith.subf %sub3A_325, %mul3A_323 : vector<16xf32>
          %mul3A_327 = arith.mulf %mul3A_321, %sub3A_326 : vector<16xf32>
          %reduce_sum3A_328 = arith.constant true
          %reduce_sum3A_329 = vector.broadcast %reduce_sum3A_328 : i1 to vector<16xi1>
          %reduce_sum3A_330 = tpu.scan <sum>, %parallel_loop3A_190#3 masked %reduce_sum3A_329 : vector<16xf32>, vector<16xi1> -> vector<16xf32>
          %reduce_sum3A_331 = vector.extract %reduce_sum3A_330[15] : f32 from vector<16xf32>
          %mul3A_332 = arith.mulf %reduce_sum3A_331, %scan3A_26 : f32
          %reduce_sum3A_333 = arith.constant true
          %reduce_sum3A_334 = vector.broadcast %reduce_sum3A_333 : i1 to vector<16xi1>
          %reduce_sum3A_335 = tpu.scan <sum>, %parallel_loop3A_190#11 masked %reduce_sum3A_334 : vector<16xf32>, vector<16xi1> -> vector<16xf32>
          %reduce_sum3A_336 = vector.extract %reduce_sum3A_335[15] : f32 from vector<16xf32>
          %mul3A_337 = arith.mulf %reduce_sum3A_336, %scan3A_26 : f32
          %mul3A_338 = arith.mulf %mul3A_332, %mul3A_332 : f32
          %sub3A_339 = arith.subf %mul3A_337, %mul3A_338 : f32
          %max3A_340 = arith.constant 0.000000e+00 : f32
          %max3A_341 = arith.maximumf %sub3A_339, %max3A_340 : f32
          %add3A_342 = arith.constant 9.99999997E-7 : f32
          %add3A_343 = arith.addf %max3A_341, %add3A_342 : f32
          %broadcast_in_dim3A_344 = vector.broadcast %mul3A_332 : f32 to vector<16xf32>
          %broadcast_in_dim3A_345 = vector.broadcast %add3A_343 : f32 to vector<16xf32>
          %broadcast_in_dim3A_346 = arith.constant 1597463007 : i32
          %broadcast_in_dim3A_347 = vector.broadcast %broadcast_in_dim3A_346 : i32 to vector<16xi32>
          %bitcast3A_348 = vector.bitcast %broadcast_in_dim3A_345 : vector<16xf32> to vector<16xi32>
          %shift_right_logical3A_349 = arith.constant 1 : i32
          %shift_right_logical3A_350 = vector.broadcast %shift_right_logical3A_349 : i32 to vector<16xi32>
          %shift_right_logical3A_351 = arith.shrui %bitcast3A_348, %shift_right_logical3A_350 : vector<16xi32>
          %sub3A_352 = arith.subi %broadcast_in_dim3A_347, %shift_right_logical3A_351 : vector<16xi32>
          %bitcast3A_353 = vector.bitcast %sub3A_352 : vector<16xi32> to vector<16xf32>
          %mul3A_354 = arith.constant 5.000000e-01 : f32
          %mul3A_355 = vector.broadcast %mul3A_354 : f32 to vector<16xf32>
          %mul3A_356 = arith.mulf %broadcast_in_dim3A_345, %mul3A_355 : vector<16xf32>
          %mul3A_357 = arith.mulf %mul3A_356, %bitcast3A_353 : vector<16xf32>
          %mul3A_358 = arith.mulf %mul3A_357, %bitcast3A_353 : vector<16xf32>
          %sub3A_359 = arith.constant 1.500000e+00 : f32
          %sub3A_360 = vector.broadcast %sub3A_359 : f32 to vector<16xf32>
          %sub3A_361 = arith.subf %sub3A_360, %mul3A_358 : vector<16xf32>
          %mul3A_362 = arith.mulf %bitcast3A_353, %sub3A_361 : vector<16xf32>
          %mul3A_363 = arith.mulf %mul3A_356, %mul3A_362 : vector<16xf32>
          %mul3A_364 = arith.mulf %mul3A_363, %mul3A_362 : vector<16xf32>
          %sub3A_365 = arith.constant 1.500000e+00 : f32
          %sub3A_366 = vector.broadcast %sub3A_365 : f32 to vector<16xf32>
          %sub3A_367 = arith.subf %sub3A_366, %mul3A_364 : vector<16xf32>
          %mul3A_368 = arith.mulf %mul3A_362, %sub3A_367 : vector<16xf32>
          %mul3A_369 = arith.mulf %mul3A_356, %mul3A_368 : vector<16xf32>
          %mul3A_370 = arith.mulf %mul3A_369, %mul3A_368 : vector<16xf32>
          %sub3A_371 = arith.constant 1.500000e+00 : f32
          %sub3A_372 = vector.broadcast %sub3A_371 : f32 to vector<16xf32>
          %sub3A_373 = arith.subf %sub3A_372, %mul3A_370 : vector<16xf32>
          %mul3A_374 = arith.mulf %mul3A_368, %sub3A_373 : vector<16xf32>
          %reduce_sum3A_375 = arith.constant true
          %reduce_sum3A_376 = vector.broadcast %reduce_sum3A_375 : i1 to vector<16xi1>
          %reduce_sum3A_377 = tpu.scan <sum>, %parallel_loop3A_190#4 masked %reduce_sum3A_376 : vector<16xf32>, vector<16xi1> -> vector<16xf32>
          %reduce_sum3A_378 = vector.extract %reduce_sum3A_377[15] : f32 from vector<16xf32>
          %mul3A_379 = arith.mulf %reduce_sum3A_378, %scan3A_26 : f32
          %reduce_sum3A_380 = arith.constant true
          %reduce_sum3A_381 = vector.broadcast %reduce_sum3A_380 : i1 to vector<16xi1>
          %reduce_sum3A_382 = tpu.scan <sum>, %parallel_loop3A_190#12 masked %reduce_sum3A_381 : vector<16xf32>, vector<16xi1> -> vector<16xf32>
          %reduce_sum3A_383 = vector.extract %reduce_sum3A_382[15] : f32 from vector<16xf32>
          %mul3A_384 = arith.mulf %reduce_sum3A_383, %scan3A_26 : f32
          %mul3A_385 = arith.mulf %mul3A_379, %mul3A_379 : f32
          %sub3A_386 = arith.subf %mul3A_384, %mul3A_385 : f32
          %max3A_387 = arith.constant 0.000000e+00 : f32
          %max3A_388 = arith.maximumf %sub3A_386, %max3A_387 : f32
          %add3A_389 = arith.constant 9.99999997E-7 : f32
          %add3A_390 = arith.addf %max3A_388, %add3A_389 : f32
          %broadcast_in_dim3A_391 = vector.broadcast %mul3A_379 : f32 to vector<16xf32>
          %broadcast_in_dim3A_392 = vector.broadcast %add3A_390 : f32 to vector<16xf32>
          %broadcast_in_dim3A_393 = arith.constant 1597463007 : i32
          %broadcast_in_dim3A_394 = vector.broadcast %broadcast_in_dim3A_393 : i32 to vector<16xi32>
          %bitcast3A_395 = vector.bitcast %broadcast_in_dim3A_392 : vector<16xf32> to vector<16xi32>
          %shift_right_logical3A_396 = arith.constant 1 : i32
          %shift_right_logical3A_397 = vector.broadcast %shift_right_logical3A_396 : i32 to vector<16xi32>
          %shift_right_logical3A_398 = arith.shrui %bitcast3A_395, %shift_right_logical3A_397 : vector<16xi32>
          %sub3A_399 = arith.subi %broadcast_in_dim3A_394, %shift_right_logical3A_398 : vector<16xi32>
          %bitcast3A_400 = vector.bitcast %sub3A_399 : vector<16xi32> to vector<16xf32>
          %mul3A_401 = arith.constant 5.000000e-01 : f32
          %mul3A_402 = vector.broadcast %mul3A_401 : f32 to vector<16xf32>
          %mul3A_403 = arith.mulf %broadcast_in_dim3A_392, %mul3A_402 : vector<16xf32>
          %mul3A_404 = arith.mulf %mul3A_403, %bitcast3A_400 : vector<16xf32>
          %mul3A_405 = arith.mulf %mul3A_404, %bitcast3A_400 : vector<16xf32>
          %sub3A_406 = arith.constant 1.500000e+00 : f32
          %sub3A_407 = vector.broadcast %sub3A_406 : f32 to vector<16xf32>
          %sub3A_408 = arith.subf %sub3A_407, %mul3A_405 : vector<16xf32>
          %mul3A_409 = arith.mulf %bitcast3A_400, %sub3A_408 : vector<16xf32>
          %mul3A_410 = arith.mulf %mul3A_403, %mul3A_409 : vector<16xf32>
          %mul3A_411 = arith.mulf %mul3A_410, %mul3A_409 : vector<16xf32>
          %sub3A_412 = arith.constant 1.500000e+00 : f32
          %sub3A_413 = vector.broadcast %sub3A_412 : f32 to vector<16xf32>
          %sub3A_414 = arith.subf %sub3A_413, %mul3A_411 : vector<16xf32>
          %mul3A_415 = arith.mulf %mul3A_409, %sub3A_414 : vector<16xf32>
          %mul3A_416 = arith.mulf %mul3A_403, %mul3A_415 : vector<16xf32>
          %mul3A_417 = arith.mulf %mul3A_416, %mul3A_415 : vector<16xf32>
          %sub3A_418 = arith.constant 1.500000e+00 : f32
          %sub3A_419 = vector.broadcast %sub3A_418 : f32 to vector<16xf32>
          %sub3A_420 = arith.subf %sub3A_419, %mul3A_417 : vector<16xf32>
          %mul3A_421 = arith.mulf %mul3A_415, %sub3A_420 : vector<16xf32>
          %reduce_sum3A_422 = arith.constant true
          %reduce_sum3A_423 = vector.broadcast %reduce_sum3A_422 : i1 to vector<16xi1>
          %reduce_sum3A_424 = tpu.scan <sum>, %parallel_loop3A_190#5 masked %reduce_sum3A_423 : vector<16xf32>, vector<16xi1> -> vector<16xf32>
          %reduce_sum3A_425 = vector.extract %reduce_sum3A_424[15] : f32 from vector<16xf32>
          %mul3A_426 = arith.mulf %reduce_sum3A_425, %scan3A_26 : f32
          %reduce_sum3A_427 = arith.constant true
          %reduce_sum3A_428 = vector.broadcast %reduce_sum3A_427 : i1 to vector<16xi1>
          %reduce_sum3A_429 = tpu.scan <sum>, %parallel_loop3A_190#13 masked %reduce_sum3A_428 : vector<16xf32>, vector<16xi1> -> vector<16xf32>
          %reduce_sum3A_430 = vector.extract %reduce_sum3A_429[15] : f32 from vector<16xf32>
          %mul3A_431 = arith.mulf %reduce_sum3A_430, %scan3A_26 : f32
          %mul3A_432 = arith.mulf %mul3A_426, %mul3A_426 : f32
          %sub3A_433 = arith.subf %mul3A_431, %mul3A_432 : f32
          %max3A_434 = arith.constant 0.000000e+00 : f32
          %max3A_435 = arith.maximumf %sub3A_433, %max3A_434 : f32
          %add3A_436 = arith.constant 9.99999997E-7 : f32
          %add3A_437 = arith.addf %max3A_435, %add3A_436 : f32
          %broadcast_in_dim3A_438 = vector.broadcast %mul3A_426 : f32 to vector<16xf32>
          %broadcast_in_dim3A_439 = vector.broadcast %add3A_437 : f32 to vector<16xf32>
          %broadcast_in_dim3A_440 = arith.constant 1597463007 : i32
          %broadcast_in_dim3A_441 = vector.broadcast %broadcast_in_dim3A_440 : i32 to vector<16xi32>
          %bitcast3A_442 = vector.bitcast %broadcast_in_dim3A_439 : vector<16xf32> to vector<16xi32>
          %shift_right_logical3A_443 = arith.constant 1 : i32
          %shift_right_logical3A_444 = vector.broadcast %shift_right_logical3A_443 : i32 to vector<16xi32>
          %shift_right_logical3A_445 = arith.shrui %bitcast3A_442, %shift_right_logical3A_444 : vector<16xi32>
          %sub3A_446 = arith.subi %broadcast_in_dim3A_441, %shift_right_logical3A_445 : vector<16xi32>
          %bitcast3A_447 = vector.bitcast %sub3A_446 : vector<16xi32> to vector<16xf32>
          %mul3A_448 = arith.constant 5.000000e-01 : f32
          %mul3A_449 = vector.broadcast %mul3A_448 : f32 to vector<16xf32>
          %mul3A_450 = arith.mulf %broadcast_in_dim3A_439, %mul3A_449 : vector<16xf32>
          %mul3A_451 = arith.mulf %mul3A_450, %bitcast3A_447 : vector<16xf32>
          %mul3A_452 = arith.mulf %mul3A_451, %bitcast3A_447 : vector<16xf32>
          %sub3A_453 = arith.constant 1.500000e+00 : f32
          %sub3A_454 = vector.broadcast %sub3A_453 : f32 to vector<16xf32>
          %sub3A_455 = arith.subf %sub3A_454, %mul3A_452 : vector<16xf32>
          %mul3A_456 = arith.mulf %bitcast3A_447, %sub3A_455 : vector<16xf32>
          %mul3A_457 = arith.mulf %mul3A_450, %mul3A_456 : vector<16xf32>
          %mul3A_458 = arith.mulf %mul3A_457, %mul3A_456 : vector<16xf32>
          %sub3A_459 = arith.constant 1.500000e+00 : f32
          %sub3A_460 = vector.broadcast %sub3A_459 : f32 to vector<16xf32>
          %sub3A_461 = arith.subf %sub3A_460, %mul3A_458 : vector<16xf32>
          %mul3A_462 = arith.mulf %mul3A_456, %sub3A_461 : vector<16xf32>
          %mul3A_463 = arith.mulf %mul3A_450, %mul3A_462 : vector<16xf32>
          %mul3A_464 = arith.mulf %mul3A_463, %mul3A_462 : vector<16xf32>
          %sub3A_465 = arith.constant 1.500000e+00 : f32
          %sub3A_466 = vector.broadcast %sub3A_465 : f32 to vector<16xf32>
          %sub3A_467 = arith.subf %sub3A_466, %mul3A_464 : vector<16xf32>
          %mul3A_468 = arith.mulf %mul3A_462, %sub3A_467 : vector<16xf32>
          %reduce_sum3A_469 = arith.constant true
          %reduce_sum3A_470 = vector.broadcast %reduce_sum3A_469 : i1 to vector<16xi1>
          %reduce_sum3A_471 = tpu.scan <sum>, %parallel_loop3A_190#6 masked %reduce_sum3A_470 : vector<16xf32>, vector<16xi1> -> vector<16xf32>
          %reduce_sum3A_472 = vector.extract %reduce_sum3A_471[15] : f32 from vector<16xf32>
          %mul3A_473 = arith.mulf %reduce_sum3A_472, %scan3A_26 : f32
          %reduce_sum3A_474 = arith.constant true
          %reduce_sum3A_475 = vector.broadcast %reduce_sum3A_474 : i1 to vector<16xi1>
          %reduce_sum3A_476 = tpu.scan <sum>, %parallel_loop3A_190#14 masked %reduce_sum3A_475 : vector<16xf32>, vector<16xi1> -> vector<16xf32>
          %reduce_sum3A_477 = vector.extract %reduce_sum3A_476[15] : f32 from vector<16xf32>
          %mul3A_478 = arith.mulf %reduce_sum3A_477, %scan3A_26 : f32
          %mul3A_479 = arith.mulf %mul3A_473, %mul3A_473 : f32
          %sub3A_480 = arith.subf %mul3A_478, %mul3A_479 : f32
          %max3A_481 = arith.constant 0.000000e+00 : f32
          %max3A_482 = arith.maximumf %sub3A_480, %max3A_481 : f32
          %add3A_483 = arith.constant 9.99999997E-7 : f32
          %add3A_484 = arith.addf %max3A_482, %add3A_483 : f32
          %broadcast_in_dim3A_485 = vector.broadcast %mul3A_473 : f32 to vector<16xf32>
          %broadcast_in_dim3A_486 = vector.broadcast %add3A_484 : f32 to vector<16xf32>
          %broadcast_in_dim3A_487 = arith.constant 1597463007 : i32
          %broadcast_in_dim3A_488 = vector.broadcast %broadcast_in_dim3A_487 : i32 to vector<16xi32>
          %bitcast3A_489 = vector.bitcast %broadcast_in_dim3A_486 : vector<16xf32> to vector<16xi32>
          %shift_right_logical3A_490 = arith.constant 1 : i32
          %shift_right_logical3A_491 = vector.broadcast %shift_right_logical3A_490 : i32 to vector<16xi32>
          %shift_right_logical3A_492 = arith.shrui %bitcast3A_489, %shift_right_logical3A_491 : vector<16xi32>
          %sub3A_493 = arith.subi %broadcast_in_dim3A_488, %shift_right_logical3A_492 : vector<16xi32>
          %bitcast3A_494 = vector.bitcast %sub3A_493 : vector<16xi32> to vector<16xf32>
          %mul3A_495 = arith.constant 5.000000e-01 : f32
          %mul3A_496 = vector.broadcast %mul3A_495 : f32 to vector<16xf32>
          %mul3A_497 = arith.mulf %broadcast_in_dim3A_486, %mul3A_496 : vector<16xf32>
          %mul3A_498 = arith.mulf %mul3A_497, %bitcast3A_494 : vector<16xf32>
          %mul3A_499 = arith.mulf %mul3A_498, %bitcast3A_494 : vector<16xf32>
          %sub3A_500 = arith.constant 1.500000e+00 : f32
          %sub3A_501 = vector.broadcast %sub3A_500 : f32 to vector<16xf32>
          %sub3A_502 = arith.subf %sub3A_501, %mul3A_499 : vector<16xf32>
          %mul3A_503 = arith.mulf %bitcast3A_494, %sub3A_502 : vector<16xf32>
          %mul3A_504 = arith.mulf %mul3A_497, %mul3A_503 : vector<16xf32>
          %mul3A_505 = arith.mulf %mul3A_504, %mul3A_503 : vector<16xf32>
          %sub3A_506 = arith.constant 1.500000e+00 : f32
          %sub3A_507 = vector.broadcast %sub3A_506 : f32 to vector<16xf32>
          %sub3A_508 = arith.subf %sub3A_507, %mul3A_505 : vector<16xf32>
          %mul3A_509 = arith.mulf %mul3A_503, %sub3A_508 : vector<16xf32>
          %mul3A_510 = arith.mulf %mul3A_497, %mul3A_509 : vector<16xf32>
          %mul3A_511 = arith.mulf %mul3A_510, %mul3A_509 : vector<16xf32>
          %sub3A_512 = arith.constant 1.500000e+00 : f32
          %sub3A_513 = vector.broadcast %sub3A_512 : f32 to vector<16xf32>
          %sub3A_514 = arith.subf %sub3A_513, %mul3A_511 : vector<16xf32>
          %mul3A_515 = arith.mulf %mul3A_509, %sub3A_514 : vector<16xf32>
          %reduce_sum3A_516 = arith.constant true
          %reduce_sum3A_517 = vector.broadcast %reduce_sum3A_516 : i1 to vector<16xi1>
          %reduce_sum3A_518 = tpu.scan <sum>, %parallel_loop3A_190#7 masked %reduce_sum3A_517 : vector<16xf32>, vector<16xi1> -> vector<16xf32>
          %reduce_sum3A_519 = vector.extract %reduce_sum3A_518[15] : f32 from vector<16xf32>
          %mul3A_520 = arith.mulf %reduce_sum3A_519, %scan3A_26 : f32
          %reduce_sum3A_521 = arith.constant true
          %reduce_sum3A_522 = vector.broadcast %reduce_sum3A_521 : i1 to vector<16xi1>
          %reduce_sum3A_523 = tpu.scan <sum>, %parallel_loop3A_190#15 masked %reduce_sum3A_522 : vector<16xf32>, vector<16xi1> -> vector<16xf32>
          %reduce_sum3A_524 = vector.extract %reduce_sum3A_523[15] : f32 from vector<16xf32>
          %mul3A_525 = arith.mulf %reduce_sum3A_524, %scan3A_26 : f32
          %mul3A_526 = arith.mulf %mul3A_520, %mul3A_520 : f32
          %sub3A_527 = arith.subf %mul3A_525, %mul3A_526 : f32
          %max3A_528 = arith.constant 0.000000e+00 : f32
          %max3A_529 = arith.maximumf %sub3A_527, %max3A_528 : f32
          %add3A_530 = arith.constant 9.99999997E-7 : f32
          %add3A_531 = arith.addf %max3A_529, %add3A_530 : f32
          %broadcast_in_dim3A_532 = vector.broadcast %mul3A_520 : f32 to vector<16xf32>
          %broadcast_in_dim3A_533 = vector.broadcast %add3A_531 : f32 to vector<16xf32>
          %broadcast_in_dim3A_534 = arith.constant 1597463007 : i32
          %broadcast_in_dim3A_535 = vector.broadcast %broadcast_in_dim3A_534 : i32 to vector<16xi32>
          %bitcast3A_536 = vector.bitcast %broadcast_in_dim3A_533 : vector<16xf32> to vector<16xi32>
          %shift_right_logical3A_537 = arith.constant 1 : i32
          %shift_right_logical3A_538 = vector.broadcast %shift_right_logical3A_537 : i32 to vector<16xi32>
          %shift_right_logical3A_539 = arith.shrui %bitcast3A_536, %shift_right_logical3A_538 : vector<16xi32>
          %sub3A_540 = arith.subi %broadcast_in_dim3A_535, %shift_right_logical3A_539 : vector<16xi32>
          %bitcast3A_541 = vector.bitcast %sub3A_540 : vector<16xi32> to vector<16xf32>
          %mul3A_542 = arith.constant 5.000000e-01 : f32
          %mul3A_543 = vector.broadcast %mul3A_542 : f32 to vector<16xf32>
          %mul3A_544 = arith.mulf %broadcast_in_dim3A_533, %mul3A_543 : vector<16xf32>
          %mul3A_545 = arith.mulf %mul3A_544, %bitcast3A_541 : vector<16xf32>
          %mul3A_546 = arith.mulf %mul3A_545, %bitcast3A_541 : vector<16xf32>
          %sub3A_547 = arith.constant 1.500000e+00 : f32
          %sub3A_548 = vector.broadcast %sub3A_547 : f32 to vector<16xf32>
          %sub3A_549 = arith.subf %sub3A_548, %mul3A_546 : vector<16xf32>
          %mul3A_550 = arith.mulf %bitcast3A_541, %sub3A_549 : vector<16xf32>
          %mul3A_551 = arith.mulf %mul3A_544, %mul3A_550 : vector<16xf32>
          %mul3A_552 = arith.mulf %mul3A_551, %mul3A_550 : vector<16xf32>
          %sub3A_553 = arith.constant 1.500000e+00 : f32
          %sub3A_554 = vector.broadcast %sub3A_553 : f32 to vector<16xf32>
          %sub3A_555 = arith.subf %sub3A_554, %mul3A_552 : vector<16xf32>
          %mul3A_556 = arith.mulf %mul3A_550, %sub3A_555 : vector<16xf32>
          %mul3A_557 = arith.mulf %mul3A_544, %mul3A_556 : vector<16xf32>
          %mul3A_558 = arith.mulf %mul3A_557, %mul3A_556 : vector<16xf32>
          %sub3A_559 = arith.constant 1.500000e+00 : f32
          %sub3A_560 = vector.broadcast %sub3A_559 : f32 to vector<16xf32>
          %sub3A_561 = arith.subf %sub3A_560, %mul3A_558 : vector<16xf32>
          %mul3A_562 = arith.mulf %mul3A_556, %sub3A_561 : vector<16xf32>
          %parallel_loop3A_563 = arith.constant 0 : i32
          %parallel_loop3A_564 = arith.constant 48 : i32
          %parallel_loop3A_565 = arith.constant 1 : i32
          scf.for %parallel_loop3A_566 = %parallel_loop3A_563 to %parallel_loop3A_564 step %parallel_loop3A_565  : i32 {
            %parallel_loop3A_567 = arith.constant 16 : i32
            %parallel_loop3A_568 = arith.muli %parallel_loop3A_567, %parallel_loop3A_566 : i32
            %parallel_loop3A_569 = arith.constant 28 : i32
            %parallel_loop3A_570 = arith.index_cast %parallel_loop3A_569 : i32 to index
            %parallel_loop3A_571 = arith.index_cast %parallel_loop3A_568 : i32 to index
            %parallel_loop3A_572 = tpu.vector_load %arg17[%parallel_loop3A_570, %parallel_loop3A_571] {strides = array<i32>} : memref<30x768xf32, #tpu.memory_space<vmem>>, vector<16xf32>,
            %parallel_loop3A_573 = arith.constant 29 : i32
            %parallel_loop3A_574 = arith.index_cast %parallel_loop3A_573 : i32 to index
            %parallel_loop3A_575 = arith.index_cast %parallel_loop3A_568 : i32 to index
            %parallel_loop3A_576 = tpu.vector_load %arg17[%parallel_loop3A_574, %parallel_loop3A_575] {strides = array<i32>} : memref<30x768xf32, #tpu.memory_space<vmem>>, vector<16xf32>,
            %parallel_loop3A_577 = arith.constant 0 : i32
            %parallel_loop3A_578 = arith.addi %mul3A_138, %parallel_loop3A_577 : i32
            %parallel_loop3A_579 = arith.index_cast %rem3A_63 : i32 to index
            %parallel_loop3A_580 = arith.index_cast %parallel_loop3A_578 : i32 to index
            %parallel_loop3A_581 = arith.index_cast %parallel_loop3A_568 : i32 to index
            %parallel_loop3A_582 = tpu.vector_load %arg18[%parallel_loop3A_579, %parallel_loop3A_580, %parallel_loop3A_581] {strides = array<i32>} : memref<4x32x768xf32, #tpu.memory_space<vmem>>, vector<16xf32>,
            %parallel_loop3A_583 = arith.subf %parallel_loop3A_582, %broadcast_in_dim3A_205 : vector<16xf32>
            %parallel_loop3A_584 = arith.mulf %parallel_loop3A_583, %mul3A_233 : vector<16xf32>
            %parallel_loop3A_585 = arith.mulf %parallel_loop3A_584, %parallel_loop3A_572 : vector<16xf32>
            %parallel_loop3A_586 = arith.addf %parallel_loop3A_585, %parallel_loop3A_576 : vector<16xf32>
            %parallel_loop3A_587 = arith.constant 0 : i32
            %parallel_loop3A_588 = arith.addi %mul3A_138, %parallel_loop3A_587 : i32
            %parallel_loop3A_589 = arith.index_cast %rem3A_63 : i32 to index
            %parallel_loop3A_590 = arith.index_cast %parallel_loop3A_588 : i32 to index
            %parallel_loop3A_591 = arith.index_cast %parallel_loop3A_568 : i32 to index
            %parallel_loop3A_592 = tpu.vector_load %arg18[%parallel_loop3A_589, %parallel_loop3A_590, %parallel_loop3A_591] {strides = array<i32>} : memref<4x32x768xf32, #tpu.memory_space<vmem>>, vector<16xf32>,
            tpu.vector_store %arg18[%parallel_loop3A_589, %parallel_loop3A_590, %parallel_loop3A_591], %parallel_loop3A_586 {strides = array<i32>} : memref<4x32x768xf32, #tpu.memory_space<vmem>>, vector<16xf32>,
            %parallel_loop3A_593 = arith.constant 1 : i32
            %parallel_loop3A_594 = arith.addi %mul3A_138, %parallel_loop3A_593 : i32
            %parallel_loop3A_595 = arith.index_cast %rem3A_63 : i32 to index
            %parallel_loop3A_596 = arith.index_cast %parallel_loop3A_594 : i32 to index
            %parallel_loop3A_597 = arith.index_cast %parallel_loop3A_568 : i32 to index
            %parallel_loop3A_598 = tpu.vector_load %arg18[%parallel_loop3A_595, %parallel_loop3A_596, %parallel_loop3A_597] {strides = array<i32>} : memref<4x32x768xf32, #tpu.memory_space<vmem>>, vector<16xf32>,
            %parallel_loop3A_599 = arith.subf %parallel_loop3A_598, %broadcast_in_dim3A_250 : vector<16xf32>
            %parallel_loop3A_600 = arith.mulf %parallel_loop3A_599, %mul3A_280 : vector<16xf32>
            %parallel_loop3A_601 = arith.mulf %parallel_loop3A_600, %parallel_loop3A_572 : vector<16xf32>
            %parallel_loop3A_602 = arith.addf %parallel_loop3A_601, %parallel_loop3A_576 : vector<16xf32>
            %parallel_loop3A_603 = arith.constant 1 : i32
            %parallel_loop3A_604 = arith.addi %mul3A_138, %parallel_loop3A_603 : i32
            %parallel_loop3A_605 = arith.index_cast %rem3A_63 : i32 to index
            %parallel_loop3A_606 = arith.index_cast %parallel_loop3A_604 : i32 to index
            %parallel_loop3A_607 = arith.index_cast %parallel_loop3A_568 : i32 to index
            %parallel_loop3A_608 = tpu.vector_load %arg18[%parallel_loop3A_605, %parallel_loop3A_606, %parallel_loop3A_607] {strides = array<i32>} : memref<4x32x768xf32, #tpu.memory_space<vmem>>, vector<16xf32>,
            tpu.vector_store %arg18[%parallel_loop3A_605, %parallel_loop3A_606, %parallel_loop3A_607], %parallel_loop3A_602 {strides = array<i32>} : memref<4x32x768xf32, #tpu.memory_space<vmem>>, vector<16xf32>,
            %parallel_loop3A_609 = arith.constant 2 : i32
            %parallel_loop3A_610 = arith.addi %mul3A_138, %parallel_loop3A_609 : i32
            %parallel_loop3A_611 = arith.index_cast %rem3A_63 : i32 to index
            %parallel_loop3A_612 = arith.index_cast %parallel_loop3A_610 : i32 to index
            %parallel_loop3A_613 = arith.index_cast %parallel_loop3A_568 : i32 to index
            %parallel_loop3A_614 = tpu.vector_load %arg18[%parallel_loop3A_611, %parallel_loop3A_612, %parallel_loop3A_613] {strides = array<i32>} : memref<4x32x768xf32, #tpu.memory_space<vmem>>, vector<16xf32>,
            %parallel_loop3A_615 = arith.subf %parallel_loop3A_614, %broadcast_in_dim3A_297 : vector<16xf32>
            %parallel_loop3A_616 = arith.mulf %parallel_loop3A_615, %mul3A_327 : vector<16xf32>
            %parallel_loop3A_617 = arith.mulf %parallel_loop3A_616, %parallel_loop3A_572 : vector<16xf32>
            %parallel_loop3A_618 = arith.addf %parallel_loop3A_617, %parallel_loop3A_576 : vector<16xf32>
            %parallel_loop3A_619 = arith.constant 2 : i32
            %parallel_loop3A_620 = arith.addi %mul3A_138, %parallel_loop3A_619 : i32
            %parallel_loop3A_621 = arith.index_cast %rem3A_63 : i32 to index
            %parallel_loop3A_622 = arith.index_cast %parallel_loop3A_620 : i32 to index
            %parallel_loop3A_623 = arith.index_cast %parallel_loop3A_568 : i32 to index
            %parallel_loop3A_624 = tpu.vector_load %arg18[%parallel_loop3A_621, %parallel_loop3A_622, %parallel_loop3A_623] {strides = array<i32>} : memref<4x32x768xf32, #tpu.memory_space<vmem>>, vector<16xf32>,
            tpu.vector_store %arg18[%parallel_loop3A_621, %parallel_loop3A_622, %parallel_loop3A_623], %parallel_loop3A_618 {strides = array<i32>} : memref<4x32x768xf32, #tpu.memory_space<vmem>>, vector<16xf32>,
            %parallel_loop3A_625 = arith.constant 3 : i32
            %parallel_loop3A_626 = arith.addi %mul3A_138, %parallel_loop3A_625 : i32
            %parallel_loop3A_627 = arith.index_cast %rem3A_63 : i32 to index
            %parallel_loop3A_628 = arith.index_cast %parallel_loop3A_626 : i32 to index
            %parallel_loop3A_629 = arith.index_cast %parallel_loop3A_568 : i32 to index
            %parallel_loop3A_630 = tpu.vector_load %arg18[%parallel_loop3A_627, %parallel_loop3A_628, %parallel_loop3A_629] {strides = array<i32>} : memref<4x32x768xf32, #tpu.memory_space<vmem>>, vector<16xf32>,
            %parallel_loop3A_631 = arith.subf %parallel_loop3A_630, %broadcast_in_dim3A_344 : vector<16xf32>
            %parallel_loop3A_632 = arith.mulf %parallel_loop3A_631, %mul3A_374 : vector<16xf32>
            %parallel_loop3A_633 = arith.mulf %parallel_loop3A_632, %parallel_loop3A_572 : vector<16xf32>
            %parallel_loop3A_634 = arith.addf %parallel_loop3A_633, %parallel_loop3A_576 : vector<16xf32>
            %parallel_loop3A_635 = arith.constant 3 : i32
            %parallel_loop3A_636 = arith.addi %mul3A_138, %parallel_loop3A_635 : i32
            %parallel_loop3A_637 = arith.index_cast %rem3A_63 : i32 to index
            %parallel_loop3A_638 = arith.index_cast %parallel_loop3A_636 : i32 to index
            %parallel_loop3A_639 = arith.index_cast %parallel_loop3A_568 : i32 to index
            %parallel_loop3A_640 = tpu.vector_load %arg18[%parallel_loop3A_637, %parallel_loop3A_638, %parallel_loop3A_639] {strides = array<i32>} : memref<4x32x768xf32, #tpu.memory_space<vmem>>, vector<16xf32>,
            tpu.vector_store %arg18[%parallel_loop3A_637, %parallel_loop3A_638, %parallel_loop3A_639], %parallel_loop3A_634 {strides = array<i32>} : memref<4x32x768xf32, #tpu.memory_space<vmem>>, vector<16xf32>,
            %parallel_loop3A_641 = arith.constant 4 : i32
            %parallel_loop3A_642 = arith.addi %mul3A_138, %parallel_loop3A_641 : i32
            %parallel_loop3A_643 = arith.index_cast %rem3A_63 : i32 to index
            %parallel_loop3A_644 = arith.index_cast %parallel_loop3A_642 : i32 to index
            %parallel_loop3A_645 = arith.index_cast %parallel_loop3A_568 : i32 to index
            %parallel_loop3A_646 = tpu.vector_load %arg18[%parallel_loop3A_643, %parallel_loop3A_644, %parallel_loop3A_645] {strides = array<i32>} : memref<4x32x768xf32, #tpu.memory_space<vmem>>, vector<16xf32>,
            %parallel_loop3A_647 = arith.subf %parallel_loop3A_646, %broadcast_in_dim3A_391 : vector<16xf32>
            %parallel_loop3A_648 = arith.mulf %parallel_loop3A_647, %mul3A_421 : vector<16xf32>
            %parallel_loop3A_649 = arith.mulf %parallel_loop3A_648, %parallel_loop3A_572 : vector<16xf32>
            %parallel_loop3A_650 = arith.addf %parallel_loop3A_649, %parallel_loop3A_576 : vector<16xf32>
            %parallel_loop3A_651 = arith.constant 4 : i32
            %parallel_loop3A_652 = arith.addi %mul3A_138, %parallel_loop3A_651 : i32
            %parallel_loop3A_653 = arith.index_cast %rem3A_63 : i32 to index
            %parallel_loop3A_654 = arith.index_cast %parallel_loop3A_652 : i32 to index
            %parallel_loop3A_655 = arith.index_cast %parallel_loop3A_568 : i32 to index
            %parallel_loop3A_656 = tpu.vector_load %arg18[%parallel_loop3A_653, %parallel_loop3A_654, %parallel_loop3A_655] {strides = array<i32>} : memref<4x32x768xf32, #tpu.memory_space<vmem>>, vector<16xf32>,
            tpu.vector_store %arg18[%parallel_loop3A_653, %parallel_loop3A_654, %parallel_loop3A_655], %parallel_loop3A_650 {strides = array<i32>} : memref<4x32x768xf32, #tpu.memory_space<vmem>>, vector<16xf32>,
            %parallel_loop3A_657 = arith.constant 5 : i32
            %parallel_loop3A_658 = arith.addi %mul3A_138, %parallel_loop3A_657 : i32
            %parallel_loop3A_659 = arith.index_cast %rem3A_63 : i32 to index
            %parallel_loop3A_660 = arith.index_cast %parallel_loop3A_658 : i32 to index
            %parallel_loop3A_661 = arith.index_cast %parallel_loop3A_568 : i32 to index
            %parallel_loop3A_662 = tpu.vector_load %arg18[%parallel_loop3A_659, %parallel_loop3A_660, %parallel_loop3A_661] {strides = array<i32>} : memref<4x32x768xf32, #tpu.memory_space<vmem>>, vector<16xf32>,
            %parallel_loop3A_663 = arith.subf %parallel_loop3A_662, %broadcast_in_dim3A_438 : vector<16xf32>
            %parallel_loop3A_664 = arith.mulf %parallel_loop3A_663, %mul3A_468 : vector<16xf32>
            %parallel_loop3A_665 = arith.mulf %parallel_loop3A_664, %parallel_loop3A_572 : vector<16xf32>
            %parallel_loop3A_666 = arith.addf %parallel_loop3A_665, %parallel_loop3A_576 : vector<16xf32>
            %parallel_loop3A_667 = arith.constant 5 : i32
            %parallel_loop3A_668 = arith.addi %mul3A_138, %parallel_loop3A_667 : i32
            %parallel_loop3A_669 = arith.index_cast %rem3A_63 : i32 to index
            %parallel_loop3A_670 = arith.index_cast %parallel_loop3A_668 : i32 to index
            %parallel_loop3A_671 = arith.index_cast %parallel_loop3A_568 : i32 to index
            %parallel_loop3A_672 = tpu.vector_load %arg18[%parallel_loop3A_669, %parallel_loop3A_670, %parallel_loop3A_671] {strides = array<i32>} : memref<4x32x768xf32, #tpu.memory_space<vmem>>, vector<16xf32>,
            tpu.vector_store %arg18[%parallel_loop3A_669, %parallel_loop3A_670, %parallel_loop3A_671], %parallel_loop3A_666 {strides = array<i32>} : memref<4x32x768xf32, #tpu.memory_space<vmem>>, vector<16xf32>,
            %parallel_loop3A_673 = arith.constant 6 : i32
            %parallel_loop3A_674 = arith.addi %mul3A_138, %parallel_loop3A_673 : i32
            %parallel_loop3A_675 = arith.index_cast %rem3A_63 : i32 to index
            %parallel_loop3A_676 = arith.index_cast %parallel_loop3A_674 : i32 to index
            %parallel_loop3A_677 = arith.index_cast %parallel_loop3A_568 : i32 to index
            %parallel_loop3A_678 = tpu.vector_load %arg18[%parallel_loop3A_675, %parallel_loop3A_676, %parallel_loop3A_677] {strides = array<i32>} : memref<4x32x768xf32, #tpu.memory_space<vmem>>, vector<16xf32>,
            %parallel_loop3A_679 = arith.subf %parallel_loop3A_678, %broadcast_in_dim3A_485 : vector<16xf32>
            %parallel_loop3A_680 = arith.mulf %parallel_loop3A_679, %mul3A_515 : vector<16xf32>
            %parallel_loop3A_681 = arith.mulf %parallel_loop3A_680, %parallel_loop3A_572 : vector<16xf32>
            %parallel_loop3A_682 = arith.addf %parallel_loop3A_681, %parallel_loop3A_576 : vector<16xf32>
            %parallel_loop3A_683 = arith.constant 6 : i32
            %parallel_loop3A_684 = arith.addi %mul3A_138, %parallel_loop3A_683 : i32
            %parallel_loop3A_685 = arith.index_cast %rem3A_63 : i32 to index
            %parallel_loop3A_686 = arith.index_cast %parallel_loop3A_684 : i32 to index
            %parallel_loop3A_687 = arith.index_cast %parallel_loop3A_568 : i32 to index
            %parallel_loop3A_688 = tpu.vector_load %arg18[%parallel_loop3A_685, %parallel_loop3A_686, %parallel_loop3A_687] {strides = array<i32>} : memref<4x32x768xf32, #tpu.memory_space<vmem>>, vector<16xf32>,
            tpu.vector_store %arg18[%parallel_loop3A_685, %parallel_loop3A_686, %parallel_loop3A_687], %parallel_loop3A_682 {strides = array<i32>} : memref<4x32x768xf32, #tpu.memory_space<vmem>>, vector<16xf32>,
            %parallel_loop3A_689 = arith.constant 7 : i32
            %parallel_loop3A_690 = arith.addi %mul3A_138, %parallel_loop3A_689 : i32
            %parallel_loop3A_691 = arith.index_cast %rem3A_63 : i32 to index
            %parallel_loop3A_692 = arith.index_cast %parallel_loop3A_690 : i32 to index
            %parallel_loop3A_693 = arith.index_cast %parallel_loop3A_568 : i32 to index
            %parallel_loop3A_694 = tpu.vector_load %arg18[%parallel_loop3A_691, %parallel_loop3A_692, %parallel_loop3A_693] {strides = array<i32>} : memref<4x32x768xf32, #tpu.memory_space<vmem>>, vector<16xf32>,
            %parallel_loop3A_695 = arith.subf %parallel_loop3A_694, %broadcast_in_dim3A_532 : vector<16xf32>
            %parallel_loop3A_696 = arith.mulf %parallel_loop3A_695, %mul3A_562 : vector<16xf32>
            %parallel_loop3A_697 = arith.mulf %parallel_loop3A_696, %parallel_loop3A_572 : vector<16xf32>
            %parallel_loop3A_698 = arith.addf %parallel_loop3A_697, %parallel_loop3A_576 : vector<16xf32>
            %parallel_loop3A_699 = arith.constant 7 : i32
            %parallel_loop3A_700 = arith.addi %mul3A_138, %parallel_loop3A_699 : i32
            %parallel_loop3A_701 = arith.index_cast %rem3A_63 : i32 to index
            %parallel_loop3A_702 = arith.index_cast %parallel_loop3A_700 : i32 to index
            %parallel_loop3A_703 = arith.index_cast %parallel_loop3A_568 : i32 to index
            %parallel_loop3A_704 = tpu.vector_load %arg18[%parallel_loop3A_701, %parallel_loop3A_702, %parallel_loop3A_703] {strides = array<i32>} : memref<4x32x768xf32, #tpu.memory_space<vmem>>, vector<16xf32>,
            tpu.vector_store %arg18[%parallel_loop3A_701, %parallel_loop3A_702, %parallel_loop3A_703], %parallel_loop3A_698 {strides = array<i32>} : memref<4x32x768xf32, #tpu.memory_space<vmem>>, vector<16xf32>,
          } {sc.loop_unroll_factor = 4 : i64, sc.parallel_access}
        }
        %scan3A_135 = arith.constant 4 : i32
      } else {
      }
      %ge3A_91 = arith.constant 16 : i32
      %ge3A_92 = arith.cmpi sge, %scan3A_61, %ge3A_91 : i32
      %convert_element_type3A_93 = arith.extui %ge3A_92 : i1 to i32
      %cond3A_94 = arith.constant 0 : i32
      %cond3A_95 = arith.cmpi ne, %convert_element_type3A_93, %cond3A_94 : i32
      scf.if %cond3A_95 {
        %scan3A_130 = arith.constant 0 : i32
        %scan3A_131 = arith.constant 0 : i32
        %scan3A_132 = arith.constant 4 : i32
        %scan3A_133 = arith.addi %scan3A_131, %scan3A_132 : i32
        %scan3A_134 = arith.constant 1 : i32
        scf.for %scan3A_136 = %scan3A_131 to %scan3A_133 step %scan3A_134  : i32 {
          %mul3A_137 = arith.constant 8 : i32
          %mul3A_138 = arith.muli %mul3A_137, %scan3A_136 : i32
          %broadcast_in_dim3A = arith.constant 0.000000e+00 : f32
          %broadcast_in_dim3A_139 = vector.broadcast %broadcast_in_dim3A : f32 to vector<16xf32>
          %parallel_loop3A = arith.constant 0 : i32
          %parallel_loop3A_140 = arith.constant 48 : i32
          %parallel_loop3A_141 = arith.constant 1 : i32
          %parallel_loop3A_142:16 = scf.for %parallel_loop3A_518 = %parallel_loop3A to %parallel_loop3A_140 step %parallel_loop3A_141 iter_args(%parallel_loop3A_519 = %broadcast_in_dim3A_139, %parallel_loop3A_520 = %broadcast_in_dim3A_139, %parallel_loop3A_521 = %broadcast_in_dim3A_139, %parallel_loop3A_522 = %broadcast_in_dim3A_139, %parallel_loop3A_523 = %broadcast_in_dim3A_139, %parallel_loop3A_524 = %broadcast_in_dim3A_139, %parallel_loop3A_525 = %broadcast_in_dim3A_139, %parallel_loop3A_526 = %broadcast_in_dim3A_139, %parallel_loop3A_527 = %broadcast_in_dim3A_139, %parallel_loop3A_528 = %broadcast_in_dim3A_139, %parallel_loop3A_529 = %broadcast_in_dim3A_139, %parallel_loop3A_530 = %broadcast_in_dim3A_139, %parallel_loop3A_531 = %broadcast_in_dim3A_139, %parallel_loop3A_532 = %broadcast_in_dim3A_139, %parallel_loop3A_533 = %broadcast_in_dim3A_139, %parallel_loop3A_534 = %broadcast_in_dim3A_139) -> (vector<16xf32>, vector<16xf32>, vector<16xf32>, vector<16xf32>, vector<16xf32>, vector<16xf32>, vector<16xf32>, vector<16xf32>, vector<16xf32>, vector<16xf32>, vector<16xf32>, vector<16xf32>, vector<16xf32>, vector<16xf32>, vector<16xf32>, vector<16xf32>)  : i32 {
            %parallel_loop3A_535 = arith.constant 16 : i32
            %parallel_loop3A_536 = arith.muli %parallel_loop3A_535, %parallel_loop3A_518 : i32
            %parallel_loop3A_537 = arith.constant 16 : i32
            %parallel_loop3A_538 = arith.index_cast %parallel_loop3A_537 : i32 to index
            %parallel_loop3A_539 = arith.index_cast %parallel_loop3A_536 : i32 to index
            %parallel_loop3A_540 = tpu.vector_load %arg17[%parallel_loop3A_538, %parallel_loop3A_539] {strides = array<i32>} : memref<30x768xf32, #tpu.memory_space<vmem>>, vector<16xf32>,
            %parallel_loop3A_541 = arith.constant 0 : i32
            %parallel_loop3A_542 = arith.addi %mul3A_138, %parallel_loop3A_541 : i32
            %parallel_loop3A_543 = arith.index_cast %rem3A_63 : i32 to index
            %parallel_loop3A_544 = arith.index_cast %parallel_loop3A_542 : i32 to index
            %parallel_loop3A_545 = arith.index_cast %parallel_loop3A_536 : i32 to index
            %parallel_loop3A_546 = tpu.vector_load %arg18[%parallel_loop3A_543, %parallel_loop3A_544, %parallel_loop3A_545] {strides = array<i32>} : memref<4x32x768xf32, #tpu.memory_space<vmem>>, vector<16xf32>,
            %parallel_loop3A_547 = arith.addf %parallel_loop3A_546, %parallel_loop3A_540 : vector<16xf32>
            %parallel_loop3A_548 = arith.constant 0 : i32
            %parallel_loop3A_549 = arith.addi %mul3A_138, %parallel_loop3A_548 : i32
            %parallel_loop3A_550 = arith.index_cast %rem3A_63 : i32 to index
            %parallel_loop3A_551 = arith.index_cast %parallel_loop3A_549 : i32 to index
            %parallel_loop3A_552 = arith.index_cast %parallel_loop3A_536 : i32 to index
            %parallel_loop3A_553 = tpu.vector_load %arg18[%parallel_loop3A_550, %parallel_loop3A_551, %parallel_loop3A_552] {strides = array<i32>} : memref<4x32x768xf32, #tpu.memory_space<vmem>>, vector<16xf32>,
            tpu.vector_store %arg18[%parallel_loop3A_550, %parallel_loop3A_551, %parallel_loop3A_552], %parallel_loop3A_547 {strides = array<i32>} : memref<4x32x768xf32, #tpu.memory_space<vmem>>, vector<16xf32>,
            %parallel_loop3A_554 = arith.addf %parallel_loop3A_519, %parallel_loop3A_547 : vector<16xf32>
            %parallel_loop3A_555 = arith.mulf %parallel_loop3A_547, %parallel_loop3A_547 : vector<16xf32>
            %parallel_loop3A_556 = arith.addf %parallel_loop3A_527, %parallel_loop3A_555 : vector<16xf32>
            %parallel_loop3A_557 = arith.constant 17 : i32
            %parallel_loop3A_558 = arith.index_cast %parallel_loop3A_557 : i32 to index
            %parallel_loop3A_559 = arith.index_cast %parallel_loop3A_536 : i32 to index
            %parallel_loop3A_560 = tpu.vector_load %arg17[%parallel_loop3A_558, %parallel_loop3A_559] {strides = array<i32>} : memref<30x768xf32, #tpu.memory_space<vmem>>, vector<16xf32>,
            %parallel_loop3A_561 = arith.constant 1 : i32
            %parallel_loop3A_562 = arith.addi %mul3A_138, %parallel_loop3A_561 : i32
            %parallel_loop3A_563 = arith.index_cast %rem3A_63 : i32 to index
            %parallel_loop3A_564 = arith.index_cast %parallel_loop3A_562 : i32 to index
            %parallel_loop3A_565 = arith.index_cast %parallel_loop3A_536 : i32 to index
            %parallel_loop3A_566 = tpu.vector_load %arg18[%parallel_loop3A_563, %parallel_loop3A_564, %parallel_loop3A_565] {strides = array<i32>} : memref<4x32x768xf32, #tpu.memory_space<vmem>>, vector<16xf32>,
            %parallel_loop3A_567 = arith.addf %parallel_loop3A_566, %parallel_loop3A_560 : vector<16xf32>
            %parallel_loop3A_568 = arith.constant 1 : i32
            %parallel_loop3A_569 = arith.addi %mul3A_138, %parallel_loop3A_568 : i32
            %parallel_loop3A_570 = arith.index_cast %rem3A_63 : i32 to index
            %parallel_loop3A_571 = arith.index_cast %parallel_loop3A_569 : i32 to index
            %parallel_loop3A_572 = arith.index_cast %parallel_loop3A_536 : i32 to index
            %parallel_loop3A_573 = tpu.vector_load %arg18[%parallel_loop3A_570, %parallel_loop3A_571, %parallel_loop3A_572] {strides = array<i32>} : memref<4x32x768xf32, #tpu.memory_space<vmem>>, vector<16xf32>,
            tpu.vector_store %arg18[%parallel_loop3A_570, %parallel_loop3A_571, %parallel_loop3A_572], %parallel_loop3A_567 {strides = array<i32>} : memref<4x32x768xf32, #tpu.memory_space<vmem>>, vector<16xf32>,
            %parallel_loop3A_574 = arith.addf %parallel_loop3A_520, %parallel_loop3A_567 : vector<16xf32>
            %parallel_loop3A_575 = arith.mulf %parallel_loop3A_567, %parallel_loop3A_567 : vector<16xf32>
            %parallel_loop3A_576 = arith.addf %parallel_loop3A_528, %parallel_loop3A_575 : vector<16xf32>
            %parallel_loop3A_577 = arith.constant 18 : i32
            %parallel_loop3A_578 = arith.index_cast %parallel_loop3A_577 : i32 to index
            %parallel_loop3A_579 = arith.index_cast %parallel_loop3A_536 : i32 to index
            %parallel_loop3A_580 = tpu.vector_load %arg17[%parallel_loop3A_578, %parallel_loop3A_579] {strides = array<i32>} : memref<30x768xf32, #tpu.memory_space<vmem>>, vector<16xf32>,
            %parallel_loop3A_581 = arith.constant 2 : i32
            %parallel_loop3A_582 = arith.addi %mul3A_138, %parallel_loop3A_581 : i32
            %parallel_loop3A_583 = arith.index_cast %rem3A_63 : i32 to index
            %parallel_loop3A_584 = arith.index_cast %parallel_loop3A_582 : i32 to index
            %parallel_loop3A_585 = arith.index_cast %parallel_loop3A_536 : i32 to index
            %parallel_loop3A_586 = tpu.vector_load %arg18[%parallel_loop3A_583, %parallel_loop3A_584, %parallel_loop3A_585] {strides = array<i32>} : memref<4x32x768xf32, #tpu.memory_space<vmem>>, vector<16xf32>,
            %parallel_loop3A_587 = arith.addf %parallel_loop3A_586, %parallel_loop3A_580 : vector<16xf32>
            %parallel_loop3A_588 = arith.constant 2 : i32
            %parallel_loop3A_589 = arith.addi %mul3A_138, %parallel_loop3A_588 : i32
            %parallel_loop3A_590 = arith.index_cast %rem3A_63 : i32 to index
            %parallel_loop3A_591 = arith.index_cast %parallel_loop3A_589 : i32 to index
            %parallel_loop3A_592 = arith.index_cast %parallel_loop3A_536 : i32 to index
            %parallel_loop3A_593 = tpu.vector_load %arg18[%parallel_loop3A_590, %parallel_loop3A_591, %parallel_loop3A_592] {strides = array<i32>} : memref<4x32x768xf32, #tpu.memory_space<vmem>>, vector<16xf32>,
            tpu.vector_store %arg18[%parallel_loop3A_590, %parallel_loop3A_591, %parallel_loop3A_592], %parallel_loop3A_587 {strides = array<i32>} : memref<4x32x768xf32, #tpu.memory_space<vmem>>, vector<16xf32>,
            %parallel_loop3A_594 = arith.addf %parallel_loop3A_521, %parallel_loop3A_587 : vector<16xf32>
            %parallel_loop3A_595 = arith.mulf %parallel_loop3A_587, %parallel_loop3A_587 : vector<16xf32>
            %parallel_loop3A_596 = arith.addf %parallel_loop3A_529, %parallel_loop3A_595 : vector<16xf32>
            %parallel_loop3A_597 = arith.constant 19 : i32
            %parallel_loop3A_598 = arith.index_cast %parallel_loop3A_597 : i32 to index
            %parallel_loop3A_599 = arith.index_cast %parallel_loop3A_536 : i32 to index
            %parallel_loop3A_600 = tpu.vector_load %arg17[%parallel_loop3A_598, %parallel_loop3A_599] {strides = array<i32>} : memref<30x768xf32, #tpu.memory_space<vmem>>, vector<16xf32>,
            %parallel_loop3A_601 = arith.constant 3 : i32
            %parallel_loop3A_602 = arith.addi %mul3A_138, %parallel_loop3A_601 : i32
            %parallel_loop3A_603 = arith.index_cast %rem3A_63 : i32 to index
            %parallel_loop3A_604 = arith.index_cast %parallel_loop3A_602 : i32 to index
            %parallel_loop3A_605 = arith.index_cast %parallel_loop3A_536 : i32 to index
            %parallel_loop3A_606 = tpu.vector_load %arg18[%parallel_loop3A_603, %parallel_loop3A_604, %parallel_loop3A_605] {strides = array<i32>} : memref<4x32x768xf32, #tpu.memory_space<vmem>>, vector<16xf32>,
            %parallel_loop3A_607 = arith.addf %parallel_loop3A_606, %parallel_loop3A_600 : vector<16xf32>
            %parallel_loop3A_608 = arith.constant 3 : i32
            %parallel_loop3A_609 = arith.addi %mul3A_138, %parallel_loop3A_608 : i32
            %parallel_loop3A_610 = arith.index_cast %rem3A_63 : i32 to index
            %parallel_loop3A_611 = arith.index_cast %parallel_loop3A_609 : i32 to index
            %parallel_loop3A_612 = arith.index_cast %parallel_loop3A_536 : i32 to index
            %parallel_loop3A_613 = tpu.vector_load %arg18[%parallel_loop3A_610, %parallel_loop3A_611, %parallel_loop3A_612] {strides = array<i32>} : memref<4x32x768xf32, #tpu.memory_space<vmem>>, vector<16xf32>,
            tpu.vector_store %arg18[%parallel_loop3A_610, %parallel_loop3A_611, %parallel_loop3A_612], %parallel_loop3A_607 {strides = array<i32>} : memref<4x32x768xf32, #tpu.memory_space<vmem>>, vector<16xf32>,
            %parallel_loop3A_614 = arith.addf %parallel_loop3A_522, %parallel_loop3A_607 : vector<16xf32>
            %parallel_loop3A_615 = arith.mulf %parallel_loop3A_607, %parallel_loop3A_607 : vector<16xf32>
            %parallel_loop3A_616 = arith.addf %parallel_loop3A_530, %parallel_loop3A_615 : vector<16xf32>
            %parallel_loop3A_617 = arith.constant 20 : i32
            %parallel_loop3A_618 = arith.index_cast %parallel_loop3A_617 : i32 to index
            %parallel_loop3A_619 = arith.index_cast %parallel_loop3A_536 : i32 to index
            %parallel_loop3A_620 = tpu.vector_load %arg17[%parallel_loop3A_618, %parallel_loop3A_619] {strides = array<i32>} : memref<30x768xf32, #tpu.memory_space<vmem>>, vector<16xf32>,
            %parallel_loop3A_621 = arith.constant 4 : i32
            %parallel_loop3A_622 = arith.addi %mul3A_138, %parallel_loop3A_621 : i32
            %parallel_loop3A_623 = arith.index_cast %rem3A_63 : i32 to index
            %parallel_loop3A_624 = arith.index_cast %parallel_loop3A_622 : i32 to index
            %parallel_loop3A_625 = arith.index_cast %parallel_loop3A_536 : i32 to index
            %parallel_loop3A_626 = tpu.vector_load %arg18[%parallel_loop3A_623, %parallel_loop3A_624, %parallel_loop3A_625] {strides = array<i32>} : memref<4x32x768xf32, #tpu.memory_space<vmem>>, vector<16xf32>,
            %parallel_loop3A_627 = arith.addf %parallel_loop3A_626, %parallel_loop3A_620 : vector<16xf32>
            %parallel_loop3A_628 = arith.constant 4 : i32
            %parallel_loop3A_629 = arith.addi %mul3A_138, %parallel_loop3A_628 : i32
            %parallel_loop3A_630 = arith.index_cast %rem3A_63 : i32 to index
            %parallel_loop3A_631 = arith.index_cast %parallel_loop3A_629 : i32 to index
            %parallel_loop3A_632 = arith.index_cast %parallel_loop3A_536 : i32 to index
            %parallel_loop3A_633 = tpu.vector_load %arg18[%parallel_loop3A_630, %parallel_loop3A_631, %parallel_loop3A_632] {strides = array<i32>} : memref<4x32x768xf32, #tpu.memory_space<vmem>>, vector<16xf32>,
            tpu.vector_store %arg18[%parallel_loop3A_630, %parallel_loop3A_631, %parallel_loop3A_632], %parallel_loop3A_627 {strides = array<i32>} : memref<4x32x768xf32, #tpu.memory_space<vmem>>, vector<16xf32>,
            %parallel_loop3A_634 = arith.addf %parallel_loop3A_523, %parallel_loop3A_627 : vector<16xf32>
            %parallel_loop3A_635 = arith.mulf %parallel_loop3A_627, %parallel_loop3A_627 : vector<16xf32>
            %parallel_loop3A_636 = arith.addf %parallel_loop3A_531, %parallel_loop3A_635 : vector<16xf32>
            %parallel_loop3A_637 = arith.constant 21 : i32
            %parallel_loop3A_638 = arith.index_cast %parallel_loop3A_637 : i32 to index
            %parallel_loop3A_639 = arith.index_cast %parallel_loop3A_536 : i32 to index
            %parallel_loop3A_640 = tpu.vector_load %arg17[%parallel_loop3A_638, %parallel_loop3A_639] {strides = array<i32>} : memref<30x768xf32, #tpu.memory_space<vmem>>, vector<16xf32>,
            %parallel_loop3A_641 = arith.constant 5 : i32
            %parallel_loop3A_642 = arith.addi %mul3A_138, %parallel_loop3A_641 : i32
            %parallel_loop3A_643 = arith.index_cast %rem3A_63 : i32 to index
            %parallel_loop3A_644 = arith.index_cast %parallel_loop3A_642 : i32 to index
            %parallel_loop3A_645 = arith.index_cast %parallel_loop3A_536 : i32 to index
            %parallel_loop3A_646 = tpu.vector_load %arg18[%parallel_loop3A_643, %parallel_loop3A_644, %parallel_loop3A_645] {strides = array<i32>} : memref<4x32x768xf32, #tpu.memory_space<vmem>>, vector<16xf32>,
            %parallel_loop3A_647 = arith.addf %parallel_loop3A_646, %parallel_loop3A_640 : vector<16xf32>
            %parallel_loop3A_648 = arith.constant 5 : i32
            %parallel_loop3A_649 = arith.addi %mul3A_138, %parallel_loop3A_648 : i32
            %parallel_loop3A_650 = arith.index_cast %rem3A_63 : i32 to index
            %parallel_loop3A_651 = arith.index_cast %parallel_loop3A_649 : i32 to index
            %parallel_loop3A_652 = arith.index_cast %parallel_loop3A_536 : i32 to index
            %parallel_loop3A_653 = tpu.vector_load %arg18[%parallel_loop3A_650, %parallel_loop3A_651, %parallel_loop3A_652] {strides = array<i32>} : memref<4x32x768xf32, #tpu.memory_space<vmem>>, vector<16xf32>,
            tpu.vector_store %arg18[%parallel_loop3A_650, %parallel_loop3A_651, %parallel_loop3A_652], %parallel_loop3A_647 {strides = array<i32>} : memref<4x32x768xf32, #tpu.memory_space<vmem>>, vector<16xf32>,
            %parallel_loop3A_654 = arith.addf %parallel_loop3A_524, %parallel_loop3A_647 : vector<16xf32>
            %parallel_loop3A_655 = arith.mulf %parallel_loop3A_647, %parallel_loop3A_647 : vector<16xf32>
            %parallel_loop3A_656 = arith.addf %parallel_loop3A_532, %parallel_loop3A_655 : vector<16xf32>
            %parallel_loop3A_657 = arith.constant 22 : i32
            %parallel_loop3A_658 = arith.index_cast %parallel_loop3A_657 : i32 to index
            %parallel_loop3A_659 = arith.index_cast %parallel_loop3A_536 : i32 to index
            %parallel_loop3A_660 = tpu.vector_load %arg17[%parallel_loop3A_658, %parallel_loop3A_659] {strides = array<i32>} : memref<30x768xf32, #tpu.memory_space<vmem>>, vector<16xf32>,
            %parallel_loop3A_661 = arith.constant 6 : i32
            %parallel_loop3A_662 = arith.addi %mul3A_138, %parallel_loop3A_661 : i32
            %parallel_loop3A_663 = arith.index_cast %rem3A_63 : i32 to index
            %parallel_loop3A_664 = arith.index_cast %parallel_loop3A_662 : i32 to index
            %parallel_loop3A_665 = arith.index_cast %parallel_loop3A_536 : i32 to index
            %parallel_loop3A_666 = tpu.vector_load %arg18[%parallel_loop3A_663, %parallel_loop3A_664, %parallel_loop3A_665] {strides = array<i32>} : memref<4x32x768xf32, #tpu.memory_space<vmem>>, vector<16xf32>,
            %parallel_loop3A_667 = arith.addf %parallel_loop3A_666, %parallel_loop3A_660 : vector<16xf32>
            %parallel_loop3A_668 = arith.constant 6 : i32
            %parallel_loop3A_669 = arith.addi %mul3A_138, %parallel_loop3A_668 : i32
            %parallel_loop3A_670 = arith.index_cast %rem3A_63 : i32 to index
            %parallel_loop3A_671 = arith.index_cast %parallel_loop3A_669 : i32 to index
            %parallel_loop3A_672 = arith.index_cast %parallel_loop3A_536 : i32 to index
            %parallel_loop3A_673 = tpu.vector_load %arg18[%parallel_loop3A_670, %parallel_loop3A_671, %parallel_loop3A_672] {strides = array<i32>} : memref<4x32x768xf32, #tpu.memory_space<vmem>>, vector<16xf32>,
            tpu.vector_store %arg18[%parallel_loop3A_670, %parallel_loop3A_671, %parallel_loop3A_672], %parallel_loop3A_667 {strides = array<i32>} : memref<4x32x768xf32, #tpu.memory_space<vmem>>, vector<16xf32>,
            %parallel_loop3A_674 = arith.addf %parallel_loop3A_525, %parallel_loop3A_667 : vector<16xf32>
            %parallel_loop3A_675 = arith.mulf %parallel_loop3A_667, %parallel_loop3A_667 : vector<16xf32>
            %parallel_loop3A_676 = arith.addf %parallel_loop3A_533, %parallel_loop3A_675 : vector<16xf32>
            %parallel_loop3A_677 = arith.constant 23 : i32
            %parallel_loop3A_678 = arith.index_cast %parallel_loop3A_677 : i32 to index
            %parallel_loop3A_679 = arith.index_cast %parallel_loop3A_536 : i32 to index
            %parallel_loop3A_680 = tpu.vector_load %arg17[%parallel_loop3A_678, %parallel_loop3A_679] {strides = array<i32>} : memref<30x768xf32, #tpu.memory_space<vmem>>, vector<16xf32>,
            %parallel_loop3A_681 = arith.constant 7 : i32
            %parallel_loop3A_682 = arith.addi %mul3A_138, %parallel_loop3A_681 : i32
            %parallel_loop3A_683 = arith.index_cast %rem3A_63 : i32 to index
            %parallel_loop3A_684 = arith.index_cast %parallel_loop3A_682 : i32 to index
            %parallel_loop3A_685 = arith.index_cast %parallel_loop3A_536 : i32 to index
            %parallel_loop3A_686 = tpu.vector_load %arg18[%parallel_loop3A_683, %parallel_loop3A_684, %parallel_loop3A_685] {strides = array<i32>} : memref<4x32x768xf32, #tpu.memory_space<vmem>>, vector<16xf32>,
            %parallel_loop3A_687 = arith.addf %parallel_loop3A_686, %parallel_loop3A_680 : vector<16xf32>
            %parallel_loop3A_688 = arith.constant 7 : i32
            %parallel_loop3A_689 = arith.addi %mul3A_138, %parallel_loop3A_688 : i32
            %parallel_loop3A_690 = arith.index_cast %rem3A_63 : i32 to index
            %parallel_loop3A_691 = arith.index_cast %parallel_loop3A_689 : i32 to index
            %parallel_loop3A_692 = arith.index_cast %parallel_loop3A_536 : i32 to index
            %parallel_loop3A_693 = tpu.vector_load %arg18[%parallel_loop3A_690, %parallel_loop3A_691, %parallel_loop3A_692] {strides = array<i32>} : memref<4x32x768xf32, #tpu.memory_space<vmem>>, vector<16xf32>,
            tpu.vector_store %arg18[%parallel_loop3A_690, %parallel_loop3A_691, %parallel_loop3A_692], %parallel_loop3A_687 {strides = array<i32>} : memref<4x32x768xf32, #tpu.memory_space<vmem>>, vector<16xf32>,
            %parallel_loop3A_694 = arith.addf %parallel_loop3A_526, %parallel_loop3A_687 : vector<16xf32>
            %parallel_loop3A_695 = arith.mulf %parallel_loop3A_687, %parallel_loop3A_687 : vector<16xf32>
            %parallel_loop3A_696 = arith.addf %parallel_loop3A_534, %parallel_loop3A_695 : vector<16xf32>
            scf.yield %parallel_loop3A_554, %parallel_loop3A_574, %parallel_loop3A_594, %parallel_loop3A_614, %parallel_loop3A_634, %parallel_loop3A_654, %parallel_loop3A_674, %parallel_loop3A_694, %parallel_loop3A_556, %parallel_loop3A_576, %parallel_loop3A_596, %parallel_loop3A_616, %parallel_loop3A_636, %parallel_loop3A_656, %parallel_loop3A_676, %parallel_loop3A_696 : vector<16xf32>, vector<16xf32>, vector<16xf32>, vector<16xf32>, vector<16xf32>, vector<16xf32>, vector<16xf32>, vector<16xf32>, vector<16xf32>, vector<16xf32>, vector<16xf32>, vector<16xf32>, vector<16xf32>, vector<16xf32>, vector<16xf32>, vector<16xf32>
          } {sc.loop_unroll_factor = 4 : i64, sc.parallel_access}
          %reduce_sum3A = arith.constant true
          %reduce_sum3A_143 = vector.broadcast %reduce_sum3A : i1 to vector<16xi1>
          %reduce_sum3A_144 = tpu.scan <sum>, %parallel_loop3A_142#0 masked %reduce_sum3A_143 : vector<16xf32>, vector<16xi1> -> vector<16xf32>
          %reduce_sum3A_145 = vector.extract %reduce_sum3A_144[15] : f32 from vector<16xf32>
          %mul3A_146 = arith.mulf %reduce_sum3A_145, %scan3A_26 : f32
          %reduce_sum3A_147 = arith.constant true
          %reduce_sum3A_148 = vector.broadcast %reduce_sum3A_147 : i1 to vector<16xi1>
          %reduce_sum3A_149 = tpu.scan <sum>, %parallel_loop3A_142#8 masked %reduce_sum3A_148 : vector<16xf32>, vector<16xi1> -> vector<16xf32>
          %reduce_sum3A_150 = vector.extract %reduce_sum3A_149[15] : f32 from vector<16xf32>
          %mul3A_151 = arith.mulf %reduce_sum3A_150, %scan3A_26 : f32
          %mul3A_152 = arith.mulf %mul3A_146, %mul3A_146 : f32
          %sub3A_153 = arith.subf %mul3A_151, %mul3A_152 : f32
          %max3A = arith.constant 0.000000e+00 : f32
          %max3A_154 = arith.maximumf %sub3A_153, %max3A : f32
          %add3A_155 = arith.constant 9.99999997E-7 : f32
          %add3A_156 = arith.addf %max3A_154, %add3A_155 : f32
          %broadcast_in_dim3A_157 = vector.broadcast %mul3A_146 : f32 to vector<16xf32>
          %broadcast_in_dim3A_158 = vector.broadcast %add3A_156 : f32 to vector<16xf32>
          %broadcast_in_dim3A_159 = arith.constant 1597463007 : i32
          %broadcast_in_dim3A_160 = vector.broadcast %broadcast_in_dim3A_159 : i32 to vector<16xi32>
          %bitcast3A = vector.bitcast %broadcast_in_dim3A_158 : vector<16xf32> to vector<16xi32>
          %shift_right_logical3A = arith.constant 1 : i32
          %shift_right_logical3A_161 = vector.broadcast %shift_right_logical3A : i32 to vector<16xi32>
          %shift_right_logical3A_162 = arith.shrui %bitcast3A, %shift_right_logical3A_161 : vector<16xi32>
          %sub3A_163 = arith.subi %broadcast_in_dim3A_160, %shift_right_logical3A_162 : vector<16xi32>
          %bitcast3A_164 = vector.bitcast %sub3A_163 : vector<16xi32> to vector<16xf32>
          %mul3A_165 = arith.constant 5.000000e-01 : f32
          %mul3A_166 = vector.broadcast %mul3A_165 : f32 to vector<16xf32>
          %mul3A_167 = arith.mulf %broadcast_in_dim3A_158, %mul3A_166 : vector<16xf32>
          %mul3A_168 = arith.mulf %mul3A_167, %bitcast3A_164 : vector<16xf32>
          %mul3A_169 = arith.mulf %mul3A_168, %bitcast3A_164 : vector<16xf32>
          %sub3A_170 = arith.constant 1.500000e+00 : f32
          %sub3A_171 = vector.broadcast %sub3A_170 : f32 to vector<16xf32>
          %sub3A_172 = arith.subf %sub3A_171, %mul3A_169 : vector<16xf32>
          %mul3A_173 = arith.mulf %bitcast3A_164, %sub3A_172 : vector<16xf32>
          %mul3A_174 = arith.mulf %mul3A_167, %mul3A_173 : vector<16xf32>
          %mul3A_175 = arith.mulf %mul3A_174, %mul3A_173 : vector<16xf32>
          %sub3A_176 = arith.constant 1.500000e+00 : f32
          %sub3A_177 = vector.broadcast %sub3A_176 : f32 to vector<16xf32>
          %sub3A_178 = arith.subf %sub3A_177, %mul3A_175 : vector<16xf32>
          %mul3A_179 = arith.mulf %mul3A_173, %sub3A_178 : vector<16xf32>
          %mul3A_180 = arith.mulf %mul3A_167, %mul3A_179 : vector<16xf32>
          %mul3A_181 = arith.mulf %mul3A_180, %mul3A_179 : vector<16xf32>
          %sub3A_182 = arith.constant 1.500000e+00 : f32
          %sub3A_183 = vector.broadcast %sub3A_182 : f32 to vector<16xf32>
          %sub3A_184 = arith.subf %sub3A_183, %mul3A_181 : vector<16xf32>
          %mul3A_185 = arith.mulf %mul3A_179, %sub3A_184 : vector<16xf32>
          %reduce_sum3A_186 = arith.constant true
          %reduce_sum3A_187 = vector.broadcast %reduce_sum3A_186 : i1 to vector<16xi1>
          %reduce_sum3A_188 = tpu.scan <sum>, %parallel_loop3A_142#1 masked %reduce_sum3A_187 : vector<16xf32>, vector<16xi1> -> vector<16xf32>
          %reduce_sum3A_189 = vector.extract %reduce_sum3A_188[15] : f32 from vector<16xf32>
          %mul3A_190 = arith.mulf %reduce_sum3A_189, %scan3A_26 : f32
          %reduce_sum3A_191 = arith.constant true
          %reduce_sum3A_192 = vector.broadcast %reduce_sum3A_191 : i1 to vector<16xi1>
          %reduce_sum3A_193 = tpu.scan <sum>, %parallel_loop3A_142#9 masked %reduce_sum3A_192 : vector<16xf32>, vector<16xi1> -> vector<16xf32>
          %reduce_sum3A_194 = vector.extract %reduce_sum3A_193[15] : f32 from vector<16xf32>
          %mul3A_195 = arith.mulf %reduce_sum3A_194, %scan3A_26 : f32
          %mul3A_196 = arith.mulf %mul3A_190, %mul3A_190 : f32
          %sub3A_197 = arith.subf %mul3A_195, %mul3A_196 : f32
          %max3A_198 = arith.constant 0.000000e+00 : f32
          %max3A_199 = arith.maximumf %sub3A_197, %max3A_198 : f32
          %add3A_200 = arith.constant 9.99999997E-7 : f32
          %add3A_201 = arith.addf %max3A_199, %add3A_200 : f32
          %broadcast_in_dim3A_202 = vector.broadcast %mul3A_190 : f32 to vector<16xf32>
          %broadcast_in_dim3A_203 = vector.broadcast %add3A_201 : f32 to vector<16xf32>
          %broadcast_in_dim3A_204 = arith.constant 1597463007 : i32
          %broadcast_in_dim3A_205 = vector.broadcast %broadcast_in_dim3A_204 : i32 to vector<16xi32>
          %bitcast3A_206 = vector.bitcast %broadcast_in_dim3A_203 : vector<16xf32> to vector<16xi32>
          %shift_right_logical3A_207 = arith.constant 1 : i32
          %shift_right_logical3A_208 = vector.broadcast %shift_right_logical3A_207 : i32 to vector<16xi32>
          %shift_right_logical3A_209 = arith.shrui %bitcast3A_206, %shift_right_logical3A_208 : vector<16xi32>
          %sub3A_210 = arith.subi %broadcast_in_dim3A_205, %shift_right_logical3A_209 : vector<16xi32>
          %bitcast3A_211 = vector.bitcast %sub3A_210 : vector<16xi32> to vector<16xf32>
          %mul3A_212 = arith.constant 5.000000e-01 : f32
          %mul3A_213 = vector.broadcast %mul3A_212 : f32 to vector<16xf32>
          %mul3A_214 = arith.mulf %broadcast_in_dim3A_203, %mul3A_213 : vector<16xf32>
          %mul3A_215 = arith.mulf %mul3A_214, %bitcast3A_211 : vector<16xf32>
          %mul3A_216 = arith.mulf %mul3A_215, %bitcast3A_211 : vector<16xf32>
          %sub3A_217 = arith.constant 1.500000e+00 : f32
          %sub3A_218 = vector.broadcast %sub3A_217 : f32 to vector<16xf32>
          %sub3A_219 = arith.subf %sub3A_218, %mul3A_216 : vector<16xf32>
          %mul3A_220 = arith.mulf %bitcast3A_211, %sub3A_219 : vector<16xf32>
          %mul3A_221 = arith.mulf %mul3A_214, %mul3A_220 : vector<16xf32>
          %mul3A_222 = arith.mulf %mul3A_221, %mul3A_220 : vector<16xf32>
          %sub3A_223 = arith.constant 1.500000e+00 : f32
          %sub3A_224 = vector.broadcast %sub3A_223 : f32 to vector<16xf32>
          %sub3A_225 = arith.subf %sub3A_224, %mul3A_222 : vector<16xf32>
          %mul3A_226 = arith.mulf %mul3A_220, %sub3A_225 : vector<16xf32>
          %mul3A_227 = arith.mulf %mul3A_214, %mul3A_226 : vector<16xf32>
          %mul3A_228 = arith.mulf %mul3A_227, %mul3A_226 : vector<16xf32>
          %sub3A_229 = arith.constant 1.500000e+00 : f32
          %sub3A_230 = vector.broadcast %sub3A_229 : f32 to vector<16xf32>
          %sub3A_231 = arith.subf %sub3A_230, %mul3A_228 : vector<16xf32>
          %mul3A_232 = arith.mulf %mul3A_226, %sub3A_231 : vector<16xf32>
          %reduce_sum3A_233 = arith.constant true
          %reduce_sum3A_234 = vector.broadcast %reduce_sum3A_233 : i1 to vector<16xi1>
          %reduce_sum3A_235 = tpu.scan <sum>, %parallel_loop3A_142#2 masked %reduce_sum3A_234 : vector<16xf32>, vector<16xi1> -> vector<16xf32>
          %reduce_sum3A_236 = vector.extract %reduce_sum3A_235[15] : f32 from vector<16xf32>
          %mul3A_237 = arith.mulf %reduce_sum3A_236, %scan3A_26 : f32
          %reduce_sum3A_238 = arith.constant true
          %reduce_sum3A_239 = vector.broadcast %reduce_sum3A_238 : i1 to vector<16xi1>
          %reduce_sum3A_240 = tpu.scan <sum>, %parallel_loop3A_142#10 masked %reduce_sum3A_239 : vector<16xf32>, vector<16xi1> -> vector<16xf32>
          %reduce_sum3A_241 = vector.extract %reduce_sum3A_240[15] : f32 from vector<16xf32>
          %mul3A_242 = arith.mulf %reduce_sum3A_241, %scan3A_26 : f32
          %mul3A_243 = arith.mulf %mul3A_237, %mul3A_237 : f32
          %sub3A_244 = arith.subf %mul3A_242, %mul3A_243 : f32
          %max3A_245 = arith.constant 0.000000e+00 : f32
          %max3A_246 = arith.maximumf %sub3A_244, %max3A_245 : f32
          %add3A_247 = arith.constant 9.99999997E-7 : f32
          %add3A_248 = arith.addf %max3A_246, %add3A_247 : f32
          %broadcast_in_dim3A_249 = vector.broadcast %mul3A_237 : f32 to vector<16xf32>
          %broadcast_in_dim3A_250 = vector.broadcast %add3A_248 : f32 to vector<16xf32>
          %broadcast_in_dim3A_251 = arith.constant 1597463007 : i32
          %broadcast_in_dim3A_252 = vector.broadcast %broadcast_in_dim3A_251 : i32 to vector<16xi32>
          %bitcast3A_253 = vector.bitcast %broadcast_in_dim3A_250 : vector<16xf32> to vector<16xi32>
          %shift_right_logical3A_254 = arith.constant 1 : i32
          %shift_right_logical3A_255 = vector.broadcast %shift_right_logical3A_254 : i32 to vector<16xi32>
          %shift_right_logical3A_256 = arith.shrui %bitcast3A_253, %shift_right_logical3A_255 : vector<16xi32>
          %sub3A_257 = arith.subi %broadcast_in_dim3A_252, %shift_right_logical3A_256 : vector<16xi32>
          %bitcast3A_258 = vector.bitcast %sub3A_257 : vector<16xi32> to vector<16xf32>
          %mul3A_259 = arith.constant 5.000000e-01 : f32
          %mul3A_260 = vector.broadcast %mul3A_259 : f32 to vector<16xf32>
          %mul3A_261 = arith.mulf %broadcast_in_dim3A_250, %mul3A_260 : vector<16xf32>
          %mul3A_262 = arith.mulf %mul3A_261, %bitcast3A_258 : vector<16xf32>
          %mul3A_263 = arith.mulf %mul3A_262, %bitcast3A_258 : vector<16xf32>
          %sub3A_264 = arith.constant 1.500000e+00 : f32
          %sub3A_265 = vector.broadcast %sub3A_264 : f32 to vector<16xf32>
          %sub3A_266 = arith.subf %sub3A_265, %mul3A_263 : vector<16xf32>
          %mul3A_267 = arith.mulf %bitcast3A_258, %sub3A_266 : vector<16xf32>
          %mul3A_268 = arith.mulf %mul3A_261, %mul3A_267 : vector<16xf32>
          %mul3A_269 = arith.mulf %mul3A_268, %mul3A_267 : vector<16xf32>
          %sub3A_270 = arith.constant 1.500000e+00 : f32
          %sub3A_271 = vector.broadcast %sub3A_270 : f32 to vector<16xf32>
          %sub3A_272 = arith.subf %sub3A_271, %mul3A_269 : vector<16xf32>
          %mul3A_273 = arith.mulf %mul3A_267, %sub3A_272 : vector<16xf32>
          %mul3A_274 = arith.mulf %mul3A_261, %mul3A_273 : vector<16xf32>
          %mul3A_275 = arith.mulf %mul3A_274, %mul3A_273 : vector<16xf32>
          %sub3A_276 = arith.constant 1.500000e+00 : f32
          %sub3A_277 = vector.broadcast %sub3A_276 : f32 to vector<16xf32>
          %sub3A_278 = arith.subf %sub3A_277, %mul3A_275 : vector<16xf32>
          %mul3A_279 = arith.mulf %mul3A_273, %sub3A_278 : vector<16xf32>
          %reduce_sum3A_280 = arith.constant true
          %reduce_sum3A_281 = vector.broadcast %reduce_sum3A_280 : i1 to vector<16xi1>
          %reduce_sum3A_282 = tpu.scan <sum>, %parallel_loop3A_142#3 masked %reduce_sum3A_281 : vector<16xf32>, vector<16xi1> -> vector<16xf32>
          %reduce_sum3A_283 = vector.extract %reduce_sum3A_282[15] : f32 from vector<16xf32>
          %mul3A_284 = arith.mulf %reduce_sum3A_283, %scan3A_26 : f32
          %reduce_sum3A_285 = arith.constant true
          %reduce_sum3A_286 = vector.broadcast %reduce_sum3A_285 : i1 to vector<16xi1>
          %reduce_sum3A_287 = tpu.scan <sum>, %parallel_loop3A_142#11 masked %reduce_sum3A_286 : vector<16xf32>, vector<16xi1> -> vector<16xf32>
          %reduce_sum3A_288 = vector.extract %reduce_sum3A_287[15] : f32 from vector<16xf32>
          %mul3A_289 = arith.mulf %reduce_sum3A_288, %scan3A_26 : f32
          %mul3A_290 = arith.mulf %mul3A_284, %mul3A_284 : f32
          %sub3A_291 = arith.subf %mul3A_289, %mul3A_290 : f32
          %max3A_292 = arith.constant 0.000000e+00 : f32
          %max3A_293 = arith.maximumf %sub3A_291, %max3A_292 : f32
          %add3A_294 = arith.constant 9.99999997E-7 : f32
          %add3A_295 = arith.addf %max3A_293, %add3A_294 : f32
          %broadcast_in_dim3A_296 = vector.broadcast %mul3A_284 : f32 to vector<16xf32>
          %broadcast_in_dim3A_297 = vector.broadcast %add3A_295 : f32 to vector<16xf32>
          %broadcast_in_dim3A_298 = arith.constant 1597463007 : i32
          %broadcast_in_dim3A_299 = vector.broadcast %broadcast_in_dim3A_298 : i32 to vector<16xi32>
          %bitcast3A_300 = vector.bitcast %broadcast_in_dim3A_297 : vector<16xf32> to vector<16xi32>
          %shift_right_logical3A_301 = arith.constant 1 : i32
          %shift_right_logical3A_302 = vector.broadcast %shift_right_logical3A_301 : i32 to vector<16xi32>
          %shift_right_logical3A_303 = arith.shrui %bitcast3A_300, %shift_right_logical3A_302 : vector<16xi32>
          %sub3A_304 = arith.subi %broadcast_in_dim3A_299, %shift_right_logical3A_303 : vector<16xi32>
          %bitcast3A_305 = vector.bitcast %sub3A_304 : vector<16xi32> to vector<16xf32>
          %mul3A_306 = arith.constant 5.000000e-01 : f32
          %mul3A_307 = vector.broadcast %mul3A_306 : f32 to vector<16xf32>
          %mul3A_308 = arith.mulf %broadcast_in_dim3A_297, %mul3A_307 : vector<16xf32>
          %mul3A_309 = arith.mulf %mul3A_308, %bitcast3A_305 : vector<16xf32>
          %mul3A_310 = arith.mulf %mul3A_309, %bitcast3A_305 : vector<16xf32>
          %sub3A_311 = arith.constant 1.500000e+00 : f32
          %sub3A_312 = vector.broadcast %sub3A_311 : f32 to vector<16xf32>
          %sub3A_313 = arith.subf %sub3A_312, %mul3A_310 : vector<16xf32>
          %mul3A_314 = arith.mulf %bitcast3A_305, %sub3A_313 : vector<16xf32>
          %mul3A_315 = arith.mulf %mul3A_308, %mul3A_314 : vector<16xf32>
          %mul3A_316 = arith.mulf %mul3A_315, %mul3A_314 : vector<16xf32>
          %sub3A_317 = arith.constant 1.500000e+00 : f32
          %sub3A_318 = vector.broadcast %sub3A_317 : f32 to vector<16xf32>
          %sub3A_319 = arith.subf %sub3A_318, %mul3A_316 : vector<16xf32>
          %mul3A_320 = arith.mulf %mul3A_314, %sub3A_319 : vector<16xf32>
          %mul3A_321 = arith.mulf %mul3A_308, %mul3A_320 : vector<16xf32>
          %mul3A_322 = arith.mulf %mul3A_321, %mul3A_320 : vector<16xf32>
          %sub3A_323 = arith.constant 1.500000e+00 : f32
          %sub3A_324 = vector.broadcast %sub3A_323 : f32 to vector<16xf32>
          %sub3A_325 = arith.subf %sub3A_324, %mul3A_322 : vector<16xf32>
          %mul3A_326 = arith.mulf %mul3A_320, %sub3A_325 : vector<16xf32>
          %reduce_sum3A_327 = arith.constant true
          %reduce_sum3A_328 = vector.broadcast %reduce_sum3A_327 : i1 to vector<16xi1>
          %reduce_sum3A_329 = tpu.scan <sum>, %parallel_loop3A_142#4 masked %reduce_sum3A_328 : vector<16xf32>, vector<16xi1> -> vector<16xf32>
          %reduce_sum3A_330 = vector.extract %reduce_sum3A_329[15] : f32 from vector<16xf32>
          %mul3A_331 = arith.mulf %reduce_sum3A_330, %scan3A_26 : f32
          %reduce_sum3A_332 = arith.constant true
          %reduce_sum3A_333 = vector.broadcast %reduce_sum3A_332 : i1 to vector<16xi1>
          %reduce_sum3A_334 = tpu.scan <sum>, %parallel_loop3A_142#12 masked %reduce_sum3A_333 : vector<16xf32>, vector<16xi1> -> vector<16xf32>
          %reduce_sum3A_335 = vector.extract %reduce_sum3A_334[15] : f32 from vector<16xf32>
          %mul3A_336 = arith.mulf %reduce_sum3A_335, %scan3A_26 : f32
          %mul3A_337 = arith.mulf %mul3A_331, %mul3A_331 : f32
          %sub3A_338 = arith.subf %mul3A_336, %mul3A_337 : f32
          %max3A_339 = arith.constant 0.000000e+00 : f32
          %max3A_340 = arith.maximumf %sub3A_338, %max3A_339 : f32
          %add3A_341 = arith.constant 9.99999997E-7 : f32
          %add3A_342 = arith.addf %max3A_340, %add3A_341 : f32
          %broadcast_in_dim3A_343 = vector.broadcast %mul3A_331 : f32 to vector<16xf32>
          %broadcast_in_dim3A_344 = vector.broadcast %add3A_342 : f32 to vector<16xf32>
          %broadcast_in_dim3A_345 = arith.constant 1597463007 : i32
          %broadcast_in_dim3A_346 = vector.broadcast %broadcast_in_dim3A_345 : i32 to vector<16xi32>
          %bitcast3A_347 = vector.bitcast %broadcast_in_dim3A_344 : vector<16xf32> to vector<16xi32>
          %shift_right_logical3A_348 = arith.constant 1 : i32
          %shift_right_logical3A_349 = vector.broadcast %shift_right_logical3A_348 : i32 to vector<16xi32>
          %shift_right_logical3A_350 = arith.shrui %bitcast3A_347, %shift_right_logical3A_349 : vector<16xi32>
          %sub3A_351 = arith.subi %broadcast_in_dim3A_346, %shift_right_logical3A_350 : vector<16xi32>
          %bitcast3A_352 = vector.bitcast %sub3A_351 : vector<16xi32> to vector<16xf32>
          %mul3A_353 = arith.constant 5.000000e-01 : f32
          %mul3A_354 = vector.broadcast %mul3A_353 : f32 to vector<16xf32>
          %mul3A_355 = arith.mulf %broadcast_in_dim3A_344, %mul3A_354 : vector<16xf32>
          %mul3A_356 = arith.mulf %mul3A_355, %bitcast3A_352 : vector<16xf32>
          %mul3A_357 = arith.mulf %mul3A_356, %bitcast3A_352 : vector<16xf32>
          %sub3A_358 = arith.constant 1.500000e+00 : f32
          %sub3A_359 = vector.broadcast %sub3A_358 : f32 to vector<16xf32>
          %sub3A_360 = arith.subf %sub3A_359, %mul3A_357 : vector<16xf32>
          %mul3A_361 = arith.mulf %bitcast3A_352, %sub3A_360 : vector<16xf32>
          %mul3A_362 = arith.mulf %mul3A_355, %mul3A_361 : vector<16xf32>
          %mul3A_363 = arith.mulf %mul3A_362, %mul3A_361 : vector<16xf32>
          %sub3A_364 = arith.constant 1.500000e+00 : f32
          %sub3A_365 = vector.broadcast %sub3A_364 : f32 to vector<16xf32>
          %sub3A_366 = arith.subf %sub3A_365, %mul3A_363 : vector<16xf32>
          %mul3A_367 = arith.mulf %mul3A_361, %sub3A_366 : vector<16xf32>
          %mul3A_368 = arith.mulf %mul3A_355, %mul3A_367 : vector<16xf32>
          %mul3A_369 = arith.mulf %mul3A_368, %mul3A_367 : vector<16xf32>
          %sub3A_370 = arith.constant 1.500000e+00 : f32
          %sub3A_371 = vector.broadcast %sub3A_370 : f32 to vector<16xf32>
          %sub3A_372 = arith.subf %sub3A_371, %mul3A_369 : vector<16xf32>
          %mul3A_373 = arith.mulf %mul3A_367, %sub3A_372 : vector<16xf32>
          %reduce_sum3A_374 = arith.constant true
          %reduce_sum3A_375 = vector.broadcast %reduce_sum3A_374 : i1 to vector<16xi1>
          %reduce_sum3A_376 = tpu.scan <sum>, %parallel_loop3A_142#5 masked %reduce_sum3A_375 : vector<16xf32>, vector<16xi1> -> vector<16xf32>
          %reduce_sum3A_377 = vector.extract %reduce_sum3A_376[15] : f32 from vector<16xf32>
          %mul3A_378 = arith.mulf %reduce_sum3A_377, %scan3A_26 : f32
          %reduce_sum3A_379 = arith.constant true
          %reduce_sum3A_380 = vector.broadcast %reduce_sum3A_379 : i1 to vector<16xi1>
          %reduce_sum3A_381 = tpu.scan <sum>, %parallel_loop3A_142#13 masked %reduce_sum3A_380 : vector<16xf32>, vector<16xi1> -> vector<16xf32>
          %reduce_sum3A_382 = vector.extract %reduce_sum3A_381[15] : f32 from vector<16xf32>
          %mul3A_383 = arith.mulf %reduce_sum3A_382, %scan3A_26 : f32
          %mul3A_384 = arith.mulf %mul3A_378, %mul3A_378 : f32
          %sub3A_385 = arith.subf %mul3A_383, %mul3A_384 : f32
          %max3A_386 = arith.constant 0.000000e+00 : f32
          %max3A_387 = arith.maximumf %sub3A_385, %max3A_386 : f32
          %add3A_388 = arith.constant 9.99999997E-7 : f32
          %add3A_389 = arith.addf %max3A_387, %add3A_388 : f32
          %broadcast_in_dim3A_390 = vector.broadcast %mul3A_378 : f32 to vector<16xf32>
          %broadcast_in_dim3A_391 = vector.broadcast %add3A_389 : f32 to vector<16xf32>
          %broadcast_in_dim3A_392 = arith.constant 1597463007 : i32
          %broadcast_in_dim3A_393 = vector.broadcast %broadcast_in_dim3A_392 : i32 to vector<16xi32>
          %bitcast3A_394 = vector.bitcast %broadcast_in_dim3A_391 : vector<16xf32> to vector<16xi32>
          %shift_right_logical3A_395 = arith.constant 1 : i32
          %shift_right_logical3A_396 = vector.broadcast %shift_right_logical3A_395 : i32 to vector<16xi32>
          %shift_right_logical3A_397 = arith.shrui %bitcast3A_394, %shift_right_logical3A_396 : vector<16xi32>
          %sub3A_398 = arith.subi %broadcast_in_dim3A_393, %shift_right_logical3A_397 : vector<16xi32>
          %bitcast3A_399 = vector.bitcast %sub3A_398 : vector<16xi32> to vector<16xf32>
          %mul3A_400 = arith.constant 5.000000e-01 : f32
          %mul3A_401 = vector.broadcast %mul3A_400 : f32 to vector<16xf32>
          %mul3A_402 = arith.mulf %broadcast_in_dim3A_391, %mul3A_401 : vector<16xf32>
          %mul3A_403 = arith.mulf %mul3A_402, %bitcast3A_399 : vector<16xf32>
          %mul3A_404 = arith.mulf %mul3A_403, %bitcast3A_399 : vector<16xf32>
          %sub3A_405 = arith.constant 1.500000e+00 : f32
          %sub3A_406 = vector.broadcast %sub3A_405 : f32 to vector<16xf32>
          %sub3A_407 = arith.subf %sub3A_406, %mul3A_404 : vector<16xf32>
          %mul3A_408 = arith.mulf %bitcast3A_399, %sub3A_407 : vector<16xf32>
          %mul3A_409 = arith.mulf %mul3A_402, %mul3A_408 : vector<16xf32>
          %mul3A_410 = arith.mulf %mul3A_409, %mul3A_408 : vector<16xf32>
          %sub3A_411 = arith.constant 1.500000e+00 : f32
          %sub3A_412 = vector.broadcast %sub3A_411 : f32 to vector<16xf32>
          %sub3A_413 = arith.subf %sub3A_412, %mul3A_410 : vector<16xf32>
          %mul3A_414 = arith.mulf %mul3A_408, %sub3A_413 : vector<16xf32>
          %mul3A_415 = arith.mulf %mul3A_402, %mul3A_414 : vector<16xf32>
          %mul3A_416 = arith.mulf %mul3A_415, %mul3A_414 : vector<16xf32>
          %sub3A_417 = arith.constant 1.500000e+00 : f32
          %sub3A_418 = vector.broadcast %sub3A_417 : f32 to vector<16xf32>
          %sub3A_419 = arith.subf %sub3A_418, %mul3A_416 : vector<16xf32>
          %mul3A_420 = arith.mulf %mul3A_414, %sub3A_419 : vector<16xf32>
          %reduce_sum3A_421 = arith.constant true
          %reduce_sum3A_422 = vector.broadcast %reduce_sum3A_421 : i1 to vector<16xi1>
          %reduce_sum3A_423 = tpu.scan <sum>, %parallel_loop3A_142#6 masked %reduce_sum3A_422 : vector<16xf32>, vector<16xi1> -> vector<16xf32>
          %reduce_sum3A_424 = vector.extract %reduce_sum3A_423[15] : f32 from vector<16xf32>
          %mul3A_425 = arith.mulf %reduce_sum3A_424, %scan3A_26 : f32
          %reduce_sum3A_426 = arith.constant true
          %reduce_sum3A_427 = vector.broadcast %reduce_sum3A_426 : i1 to vector<16xi1>
          %reduce_sum3A_428 = tpu.scan <sum>, %parallel_loop3A_142#14 masked %reduce_sum3A_427 : vector<16xf32>, vector<16xi1> -> vector<16xf32>
          %reduce_sum3A_429 = vector.extract %reduce_sum3A_428[15] : f32 from vector<16xf32>
          %mul3A_430 = arith.mulf %reduce_sum3A_429, %scan3A_26 : f32
          %mul3A_431 = arith.mulf %mul3A_425, %mul3A_425 : f32
          %sub3A_432 = arith.subf %mul3A_430, %mul3A_431 : f32
          %max3A_433 = arith.constant 0.000000e+00 : f32
          %max3A_434 = arith.maximumf %sub3A_432, %max3A_433 : f32
          %add3A_435 = arith.constant 9.99999997E-7 : f32
          %add3A_436 = arith.addf %max3A_434, %add3A_435 : f32
          %broadcast_in_dim3A_437 = vector.broadcast %mul3A_425 : f32 to vector<16xf32>
          %broadcast_in_dim3A_438 = vector.broadcast %add3A_436 : f32 to vector<16xf32>
          %broadcast_in_dim3A_439 = arith.constant 1597463007 : i32
          %broadcast_in_dim3A_440 = vector.broadcast %broadcast_in_dim3A_439 : i32 to vector<16xi32>
          %bitcast3A_441 = vector.bitcast %broadcast_in_dim3A_438 : vector<16xf32> to vector<16xi32>
          %shift_right_logical3A_442 = arith.constant 1 : i32
          %shift_right_logical3A_443 = vector.broadcast %shift_right_logical3A_442 : i32 to vector<16xi32>
          %shift_right_logical3A_444 = arith.shrui %bitcast3A_441, %shift_right_logical3A_443 : vector<16xi32>
          %sub3A_445 = arith.subi %broadcast_in_dim3A_440, %shift_right_logical3A_444 : vector<16xi32>
          %bitcast3A_446 = vector.bitcast %sub3A_445 : vector<16xi32> to vector<16xf32>
          %mul3A_447 = arith.constant 5.000000e-01 : f32
          %mul3A_448 = vector.broadcast %mul3A_447 : f32 to vector<16xf32>
          %mul3A_449 = arith.mulf %broadcast_in_dim3A_438, %mul3A_448 : vector<16xf32>
          %mul3A_450 = arith.mulf %mul3A_449, %bitcast3A_446 : vector<16xf32>
          %mul3A_451 = arith.mulf %mul3A_450, %bitcast3A_446 : vector<16xf32>
          %sub3A_452 = arith.constant 1.500000e+00 : f32
          %sub3A_453 = vector.broadcast %sub3A_452 : f32 to vector<16xf32>
          %sub3A_454 = arith.subf %sub3A_453, %mul3A_451 : vector<16xf32>
          %mul3A_455 = arith.mulf %bitcast3A_446, %sub3A_454 : vector<16xf32>
          %mul3A_456 = arith.mulf %mul3A_449, %mul3A_455 : vector<16xf32>
          %mul3A_457 = arith.mulf %mul3A_456, %mul3A_455 : vector<16xf32>
          %sub3A_458 = arith.constant 1.500000e+00 : f32
          %sub3A_459 = vector.broadcast %sub3A_458 : f32 to vector<16xf32>
          %sub3A_460 = arith.subf %sub3A_459, %mul3A_457 : vector<16xf32>
          %mul3A_461 = arith.mulf %mul3A_455, %sub3A_460 : vector<16xf32>
          %mul3A_462 = arith.mulf %mul3A_449, %mul3A_461 : vector<16xf32>
          %mul3A_463 = arith.mulf %mul3A_462, %mul3A_461 : vector<16xf32>
          %sub3A_464 = arith.constant 1.500000e+00 : f32
          %sub3A_465 = vector.broadcast %sub3A_464 : f32 to vector<16xf32>
          %sub3A_466 = arith.subf %sub3A_465, %mul3A_463 : vector<16xf32>
          %mul3A_467 = arith.mulf %mul3A_461, %sub3A_466 : vector<16xf32>
          %reduce_sum3A_468 = arith.constant true
          %reduce_sum3A_469 = vector.broadcast %reduce_sum3A_468 : i1 to vector<16xi1>
          %reduce_sum3A_470 = tpu.scan <sum>, %parallel_loop3A_142#7 masked %reduce_sum3A_469 : vector<16xf32>, vector<16xi1> -> vector<16xf32>
          %reduce_sum3A_471 = vector.extract %reduce_sum3A_470[15] : f32 from vector<16xf32>
          %mul3A_472 = arith.mulf %reduce_sum3A_471, %scan3A_26 : f32
          %reduce_sum3A_473 = arith.constant true
          %reduce_sum3A_474 = vector.broadcast %reduce_sum3A_473 : i1 to vector<16xi1>
          %reduce_sum3A_475 = tpu.scan <sum>, %parallel_loop3A_142#15 masked %reduce_sum3A_474 : vector<16xf32>, vector<16xi1> -> vector<16xf32>
          %reduce_sum3A_476 = vector.extract %reduce_sum3A_475[15] : f32 from vector<16xf32>
          %mul3A_477 = arith.mulf %reduce_sum3A_476, %scan3A_26 : f32
          %mul3A_478 = arith.mulf %mul3A_472, %mul3A_472 : f32
          %sub3A_479 = arith.subf %mul3A_477, %mul3A_478 : f32
          %max3A_480 = arith.constant 0.000000e+00 : f32
          %max3A_481 = arith.maximumf %sub3A_479, %max3A_480 : f32
          %add3A_482 = arith.constant 9.99999997E-7 : f32
          %add3A_483 = arith.addf %max3A_481, %add3A_482 : f32
          %broadcast_in_dim3A_484 = vector.broadcast %mul3A_472 : f32 to vector<16xf32>
          %broadcast_in_dim3A_485 = vector.broadcast %add3A_483 : f32 to vector<16xf32>
          %broadcast_in_dim3A_486 = arith.constant 1597463007 : i32
          %broadcast_in_dim3A_487 = vector.broadcast %broadcast_in_dim3A_486 : i32 to vector<16xi32>
          %bitcast3A_488 = vector.bitcast %broadcast_in_dim3A_485 : vector<16xf32> to vector<16xi32>
          %shift_right_logical3A_489 = arith.constant 1 : i32
          %shift_right_logical3A_490 = vector.broadcast %shift_right_logical3A_489 : i32 to vector<16xi32>
          %shift_right_logical3A_491 = arith.shrui %bitcast3A_488, %shift_right_logical3A_490 : vector<16xi32>
          %sub3A_492 = arith.subi %broadcast_in_dim3A_487, %shift_right_logical3A_491 : vector<16xi32>
          %bitcast3A_493 = vector.bitcast %sub3A_492 : vector<16xi32> to vector<16xf32>
          %mul3A_494 = arith.constant 5.000000e-01 : f32
          %mul3A_495 = vector.broadcast %mul3A_494 : f32 to vector<16xf32>
          %mul3A_496 = arith.mulf %broadcast_in_dim3A_485, %mul3A_495 : vector<16xf32>
          %mul3A_497 = arith.mulf %mul3A_496, %bitcast3A_493 : vector<16xf32>
          %mul3A_498 = arith.mulf %mul3A_497, %bitcast3A_493 : vector<16xf32>
          %sub3A_499 = arith.constant 1.500000e+00 : f32
          %sub3A_500 = vector.broadcast %sub3A_499 : f32 to vector<16xf32>
          %sub3A_501 = arith.subf %sub3A_500, %mul3A_498 : vector<16xf32>
          %mul3A_502 = arith.mulf %bitcast3A_493, %sub3A_501 : vector<16xf32>
          %mul3A_503 = arith.mulf %mul3A_496, %mul3A_502 : vector<16xf32>
          %mul3A_504 = arith.mulf %mul3A_503, %mul3A_502 : vector<16xf32>
          %sub3A_505 = arith.constant 1.500000e+00 : f32
          %sub3A_506 = vector.broadcast %sub3A_505 : f32 to vector<16xf32>
          %sub3A_507 = arith.subf %sub3A_506, %mul3A_504 : vector<16xf32>
          %mul3A_508 = arith.mulf %mul3A_502, %sub3A_507 : vector<16xf32>
          %mul3A_509 = arith.mulf %mul3A_496, %mul3A_508 : vector<16xf32>
          %mul3A_510 = arith.mulf %mul3A_509, %mul3A_508 : vector<16xf32>
          %sub3A_511 = arith.constant 1.500000e+00 : f32
          %sub3A_512 = vector.broadcast %sub3A_511 : f32 to vector<16xf32>
          %sub3A_513 = arith.subf %sub3A_512, %mul3A_510 : vector<16xf32>
          %mul3A_514 = arith.mulf %mul3A_508, %sub3A_513 : vector<16xf32>
          %parallel_loop3A_515 = arith.constant 0 : i32
          %parallel_loop3A_516 = arith.constant 48 : i32
          %parallel_loop3A_517 = arith.constant 1 : i32
          scf.for %parallel_loop3A_518 = %parallel_loop3A_515 to %parallel_loop3A_516 step %parallel_loop3A_517  : i32 {
            %parallel_loop3A_519 = arith.constant 16 : i32
            %parallel_loop3A_520 = arith.muli %parallel_loop3A_519, %parallel_loop3A_518 : i32
            %parallel_loop3A_521 = arith.constant 28 : i32
            %parallel_loop3A_522 = arith.index_cast %parallel_loop3A_521 : i32 to index
            %parallel_loop3A_523 = arith.index_cast %parallel_loop3A_520 : i32 to index
            %parallel_loop3A_524 = tpu.vector_load %arg17[%parallel_loop3A_522, %parallel_loop3A_523] {strides = array<i32>} : memref<30x768xf32, #tpu.memory_space<vmem>>, vector<16xf32>,
            %parallel_loop3A_525 = arith.constant 29 : i32
            %parallel_loop3A_526 = arith.index_cast %parallel_loop3A_525 : i32 to index
            %parallel_loop3A_527 = arith.index_cast %parallel_loop3A_520 : i32 to index
            %parallel_loop3A_528 = tpu.vector_load %arg17[%parallel_loop3A_526, %parallel_loop3A_527] {strides = array<i32>} : memref<30x768xf32, #tpu.memory_space<vmem>>, vector<16xf32>,
            %parallel_loop3A_529 = arith.constant 0 : i32
            %parallel_loop3A_530 = arith.addi %mul3A_138, %parallel_loop3A_529 : i32
            %parallel_loop3A_531 = arith.index_cast %rem3A_63 : i32 to index
            %parallel_loop3A_532 = arith.index_cast %parallel_loop3A_530 : i32 to index
            %parallel_loop3A_533 = arith.index_cast %parallel_loop3A_520 : i32 to index
            %parallel_loop3A_534 = tpu.vector_load %arg18[%parallel_loop3A_531, %parallel_loop3A_532, %parallel_loop3A_533] {strides = array<i32>} : memref<4x32x768xf32, #tpu.memory_space<vmem>>, vector<16xf32>,
            %parallel_loop3A_535 = arith.subf %parallel_loop3A_534, %broadcast_in_dim3A_157 : vector<16xf32>
            %parallel_loop3A_536 = arith.mulf %parallel_loop3A_535, %mul3A_185 : vector<16xf32>
            %parallel_loop3A_537 = arith.mulf %parallel_loop3A_536, %parallel_loop3A_524 : vector<16xf32>
            %parallel_loop3A_538 = arith.addf %parallel_loop3A_537, %parallel_loop3A_528 : vector<16xf32>
            %parallel_loop3A_539 = arith.constant 0 : i32
            %parallel_loop3A_540 = arith.addi %mul3A_138, %parallel_loop3A_539 : i32
            %parallel_loop3A_541 = arith.index_cast %rem3A_63 : i32 to index
            %parallel_loop3A_542 = arith.index_cast %parallel_loop3A_540 : i32 to index
            %parallel_loop3A_543 = arith.index_cast %parallel_loop3A_520 : i32 to index
            %parallel_loop3A_544 = tpu.vector_load %arg18[%parallel_loop3A_541, %parallel_loop3A_542, %parallel_loop3A_543] {strides = array<i32>} : memref<4x32x768xf32, #tpu.memory_space<vmem>>, vector<16xf32>,
            tpu.vector_store %arg18[%parallel_loop3A_541, %parallel_loop3A_542, %parallel_loop3A_543], %parallel_loop3A_538 {strides = array<i32>} : memref<4x32x768xf32, #tpu.memory_space<vmem>>, vector<16xf32>,
            %parallel_loop3A_545 = arith.constant 1 : i32
            %parallel_loop3A_546 = arith.addi %mul3A_138, %parallel_loop3A_545 : i32
            %parallel_loop3A_547 = arith.index_cast %rem3A_63 : i32 to index
            %parallel_loop3A_548 = arith.index_cast %parallel_loop3A_546 : i32 to index
            %parallel_loop3A_549 = arith.index_cast %parallel_loop3A_520 : i32 to index
            %parallel_loop3A_550 = tpu.vector_load %arg18[%parallel_loop3A_547, %parallel_loop3A_548, %parallel_loop3A_549] {strides = array<i32>} : memref<4x32x768xf32, #tpu.memory_space<vmem>>, vector<16xf32>,
            %parallel_loop3A_551 = arith.subf %parallel_loop3A_550, %broadcast_in_dim3A_202 : vector<16xf32>
            %parallel_loop3A_552 = arith.mulf %parallel_loop3A_551, %mul3A_232 : vector<16xf32>
            %parallel_loop3A_553 = arith.mulf %parallel_loop3A_552, %parallel_loop3A_524 : vector<16xf32>
            %parallel_loop3A_554 = arith.addf %parallel_loop3A_553, %parallel_loop3A_528 : vector<16xf32>
            %parallel_loop3A_555 = arith.constant 1 : i32
            %parallel_loop3A_556 = arith.addi %mul3A_138, %parallel_loop3A_555 : i32
            %parallel_loop3A_557 = arith.index_cast %rem3A_63 : i32 to index
            %parallel_loop3A_558 = arith.index_cast %parallel_loop3A_556 : i32 to index
            %parallel_loop3A_559 = arith.index_cast %parallel_loop3A_520 : i32 to index
            %parallel_loop3A_560 = tpu.vector_load %arg18[%parallel_loop3A_557, %parallel_loop3A_558, %parallel_loop3A_559] {strides = array<i32>} : memref<4x32x768xf32, #tpu.memory_space<vmem>>, vector<16xf32>,
            tpu.vector_store %arg18[%parallel_loop3A_557, %parallel_loop3A_558, %parallel_loop3A_559], %parallel_loop3A_554 {strides = array<i32>} : memref<4x32x768xf32, #tpu.memory_space<vmem>>, vector<16xf32>,
            %parallel_loop3A_561 = arith.constant 2 : i32
            %parallel_loop3A_562 = arith.addi %mul3A_138, %parallel_loop3A_561 : i32
            %parallel_loop3A_563 = arith.index_cast %rem3A_63 : i32 to index
            %parallel_loop3A_564 = arith.index_cast %parallel_loop3A_562 : i32 to index
            %parallel_loop3A_565 = arith.index_cast %parallel_loop3A_520 : i32 to index
            %parallel_loop3A_566 = tpu.vector_load %arg18[%parallel_loop3A_563, %parallel_loop3A_564, %parallel_loop3A_565] {strides = array<i32>} : memref<4x32x768xf32, #tpu.memory_space<vmem>>, vector<16xf32>,
            %parallel_loop3A_567 = arith.subf %parallel_loop3A_566, %broadcast_in_dim3A_249 : vector<16xf32>
            %parallel_loop3A_568 = arith.mulf %parallel_loop3A_567, %mul3A_279 : vector<16xf32>
            %parallel_loop3A_569 = arith.mulf %parallel_loop3A_568, %parallel_loop3A_524 : vector<16xf32>
            %parallel_loop3A_570 = arith.addf %parallel_loop3A_569, %parallel_loop3A_528 : vector<16xf32>
            %parallel_loop3A_571 = arith.constant 2 : i32
            %parallel_loop3A_572 = arith.addi %mul3A_138, %parallel_loop3A_571 : i32
            %parallel_loop3A_573 = arith.index_cast %rem3A_63 : i32 to index
            %parallel_loop3A_574 = arith.index_cast %parallel_loop3A_572 : i32 to index
            %parallel_loop3A_575 = arith.index_cast %parallel_loop3A_520 : i32 to index
            %parallel_loop3A_576 = tpu.vector_load %arg18[%parallel_loop3A_573, %parallel_loop3A_574, %parallel_loop3A_575] {strides = array<i32>} : memref<4x32x768xf32, #tpu.memory_space<vmem>>, vector<16xf32>,
            tpu.vector_store %arg18[%parallel_loop3A_573, %parallel_loop3A_574, %parallel_loop3A_575], %parallel_loop3A_570 {strides = array<i32>} : memref<4x32x768xf32, #tpu.memory_space<vmem>>, vector<16xf32>,
            %parallel_loop3A_577 = arith.constant 3 : i32
            %parallel_loop3A_578 = arith.addi %mul3A_138, %parallel_loop3A_577 : i32
            %parallel_loop3A_579 = arith.index_cast %rem3A_63 : i32 to index
            %parallel_loop3A_580 = arith.index_cast %parallel_loop3A_578 : i32 to index
            %parallel_loop3A_581 = arith.index_cast %parallel_loop3A_520 : i32 to index
            %parallel_loop3A_582 = tpu.vector_load %arg18[%parallel_loop3A_579, %parallel_loop3A_580, %parallel_loop3A_581] {strides = array<i32>} : memref<4x32x768xf32, #tpu.memory_space<vmem>>, vector<16xf32>,
            %parallel_loop3A_583 = arith.subf %parallel_loop3A_582, %broadcast_in_dim3A_296 : vector<16xf32>
            %parallel_loop3A_584 = arith.mulf %parallel_loop3A_583, %mul3A_326 : vector<16xf32>
            %parallel_loop3A_585 = arith.mulf %parallel_loop3A_584, %parallel_loop3A_524 : vector<16xf32>
            %parallel_loop3A_586 = arith.addf %parallel_loop3A_585, %parallel_loop3A_528 : vector<16xf32>
            %parallel_loop3A_587 = arith.constant 3 : i32
            %parallel_loop3A_588 = arith.addi %mul3A_138, %parallel_loop3A_587 : i32
            %parallel_loop3A_589 = arith.index_cast %rem3A_63 : i32 to index
            %parallel_loop3A_590 = arith.index_cast %parallel_loop3A_588 : i32 to index
            %parallel_loop3A_591 = arith.index_cast %parallel_loop3A_520 : i32 to index
            %parallel_loop3A_592 = tpu.vector_load %arg18[%parallel_loop3A_589, %parallel_loop3A_590, %parallel_loop3A_591] {strides = array<i32>} : memref<4x32x768xf32, #tpu.memory_space<vmem>>, vector<16xf32>,
            tpu.vector_store %arg18[%parallel_loop3A_589, %parallel_loop3A_590, %parallel_loop3A_591], %parallel_loop3A_586 {strides = array<i32>} : memref<4x32x768xf32, #tpu.memory_space<vmem>>, vector<16xf32>,
            %parallel_loop3A_593 = arith.constant 4 : i32
            %parallel_loop3A_594 = arith.addi %mul3A_138, %parallel_loop3A_593 : i32
            %parallel_loop3A_595 = arith.index_cast %rem3A_63 : i32 to index
            %parallel_loop3A_596 = arith.index_cast %parallel_loop3A_594 : i32 to index
            %parallel_loop3A_597 = arith.index_cast %parallel_loop3A_520 : i32 to index
            %parallel_loop3A_598 = tpu.vector_load %arg18[%parallel_loop3A_595, %parallel_loop3A_596, %parallel_loop3A_597] {strides = array<i32>} : memref<4x32x768xf32, #tpu.memory_space<vmem>>, vector<16xf32>,
            %parallel_loop3A_599 = arith.subf %parallel_loop3A_598, %broadcast_in_dim3A_343 : vector<16xf32>
            %parallel_loop3A_600 = arith.mulf %parallel_loop3A_599, %mul3A_373 : vector<16xf32>
            %parallel_loop3A_601 = arith.mulf %parallel_loop3A_600, %parallel_loop3A_524 : vector<16xf32>
            %parallel_loop3A_602 = arith.addf %parallel_loop3A_601, %parallel_loop3A_528 : vector<16xf32>
            %parallel_loop3A_603 = arith.constant 4 : i32
            %parallel_loop3A_604 = arith.addi %mul3A_138, %parallel_loop3A_603 : i32
            %parallel_loop3A_605 = arith.index_cast %rem3A_63 : i32 to index
            %parallel_loop3A_606 = arith.index_cast %parallel_loop3A_604 : i32 to index
            %parallel_loop3A_607 = arith.index_cast %parallel_loop3A_520 : i32 to index
            %parallel_loop3A_608 = tpu.vector_load %arg18[%parallel_loop3A_605, %parallel_loop3A_606, %parallel_loop3A_607] {strides = array<i32>} : memref<4x32x768xf32, #tpu.memory_space<vmem>>, vector<16xf32>,
            tpu.vector_store %arg18[%parallel_loop3A_605, %parallel_loop3A_606, %parallel_loop3A_607], %parallel_loop3A_602 {strides = array<i32>} : memref<4x32x768xf32, #tpu.memory_space<vmem>>, vector<16xf32>,
            %parallel_loop3A_609 = arith.constant 5 : i32
            %parallel_loop3A_610 = arith.addi %mul3A_138, %parallel_loop3A_609 : i32
            %parallel_loop3A_611 = arith.index_cast %rem3A_63 : i32 to index
            %parallel_loop3A_612 = arith.index_cast %parallel_loop3A_610 : i32 to index
            %parallel_loop3A_613 = arith.index_cast %parallel_loop3A_520 : i32 to index
            %parallel_loop3A_614 = tpu.vector_load %arg18[%parallel_loop3A_611, %parallel_loop3A_612, %parallel_loop3A_613] {strides = array<i32>} : memref<4x32x768xf32, #tpu.memory_space<vmem>>, vector<16xf32>,
            %parallel_loop3A_615 = arith.subf %parallel_loop3A_614, %broadcast_in_dim3A_390 : vector<16xf32>
            %parallel_loop3A_616 = arith.mulf %parallel_loop3A_615, %mul3A_420 : vector<16xf32>
            %parallel_loop3A_617 = arith.mulf %parallel_loop3A_616, %parallel_loop3A_524 : vector<16xf32>
            %parallel_loop3A_618 = arith.addf %parallel_loop3A_617, %parallel_loop3A_528 : vector<16xf32>
            %parallel_loop3A_619 = arith.constant 5 : i32
            %parallel_loop3A_620 = arith.addi %mul3A_138, %parallel_loop3A_619 : i32
            %parallel_loop3A_621 = arith.index_cast %rem3A_63 : i32 to index
            %parallel_loop3A_622 = arith.index_cast %parallel_loop3A_620 : i32 to index
            %parallel_loop3A_623 = arith.index_cast %parallel_loop3A_520 : i32 to index
            %parallel_loop3A_624 = tpu.vector_load %arg18[%parallel_loop3A_621, %parallel_loop3A_622, %parallel_loop3A_623] {strides = array<i32>} : memref<4x32x768xf32, #tpu.memory_space<vmem>>, vector<16xf32>,
            tpu.vector_store %arg18[%parallel_loop3A_621, %parallel_loop3A_622, %parallel_loop3A_623], %parallel_loop3A_618 {strides = array<i32>} : memref<4x32x768xf32, #tpu.memory_space<vmem>>, vector<16xf32>,
            %parallel_loop3A_625 = arith.constant 6 : i32
            %parallel_loop3A_626 = arith.addi %mul3A_138, %parallel_loop3A_625 : i32
            %parallel_loop3A_627 = arith.index_cast %rem3A_63 : i32 to index
            %parallel_loop3A_628 = arith.index_cast %parallel_loop3A_626 : i32 to index
            %parallel_loop3A_629 = arith.index_cast %parallel_loop3A_520 : i32 to index
            %parallel_loop3A_630 = tpu.vector_load %arg18[%parallel_loop3A_627, %parallel_loop3A_628, %parallel_loop3A_629] {strides = array<i32>} : memref<4x32x768xf32, #tpu.memory_space<vmem>>, vector<16xf32>,
            %parallel_loop3A_631 = arith.subf %parallel_loop3A_630, %broadcast_in_dim3A_437 : vector<16xf32>
            %parallel_loop3A_632 = arith.mulf %parallel_loop3A_631, %mul3A_467 : vector<16xf32>
            %parallel_loop3A_633 = arith.mulf %parallel_loop3A_632, %parallel_loop3A_524 : vector<16xf32>
            %parallel_loop3A_634 = arith.addf %parallel_loop3A_633, %parallel_loop3A_528 : vector<16xf32>
            %parallel_loop3A_635 = arith.constant 6 : i32
            %parallel_loop3A_636 = arith.addi %mul3A_138, %parallel_loop3A_635 : i32
            %parallel_loop3A_637 = arith.index_cast %rem3A_63 : i32 to index
            %parallel_loop3A_638 = arith.index_cast %parallel_loop3A_636 : i32 to index
            %parallel_loop3A_639 = arith.index_cast %parallel_loop3A_520 : i32 to index
            %parallel_loop3A_640 = tpu.vector_load %arg18[%parallel_loop3A_637, %parallel_loop3A_638, %parallel_loop3A_639] {strides = array<i32>} : memref<4x32x768xf32, #tpu.memory_space<vmem>>, vector<16xf32>,
            tpu.vector_store %arg18[%parallel_loop3A_637, %parallel_loop3A_638, %parallel_loop3A_639], %parallel_loop3A_634 {strides = array<i32>} : memref<4x32x768xf32, #tpu.memory_space<vmem>>, vector<16xf32>,
            %parallel_loop3A_641 = arith.constant 7 : i32
            %parallel_loop3A_642 = arith.addi %mul3A_138, %parallel_loop3A_641 : i32
            %parallel_loop3A_643 = arith.index_cast %rem3A_63 : i32 to index
            %parallel_loop3A_644 = arith.index_cast %parallel_loop3A_642 : i32 to index
            %parallel_loop3A_645 = arith.index_cast %parallel_loop3A_520 : i32 to index
            %parallel_loop3A_646 = tpu.vector_load %arg18[%parallel_loop3A_643, %parallel_loop3A_644, %parallel_loop3A_645] {strides = array<i32>} : memref<4x32x768xf32, #tpu.memory_space<vmem>>, vector<16xf32>,
            %parallel_loop3A_647 = arith.subf %parallel_loop3A_646, %broadcast_in_dim3A_484 : vector<16xf32>
            %parallel_loop3A_648 = arith.mulf %parallel_loop3A_647, %mul3A_514 : vector<16xf32>
            %parallel_loop3A_649 = arith.mulf %parallel_loop3A_648, %parallel_loop3A_524 : vector<16xf32>
            %parallel_loop3A_650 = arith.addf %parallel_loop3A_649, %parallel_loop3A_528 : vector<16xf32>
            %parallel_loop3A_651 = arith.constant 7 : i32
            %parallel_loop3A_652 = arith.addi %mul3A_138, %parallel_loop3A_651 : i32
            %parallel_loop3A_653 = arith.index_cast %rem3A_63 : i32 to index
            %parallel_loop3A_654 = arith.index_cast %parallel_loop3A_652 : i32 to index
            %parallel_loop3A_655 = arith.index_cast %parallel_loop3A_520 : i32 to index
            %parallel_loop3A_656 = tpu.vector_load %arg18[%parallel_loop3A_653, %parallel_loop3A_654, %parallel_loop3A_655] {strides = array<i32>} : memref<4x32x768xf32, #tpu.memory_space<vmem>>, vector<16xf32>,
            tpu.vector_store %arg18[%parallel_loop3A_653, %parallel_loop3A_654, %parallel_loop3A_655], %parallel_loop3A_650 {strides = array<i32>} : memref<4x32x768xf32, #tpu.memory_space<vmem>>, vector<16xf32>,
          } {sc.loop_unroll_factor = 4 : i64, sc.parallel_access}
        }
        %scan3A_135 = arith.constant 4 : i32
      } else {
      }
      %mul3A_96 = arith.constant 480 : i32
      %mul3A_97 = arith.muli %mul3A_96, %add3A : i32
      %sub3A = arith.constant 16 : i32
      %sub3A_98 = arith.subi %scan3A_61, %sub3A : i32
      %mul3A_99 = arith.constant 32 : i32
      %mul3A_100 = arith.muli %mul3A_99, %sub3A_98 : i32
      %add3A_101 = arith.addi %mul3A_97, %mul3A_100 : i32
      %div3A = arith.constant 5120 : i32
      %div3A_102 = arith.divsi %add3A_101, %div3A : i32
      %lt3A_103 = arith.constant 16 : i32
      %lt3A_104 = arith.cmpi slt, %scan3A_61, %lt3A_103 : i32
      %convert_element_type3A_105 = arith.extui %lt3A_104 : i1 to i32
      %cond3A_106 = arith.constant 0 : i32
      %cond3A_107 = arith.cmpi ne, %convert_element_type3A_105, %cond3A_106 : i32
      scf.if %cond3A_107 {
        %dma_start3A_130 = arith.constant 0 : i32
        %dma_start3A_131 = arith.constant 0 : i32
        %dma_start3A_132 = tpu.memref_slice %arg18[%rem3A_63, %dma_start3A_130, %dma_start3A_131] : memref<4x32x768xf32, #tpu.memory_space<vmem>> -> memref<1x32x768xf32, #tpu.memory_space<vmem>>
        %dma_start3A_133 = tpu.memref_squeeze %dma_start3A_132 : memref<1x32x768xf32, #tpu.memory_space<vmem>> -> memref<32x768xf32, #tpu.memory_space<vmem>>
        %dma_start3A_134 = arith.constant 0 : i32
        %dma_start3A_135 = tpu.memref_slice %arg16[%scan3A_61, %dma_start3A_134] : memref<31x32xi32, #tpu.memory_space<vmem>> -> memref<1x32xi32, #tpu.memory_space<vmem>>
        %dma_start3A_136 = tpu.memref_squeeze %dma_start3A_135 : memref<1x32xi32, #tpu.memory_space<vmem>> -> memref<32xi32, #tpu.memory_space<vmem>>
        %dma_start3A_137 = arith.constant 0 : i32
        %dma_start3A_138 = arith.constant 0 : i32
        %dma_start3A_139 = tpu.memref_slice %arg10[%dma_start3A_137, %dma_start3A_138] : memref<16384x768xf32, #tpu.memory_space<hbm>> -> memref<16384x768xf32, #tpu.memory_space<hbm>>
        tpu.enqueue_indirect_dma source(%dma_start3A_133 : memref<32x768xf32, #tpu.memory_space<vmem>>) target(%dma_start3A_139 : memref<16384x768xf32, #tpu.memory_space<hbm>>) offsets(%dma_start3A_136 : memref<32xi32, #tpu.memory_space<vmem>>) semaphore(%arg20 : memref<!tpu.dma_semaphore, #tpu.memory_space<semaphore_mem>>)
      } else {
      }
      %ge3A_108 = arith.constant 16 : i32
      %ge3A_109 = arith.cmpi sge, %scan3A_61, %ge3A_108 : i32
      %eq3A = arith.constant 0 : i32
      %eq3A_110 = arith.cmpi eq, %div3A_102, %eq3A : i32
      %and3A = arith.andi %ge3A_109, %eq3A_110 : i1
      %convert_element_type3A_111 = arith.extui %and3A : i1 to i32
      %cond3A_112 = arith.constant 0 : i32
      %cond3A_113 = arith.cmpi ne, %convert_element_type3A_111, %cond3A_112 : i32
      scf.if %cond3A_113 {
        %dma_start3A_130 = arith.constant 0 : i32
        %dma_start3A_131 = arith.constant 0 : i32
        %dma_start3A_132 = tpu.memref_slice %arg18[%rem3A_63, %dma_start3A_130, %dma_start3A_131] : memref<4x32x768xf32, #tpu.memory_space<vmem>> -> memref<1x32x768xf32, #tpu.memory_space<vmem>>
        %dma_start3A_133 = tpu.memref_squeeze %dma_start3A_132 : memref<1x32x768xf32, #tpu.memory_space<vmem>> -> memref<32x768xf32, #tpu.memory_space<vmem>>
        %dma_start3A_134 = arith.constant 0 : i32
        %dma_start3A_135 = tpu.memref_slice %arg16[%scan3A_61, %dma_start3A_134] : memref<31x32xi32, #tpu.memory_space<vmem>> -> memref<1x32xi32, #tpu.memory_space<vmem>>
        %dma_start3A_136 = tpu.memref_squeeze %dma_start3A_135 : memref<1x32xi32, #tpu.memory_space<vmem>> -> memref<32xi32, #tpu.memory_space<vmem>>
        %dma_start3A_137 = arith.constant 0 : i32
        %dma_start3A_138 = arith.constant 0 : i32
        %dma_start3A_139 = tpu.memref_slice %arg11[%dma_start3A_137, %dma_start3A_138] : memref<5120x768xf32, #tpu.memory_space<hbm>> -> memref<5120x768xf32, #tpu.memory_space<hbm>>
        tpu.enqueue_indirect_dma source(%dma_start3A_133 : memref<32x768xf32, #tpu.memory_space<vmem>>) target(%dma_start3A_139 : memref<5120x768xf32, #tpu.memory_space<hbm>>) offsets(%dma_start3A_136 : memref<32xi32, #tpu.memory_space<vmem>>) semaphore(%arg20 : memref<!tpu.dma_semaphore, #tpu.memory_space<semaphore_mem>>)
      } else {
      }
      %ge3A_114 = arith.constant 16 : i32
      %ge3A_115 = arith.cmpi sge, %scan3A_61, %ge3A_114 : i32
      %eq3A_116 = arith.constant 1 : i32
      %eq3A_117 = arith.cmpi eq, %div3A_102, %eq3A_116 : i32
      %and3A_118 = arith.andi %ge3A_115, %eq3A_117 : i1
      %convert_element_type3A_119 = arith.extui %and3A_118 : i1 to i32
      %cond3A_120 = arith.constant 0 : i32
      %cond3A_121 = arith.cmpi ne, %convert_element_type3A_119, %cond3A_120 : i32
      scf.if %cond3A_121 {
        %dma_start3A_130 = arith.constant 0 : i32
        %dma_start3A_131 = arith.constant 0 : i32
        %dma_start3A_132 = tpu.memref_slice %arg18[%rem3A_63, %dma_start3A_130, %dma_start3A_131] : memref<4x32x768xf32, #tpu.memory_space<vmem>> -> memref<1x32x768xf32, #tpu.memory_space<vmem>>
        %dma_start3A_133 = tpu.memref_squeeze %dma_start3A_132 : memref<1x32x768xf32, #tpu.memory_space<vmem>> -> memref<32x768xf32, #tpu.memory_space<vmem>>
        %dma_start3A_134 = arith.constant 0 : i32
        %dma_start3A_135 = tpu.memref_slice %arg16[%scan3A_61, %dma_start3A_134] : memref<31x32xi32, #tpu.memory_space<vmem>> -> memref<1x32xi32, #tpu.memory_space<vmem>>
        %dma_start3A_136 = tpu.memref_squeeze %dma_start3A_135 : memref<1x32xi32, #tpu.memory_space<vmem>> -> memref<32xi32, #tpu.memory_space<vmem>>
        %dma_start3A_137 = arith.constant 0 : i32
        %dma_start3A_138 = arith.constant 0 : i32
        %dma_start3A_139 = tpu.memref_slice %arg12[%dma_start3A_137, %dma_start3A_138] : memref<5120x768xf32, #tpu.memory_space<hbm>> -> memref<5120x768xf32, #tpu.memory_space<hbm>>
        tpu.enqueue_indirect_dma source(%dma_start3A_133 : memref<32x768xf32, #tpu.memory_space<vmem>>) target(%dma_start3A_139 : memref<5120x768xf32, #tpu.memory_space<hbm>>) offsets(%dma_start3A_136 : memref<32xi32, #tpu.memory_space<vmem>>) semaphore(%arg20 : memref<!tpu.dma_semaphore, #tpu.memory_space<semaphore_mem>>)
      } else {
      }
      %ge3A_122 = arith.constant 16 : i32
      %ge3A_123 = arith.cmpi sge, %scan3A_61, %ge3A_122 : i32
      %eq3A_124 = arith.constant 2 : i32
      %eq3A_125 = arith.cmpi eq, %div3A_102, %eq3A_124 : i32
      %and3A_126 = arith.andi %ge3A_123, %eq3A_125 : i1
      %convert_element_type3A_127 = arith.extui %and3A_126 : i1 to i32
      %cond3A_128 = arith.constant 0 : i32
      %cond3A_129 = arith.cmpi ne, %convert_element_type3A_127, %cond3A_128 : i32
      scf.if %cond3A_129 {
        %dma_start3A_130 = arith.constant 0 : i32
        %dma_start3A_131 = arith.constant 0 : i32
        %dma_start3A_132 = tpu.memref_slice %arg18[%rem3A_63, %dma_start3A_130, %dma_start3A_131] : memref<4x32x768xf32, #tpu.memory_space<vmem>> -> memref<1x32x768xf32, #tpu.memory_space<vmem>>
        %dma_start3A_133 = tpu.memref_squeeze %dma_start3A_132 : memref<1x32x768xf32, #tpu.memory_space<vmem>> -> memref<32x768xf32, #tpu.memory_space<vmem>>
        %dma_start3A_134 = arith.constant 0 : i32
        %dma_start3A_135 = tpu.memref_slice %arg16[%scan3A_61, %dma_start3A_134] : memref<31x32xi32, #tpu.memory_space<vmem>> -> memref<1x32xi32, #tpu.memory_space<vmem>>
        %dma_start3A_136 = tpu.memref_squeeze %dma_start3A_135 : memref<1x32xi32, #tpu.memory_space<vmem>> -> memref<32xi32, #tpu.memory_space<vmem>>
        %dma_start3A_137 = arith.constant 0 : i32
        %dma_start3A_138 = arith.constant 0 : i32
        %dma_start3A_139 = tpu.memref_slice %arg13[%dma_start3A_137, %dma_start3A_138] : memref<5120x768xf32, #tpu.memory_space<hbm>> -> memref<5120x768xf32, #tpu.memory_space<hbm>>
        tpu.enqueue_indirect_dma source(%dma_start3A_133 : memref<32x768xf32, #tpu.memory_space<vmem>>) target(%dma_start3A_139 : memref<5120x768xf32, #tpu.memory_space<hbm>>) offsets(%dma_start3A_136 : memref<32xi32, #tpu.memory_space<vmem>>) semaphore(%arg20 : memref<!tpu.dma_semaphore, #tpu.memory_space<semaphore_mem>>)
      } else {
      }
    }
    %scan3A_31 = arith.constant 31 : i32
    %dma_wait3A = arith.constant 0 : i32
    %dma_wait3A_32 = arith.constant 0 : i32
    %dma_wait3A_33 = arith.constant 0 : i32
    %dma_wait3A_34 = tpu.memref_slice %arg18[%dma_wait3A, %dma_wait3A_32, %dma_wait3A_33] : memref<4x32x768xf32, #tpu.memory_space<vmem>> -> memref<1x32x768xf32, #tpu.memory_space<vmem>>
    %dma_wait3A_35 = tpu.memref_squeeze %dma_wait3A_34 : memref<1x32x768xf32, #tpu.memory_space<vmem>> -> memref<32x768xf32, #tpu.memory_space<vmem>>
    %dma_wait3A_36 = arith.constant 0 : i32
    %dma_wait3A_37 = arith.constant 0 : i32
    %dma_wait3A_38 = tpu.memref_slice %arg10[%dma_wait3A_36, %dma_wait3A_37] : memref<16384x768xf32, #tpu.memory_space<hbm>> -> memref<32x768xf32, #tpu.memory_space<hbm>>
    %dma_wait3A_39 = arith.constant 0 : i32
    %dma_wait3A_40 = arith.constant 0 : i32
    %dma_wait3A_41 = tpu.memref_slice %arg10[%dma_wait3A_39, %dma_wait3A_40] : memref<16384x768xf32, #tpu.memory_space<hbm>> -> memref<32x768xf32, #tpu.memory_space<hbm>>
    %dma_wait3A_42 = arith.constant 0 : i32
    %dma_wait3A_43 = arith.constant 0 : i32
    %dma_wait3A_44 = tpu.memref_slice %arg18[%dma_wait3A, %dma_wait3A_42, %dma_wait3A_43] : memref<4x32x768xf32, #tpu.memory_space<vmem>> -> memref<1x32x768xf32, #tpu.memory_space<vmem>>
    %dma_wait3A_45 = tpu.memref_squeeze %dma_wait3A_44 : memref<1x32x768xf32, #tpu.memory_space<vmem>> -> memref<32x768xf32, #tpu.memory_space<vmem>>
    tpu.wait_dma2 semaphore(%arg20 : memref<!tpu.dma_semaphore, #tpu.memory_space<semaphore_mem>>) src(%dma_wait3A_45 : memref<32x768xf32, #tpu.memory_space<vmem>>) dst(%dma_wait3A_41 : memref<32x768xf32, #tpu.memory_space<hbm>>)
    %dma_wait3A_46 = arith.constant 0 : i32
    %dma_wait3A_47 = arith.constant 0 : i32
    %dma_wait3A_48 = arith.constant 0 : i32
    %dma_wait3A_49 = tpu.memref_slice %arg18[%dma_wait3A_46, %dma_wait3A_47, %dma_wait3A_48] : memref<4x32x768xf32, #tpu.memory_space<vmem>> -> memref<1x32x768xf32, #tpu.memory_space<vmem>>
    %dma_wait3A_50 = tpu.memref_squeeze %dma_wait3A_49 : memref<1x32x768xf32, #tpu.memory_space<vmem>> -> memref<32x768xf32, #tpu.memory_space<vmem>>
    %dma_wait3A_51 = arith.constant 0 : i32
    %dma_wait3A_52 = arith.constant 0 : i32
    %dma_wait3A_53 = tpu.memref_slice %arg10[%dma_wait3A_51, %dma_wait3A_52] : memref<16384x768xf32, #tpu.memory_space<hbm>> -> memref<32x768xf32, #tpu.memory_space<hbm>>
    %dma_wait3A_54 = arith.constant 0 : i32
    %dma_wait3A_55 = arith.constant 0 : i32
    %dma_wait3A_56 = tpu.memref_slice %arg10[%dma_wait3A_54, %dma_wait3A_55] : memref<16384x768xf32, #tpu.memory_space<hbm>> -> memref<32x768xf32, #tpu.memory_space<hbm>>
    %dma_wait3A_57 = arith.constant 0 : i32
    %dma_wait3A_58 = arith.constant 0 : i32
    %dma_wait3A_59 = tpu.memref_slice %arg18[%dma_wait3A_46, %dma_wait3A_57, %dma_wait3A_58] : memref<4x32x768xf32, #tpu.memory_space<vmem>> -> memref<1x32x768xf32, #tpu.memory_space<vmem>>
    %dma_wait3A_60 = tpu.memref_squeeze %dma_wait3A_59 : memref<1x32x768xf32, #tpu.memory_space<vmem>> -> memref<32x768xf32, #tpu.memory_space<vmem>>
    tpu.wait_dma2 semaphore(%arg20 : memref<!tpu.dma_semaphore, #tpu.memory_space<semaphore_mem>>) src(%dma_wait3A_60 : memref<32x768xf32, #tpu.memory_space<vmem>>) dst(%dma_wait3A_56 : memref<32x768xf32, #tpu.memory_space<hbm>>)
    return
  }
}

</mosaic_0001>

<sc_bundles>
// kernel: kernel.3.cloned.1.call-start
scs
__scs_entry_jumppad:
0x0: {  	(pc) =	sbr.rel $0x88, $3  }
0x1: {  	(tag) =	ssettag $0x0;
	lr =	simm.s32 $0x1  }
0x2: {  	[smem:$0x3F97] =	sst lr;
	_ =	strace $0xD0000000  }
0x3: {  	_ = 	snop  }
0x4: {  	_ = 	snop  }
0x5: {  	_ = 	snop  }
0x6: {  	_ = 	snop  }
0x7: {  	_ = 	snop  }
__scs_overlays_trampoline_lowered:
0x8: {  	[smem:$0x3FA6] =	sst s0  }
0x9: {  	[smem:$0x3FA7] =	sst s1  }
0xa: {  	[smem:$0x3FA8] =	sst s2  }
0xb: {  	[smem:$0x3FA9] =	sst s3  }
0xc: {  	[smem:$0x3FAA] =	sst s4  }
0xd: {  	[smem:$0x3FAB] =	sst s5  }
0xe: {  	[smem:$0x3FAC] =	sst s6  }
0xf: {  	[smem:$0x3FAD] =	sst s7  }
0x10: {  	[smem:$0x3FAE] =	sst s8  }
0x11: {  	[smem:$0x3FAF] =	sst s9;
	s0 =	simm.s32 @!p0 $0x0  }
0x12: {  	s1 =	sld [smem:$0x3F95];
	s0 =	simm.s32 @p0 $0x1  }
0x13: {  	[smem:$0x3FB0] =	sst s0;
	s0 =	simm.s32 @!p1 $0x0  }
0x14: {  	s2 =	sld [smem:$0x3F94];
	s0 =	simm.s32 @p1 $0x1  }
0x15: {  	[smem:$0x3FB1] =	sst s0;
	s0 =	simm.s32 @!p2 $0x0  }
0x16: {  	s3 =	sld [smem:$0x3FDB];
	s0 =	simm.s32 @p2 $0x1  }
0x17: {  	s4 =	simm.s32 $0x1BF5;
	[smem:$0x3FB3] =	sst s0  }
0x18: {  	s0 =	sld [smem:$0x3F96];
	_ =	swait.ge [sflag:s4], $0x0  }
0x19: {  	s7 =	sld [smem:$0x3F97]  }
0x1a: {  	s8 =	sadd.s32 $0xFFFFE003, lr  }
0x1b: {  	s9 =	sadd.s32 $0xFFFFFEF7, lr;
	s5 =	simm.s32 $0xFFFFFFFF;
	p2 =	slt.u32 s8, $0xFFFFF086  }
0x1c: {  	p1 =	slt.u32 s9, $0xF7A;
	s5 =	simm.s32 @!p2 $0x0  }
0x1d: {  	s5 =	simm.s32 @p1 $0x1;
	p0 =	seq.s32 s7, s2  }
0x1e: {  	s7 =	smul.u32 @!p0 $0xF7A, s2;
	p2 =	seq.s32 @!p0 s5, $0x0  }
0x1f: {  	s9 =	smul.u32 $0xF7A, s1;
	s8 =	simm.s32 @!p0 $0x1BF5;
	p2 =	por !p2, p0  }
0x20: {  	[sflag:s8] =	ssyncset.s32 @!p0 $0xFFFFF086;
	s6 =	sadd.s32 @!p0 s3, s7;
	s7 =	simm.s32 @!p0 $0x108  }
0x21: {  	s3 =	sadd.s32 s3, s9;
	s6 =	sadd.s32 @!p0 $0x88, s6;
	s7 =	simm.s32 @p2 $0x1082  }
0x22: {  	[simem:s7], [sflag:s8] =	dma.local @!p0 [hbm:s6], $0xF7A  }
0x23: {  	s9 =	sor.u32 $0xD0000000, s2;
	s6 =	simm.s32 $0x108;
	_ =	swait.ge @!p0 [sflag:s8], $0x0  }
0x24: {  	s3 =	sadd.s32 $0x88, s3;
	s6 =	simm.s32 @!p1 $0x1082;
	[sflag:s4] =	ssyncset.s32 $0xFFFFF086  }
0x25: {  	[simem:s6], [sflag:s4] =	dma.local [hbm:s3], $0xF7A  }
0x26: {  	[smem:$0x3F97] =	sst s1;
	(tag) =	ssettag s2;
	_ =	strace s9  }
0x27: {  	s1 =	sld [smem:$0x3FA7]  }
0x28: {  	s2 =	sld [smem:$0x3FA8]  }
0x29: {  	s4 =	sld [smem:$0x3FAA]  }
0x2a: {  	p0 =	seq.s32 s5, $0x0;
	s5 =	sld [smem:$0x3FAB]  }
0x2b: {  	s6 =	sld [smem:$0x3FAC]  }
0x2c: {  	s7 =	sld [smem:$0x3FAD]  }
0x2d: {  	s3 =	simm.s32 $0x108;
	s8 =	sld [smem:$0x3FAE]  }
0x2e: {  	s3 =	simm.s32 @!p0 $0x1082;
	s9 =	sld [smem:$0x3FAF]  }
0x2f: {  	lr =	sadd.s32 s0, s3;
	s0 =	sld [smem:$0x3FA6]  }
0x30: {  	s3 =	sld [smem:$0x3FA9]  }
0x31: {  	[smem:$0x3FB2] =	sst s10  }
0x32: {  	s10 =	sld [smem:$0x3FB0];
	_ =	sdelay $0x3  }
0x33: {  	p0 =	seq.s32 s10, $0x1;
	s10 =	sld [smem:$0x3FB2];
	_ =	sdelay $0x3  }
0x34: {  	[smem:$0x3FB2] =	sst s10  }
0x35: {  	s10 =	sld [smem:$0x3FB1];
	_ =	sdelay $0x3  }
0x36: {  	p1 =	seq.s32 s10, $0x1;
	s10 =	sld [smem:$0x3FB2];
	_ =	sdelay $0x3  }
0x37: {  	[smem:$0x3FB2] =	sst s10  }
0x38: {  	s10 =	sld [smem:$0x3FB3]  }
0x39: {  	_ = 	snop;
	(pc) =	sbr.ind lr, $3  }
0x3a: {  	_ = 	snop  }
0x3b: {  	_ = 	snop  }
0x3c: {  	p2 =	seq.s32 s10, $0x1;
	s10 =	sld [smem:$0x3FB2]  }
0x3d: {  	_ =	shalt  }
0x3e: {  	_ =	shalt  }
0x3f: {  	_ =	shalt  }
0x40: {  	_ =	shalt  }
0x41: {  	_ =	shalt  }
0x42: {  	_ =	shalt  }
0x43: {  	_ =	shalt  }
0x44: {  	_ =	shalt  }
0x45: {  	_ =	shalt  }
0x46: {  	_ =	shalt  }
0x47: {  	_ =	shalt  }
0x48: {  	_ =	shalt  }
0x49: {  	_ =	shalt  }
0x4a: {  	_ =	shalt  }
0x4b: {  	_ =	shalt  }
0x4c: {  	_ =	shalt  }
0x4d: {  	_ =	shalt  }
0x4e: {  	_ =	shalt  }
0x4f: {  	_ =	shalt  }
0x50: {  	_ =	shalt  }
0x51: {  	_ =	shalt  }
0x52: {  	_ =	shalt  }
0x53: {  	_ =	shalt  }
0x54: {  	_ =	shalt  }
0x55: {  	_ =	shalt  }
0x56: {  	_ =	shalt  }
0x57: {  	_ =	shalt  }
0x58: {  	_ =	shalt  }
0x59: {  	_ =	shalt  }
0x5a: {  	_ =	shalt  }
0x5b: {  	_ =	shalt  }
0x5c: {  	_ =	shalt  }
0x5d: {  	_ =	shalt  }
0x5e: {  	_ =	shalt  }
0x5f: {  	_ =	shalt  }
0x60: {  	_ =	shalt  }
0x61: {  	_ =	shalt  }
0x62: {  	_ =	shalt  }
0x63: {  	_ =	shalt  }
0x64: {  	_ =	shalt  }
0x65: {  	_ =	shalt  }
0x66: {  	_ =	shalt  }
0x67: {  	_ =	shalt  }
0x68: {  	_ =	shalt  }
0x69: {  	_ =	shalt  }
0x6a: {  	_ =	shalt  }
0x6b: {  	_ =	shalt  }
0x6c: {  	_ =	shalt  }
0x6d: {  	_ =	shalt  }
0x6e: {  	_ =	shalt  }
0x6f: {  	_ =	shalt  }
0x70: {  	_ =	shalt  }
0x71: {  	_ =	shalt  }
0x72: {  	_ =	shalt  }
0x73: {  	_ =	shalt  }
0x74: {  	_ =	shalt  }
0x75: {  	_ =	shalt  }
0x76: {  	_ =	shalt  }
0x77: {  	_ =	shalt  }
0x78: {  	_ =	shalt  }
0x79: {  	_ =	shalt  }
0x7a: {  	_ =	shalt  }
0x7b: {  	_ =	shalt  }
0x7c: {  	_ =	shalt  }
0x7d: {  	_ =	shalt  }
0x7e: {  	_ =	shalt  }
0x7f: {  	_ =	shalt  }
0x80: {  	_ =	shalt  }
0x81: {  	_ =	shalt  }
0x82: {  	_ =	shalt  }
0x83: {  	_ =	shalt  }
0x84: {  	_ =	shalt  }
0x85: {  	_ =	shalt  }
0x86: {  	_ =	shalt  }
0x87: {  	_ =	shalt  }
.Lfunc_end0:
.L_simem_size_0:
called_computation_lowered:
.L_overlay_start_0:
0x88: {  	s2 =	sld [smem:$0x3FD9]  }
0x89: {  	s3 =	sld [smem:$0x3FFE];
	_ =	sdelay $0x1  }
0x8a: {  	s1 =	srdreg.scid  }
0x8b: {  	s0 =	sand.u32 $0x1, s1  }
0x8c: {  	s30 =	sshll.u32 s0, $0xA;
	s2 =	sadd.s32 s3, s2  }
0x8d: {  	s2 =	sadd.s32 s2, s30  }
0x8e: {  	[smem:$0x3FBE] =	sst s2  }
0x8f: {  	_ = 	snop  }
0x90: {  	s2 =	sld [smem:$0x3FC4]  }
0x91: {  	s31 =	sld [smem:$0x3FC3]  }
0x92: {  	s4 =	sld [smem:$0x3FD0]  }
0x93: {  	s5 =	sld [smem:$0x3FC2]  }
0x94: {  	s6 =	sld [smem:$0x3FC1]  }
0x95: {  	s8 =	simm.s32 $0xA;
	s9 =	simm.s32 $0x10;
	s7 =	sld [smem:$0x3FC0]  }
0x96: {  	[smem:s9], [sflag:s8] =	dma.local [hbm:s4], $0x1  }
0x97: {  	_ =	swait.eq [sflag:s8], $0x1  }
0x98: {  	s16 =	sld [smem:$0x10]  }
0x99: {  	s17 =	sld [smem:$0x11];
	[sflag:s8] =	ssyncset.done $0x0  }
0x9a: {  	s10 =	sld [smem:$0x12];
	[sflag:s8] =	ssyncadd.s32 $0xFFFFFFFF  }
0x9b: {  	s18 =	sld [smem:$0x13];
	(tm) =	ssettm $0x1  }
0x9c: {  	s11 =	sld [smem:$0x3FFB];
	_ =	sdelay $0x3  }
0x9d: {  	_ =	strace s11  }
0x9e: {  	s11 =	sld [smem:$0x3FFC];
	_ =	sdelay $0x3  }
0x9f: {  	_ =	strace s11  }
0xa0: {  	s11 =	sld [smem:$0x3FFD];
	_ =	sdelay $0x3  }
0xa1: {  	_ =	strace s11  }
0xa2: {  	_ =	strace $0x8FFFFFFF  }
0xa3: {  	s19 =	sld [smem:$0x3FDB];
	_ =	sdelay $0x1  }
0xa4: {  	s12 =	simm.s32 $_scs_section_size  }
0xa5: {  	s13 =	simm.s32 $_size__tile_overlayer_lowered;
	s14 =	simm.s32 $_tile_overlayer_lowered  }
0xa6: {  	s22 =	simm.s32 $0x1BFF;
	s21 =	sshll.u32 s14, $0x1;
	s11 =	sadd.s32 s12, s19  }
0xa7: {  	s15 =	simm.s32 $0x0;
	s20 =	sshll.u32 s13, $0x1;
	s13 =	sadd.s32 s21, s11  }
0xa8: {  	[timem:s15], [sflag:s22] =	dma.local [hbm:s13], s20  }
0xa9: {  	_ =	swait.ge [sflag:s22], s20  }
0xaa: {  	s12 =	ssub.s32 $0x0, s20;
	[sflag:s22] =	ssyncset.done $0x0  }
0xab: {  	[sflag:s22] =	ssyncadd.s32 s12;
	_ =	sdelay $0x1  }
0xac: {  	s23 =	simm.s32 $0x1B8B  }
0xad: {  	_ =	swait.ge [sflag:s23], $0x1  }
0xae: {  	[sflag:s23] =	ssyncset.done $0x0  }
0xaf: {  	s25 =	simm.s32 $0x1B8E;
	s24 =	sld [smem:$0x3FFE];
	[sflag:s23] =	ssyncadd.s32 $0xFFFFFFFF  }
0xb0: {  	s26 =	simm.s32 $execute0_lowered;
	[smem:$0x3FD2] =	sst s25  }
0xb1: {  	s13 =	sshll.u32 s26, $0x1;
	_ =	strace $0x80000046;
	[dreg:$0x1] =	wrdreg $0xFFFFFFFF  }
0xb2: {  	s28 =	simm.s32 $_size_execute0_lowered;
	s11 =	sadd.s32 s11, s13;
	[dreg:$0x0] =	wrdreg $0x0  }
0xb3: {  	s13 =	sshll.u32 s28, $0x1;
	[dreg:$0x2] =	wrdreg s11  }
0xb4: {  	[dreg:$0x3] =	wrdreg s13  }
0xb5: {  	[dreg:$0x4] =	wrdreg $0xC0  }
0xb6: {  	_ =	task [dreg:s15], $0x5FFFF  }
0xb7: {  	[dreg:$0x1] =	wrdreg $0xFFFFFFFF  }
0xb8: {  	[dreg:$0x0] =	wrdreg $0x60  }
0xb9: {  	[dreg:$0x2] =	wrdreg s24  }
0xba: {  	[dreg:$0x3] =	wrdreg s31  }
0xbb: {  	[dreg:$0x4] =	wrdreg s5  }
0xbc: {  	[dreg:$0x5] =	wrdreg s6  }
0xbd: {  	[dreg:$0x6] =	wrdreg s7  }
0xbe: {  	[dreg:$0x7] =	wrdreg s2  }
0xbf: {  	[dreg:$0x8] =	wrdreg s16  }
0xc0: {  	[dreg:$0x9] =	wrdreg s17  }
0xc1: {  	[dreg:$0xa] =	wrdreg s10  }
0xc2: {  	[dreg:$0xb] =	wrdreg s18  }
0xc3: {  	[dreg:$0xc] =	wrdreg $0x9  }
0xc4: {  	_ =	task.clear_ibuf [dreg:s15], $0xDFFFF;
	_ =	strace $0x90000046  }
0xc5: {  	s29 =	simm.s32 $0x9;
	_ =	strace $0x80000048  }
0xc6: {  	_ =	swait.ge [sflag:s29], $0x1  }
0xc7: {  	[sflag:s29] =	ssyncadd.s32 $0xFFFFFFFF  }
0xc8: {  	_ =	strace $0x90000048  }
0xc9: {  	_ =	sfence  }
0xca: {  	s30 =	sld [smem:$0x0];
	_ =	sdelay $0x2  }
0xcb: {  	s31 =	sshll.u32 s1, $0xD;
	s1 =	sshrl.u32 s1, $0x2  }
0xcc: {  	s3 =	sand.u32 $0x4000, s31;
	s1 =	sadd.s32 s1, s30  }
0xcd: {  	s0 =	sor.u32 s3, s0;
	s1 =	sshll.u32 s1, $0x11  }
0xce: {  	s0 =	sor.u32 s1, s0  }
0xcf: {  	s0 =	sadd.s32 $0x8F2B, s0  }
0xd0: {  	[sflag:s0] =	ssyncadd.remote.s32 $0x1  }
0xd1: {  	_ =	sfence.sel $0xFFFF  }
0xd2: {  	[dreg:$0x0] =	wrdreg $0xFFFFFFFF;
	(pc) =	sbr.abs _section_cstart, $3  }
0xd3: {  	[dreg:$0x1] =	wrdreg $0xFFFFFFFF  }
0xd4: {  	_ =	task.clear_ibuf [dreg:s15], $0x2FFFF;
	_ =	strace $0x9FFFFFFF  }
0xd5: {  	(tm) =	ssettm $0x7FFFFFFF  }
tec
execute0_lowered:
.L_overlay_start_1:
0x0: {  	(tag) =	ssettag $0x1  }
0x1: {  	s0 =	rddreg [dreg:$0x0]  }
0x2: {  	s6 =	rddreg [dreg:$0x1]  }
0x3: {  	s7 =	rddreg [dreg:$0x2]  }
0x4: {  	s8 =	rddreg [dreg:$0x3]  }
0x5: {  	s9 =	rddreg [dreg:$0x4]  }
0x6: {  	s10 =	rddreg [dreg:$0x5];
	s5 =	simm.s32 $0x0  }
0x7: {  	[smem:$0x7FF] =	sst s5;
	s12 =	sadd.s32 $0x100, s10  }
0x8: {  	s13 =	sadd.s32 $0x200, s10;
	_ =	strace $0x80000047;
	[smem:$0x7EB] =	sst s12  }
0x9: {  	s16 =	sadd.s32 $0x40, s7;
	[smem:$0x7EC] =	sst s13  }
0xa: {  	s17 =	sadd.s32 $0x80, s7;
	[smem:$0x7EF] =	sst s16  }
0xb: {  	s18 =	sadd.s32 $0xC0, s7;
	[smem:$0x7F0] =	sst s17  }
0xc: {  	s19 =	sadd.s32 $0x100, s7;
	[smem:$0x7F1] =	sst s18  }
0xd: {  	s20 =	sadd.s32 $0x140, s7;
	[smem:$0x7F2] =	sst s19  }
0xe: {  	s21 =	sadd.s32 $0x10, s8;
	[smem:$0x7F3] =	sst s20  }
0xf: {  	s1 =	srdreg.scid;
	s22 =	sadd.s32 $0x20, s8;
	[smem:$0x7F4] =	sst s21  }
0x10: {  	s3 =	stileid.u32;
	s23 =	sadd.s32 $0x30, s8;
	[smem:$0x7F5] =	sst s22  }
0x11: {  	s1 =	sand.u32 $0x1, s1;
	s24 =	sadd.s32 $0x40, s8;
	[smem:$0x7F6] =	sst s23  }
0x12: {  	s2 =	sshll.u32 s3, $0x1;
	s25 =	sadd.s32 $0x50, s8;
	[smem:$0x7F7] =	sst s24  }
0x13: {  	s26 =	sadd.s32 $0x10, s9;
	s2 =	sor.u32 s1, s2;
	[smem:$0x7F8] =	sst s25  }
0x14: {  	s1 =	ssub.s32 $0x2, s1;
	[smem:$0x7F9] =	sst s26;
	s4 =	sshll.u32 s2, $0x4  }
0x15: {  	s28 =	sshll.u32 s2, $0x9;
	s29 =	sshrl.u32 s1, $0x1;
	s30 =	smul.u32 $0x600, s2  }
0x16: {  	s2 =	smul.u32 $0x1E0, s2;
	s1 =	ssub.s32 s1, s29;
	s29 =	sadd.s32 $0x30, s9  }
0x17: {  	s3 =	sshll.u32 s3, $0x8;
	s11 =	sadd.s32 s6, s30;
	[smem:$0x7FB] =	sst s29  }
0x18: {  	s3 =	sor.u32 s3, s4;
	s14 =	sadd.s32 $0xFFFFFE00, s2;
	[smem:$0x7EA] =	sst s11  }
0x19: {  	s3 =	sand.u32 $0xC70, s3;
	s15 =	smax.u32 s1, $0x1;
	[smem:$0x7ED] =	sst s14  }
0x1a: {  	s30 =	sadd.s32 $0x40, s9;
	s3 =	sadd.s32 s3, s0;
	[smem:$0x7EE] =	sst s15  }
0x1b: {  	s0 =	sadd.s32 s28, s0;
	s28 =	sadd.s32 $0x20, s9;
	[smem:$0x7FC] =	sst s30  }
.Ltmp0:
0x1c: {  	s31 =	sadd.s32 $0x5800, s3;
	[smem:$0x7FA] =	sst s28;
	(pc) =	sbr.rel .LBB2_1-.Ltmp0, $4  }
0x1d: {  	s3 =	sadd.s32 $0x4800, s3;
	[smem:$0x7E7] =	sst s31  }
0x1e: {  	v2 =	vlaneseq.u32;
	s0 =	sadd.s32 $0x800, s0;
	[smem:$0x7E8] =	sst s3  }
0x1f: {  	vm0 =	vmmov $0xffff;
	v1 =	vshrl.u32 v2, $0x3;
	[smem:$0x7E9] =	sst s0;
	s31 =	sadd.s32 $0x50, s9  }
0x20: {  	v0 =	vand.u32 $0x7, v2;
	v2 =	vor.u32 $0x8, v2;
	v1 =	vmul.u32 $0x8, v1;
	s2 =	simm.s32 $0x0;
	[smem:$0x7FD] =	sst s31  }
.LBB2_21:
0x21: {  	s1 =	simm.s32 $0x2  }
0x22: {  	_ =	swait.ge [sflag:s1], $0x6000  }
0x23: {  	[sflag:s1] =	ssyncset.done $0x0  }
0x24: {  	[sflag:s1] =	ssyncadd.s32 $0xFFFFA000  }
0x25: {  	_ =	swait.ge [sflag:s1], $0x6000  }
0x26: {  	s2 =	sld [smem:$0x7E6]  }
0x27: {  	s0 =	sld [smem:$0x7EE];
	_ =	sdelay $0x1  }
0x28: {  	s2 =	sadd.s32 $0x1, s2  }
0x29: {  	p0 =	sne.s32 s2, s0  }
.Ltmp1:
0x2a: {  	_ = 	snop;
	(pc) =	sbr.rel @!p0 .LBB2_22-.Ltmp1, $3  }
0x2b: {  	_ =	sdelay $0x1  }
0x2c: {  	[sflag:s1] =	ssyncset.done $0x0  }
0x2d: {  	[sflag:s1] =	ssyncadd.s32 $0xFFFFA000  }
.LBB2_1:
0x2e: {  	s0 =	sld [smem:$0x7E7]  }
0x2f: {  	[smem:$0x7E6] =	sst s2;
	s1 =	simm.s32 $0x0  }
0x30: {  	s20 =	simm.s32 $0x80;
	s3 =	simm.s32 $0x400;
	s7 =	simm.s32 $0x3  }
0x31: {  	[tilespmem:s1], [sflag:$0x3] =	stream.strided.gather [hbm4b:s0+s20], $0x400, s3, s20, $0x38;
	[tilespmem:$0x1F800] =	vst v63  }
0x32: {  	_ =	swait.ge [sflag:s7], $0x400  }
0x33: {  	s21 =	sld [smem:$0x7E8]  }
0x34: {  	[sflag:s7] =	ssyncset.done $0x0  }
0x35: {  	[sflag:s7] =	ssyncadd.s32 $0xFFFFFC00  }
0x36: {  	[tilespmem:s3], [sflag:$0x3] =	stream.strided.gather [hbm4b:s21+s20], $0x400, s3, s20, $0x38;
	[tilespmem:$0x1F800] =	vst v63  }
0x37: {  	_ =	swait.ge [sflag:s7], $0x400  }
0x38: {  	s22 =	sld [smem:$0x7E9]  }
0x39: {  	[sflag:s7] =	ssyncset.done $0x0  }
0x3a: {  	s23 =	simm.s32 $0x800;
	[sflag:s7] =	ssyncadd.s32 $0xFFFFFC00  }
0x3b: {  	[tilespmem:s23], [sflag:$0x3] =	stream.linear.gather [hbm4b:s22+s1], $0xF80, $0x38;
	[tilespmem:$0x1F800] =	vst v63  }
0x3c: {  	_ =	swait.ge [sflag:s7], $0xF80  }
0x3d: {  	s24 =	sld [smem:$0x7EA]  }
0x3e: {  	[sflag:s7] =	ssyncset.done $0x0  }
0x3f: {  	s25 =	simm.s32 $0x1800;
	[sflag:s7] =	ssyncadd.s32 $0xFFFFF080  }
0x40: {  	[tilespmem:s25], [sflag:$0x3] =	stream.linear.gather [hbm4b:s24+s1], $0x3000, $0x38;
	[tilespmem:$0x1F800] =	vst v63  }
0x41: {  	_ =	swait.ge [sflag:s7], $0x3000  }
0x42: {  	[sflag:s7] =	ssyncset.done $0x0  }
0x43: {  	[sflag:s7] =	ssyncadd.s32 $0xFFFFD000  }
0x44: {  	s28 =	simm.s32 $0x4800;
	s26 =	rddreg [dreg:$0x1]  }
0x45: {  	[tilespmem:s28], [sflag:$0x3] =	stream.linear.gather [hbm4b:s26+s1], $0x1800, $0x38;
	[tilespmem:$0x1F800] =	vst v63  }
0x46: {  	_ =	swait.ge [sflag:s7], $0x1800  }
0x47: {  	[sflag:s7] =	ssyncset.done $0x0  }
0x48: {  	s8 =	simm.s32 $0x200;
	s30 =	sld [smem:$0x7EF];
	[sflag:s7] =	ssyncadd.s32 $0xFFFFE800  }
0x49: {  	s9 =	simm.s32 $0xC00;
	s10 =	simm.s32 $0x6000;
	s29 =	rddreg [dreg:$0x2]  }
0x4a: {  	[tilespmem:s10], [sflag:$0x3] =	stream.strided.gather [hbm4b:s29+s8], $0x0, s9, s8, $0x38;
	[tilespmem:$0x1F800] =	vst v63  }
0x4b: {  	s11 =	simm.s32 $0x6400;
	s31 =	sld [smem:$0x7F0]  }
0x4c: {  	[tilespmem:s11], [sflag:$0x3] =	stream.strided.gather [hbm4b:s30+s8], $0x0, s9, s8, $0x38;
	[tilespmem:$0x1F800] =	vst v63  }
0x4d: {  	s12 =	simm.s32 $0x6800;
	s4 =	sld [smem:$0x7F1]  }
0x4e: {  	[tilespmem:s12], [sflag:$0x3] =	stream.strided.gather [hbm4b:s31+s8], $0x0, s9, s8, $0x38;
	[tilespmem:$0x1F800] =	vst v63  }
0x4f: {  	s13 =	simm.s32 $0x6C00;
	s5 =	sld [smem:$0x7F2]  }
0x50: {  	[tilespmem:s13], [sflag:$0x3] =	stream.strided.gather [hbm4b:s4+s8], $0x0, s9, s8, $0x38;
	[tilespmem:$0x1F800] =	vst v63  }
0x51: {  	s14 =	simm.s32 $0x7000;
	s6 =	sld [smem:$0x7F3]  }
0x52: {  	[tilespmem:s14], [sflag:$0x3] =	stream.strided.gather [hbm4b:s5+s8], $0x0, s9, s8, $0x38;
	[tilespmem:$0x1F800] =	vst v63  }
0x53: {  	s15 =	simm.s32 $0x7400  }
0x54: {  	[tilespmem:s15], [sflag:$0x3] =	stream.strided.gather [hbm4b:s6+s8], $0x0, s9, s8, $0x38;
	[tilespmem:$0x1F800] =	vst v63  }
0x55: {  	_ = 	snop  }
0x56: {  	[tilespmem:s10], [sflag:$0x3] =	stream.linear.gather [hbm4b:s29+s1], $0x180, $0x38;
	[tilespmem:$0x1F800] =	vst v63  }
0x57: {  	_ = 	snop  }
0x58: {  	[tilespmem:s11], [sflag:$0x3] =	stream.linear.gather [hbm4b:s30+s1], $0x180, $0x38;
	[tilespmem:$0x1F800] =	vst v63  }
0x59: {  	_ = 	snop  }
0x5a: {  	[tilespmem:s12], [sflag:$0x3] =	stream.linear.gather [hbm4b:s31+s1], $0x180, $0x38;
	[tilespmem:$0x1F800] =	vst v63  }
0x5b: {  	_ = 	snop  }
0x5c: {  	[tilespmem:s13], [sflag:$0x3] =	stream.linear.gather [hbm4b:s4+s1], $0x180, $0x38;
	[tilespmem:$0x1F800] =	vst v63  }
0x5d: {  	_ = 	snop  }
0x5e: {  	[tilespmem:s14], [sflag:$0x3] =	stream.linear.gather [hbm4b:s5+s1], $0x180, $0x38;
	[tilespmem:$0x1F800] =	vst v63  }
0x5f: {  	_ = 	snop  }
0x60: {  	[tilespmem:s15], [sflag:$0x3] =	stream.linear.gather [hbm4b:s6+s1], $0x180, $0x38;
	[tilespmem:$0x1F800] =	vst v63  }
0x61: {  	_ =	swait.ge [sflag:s7], $0x900  }
0x62: {  	[sflag:s7] =	ssyncset.done $0x0  }
0x63: {  	s8 =	sld [smem:$0x7F4];
	[sflag:s7] =	ssyncadd.s32 $0xFFFFF700  }
0x64: {  	s6 =	simm.s32 $0x6200;
	s5 =	rddreg [dreg:$0x3]  }
0x65: {  	[tilespmem:s6], [sflag:$0x3] =	stream.linear.gather [hbm4b:s5+s1], $0x80, $0x38;
	[tilespmem:$0x1F800] =	vst v63  }
0x66: {  	s9 =	simm.s32 $0x6600;
	s10 =	sld [smem:$0x7F5]  }
0x67: {  	[tilespmem:s9], [sflag:$0x3] =	stream.linear.gather [hbm4b:s8+s1], $0x80, $0x38;
	[tilespmem:$0x1F800] =	vst v63  }
0x68: {  	s11 =	simm.s32 $0x6A00;
	s12 =	sld [smem:$0x7F6]  }
0x69: {  	[tilespmem:s11], [sflag:$0x3] =	stream.linear.gather [hbm4b:s10+s1], $0x80, $0x38;
	[tilespmem:$0x1F800] =	vst v63  }
0x6a: {  	s13 =	simm.s32 $0x6E00;
	s14 =	sld [smem:$0x7F7]  }
0x6b: {  	[tilespmem:s13], [sflag:$0x3] =	stream.linear.gather [hbm4b:s12+s1], $0x80, $0x38;
	[tilespmem:$0x1F800] =	vst v63  }
0x6c: {  	s15 =	simm.s32 $0x7200;
	s16 =	sld [smem:$0x7F8]  }
0x6d: {  	[tilespmem:s15], [sflag:$0x3] =	stream.linear.gather [hbm4b:s14+s1], $0x80, $0x38;
	[tilespmem:$0x1F800] =	vst v63  }
0x6e: {  	s17 =	simm.s32 $0x7600  }
0x6f: {  	[tilespmem:s17], [sflag:$0x3] =	stream.linear.gather [hbm4b:s16+s1], $0x80, $0x38;
	[tilespmem:$0x1F800] =	vst v63  }
0x70: {  	_ =	swait.ge [sflag:s7], $0x300  }
0x71: {  	[sflag:s7] =	ssyncset.done $0x0  }
0x72: {  	s20 =	sld [smem:$0x7F9];
	[sflag:s7] =	ssyncadd.s32 $0xFFFFFD00  }
0x73: {  	s19 =	simm.s32 $0x6280;
	s18 =	rddreg [dreg:$0x4]  }
0x74: {  	[tilespmem:s19], [sflag:$0x3] =	stream.linear.gather [hbm4b:s18+s1], $0x80, $0x38;
	[tilespmem:$0x1F800] =	vst v63  }
0x75: {  	s21 =	simm.s32 $0x6680;
	s22 =	sld [smem:$0x7FA]  }
0x76: {  	[tilespmem:s21], [sflag:$0x3] =	stream.linear.gather [hbm4b:s20+s1], $0x80, $0x38;
	[tilespmem:$0x1F800] =	vst v63  }
0x77: {  	s23 =	simm.s32 $0x6A80;
	s24 =	sld [smem:$0x7FB]  }
0x78: {  	[tilespmem:s23], [sflag:$0x3] =	stream.linear.gather [hbm4b:s22+s1], $0x80, $0x38;
	[tilespmem:$0x1F800] =	vst v63  }
0x79: {  	s25 =	simm.s32 $0x6E80;
	s26 =	sld [smem:$0x7FC]  }
0x7a: {  	[tilespmem:s25], [sflag:$0x3] =	stream.linear.gather [hbm4b:s24+s1], $0x80, $0x38;
	[tilespmem:$0x1F800] =	vst v63  }
0x7b: {  	s28 =	simm.s32 $0x7280;
	s29 =	sld [smem:$0x7FD]  }
0x7c: {  	[tilespmem:s28], [sflag:$0x3] =	stream.linear.gather [hbm4b:s26+s1], $0x80, $0x38;
	[tilespmem:$0x1F800] =	vst v63  }
0x7d: {  	s30 =	simm.s32 $0x7680  }
0x7e: {  	[tilespmem:s30], [sflag:$0x3] =	stream.linear.gather [hbm4b:s29+s1], $0x80, $0x38;
	[tilespmem:$0x1F800] =	vst v63  }
0x7f: {  	_ =	swait.ge [sflag:s7], $0x300  }
0x80: {  	[sflag:s7] =	ssyncset.done $0x0  }
0x81: {  	[sflag:s7] =	ssyncadd.s32 $0xFFFFFD00  }
0x82: {  	v3 =	vld [tilespmem:$0x0];
	_ =	sdelay $0x4  }
0x83: {  	v4 =	vshrl.u32 v3, $0x3  }
0x84: {  	v4 =	vmul.u32 $0x30, v4  }
0x85: {  	v3 =	vand.u32 $0x7, v3  }
0x86: {  	v3 =	vor.u32 v3, v4  }
0x87: {  	v4 =	vperm.xlane v3, v0;
	_ =	sdelay $0x1  }
0x88: {  	v4 =	vadd.s32 v1, v4;
	_ =	sdelay $0x2  }
0x89: {  	s6 =	sld [smem:$0x7EB]  }
0x8a: {  	s5 =	simm.s32 $0x7800;
	s31 =	rddreg [dreg:$0x5];
	v3 =	vperm.xlane v3, v2  }
0x8b: {  	[tilespmem:s5], [sflag:$0x1] =	stream.indirect_vreg.gather [hbm4b:s31+s1], $0x80, v4, vm0, $0xb8;
	[tilespmem:$0x1F800] =	vst v63  }
0x8c: {  	s8 =	sld [smem:$0x7EC];
	s7 =	simm.s32 $0x8000;
	v3 =	vadd.s32 v1, v3  }
0x8d: {  	[tilespmem:s7], [sflag:$0x1] =	stream.indirect_vreg.gather [hbm4b:s6+s1], $0x80, v4, vm0, $0xb8;
	[tilespmem:$0x1F800] =	vst v63  }
0x8e: {  	s9 =	simm.s32 $0x8800  }
0x8f: {  	[tilespmem:s9], [sflag:$0x1] =	stream.indirect_vreg.gather [hbm4b:s8+s1], $0x80, v4, vm0, $0xb8;
	[tilespmem:$0x1F800] =	vst v63  }
0x90: {  	s10 =	simm.s32 $0x9000  }
0x91: {  	[tilespmem:s10], [sflag:$0x1] =	stream.indirect_vreg.gather [hbm4b:s31+s1], $0x80, v3, vm0, $0xb8;
	[tilespmem:$0x1F800] =	vst v63  }
0x92: {  	s11 =	simm.s32 $0x9800  }
0x93: {  	[tilespmem:s11], [sflag:$0x1] =	stream.indirect_vreg.gather [hbm4b:s6+s1], $0x80, v3, vm0, $0xb8;
	[tilespmem:$0x1F800] =	vst v63  }
0x94: {  	s12 =	simm.s32 $0xA000  }
0x95: {  	[tilespmem:s12], [sflag:$0x1] =	stream.indirect_vreg.gather [hbm4b:s8+s1], $0x80, v3, vm0, $0xb8;
	[tilespmem:$0x1F800] =	vst v63  }
0x96: {  	v3 =	vld [tilespmem:$0x10];
	_ =	sdelay $0x4  }
0x97: {  	v61 =	vshrl.u32 v3, $0x3  }
0x98: {  	v4 =	vmul.u32 $0x30, v61  }
0x99: {  	v3 =	vand.u32 $0x7, v3  }
0x9a: {  	v3 =	vor.u32 v3, v4  }
0x9b: {  	v4 =	vperm.xlane v3, v0;
	_ =	sdelay $0x1  }
0x9c: {  	v4 =	vadd.s32 v1, v4;
	_ =	sdelay $0x3  }
0x9d: {  	s13 =	simm.s32 $0xA800;
	v3 =	vperm.xlane v3, v2  }
0x9e: {  	[tilespmem:s13], [sflag:$0x1] =	stream.indirect_vreg.gather [hbm4b:s31+s1], $0x80, v4, vm0, $0xb8;
	[tilespmem:$0x1F800] =	vst v63  }
0x9f: {  	s14 =	simm.s32 $0xB000;
	v3 =	vadd.s32 v1, v3  }
0xa0: {  	[tilespmem:s14], [sflag:$0x1] =	stream.indirect_vreg.gather [hbm4b:s6+s1], $0x80, v4, vm0, $0xb8;
	[tilespmem:$0x1F800] =	vst v63  }
0xa1: {  	s15 =	simm.s32 $0xB800  }
0xa2: {  	[tilespmem:s15], [sflag:$0x1] =	stream.indirect_vreg.gather [hbm4b:s8+s1], $0x80, v4, vm0, $0xb8;
	[tilespmem:$0x1F800] =	vst v63  }
0xa3: {  	s16 =	simm.s32 $0xC000  }
0xa4: {  	[tilespmem:s16], [sflag:$0x1] =	stream.indirect_vreg.gather [hbm4b:s31+s1], $0x80, v3, vm0, $0xb8;
	[tilespmem:$0x1F800] =	vst v63  }
0xa5: {  	s17 =	simm.s32 $0xC800  }
0xa6: {  	[tilespmem:s17], [sflag:$0x1] =	stream.indirect_vreg.gather [hbm4b:s6+s1], $0x80, v3, vm0, $0xb8;
	[tilespmem:$0x1F800] =	vst v63  }
0xa7: {  	s18 =	simm.s32 $0xD000  }
0xa8: {  	[tilespmem:s18], [sflag:$0x1] =	stream.indirect_vreg.gather [hbm4b:s8+s1], $0x80, v3, vm0, $0xb8;
	[tilespmem:$0x1F800] =	vst v63  }
0xa9: {  	v3 =	vld [tilespmem:$0x20];
	_ =	sdelay $0x4  }
0xaa: {  	v62 =	vshrl.u32 v3, $0x3  }
0xab: {  	v4 =	vmul.u32 $0x30, v62  }
0xac: {  	v3 =	vand.u32 $0x7, v3  }
0xad: {  	v3 =	vor.u32 v3, v4  }
0xae: {  	v4 =	vperm.xlane v3, v0;
	_ =	sdelay $0x1  }
0xaf: {  	v4 =	vadd.s32 v1, v4;
	_ =	sdelay $0x3  }
0xb0: {  	s19 =	simm.s32 $0xD800;
	v3 =	vperm.xlane v3, v2  }
0xb1: {  	[tilespmem:s19], [sflag:$0x1] =	stream.indirect_vreg.gather [hbm4b:s31+s1], $0x80, v4, vm0, $0xb8;
	[tilespmem:$0x1F800] =	vst v63  }
0xb2: {  	s20 =	simm.s32 $0xE000;
	v3 =	vadd.s32 v1, v3  }
0xb3: {  	[tilespmem:s20], [sflag:$0x1] =	stream.indirect_vreg.gather [hbm4b:s6+s1], $0x80, v4, vm0, $0xb8;
	[tilespmem:$0x1F800] =	vst v63  }
0xb4: {  	s21 =	simm.s32 $0xE800  }
0xb5: {  	[tilespmem:s21], [sflag:$0x1] =	stream.indirect_vreg.gather [hbm4b:s8+s1], $0x80, v4, vm0, $0xb8;
	[tilespmem:$0x1F800] =	vst v63  }
0xb6: {  	s22 =	simm.s32 $0xF000  }
0xb7: {  	[tilespmem:s22], [sflag:$0x1] =	stream.indirect_vreg.gather [hbm4b:s31+s1], $0x80, v3, vm0, $0xb8;
	[tilespmem:$0x1F800] =	vst v63  }
0xb8: {  	s23 =	simm.s32 $0xF800  }
0xb9: {  	[tilespmem:s23], [sflag:$0x1] =	stream.indirect_vreg.gather [hbm4b:s6+s1], $0x80, v3, vm0, $0xb8;
	[tilespmem:$0x1F800] =	vst v63  }
0xba: {  	s24 =	simm.s32 $0x10000  }
0xbb: {  	[tilespmem:s24], [sflag:$0x1] =	stream.indirect_vreg.gather [hbm4b:s8+s1], $0x80, v3, vm0, $0xb8;
	[tilespmem:$0x1F800] =	vst v63  }
0xbc: {  	v3 =	vld [tilespmem:$0x30];
	_ =	sdelay $0x4  }
0xbd: {  	v63 =	vshrl.u32 v3, $0x3  }
0xbe: {  	v4 =	vmul.u32 $0x30, v63  }
0xbf: {  	v3 =	vand.u32 $0x7, v3  }
0xc0: {  	v3 =	vor.u32 v3, v4  }
0xc1: {  	v4 =	vperm.xlane v3, v0;
	_ =	sdelay $0x1  }
0xc2: {  	v4 =	vadd.s32 v1, v4;
	_ =	sdelay $0x3  }
0xc3: {  	s25 =	simm.s32 $0x10800;
	v3 =	vperm.xlane v3, v2  }
0xc4: {  	[tilespmem:s25], [sflag:$0x1] =	stream.indirect_vreg.gather [hbm4b:s31+s1], $0x80, v4, vm0, $0xb8;
	[tilespmem:$0x1F800] =	vst v63  }
0xc5: {  	s26 =	simm.s32 $0x11000;
	v3 =	vadd.s32 v1, v3  }
0xc6: {  	[tilespmem:s26], [sflag:$0x1] =	stream.indirect_vreg.gather [hbm4b:s6+s1], $0x80, v4, vm0, $0xb8;
	[tilespmem:$0x1F800] =	vst v63  }
0xc7: {  	s28 =	simm.s32 $0x11800  }
0xc8: {  	[tilespmem:s28], [sflag:$0x1] =	stream.indirect_vreg.gather [hbm4b:s8+s1], $0x80, v4, vm0, $0xb8;
	[tilespmem:$0x1F800] =	vst v63  }
0xc9: {  	s29 =	simm.s32 $0x12000  }
0xca: {  	[tilespmem:s29], [sflag:$0x1] =	stream.indirect_vreg.gather [hbm4b:s31+s1], $0x80, v3, vm0, $0xb8;
	[tilespmem:$0x1F800] =	vst v63  }
.Ltmp2:
0xcb: {  	_ = 	snop;
	(pc) =	sbr.rel .LBB2_2-.Ltmp2, $4  }
0xcc: {  	s30 =	simm.s32 $0x12800  }
0xcd: {  	[tilespmem:s30], [sflag:$0x1] =	stream.indirect_vreg.gather [hbm4b:s6+s1], $0x80, v3, vm0, $0xb8;
	[tilespmem:$0x1F800] =	vst v63  }
0xce: {  	s7 =	simm.s32 $0x0;
	s31 =	simm.s32 $0x13000  }
0xcf: {  	[tilespmem:s31], [sflag:$0x1] =	stream.indirect_vreg.gather [hbm4b:s8+s1], $0x80, v3, vm0, $0xb8;
	[tilespmem:$0x1F800] =	vst v63  }
.LBB2_19:
0xd0: {  	s2 =	sld [smem:$0x7E5];
	_ =	sdelay $0x2  }
0xd1: {  	s2 =	sand.u32 $0x3FFFFF80, s2  }
0xd2: {  	v3 =	vld [tilespmem:s2+$0x800];
	_ =	sdelay $0x4  }
0xd3: {  	v4 =	vshrl.u32 v3, $0x3  }
0xd4: {  	v4 =	vmul.u32 $0x30, v4  }
0xd5: {  	v3 =	vand.u32 $0x7, v3  }
0xd6: {  	v3 =	vor.u32 v3, v4  }
0xd7: {  	v4 =	vperm.xlane v3, v0;
	_ =	sdelay $0x1  }
0xd8: {  	v4 =	vadd.s32 v1, v4;
	_ =	sdelay $0x1  }
0xd9: {  	s3 =	sld [smem:$0x7E2]  }
0xda: {  	s6 =	sld [smem:$0x7E1]  }
0xdb: {  	s5 =	simm.s32 $0x0;
	v3 =	vperm.xlane v3, v2  }
0xdc: {  	[hbm4b:s0+s5] =	stream.indirect_vreg.scatter [tilespmem:s3], [sflag:$0x2], $0x80, v4, vm0, $0xb8;
	[tilespmem:$0x1F800] =	vst v63  }
0xdd: {  	s19 =	sadd.s32 $0x100, s1;
	s4 =	sadd.s32 $0x8000, s6;
	v3 =	vadd.s32 v1, v3  }
0xde: {  	[hbm4b:s19+s5] =	stream.indirect_vreg.scatter [tilespmem:s4], [sflag:$0x2], $0x80, v4, vm0, $0xb8;
	[tilespmem:$0x1F800] =	vst v63  }
0xdf: {  	s20 =	sadd.s32 $0x200, s1;
	s21 =	sadd.s32 $0x8800, s6  }
0xe0: {  	[hbm4b:s20+s5] =	stream.indirect_vreg.scatter [tilespmem:s21], [sflag:$0x2], $0x80, v4, vm0, $0xb8;
	[tilespmem:$0x1F800] =	vst v63  }
0xe1: {  	s22 =	sadd.s32 $0x9000, s6  }
0xe2: {  	[hbm4b:s0+s5] =	stream.indirect_vreg.scatter [tilespmem:s22], [sflag:$0x2], $0x80, v3, vm0, $0xb8;
	[tilespmem:$0x1F800] =	vst v63  }
0xe3: {  	s23 =	sadd.s32 $0x9800, s6  }
0xe4: {  	[hbm4b:s19+s5] =	stream.indirect_vreg.scatter [tilespmem:s23], [sflag:$0x2], $0x80, v3, vm0, $0xb8;
	[tilespmem:$0x1F800] =	vst v63  }
0xe5: {  	s24 =	sadd.s32 $0xA000, s6  }
0xe6: {  	[hbm4b:s20+s5] =	stream.indirect_vreg.scatter [tilespmem:s24], [sflag:$0x2], $0x80, v3, vm0, $0xb8;
	[tilespmem:$0x1F800] =	vst v63  }
0xe7: {  	v3 =	vld [tilespmem:s2+$0x810];
	_ =	sdelay $0x4  }
0xe8: {  	v63 =	vshrl.u32 v3, $0x3  }
0xe9: {  	v4 =	vmul.u32 $0x30, v63  }
0xea: {  	v3 =	vand.u32 $0x7, v3  }
0xeb: {  	v3 =	vor.u32 v3, v4  }
0xec: {  	v4 =	vperm.xlane v3, v0;
	_ =	sdelay $0x1  }
0xed: {  	v4 =	vadd.s32 v1, v4;
	_ =	sdelay $0x3  }
0xee: {  	s25 =	sadd.s32 $0xA800, s6;
	v3 =	vperm.xlane v3, v2  }
0xef: {  	[hbm4b:s0+s5] =	stream.indirect_vreg.scatter [tilespmem:s25], [sflag:$0x2], $0x80, v4, vm0, $0xb8;
	[tilespmem:$0x1F800] =	vst v63  }
0xf0: {  	s26 =	sadd.s32 $0xB000, s6;
	v3 =	vadd.s32 v1, v3  }
0xf1: {  	[hbm4b:s19+s5] =	stream.indirect_vreg.scatter [tilespmem:s26], [sflag:$0x2], $0x80, v4, vm0, $0xb8;
	[tilespmem:$0x1F800] =	vst v63  }
0xf2: {  	s28 =	sadd.s32 $0xB800, s6  }
0xf3: {  	[hbm4b:s20+s5] =	stream.indirect_vreg.scatter [tilespmem:s28], [sflag:$0x2], $0x80, v4, vm0, $0xb8;
	[tilespmem:$0x1F800] =	vst v63  }
0xf4: {  	s29 =	sadd.s32 $0xC000, s6  }
0xf5: {  	[hbm4b:s0+s5] =	stream.indirect_vreg.scatter [tilespmem:s29], [sflag:$0x2], $0x80, v3, vm0, $0xb8;
	[tilespmem:$0x1F800] =	vst v63  }
0xf6: {  	s30 =	sadd.s32 $0xC800, s6  }
0xf7: {  	[hbm4b:s19+s5] =	stream.indirect_vreg.scatter [tilespmem:s30], [sflag:$0x2], $0x80, v3, vm0, $0xb8;
	[tilespmem:$0x1F800] =	vst v63  }
0xf8: {  	s31 =	sadd.s32 $0xD000, s6  }
0xf9: {  	[hbm4b:s20+s5] =	stream.indirect_vreg.scatter [tilespmem:s31], [sflag:$0x2], $0x80, v3, vm0, $0xb8;
	[tilespmem:$0x1F800] =	vst v63  }
.LBB2_20:
0xfa: {  	s7 =	sadd.s32 $0x1, s7  }
0xfb: {  	p0 =	sne.s32 s7, $0x1F  }
.Ltmp3:
0xfc: {  	_ = 	snop;
	(pc) =	sbr.rel @!p0 .LBB2_21-.Ltmp3, $1  }
0xfd: {  	_ =	sdelay $0x3  }
.LBB2_2:
0xfe: {  	p0 =	slt.u32 s7, $0x2  }
0xff: {  	p1 =	sgt.u32 @!p0 s7, $0x1C  }
0x100: {  	p1 =	por p0, !p1  }
.Ltmp4:
0x101: {  	_ = 	snop;
	(pc) =	sbr.rel @!p1 .LBB2_4-.Ltmp4, $4  }
0x102: {  	s0 =	simm.s32 @!p0 $0x2  }
0x103: {  	_ =	swait.ge @!p0 [sflag:s0], $0x6000  }
0x104: {  	[sflag:s0] =	ssyncset.done @!p0 $0x0  }
0x105: {  	[sflag:s0] =	ssyncadd.s32 @!p0 $0xFFFFA000  }
0x106: {  	s0 =	sadd.s32 $0x2, s7  }
0x107: {  	s1 =	sshll.u32 s0, $0x5  }
0x108: {  	s1 =	sand.u32 $0x3FFFFFE0, s1  }
0x109: {  	v3 =	vld [tilespmem:s1+$0x0];
	_ =	sdelay $0x4  }
0x10a: {  	v4 =	vshrl.u32 v3, $0x3  }
0x10b: {  	v4 =	vmul.u32 $0x30, v4  }
0x10c: {  	v3 =	vand.u32 $0x7, v3  }
0x10d: {  	v3 =	vor.u32 v3, v4  }
0x10e: {  	v4 =	vperm.xlane v3, v0;
	_ =	sdelay $0x1  }
0x10f: {  	s0 =	sand.u32 $0x3, s0;
	v4 =	vadd.s32 v1, v4  }
0x110: {  	s0 =	smul.u32 $0x18000, s0;
	_ =	sdelay $0x1  }
0x111: {  	s3 =	rddreg [dreg:$0x5];
	s0 =	sshrl.u32 s0, $0x2  }
0x112: {  	s4 =	simm.s32 $0x0;
	s5 =	sld [smem:$0x7EB];
	s2 =	sadd.s32 $0x7800, s0;
	v3 =	vperm.xlane v3, v2  }
0x113: {  	[tilespmem:s2], [sflag:$0x1] =	stream.indirect_vreg.gather [hbm4b:s3+s4], $0x80, v4, vm0, $0xb8;
	[tilespmem:$0x1F800] =	vst v63  }
0x114: {  	s6 =	sld [smem:$0x7EC];
	s21 =	sadd.s32 $0x8000, s0;
	v3 =	vadd.s32 v1, v3  }
0x115: {  	[tilespmem:s21], [sflag:$0x1] =	stream.indirect_vreg.gather [hbm4b:s5+s4], $0x80, v4, vm0, $0xb8;
	[tilespmem:$0x1F800] =	vst v63  }
0x116: {  	s22 =	sadd.s32 $0x8800, s0  }
0x117: {  	[tilespmem:s22], [sflag:$0x1] =	stream.indirect_vreg.gather [hbm4b:s6+s4], $0x80, v4, vm0, $0xb8;
	[tilespmem:$0x1F800] =	vst v63  }
0x118: {  	s23 =	sadd.s32 $0x9000, s0  }
0x119: {  	[tilespmem:s23], [sflag:$0x1] =	stream.indirect_vreg.gather [hbm4b:s3+s4], $0x80, v3, vm0, $0xb8;
	[tilespmem:$0x1F800] =	vst v63  }
0x11a: {  	s24 =	sadd.s32 $0x9800, s0  }
0x11b: {  	[tilespmem:s24], [sflag:$0x1] =	stream.indirect_vreg.gather [hbm4b:s5+s4], $0x80, v3, vm0, $0xb8;
	[tilespmem:$0x1F800] =	vst v63  }
0x11c: {  	s25 =	sadd.s32 $0xA000, s0  }
0x11d: {  	[tilespmem:s25], [sflag:$0x1] =	stream.indirect_vreg.gather [hbm4b:s6+s4], $0x80, v3, vm0, $0xb8;
	[tilespmem:$0x1F800] =	vst v63  }
0x11e: {  	v3 =	vld [tilespmem:s1+$0x10];
	_ =	sdelay $0x4  }
0x11f: {  	v63 =	vshrl.u32 v3, $0x3  }
0x120: {  	v4 =	vmul.u32 $0x30, v63  }
0x121: {  	v3 =	vand.u32 $0x7, v3  }
0x122: {  	v3 =	vor.u32 v3, v4  }
0x123: {  	v4 =	vperm.xlane v3, v0;
	_ =	sdelay $0x1  }
0x124: {  	v4 =	vadd.s32 v1, v4;
	_ =	sdelay $0x3  }
0x125: {  	s26 =	sadd.s32 $0xA800, s0;
	v3 =	vperm.xlane v3, v2  }
0x126: {  	[tilespmem:s26], [sflag:$0x1] =	stream.indirect_vreg.gather [hbm4b:s3+s4], $0x80, v4, vm0, $0xb8;
	[tilespmem:$0x1F800] =	vst v63  }
0x127: {  	s28 =	sadd.s32 $0xB000, s0;
	v3 =	vadd.s32 v1, v3  }
0x128: {  	[tilespmem:s28], [sflag:$0x1] =	stream.indirect_vreg.gather [hbm4b:s5+s4], $0x80, v4, vm0, $0xb8;
	[tilespmem:$0x1F800] =	vst v63  }
0x129: {  	s29 =	sadd.s32 $0xB800, s0  }
0x12a: {  	[tilespmem:s29], [sflag:$0x1] =	stream.indirect_vreg.gather [hbm4b:s6+s4], $0x80, v4, vm0, $0xb8;
	[tilespmem:$0x1F800] =	vst v63  }
0x12b: {  	s30 =	sadd.s32 $0xC000, s0  }
0x12c: {  	[tilespmem:s30], [sflag:$0x1] =	stream.indirect_vreg.gather [hbm4b:s3+s4], $0x80, v3, vm0, $0xb8;
	[tilespmem:$0x1F800] =	vst v63  }
0x12d: {  	s31 =	sadd.s32 $0xC800, s0  }
0x12e: {  	[tilespmem:s31], [sflag:$0x1] =	stream.indirect_vreg.gather [hbm4b:s5+s4], $0x80, v3, vm0, $0xb8;
	[tilespmem:$0x1F800] =	vst v63  }
0x12f: {  	s0 =	sadd.s32 $0xD000, s0  }
0x130: {  	[tilespmem:s0], [sflag:$0x1] =	stream.indirect_vreg.gather [hbm4b:s6+s4], $0x80, v3, vm0, $0xb8;
	[tilespmem:$0x1F800] =	vst v63  }
.LBB2_4:
0x131: {  	s0 =	sand.u32 $0x3, s7;
	s29 =	simm.s32 $0x1;
	p0 =	sgt.u32 s7, $0xF  }
0x132: {  	s30 =	sshll.u32 s7, $0x5;
	s0 =	smul.u32 $0x18000, s0;
	_ =	swait.ge [sflag:s29], $0x6000  }
.Ltmp5:
0x133: {  	[smem:$0x7E3] =	sst s30;
	(pc) =	sbr.rel @p0 .LBB2_12-.Ltmp5, $4  }
0x134: {  	s31 =	sshll.u32 s7, $0x7;
	[smem:$0x7E4] =	sst s7  }
0x135: {  	[smem:$0x7E5] =	sst s31;
	s1 =	sshrl.u32 s0, $0x2  }
0x136: {  	[sflag:s29] =	ssyncset.done $0x0;
	[smem:$0x7E1] =	sst s1;
	s1 =	sadd.s32 $0x7800, s1  }
0x137: {  	[sflag:s29] =	ssyncadd.s32 $0xFFFFA000;
	s0 =	simm.s32 $0x0;
	[smem:$0x7E2] =	sst s1  }
0x138: {  	s0 =	sld [smem:$0x7E4];
	_ =	sdelay $0x2  }
0x139: {  	s1 =	sld [smem:$0x7E5];
	s0 =	sshrl.u32 s0, $0x3  }
0x13a: {  	s0 =	smul.u32 $0x6000, s0;
	_ =	sdelay $0x1  }
0x13b: {  	s1 =	sand.u32 $0x380, s1;
	s0 =	sshra.s32 s0, $0x2  }
0x13c: {  	s0 =	sor.u32 s1, s0  }
0x13d: {  	s0 =	sadd.s32 $0x1800, s0  }
0x13e: {  	s9 =	simm.s32 $0x0;
	[dreg:$0xb] =	wrdreg s0  }
.LBB2_6:
0x13f: {  	s1 =	sld [smem:$0x7E3];
	_ =	sdelay $0x1  }
0x140: {  	s0 =	sshll.u32 s9, $0x3  }
0x141: {  	s0 =	sadd.s32 s1, s0  }
0x142: {  	v3 =	vmov s0;
	s1 =	sor.u32 $0x1, s0  }
0x143: {  	s3 =	sor.u32 $0x2, s0;
	v3 =	vand.u32 $0xFFFFFFF8, v3;
	v4 =	vmov s1  }
0x144: {  	s4 =	sor.u32 $0x3, s0;
	v5 =	vmov s3;
	v3 =	vbroadcast v3, $0x0;
	v4 =	vand.u32 $0xFFFFFFF9, v4  }
0x145: {  	v6 =	vmov s4;
	v5 =	vand.u32 $0xFFFFFFFA, v5;
	v4 =	vbroadcast v4, $0x0  }
0x146: {  	s5 =	sor.u32 $0x4, s0;
	v6 =	vand.u32 $0xFFFFFFFB, v6;
	v5 =	vbroadcast v5, $0x0  }
0x147: {  	v7 =	vmov s5;
	v6 =	vbroadcast v6, $0x0  }
0x148: {  	s6 =	sor.u32 $0x5, s0;
	v7 =	vand.u32 $0xFFFFFFFC, v7  }
0x149: {  	s8 =	simm.s32 $0x400;
	v8 =	vmov s6;
	v7 =	vbroadcast v7, $0x0  }
0x14a: {  	s7 =	sor.u32 $0x6, s0;
	v8 =	vand.u32 $0xFFFFFFFD, v8;
	v3 =	vld.idx.msk [tilespmem:v3+s8+$0x0], $0xffff  }
0x14b: {  	v9 =	vmov s7;
	v8 =	vbroadcast v8, $0x0;
	v4 =	vld.idx.msk [tilespmem:v4+s8+$0x0], $0xffff  }
0x14c: {  	v9 =	vand.u32 $0xFFFFFFFE, v9;
	v5 =	vld.idx.msk [tilespmem:v5+s8+$0x0], $0xffff  }
0x14d: {  	v9 =	vbroadcast v9, $0x0;
	v6 =	vld.idx.msk [tilespmem:v6+s8+$0x0], $0xffff;
	_ =	sdelay $0x1  }
0x14e: {  	s0 =	sor.u32 $0x7, s0;
	v7 =	vld.idx.msk [tilespmem:v7+s8+$0x0], $0xffff;
	(v2sf) =	vpush v3, $0x0  }
0x14f: {  	v10 =	vmov s0;
	(v2sf) =	vpush v4, $0x0  }
0x150: {  	v3 =	vld.idx.msk [tilespmem:v8+s8+$0x0], $0xffff;
	(v2sf) =	vpush v5, $0x0  }
0x151: {  	(v2sf) =	vpush v6, $0x0  }
0x152: {  	v4 =	vld.idx.msk [tilespmem:v9+s8+$0x0], $0xffff  }
0x153: {  	(v2sf) =	vpush v7, $0x0  }
0x154: {  	v5 =	vld.idx.msk [tilespmem:v10+s8+$0x0], $0xffff  }
0x155: {  	(v2sf) =	vpush v3, $0x0;
	_ =	sdelay $0x1  }
0x156: {  	(v2sf) =	vpush v4, $0x0;
	_ =	sdelay $0x1  }
0x157: {  	(v2sf) =	vpush v5, $0x0  }
0x158: {  	s12 =	smul.u32 $0x6000, s9;
	s13 =	sld [smem:$0x7E2]  }
0x159: {  	_ = 	snop  }
0x15a: {  	[smem:$0x7E0] =	sst s9;
	s9 =	sshra.s32 s12, $0x2  }
0x15b: {  	s26 =	sadd.s32 s9, s13;
	s10 =	spop (v2sf)  }
0x15c: {  	s11 =	spop (v2sf);
	s6 =	sshrl.u32 s10, $0x3;
	s0 =	sshll.u32 s10, $0x7  }
0x15d: {  	s2 =	spop (v2sf);
	s6 =	smul.u32 $0x6000, s6;
	s0 =	sand.u32 $0x380, s0  }
0x15e: {  	s10 =	sshrl.u32 s11, $0x3;
	s1 =	sshll.u32 s11, $0x7;
	s3 =	spop (v2sf)  }
0x15f: {  	s10 =	smul.u32 $0x6000, s10;
	s1 =	sand.u32 $0x380, s1;
	s15 =	sshrl.u32 s2, $0x3  }
0x160: {  	s2 =	sshll.u32 s2, $0x7;
	s4 =	spop (v2sf);
	s6 =	sshra.s32 s6, $0x2  }
0x161: {  	s16 =	smul.u32 $0x6000, s15;
	s17 =	sshrl.u32 s3, $0x3;
	s2 =	sand.u32 $0x380, s2  }
0x162: {  	s19 =	sshll.u32 s3, $0x7;
	s5 =	spop (v2sf);
	s6 =	sor.u32 s0, s6  }
0x163: {  	s14 =	sshra.s32 s10, $0x2;
	s9 =	smul.u32 $0x6000, s17;
	s21 =	sshrl.u32 s4, $0x3  }
0x164: {  	s24 =	sshll.u32 s4, $0x7;
	s7 =	spop (v2sf);
	s6 =	sadd.s32 $0x1800, s6  }
0x165: {  	s1 =	sor.u32 s1, s14;
	s22 =	smul.u32 $0x6000, s21;
	s25 =	sshrl.u32 s5, $0x3  }
0x166: {  	s30 =	sshll.u32 s5, $0x7;
	s14 =	simm.s32 $0x0;
	s8 =	spop (v2sf)  }
0x167: {  	[dreg:$0xc] =	wrdreg s6;
	s1 =	sadd.s32 $0x1800, s1;
	s6 =	sshra.s32 s16, $0x2  }
0x168: {  	s20 =	sshra.s32 s9, $0x2;
	s29 =	smul.u32 $0x6000, s25;
	s0 =	sshrl.u32 s7, $0x3  }
0x169: {  	s5 =	sshll.u32 s7, $0x7;
	[dreg:$0xd] =	wrdreg s1;
	s18 =	sor.u32 s2, s6  }
0x16a: {  	s2 =	sand.u32 $0x380, s19;
	s3 =	sshra.s32 s22, $0x2;
	s4 =	smul.u32 $0x6000, s0  }
0x16b: {  	s7 =	sshrl.u32 s8, $0x3;
	s11 =	sshll.u32 s8, $0x7;
	s1 =	sadd.s32 $0x1800, s18  }
0x16c: {  	s2 =	sor.u32 s2, s20;
	s9 =	smul.u32 $0x6000, s7;
	s12 =	sand.u32 $0x380, s11  }
0x16d: {  	s18 =	sand.u32 $0x40, s14;
	[dreg:$0xe] =	wrdreg s1;
	s23 =	sadd.s32 $0x1800, s2  }
0x16e: {  	s2 =	sand.u32 $0x380, s24;
	s6 =	sshra.s32 s4, $0x2;
	[dreg:$0xf] =	wrdreg s23  }
0x16f: {  	s28 =	sor.u32 s2, s3;
	s3 =	sand.u32 $0x380, s30;
	s2 =	sshra.s32 s29, $0x2  }
0x170: {  	s13 =	sshra.s32 s9, $0x2;
	s1 =	sadd.s32 $0x1800, s28;
	s3 =	sor.u32 s3, s2  }
0x171: {  	s2 =	sand.u32 $0x380, s5;
	[dreg:$0x10] =	wrdreg s1;
	s1 =	sadd.s32 $0x1800, s3  }
0x172: {  	s2 =	sor.u32 s2, s6;
	s6 =	sand.u32 $0x1C00, s14;
	[dreg:$0x11] =	wrdreg s1  }
0x173: {  	s10 =	sadd.s32 $0x1800, s2;
	s1 =	sor.u32 s12, s13;
	s15 =	sadd.s32 s6, s26  }
0x174: {  	[dreg:$0x12] =	wrdreg s10;
	s1 =	sadd.s32 $0x1800, s1;
	s10 =	sor.u32 $0x30, s18  }
0x175: {  	s12 =	sor.u32 $0x20, s18;
	[dreg:$0x13] =	wrdreg s1;
	s19 =	sadd.s32 s10, s15  }
0x176: {  	s7 =	sadd.s32 s12, s15;
	v3 =	vld [tilespmem:s19+$0x0]  }
0x177: {  	v4 =	vld [tilespmem:s7+$0x200]  }
0x178: {  	s25 =	sadd.s32 s18, s15;
	v6 =	vld [tilespmem:s7+$0x0]  }
0x179: {  	s17 =	rddreg [dreg:$0xc];
	v7 =	vld [tilespmem:s25+$0x0]  }
0x17a: {  	s4 =	sor.u32 $0x10, s18;
	s3 =	sadd.s32 s6, s17;
	v5 =	vld [tilespmem:s25+$0x200]  }
0x17b: {  	s16 =	rddreg [dreg:$0xb];
	s21 =	sadd.s32 s4, s3;
	v8 =	vld [tilespmem:s25+$0x80]  }
0x17c: {  	s1 =	sadd.s32 s6, s16;
	s22 =	sadd.s32 s10, s3;
	v14 =	vld [tilespmem:s21+$0x0]  }
0x17d: {  	s20 =	sadd.s32 s10, s1;
	v10 =	vld [tilespmem:s22+$0x0]  }
0x17e: {  	s9 =	sadd.s32 s4, s15;
	v9 =	vld [tilespmem:s20+$0x0]  }
0x17f: {  	v15 =	vld [tilespmem:s9+$0x0]  }
0x180: {  	v16 =	vld [tilespmem:s19+$0x80]  }
0x181: {  	s23 =	sadd.s32 s4, s1;
	v17 =	vld [tilespmem:s9+$0x80]  }
0x182: {  	s29 =	sadd.s32 s18, s3;
	s3 =	sadd.s32 s12, s3;
	v11 =	vld [tilespmem:s23+$0x0]  }
0x183: {  	v19 =	vld [tilespmem:s3+$0x0];
	v3 =	vadd.f32 v3, v9  }
0x184: {  	s28 =	sadd.s32 s18, s1;
	v21 =	vld [tilespmem:s9+$0x100]  }
0x185: {  	s24 =	rddreg [dreg:$0xd];
	s1 =	sadd.s32 s12, s1;
	v12 =	vld [tilespmem:s28+$0x0];
	v10 =	vadd.f32 v10, v3  }
0x186: {  	s2 =	sadd.s32 s6, s24;
	v13 =	vld [tilespmem:s1+$0x0]  }
0x187: {  	s30 =	rddreg [dreg:$0xe];
	s0 =	sadd.s32 s10, s2;
	v15 =	vadd.f32 v15, v11;
	v3 =	vld [tilespmem:s29+$0x0];
	[tilespmem:s19+$0x0] =	vst v10  }
0x188: {  	v18 =	vld [tilespmem:s0+$0x0]  }
0x189: {  	v22 =	vld [tilespmem:s7+$0x100];
	v15 =	vadd.f32 v14, v15  }
0x18a: {  	v24 =	vld [tilespmem:s9+$0x180];
	v7 =	vadd.f32 v7, v12  }
0x18b: {  	s3 =	sadd.s32 s4, s2;
	v26 =	vld [tilespmem:s25+$0x180];
	v16 =	vadd.f32 v16, v9;
	[tilespmem:s9+$0x0] =	vst v15  }
0x18c: {  	v20 =	vadd.f32 v6, v13;
	v6 =	vadd.f32 v3, v7;
	v3 =	vld [tilespmem:s3+$0x0]  }
0x18d: {  	v14 =	vld [tilespmem:s7+$0x80];
	v7 =	vadd.f32 v18, v16  }
0x18e: {  	s13 =	sadd.s32 s6, s30;
	s11 =	sadd.s32 s18, s2;
	s5 =	rddreg [dreg:$0xf];
	[tilespmem:s25+$0x0] =	vst v6;
	v16 =	vadd.f32 v19, v20;
	v18 =	vld [tilespmem:s19+$0x100]  }
0x18f: {  	s14 =	sadd.s32 s10, s13;
	v17 =	vadd.f32 v17, v11;
	v19 =	vld [tilespmem:s11+$0x0];
	[tilespmem:s19+$0x80] =	vst v7  }
0x190: {  	s2 =	sadd.s32 s12, s2;
	[tilespmem:s7+$0x0] =	vst v16;
	v20 =	vld [tilespmem:s14+$0x0]  }
0x191: {  	v17 =	vadd.f32 v3, v17;
	v23 =	vld [tilespmem:s2+$0x0]  }
0x192: {  	v28 =	vld [tilespmem:s9+$0x200];
	v3 =	vadd.f32 v8, v12  }
0x193: {  	s15 =	sadd.s32 s4, s13;
	v33 =	vld [tilespmem:s7+$0x280];
	[tilespmem:s9+$0x80] =	vst v17;
	v18 =	vadd.f32 v18, v9  }
0x194: {  	v14 =	vadd.f32 v14, v13;
	v19 =	vadd.f32 v19, v3;
	v25 =	vld [tilespmem:s15+$0x0]  }
0x195: {  	v8 =	vld [tilespmem:s25+$0x100];
	v3 =	vadd.f32 v20, v18  }
0x196: {  	s16 =	sadd.s32 s18, s13;
	s1 =	sadd.s32 s6, s5;
	[tilespmem:s25+$0x80] =	vst v19;
	v20 =	vadd.f32 v23, v14;
	v14 =	vld [tilespmem:s19+$0x180]  }
0x197: {  	s17 =	sadd.s32 s10, s1;
	v18 =	vadd.f32 v21, v11;
	v21 =	vld [tilespmem:s16+$0x0];
	[tilespmem:s19+$0x100] =	vst v3  }
0x198: {  	s20 =	sadd.s32 s12, s13;
	[tilespmem:s7+$0x80] =	vst v20;
	v23 =	vld [tilespmem:s17+$0x0]  }
0x199: {  	v25 =	vadd.f32 v25, v18;
	v27 =	vld [tilespmem:s20+$0x0]  }
0x19a: {  	v37 =	vld [tilespmem:s25+$0x300];
	v8 =	vadd.f32 v8, v12  }
0x19b: {  	v63 =	vld [tilespmem:s9+$0x300];
	s22 =	sadd.s32 s4, s1;
	s21 =	rddreg [dreg:$0x10];
	[tilespmem:s9+$0x100] =	vst v25;
	v14 =	vadd.f32 v14, v9  }
0x19c: {  	v29 =	vadd.f32 v22, v13;
	v30 =	vadd.f32 v21, v8;
	v8 =	vld [tilespmem:s22+$0x0]  }
0x19d: {  	v18 =	vld [tilespmem:s19+$0x200];
	v22 =	vadd.f32 v23, v14  }
0x19e: {  	s23 =	sadd.s32 s18, s1;
	s2 =	sadd.s32 s6, s21;
	v21 =	vld [tilespmem:s7+$0x180];
	[tilespmem:s25+$0x100] =	vst v30;
	v27 =	vadd.f32 v27, v29  }
0x19f: {  	v5 =	vadd.f32 v5, v12;
	s24 =	sadd.s32 s10, s2;
	v14 =	vadd.f32 v24, v11;
	v24 =	vld [tilespmem:s23+$0x0];
	[tilespmem:s19+$0x180] =	vst v22  }
0x1a0: {  	v28 =	vadd.f32 v28, v11;
	v4 =	vadd.f32 v4, v13;
	s1 =	sadd.s32 s12, s1;
	[tilespmem:s7+$0x100] =	vst v27;
	v29 =	vld [tilespmem:s24+$0x0]  }
0x1a1: {  	v33 =	vadd.f32 v33, v13;
	v8 =	vadd.f32 v8, v14;
	v31 =	vld [tilespmem:s1+$0x0]  }
0x1a2: {  	v37 =	vadd.f32 v37, v12;
	v23 =	vld [tilespmem:s25+$0x280];
	v14 =	vadd.f32 v26, v12  }
0x1a3: {  	v34 =	vld [tilespmem:s9+$0x280];
	v60 =	vadd.f32 v63, v11;
	v32 =	vmul.f32 v6, v6;
	s29 =	sadd.s32 s4, s2;
	v18 =	vadd.f32 v18, v9;
	s28 =	rddreg [dreg:$0x11];
	[tilespmem:s9+$0x180] =	vst v8  }
0x1a4: {  	v35 =	vadd.f32 v21, v13;
	v26 =	vimm.f32 $0.0e+00;
	v36 =	vld [tilespmem:s29+$0x0];
	v24 =	vadd.f32 v24, v14  }
0x1a5: {  	v53 =	vld [tilespmem:s19+$0x300];
	v21 =	vadd.f32 v29, v18;
	v18 =	vadd.f32 v32, v26  }
0x1a6: {  	s30 =	sadd.s32 s18, s2;
	v14 =	vld [tilespmem:s19+$0x280];
	[tilespmem:s25+$0x180] =	vst v24;
	v29 =	vmul.f32 v15, v15;
	v35 =	vadd.f32 v31, v35;
	v31 =	vmul.f32 v19, v19  }
0x1a7: {  	v40 =	vmul.f32 v17, v17;
	v23 =	vadd.f32 v23, v12;
	v62 =	vld [tilespmem:s30+$0x0];
	v19 =	vadd.f32 v19, v26  }
0x1a8: {  	v44 =	vld [tilespmem:s25+$0x380];
	s1 =	sadd.s32 s6, s28;
	v18 =	vadd.f32 v29, v18;
	v29 =	vmul.f32 v16, v16;
	v39 =	vadd.f32 v31, v26  }
0x1a9: {  	v47 =	vld [tilespmem:s9+$0x380];
	s0 =	sadd.s32 s10, s1;
	[tilespmem:s19+$0x200] =	vst v21;
	v31 =	vadd.f32 v36, v28;
	v42 =	vadd.f32 v17, v19  }
0x1aa: {  	s14 =	simm.s32 $0x200;
	s2 =	sadd.s32 s12, s2;
	[tilespmem:s7+$0x180] =	vst v35;
	v38 =	vld [tilespmem:s0+$0x0];
	v29 =	vadd.f32 v29, v18;
	v19 =	vadd.f32 v40, v39  }
0x1ab: {  	s15 =	simm.s32 $0x40;
	s16 =	rddreg [dreg:$0xc];
	s24 =	sand.u32 $0x1C00, s14;
	v28 =	vmul.f32 v20, v20;
	v41 =	vld [tilespmem:s2+$0x0];
	v18 =	vadd.f32 v14, v9;
	v20 =	vadd.f32 v20, v42  }
0x1ac: {  	s20 =	rddreg [dreg:$0xb];
	s21 =	sadd.s32 s24, s26;
	s5 =	sadd.s32 s24, s16;
	v17 =	vld [tilespmem:s7+$0x300];
	v14 =	vadd.f32 v62, v5;
	v5 =	vadd.f32 v30, v26  }
0x1ad: {  	s11 =	sadd.s32 s4, s1;
	v56 =	vmul.f32 v24, v24;
	v24 =	vadd.f32 v24, v26;
	s8 =	rddreg [dreg:$0x12];
	s0 =	sand.u32 $0x40, s15;
	[tilespmem:s9+$0x200] =	vst v31;
	v40 =	vld [tilespmem:s19+$0x380];
	v19 =	vadd.f32 v28, v19  }
0x1ae: {  	s15 =	sadd.s32 s24, s20;
	s14 =	sor.u32 $0x30, s0;
	s20 =	sadd.s32 s0, s21;
	v52 =	vld [tilespmem:s11+$0x0];
	v30 =	vmul.f32 v30, v30;
	v20 =	vadd.f32 v7, v20;
	v5 =	vadd.f32 v25, v5  }
0x1af: {  	s28 =	sadd.s32 s14, s5;
	v51 =	vld [tilespmem:s20+$0x0];
	v50 =	vadd.f32 v14, v26;
	v18 =	vadd.f32 v38, v18  }
0x1b0: {  	s13 =	sadd.s32 s18, s1;
	v28 =	vmul.f32 v25, v25;
	v59 =	vld [tilespmem:s28+$0x0];
	[tilespmem:s25+$0x200] =	vst v14;
	v32 =	vadd.f32 v41, v4;
	v4 =	vadd.f32 v30, v26  }
0x1b1: {  	s23 =	sadd.s32 s14, s21;
	v25 =	vmul.f32 v27, v27;
	v30 =	vadd.f32 v34, v11;
	v54 =	vld [tilespmem:s13+$0x0];
	v46 =	vadd.f32 v27, v5  }
0x1b2: {  	s11 =	sadd.s32 s6, s8;
	v5 =	vadd.f32 v56, v26;
	v27 =	vmul.f32 v8, v8;
	v8 =	vadd.f32 v8, v24;
	v56 =	vld [tilespmem:s23+$0x80]  }
0x1b3: {  	s2 =	sadd.s32 s10, s11;
	v24 =	vadd.f32 v31, v50;
	[tilespmem:s19+$0x280] =	vst v18;
	v30 =	vadd.f32 v52, v30;
	v52 =	vld [tilespmem:s20+$0x200]  }
0x1b4: {  	s1 =	sadd.s32 s12, s1;
	v38 =	vadd.f32 v47, v11;
	[tilespmem:s7+$0x200] =	vst v32;
	v4 =	vadd.f32 v28, v4;
	v28 =	vmul.f32 v7, v7;
	v55 =	vld [tilespmem:s2+$0x0]  }
0x1b5: {  	s17 =	sadd.s32 s4, s11;
	v43 =	vld [tilespmem:s1+$0x0];
	s2 =	sor.u32 $0x10, s0;
	v36 =	vadd.f32 v3, v46;
	v24 =	vadd.f32 v32, v24;
	[tilespmem:s9+$0x280] =	vst v30  }
0x1b6: {  	v45 =	vmul.f32 v3, v3;
	v4 =	vadd.f32 v25, v4;
	v25 =	vadd.f32 v28, v19;
	s22 =	sadd.s32 s2, s5;
	v48 =	vld [tilespmem:s17+$0x0]  }
0x1b7: {  	v34 =	vadd.f32 v54, v23;
	v49 =	vld [tilespmem:s22+$0x0];
	v23 =	vadd.f32 v17, v13  }
0x1b8: {  	v19 =	vadd.f32 v45, v4;
	v45 =	vld [tilespmem:s23+$0x0];
	v4 =	vadd.f32 v27, v5;
	v5 =	vmul.f32 v35, v35  }
0x1b9: {  	s13 =	sadd.s32 s18, s11;
	v54 =	vmul.f32 v10, v10;
	v27 =	vadd.f32 v53, v9;
	v35 =	vadd.f32 v35, v8;
	v53 =	vld [tilespmem:s20+$0x80];
	[tilespmem:s25+$0x280] =	vst v34  }
0x1ba: {  	v58 =	vmul.f32 v22, v22;
	s1 =	sadd.s32 s14, s15;
	v8 =	vadd.f32 v21, v24;
	v57 =	vld [tilespmem:s13+$0x0];
	v5 =	vadd.f32 v5, v4  }
0x1bb: {  	s29 =	sadd.s32 s2, s15;
	v61 =	vadd.f32 v34, v26;
	v29 =	vadd.f32 v54, v29;
	v4 =	vld [tilespmem:s1+$0x0];
	s13 =	sor.u32 $0x20, s0  }
0x1bc: {  	v34 =	vmul.f32 v34, v34;
	v28 =	vadd.f32 v55, v27;
	s30 =	sadd.s32 s13, s5;
	v17 =	vadd.f32 v58, v5;
	v5 =	vld [tilespmem:s29+$0x0]  }
0x1bd: {  	v43 =	vadd.f32 v43, v33;
	v55 =	vadd.f32 v6, v26;
	s31 =	sadd.s32 s13, s21;
	v50 =	vld [tilespmem:s30+$0x0]  }
0x1be: {  	v63 =	vmul.f32 v30, v30;
	s1 =	sadd.s32 s13, s15;
	v24 =	vadd.f32 v34, v26;
	v30 =	vadd.f32 v30, v61;
	v27 =	vld [tilespmem:s31+$0x200]  }
0x1bf: {  	s21 =	sadd.s32 s2, s21;
	v34 =	vadd.f32 v22, v35;
	v3 =	vld [tilespmem:s1+$0x0];
	v48 =	vadd.f32 v48, v60  }
0x1c0: {  	[tilespmem:s19+$0x300] =	vst v28;
	v22 =	vadd.f32 v63, v24;
	v24 =	vadd.f32 v43, v30;
	v30 =	vld [tilespmem:s21+$0x0]  }
0x1c1: {  	v33 =	vadd.f32 v40, v9;
	s15 =	sadd.s32 s0, s15;
	v62 =	vld [tilespmem:s31+$0x0];
	[tilespmem:s7+$0x280] =	vst v43;
	v15 =	vadd.f32 v15, v55  }
0x1c2: {  	v6 =	vld [tilespmem:s15+$0x0];
	[tilespmem:s9+$0x300] =	vst v48;
	v37 =	vadd.f32 v57, v37;
	v57 =	vadd.f32 v45, v4  }
0x1c3: {  	v58 =	vld [tilespmem:s21+$0x80];
	v60 =	vadd.f32 v44, v12;
	v15 =	vadd.f32 v16, v15;
	s16 =	rddreg [dreg:$0x13]  }
0x1c4: {  	s17 =	rddreg [dreg:$0xd];
	s5 =	sadd.s32 s0, s5;
	v46 =	vld [tilespmem:s31+$0x100];
	v7 =	vadd.f32 v18, v24;
	s6 =	sadd.s32 s6, s16;
	v9 =	vadd.f32 v59, v57  }
0x1c5: {  	v24 =	vld [tilespmem:s5+$0x0];
	s5 =	sadd.s32 s24, s17;
	v56 =	vadd.f32 v56, v4;
	[tilespmem:s25+$0x300] =	vst v37;
	s3 =	sadd.s32 s18, s6;
	v16 =	vadd.f32 v30, v5  }
0x1c6: {  	v10 =	vadd.f32 v10, v15;
	s22 =	sadd.s32 s14, s5;
	s18 =	rddreg [dreg:$0xe];
	v45 =	vadd.f32 v37, v26;
	v15 =	vld [tilespmem:s3+$0x0];
	[tilespmem:s23+$0x0] =	vst v9  }
0x1c7: {  	v11 =	vadd.f32 v49, v16;
	v16 =	vadd.f32 v62, v3;
	v61 =	vld [tilespmem:s22+$0x0]  }
0x1c8: {  	v63 =	vld [tilespmem:s21+$0x100];
	v42 =	vadd.f32 v58, v5;
	v39 =	vadd.f32 v53, v6  }
0x1c9: {  	s1 =	sadd.s32 s12, s11;
	v37 =	vmul.f32 v37, v37;
	v58 =	vld [tilespmem:s23+$0x100];
	v12 =	vadd.f32 v50, v16;
	v16 =	vadd.f32 v51, v6  }
0x1ca: {  	s4 =	sadd.s32 s4, s6;
	v35 =	vadd.f32 v52, v6;
	v57 =	vld [tilespmem:s1+$0x0];
	v46 =	vadd.f32 v46, v3  }
0x1cb: {  	v59 =	vld [tilespmem:s4+$0x0];
	v37 =	vadd.f32 v37, v26;
	v16 =	vadd.f32 v24, v16;
	v24 =	vmul.f32 v48, v48  }
0x1cc: {  	s28 =	sadd.s32 s2, s5;
	v30 =	vld [tilespmem:s31+$0x80];
	[tilespmem:s21+$0x0] =	vst v11;
	v41 =	vadd.f32 v15, v60;
	v15 =	vadd.f32 v61, v56  }
0x1cd: {  	s30 =	sadd.s32 s13, s5;
	s8 =	sadd.s32 s24, s18;
	v45 =	vadd.f32 v48, v45;
	s29 =	rddreg [dreg:$0xf];
	v62 =	vld [tilespmem:s28+$0x0];
	[tilespmem:s31+$0x0] =	vst v12;
	v37 =	vadd.f32 v24, v37;
	v24 =	vmul.f32 v43, v43  }
0x1ce: {  	s11 =	sadd.s32 s14, s8;
	v49 =	vadd.f32 v63, v5;
	v44 =	vadd.f32 v58, v4;
	v51 =	vld [tilespmem:s30+$0x0];
	[tilespmem:s23+$0x80] =	vst v15  }
0x1cf: {  	v52 =	vadd.f32 v57, v23;
	v60 =	vmul.f32 v41, v41;
	v22 =	vadd.f32 v24, v22;
	v24 =	vld [tilespmem:s11+$0x0]  }
0x1d0: {  	v55 =	vld [tilespmem:s21+$0x180];
	v18 =	vmul.f32 v18, v18;
	s5 =	sadd.s32 s0, s5;
	[tilespmem:s20+$0x0] =	vst v16;
	v43 =	vadd.f32 v59, v38;
	v59 =	vadd.f32 v41, v26  }
0x1d1: {  	v30 =	vadd.f32 v30, v3;
	v54 =	vmul.f32 v16, v16;
	v61 =	vld [tilespmem:s5+$0x0];
	v40 =	vadd.f32 v60, v26  }
0x1d2: {  	v50 =	vld [tilespmem:s23+$0x200];
	v53 =	vadd.f32 v43, v59;
	v42 =	vadd.f32 v62, v42  }
0x1d3: {  	v63 =	vmul.f32 v11, v11;
	v38 =	vld [tilespmem:s20+$0x100];
	v29 =	vadd.f32 v54, v29;
	v22 =	vadd.f32 v18, v22  }
0x1d4: {  	v60 =	vld [tilespmem:s23+$0x180];
	v62 =	vmul.f32 v43, v43;
	v23 =	vadd.f32 v51, v30;
	v24 =	vadd.f32 v24, v44  }
0x1d5: {  	s15 =	sadd.s32 s2, s8;
	v48 =	vld [tilespmem:s20+$0x180];
	s4 =	sadd.s32 s24, s29;
	[tilespmem:s21+$0x80] =	vst v42;
	v30 =	vadd.f32 v63, v29;
	v18 =	vmul.f32 v52, v52;
	v29 =	vadd.f32 v52, v45  }
0x1d6: {  	s17 =	sadd.s32 s14, s4;
	v47 =	vadd.f32 v62, v40;
	v39 =	vadd.f32 v61, v39;
	v44 =	vld [tilespmem:s15+$0x0];
	[tilespmem:s23+$0x100] =	vst v24  }
0x1d7: {  	s18 =	sadd.s32 s13, s8;
	v63 =	vmul.f32 v28, v28;
	[tilespmem:s31+$0x80] =	vst v23;
	v37 =	vadd.f32 v18, v37;
	v18 =	vadd.f32 v28, v29;
	v61 =	vld [tilespmem:s17+$0x0]  }
0x1d8: {  	s16 =	sadd.s32 s0, s8;
	v28 =	vmul.f32 v12, v12;
	v57 =	vld [tilespmem:s18+$0x0];
	[tilespmem:s20+$0x80] =	vst v39;
	v20 =	vadd.f32 v39, v20;
	v39 =	vmul.f32 v39, v39  }
0x1d9: {  	v38 =	vadd.f32 v38, v6;
	v40 =	vadd.f32 v60, v4;
	v56 =	vld [tilespmem:s16+$0x0]  }
0x1da: {  	v62 =	vld [tilespmem:s7+$0x380];
	v30 =	vadd.f32 v28, v30;
	v25 =	vadd.f32 v39, v25  }
0x1db: {  	v59 =	vld [tilespmem:s21+$0x200];
	v29 =	vadd.f32 v42, v20;
	v42 =	vmul.f32 v42, v42;
	v44 =	vadd.f32 v44, v49  }
0x1dc: {  	s22 =	sadd.s32 s12, s6;
	[tilespmem:s7+$0x300] =	vst v52;
	s28 =	rddreg [dreg:$0x10];
	v20 =	vadd.f32 v63, v37;
	v37 =	vld [tilespmem:s31+$0x180];
	v28 =	vadd.f32 v61, v40  }
0x1dd: {  	s29 =	sadd.s32 s2, s4;
	s5 =	sadd.s32 s24, s28;
	v49 =	vld [tilespmem:s22+$0x0];
	v25 =	vadd.f32 v42, v25;
	[tilespmem:s21+$0x100] =	vst v44  }
0x1de: {  	v60 =	vmul.f32 v23, v23;
	v46 =	vadd.f32 v57, v46;
	s30 =	sadd.s32 s14, s5;
	v38 =	vadd.f32 v56, v38;
	v40 =	vld [tilespmem:s29+$0x0];
	[tilespmem:s23+$0x180] =	vst v28  }
0x1df: {  	v55 =	vadd.f32 v55, v5;
	v13 =	vadd.f32 v62, v13;
	v62 =	vld [tilespmem:s30+$0x0]  }
0x1e0: {  	s1 =	sadd.s32 s13, s4;
	v58 =	vadd.f32 v50, v4;
	[tilespmem:s31+$0x100] =	vst v46;
	v25 =	vadd.f32 v60, v25;
	v60 =	vld [tilespmem:s23+$0x280];
	v61 =	vmul.f32 v38, v38  }
0x1e1: {  	v48 =	vadd.f32 v48, v6;
	v63 =	vld [tilespmem:s1+$0x0];
	v37 =	vadd.f32 v37, v3  }
0x1e2: {  	s8 =	sadd.s32 s0, s4;
	v51 =	vld [tilespmem:s31+$0x280];
	[tilespmem:s20+$0x100] =	vst v38;
	v57 =	vadd.f32 v49, v13;
	v13 =	vmul.f32 v44, v44;
	v19 =	vadd.f32 v61, v19  }
0x1e3: {  	v36 =	vadd.f32 v38, v36;
	v45 =	vld [tilespmem:s8+$0x0];
	v39 =	vadd.f32 v40, v55  }
0x1e4: {  	v52 =	vld [tilespmem:s20+$0x280];
	s11 =	rddreg [dreg:$0x11];
	v19 =	vadd.f32 v13, v19;
	v13 =	vadd.f32 v62, v58  }
0x1e5: {  	s12 =	sadd.s32 s2, s5;
	v56 =	vadd.f32 v59, v5;
	v49 =	vld [tilespmem:s21+$0x280];
	v36 =	vadd.f32 v44, v36;
	v59 =	vmul.f32 v57, v57;
	s3 =	sadd.s32 s24, s11;
	[tilespmem:s21+$0x180] =	vst v39  }
0x1e6: {  	v61 =	vmul.f32 v46, v46;
	v60 =	vadd.f32 v60, v4;
	v38 =	vadd.f32 v63, v37;
	s15 =	sadd.s32 s14, s3;
	v54 =	vld [tilespmem:s12+$0x0];
	[tilespmem:s23+$0x200] =	vst v13  }
0x1e7: {  	v42 =	vadd.f32 v59, v47;
	v47 =	vadd.f32 v51, v3;
	v63 =	vld [tilespmem:s15+$0x0]  }
0x1e8: {  	s16 =	sadd.s32 s13, s5;
	v59 =	vmul.f32 v24, v24;
	v51 =	vld [tilespmem:s20+$0x300];
	v19 =	vadd.f32 v61, v19;
	[tilespmem:s31+$0x180] =	vst v38;
	v58 =	vadd.f32 v45, v48  }
0x1e9: {  	s17 =	sadd.s32 s10, s6;
	v40 =	vadd.f32 v52, v6;
	v46 =	vadd.f32 v46, v36;
	v62 =	vmul.f32 v15, v15;
	v36 =	vld [tilespmem:s16+$0x0]  }
0x1ea: {  	s18 =	sadd.s32 s0, s5;
	v48 =	vadd.f32 v57, v53;
	v53 =	vld [tilespmem:s17+$0x0];
	v19 =	vadd.f32 v59, v19;
	[tilespmem:s20+$0x180] =	vst v58  }
0x1eb: {  	[tilespmem:s25+$0x380] =	vst v41;
	v45 =	vmul.f32 v14, v14;
	v25 =	vadd.f32 v62, v25;
	v14 =	vadd.f32 v54, v56;
	v54 =	vld [tilespmem:s18+$0x0]  }
0x1ec: {  	[tilespmem:s9+$0x380] =	vst v43;
	v52 =	vld [tilespmem:s31+$0x300];
	v61 =	vmul.f32 v58, v58;
	v62 =	vadd.f32 v27, v3;
	v27 =	vadd.f32 v63, v60  }
0x1ed: {  	v31 =	vmul.f32 v31, v31;
	v55 =	vld [tilespmem:s23+$0x300];
	v37 =	vadd.f32 v58, v34;
	v58 =	vadd.f32 v49, v5;
	s22 =	rddreg [dreg:$0x12];
	[tilespmem:s21+$0x200] =	vst v14  }
0x1ee: {  	v44 =	vmul.f32 v28, v28;
	s25 =	sadd.s32 s2, s3;
	v49 =	vld [tilespmem:s21+$0x300];
	v63 =	vadd.f32 v61, v17;
	v17 =	vadd.f32 v36, v62;
	[tilespmem:s23+$0x280] =	vst v27  }
0x1ef: {  	v59 =	vmul.f32 v39, v39;
	v26 =	vadd.f32 v45, v26;
	v41 =	vadd.f32 v51, v6;
	s4 =	sadd.s32 s24, s22;
	v60 =	vld [tilespmem:s25+$0x0];
	[dreg:$0x15] =	wrdreg s14  }
0x1f0: {  	s28 =	sadd.s32 s14, s4;
	v53 =	vadd.f32 v53, v33;
	v61 =	vmul.f32 v38, v38;
	v34 =	vadd.f32 v54, v35;
	v45 =	vld [tilespmem:s23+$0x380];
	[tilespmem:s31+$0x200] =	vst v17  }
0x1f1: {  	s9 =	simm.s32 $0x4;
	s10 =	simm.s32 $0x80;
	v62 =	vadd.f32 v31, v26;
	v50 =	vadd.f32 v59, v63;
	v63 =	vmul.f32 v32, v32;
	v43 =	vld [tilespmem:s28+$0x0];
	[tilespmem:s7+$0x380] =	vst v57  }
0x1f2: {  	s29 =	sadd.s32 s13, s3;
	s30 =	sadd.s32 s0, s3;
	s22 =	smov.u32 s2;
	v31 =	vadd.f32 v52, v3;
	v32 =	vmul.f32 v21, v21;
	v35 =	vadd.f32 v53, v48;
	[tilespmem:s20+$0x200] =	vst v34;
	v26 =	vld [tilespmem:s31+$0x380]  }
0x1f3: {  	s3 =	sadd.s32 s2, s4;
	s15 =	sadd.s32 s0, s4;
	s4 =	sadd.s32 s13, s4;
	v48 =	vmul.f32 v53, v53;
	v33 =	vadd.f32 v61, v50;
	v52 =	vadd.f32 v63, v62;
	[tilespmem:s19+$0x380] =	vst v53;
	v50 =	vld [tilespmem:s29+$0x0]  }
0x1f4: {  	s14 =	smov.u32 s0;
	v21 =	vmul.f32 v34, v34;
	v53 =	vadd.f32 v55, v4;
	s7 =	simm.s32 $0x400;
	v51 =	vld [tilespmem:s30+$0x0];
	v36 =	vadd.f32 v60, v58;
	[dreg:$0x14] =	wrdreg s26  }
.LBB2_7:
0x1f5: {  	s16 =	sand.u32 $0x40, s10;
	s18 =	sand.u32 $0x1C00, s7;
	v54 =	vld [tilespmem:s20+$0x380]  }
0x1f6: {  	v58 =	vld [tilespmem:s21+$0x380];
	s8 =	sadd.s32 s18, s26;
	s17 =	sor.u32 $0x30, s16;
	[tilespmem:s21+$0x280] =	vst v36  }
0x1f7: {  	s25 =	sor.u32 $0x20, s16;
	s12 =	sadd.s32 s17, s8;
	v59 =	vld [tilespmem:s3+$0x0]  }
0x1f8: {  	v37 =	vadd.f32 v39, v37;
	v39 =	vadd.f32 v24, v46;
	s6 =	sadd.s32 s25, s8;
	v60 =	vld [tilespmem:s12+$0x0]  }
0x1f9: {  	v29 =	vadd.f32 v23, v29;
	v8 =	vadd.f32 v34, v8;
	v34 =	vld [tilespmem:s6+$0x200]  }
0x1fa: {  	v10 =	vadd.f32 v16, v10;
	v32 =	vadd.f32 v32, v52;
	v61 =	vld [tilespmem:s6+$0x0]  }
0x1fb: {  	v23 =	vmul.f32 v9, v9;
	v48 =	vadd.f32 v48, v42;
	v33 =	vadd.f32 v44, v33;
	s11 =	sadd.s32 s16, s8;
	v57 =	vld [tilespmem:s6+$0x100]  }
0x1fc: {  	v37 =	vadd.f32 v38, v37;
	v24 =	vadd.f32 v49, v5;
	v49 =	vld [tilespmem:s11+$0x0]  }
0x1fd: {  	v23 =	vadd.f32 v23, v30;
	v40 =	vadd.f32 v51, v40;
	v51 =	vld [tilespmem:s11+$0x200]  }
0x1fe: {  	s29 =	rddreg [dreg:$0xc];
	s19 =	sor.u32 $0x10, s16;
	v42 =	vadd.f32 v43, v53;
	v47 =	vadd.f32 v50, v47;
	v43 =	vld [tilespmem:s11+$0x80]  }
0x1ff: {  	[smem:$0x7DF] =	sst s31;
	s29 =	sadd.s32 s18, s29;
	s3 =	sadd.s32 s19, s8;
	v10 =	vadd.f32 v11, v10;
	v8 =	vadd.f32 v14, v8;
	v53 =	vld [tilespmem:s12+$0x80]  }
0x200: {  	s5 =	rddreg [dreg:$0xb];
	v37 =	vadd.f32 v28, v37;
	v28 =	vadd.f32 v15, v29;
	v15 =	vld [tilespmem:s3+$0x0];
	[tilespmem:s31+$0x280] =	vst v47;
	s31 =	sadd.s32 s19, s29  }
0x201: {  	s2 =	sadd.s32 s18, s5;
	v21 =	vadd.f32 v21, v32;
	v10 =	vadd.f32 v12, v10;
	[tilespmem:s20+$0x280] =	vst v40;
	v63 =	vld [tilespmem:s31+$0x0]  }
0x202: {  	s5 =	sadd.s32 s16, s2;
	s0 =	sadd.s32 s17, s2;
	v8 =	vadd.f32 v17, v8;
	[tilespmem:s23+$0x300] =	vst v42;
	v7 =	vadd.f32 v40, v7;
	v16 =	vld [tilespmem:s15+$0x0]  }
0x203: {  	s30 =	sadd.s32 s19, s2;
	s28 =	sadd.s32 s25, s2;
	s2 =	sadd.s32 s17, s29;
	v50 =	vadd.f32 v54, v6;
	v40 =	vmul.f32 v40, v40;
	v24 =	vadd.f32 v59, v24;
	v29 =	vld [tilespmem:s0+$0x0]  }
0x204: {  	v10 =	vadd.f32 v9, v10;
	v11 =	vld [tilespmem:s2+$0x0];
	v7 =	vadd.f32 v36, v7  }
0x205: {  	v62 =	vmul.f32 v36, v36;
	v8 =	vadd.f32 v13, v8;
	v38 =	vld [tilespmem:s28+$0x0];
	v22 =	vadd.f32 v40, v22;
	[tilespmem:s21+$0x300] =	vst v24  }
0x206: {  	v36 =	vadd.f32 v45, v4;
	v7 =	vadd.f32 v47, v7;
	v30 =	vld [tilespmem:s30+$0x0]  }
0x207: {  	s1 =	sadd.s32 s25, s29;
	v59 =	vld [tilespmem:s12+$0x100];
	v45 =	vadd.f32 v58, v5;
	v58 =	vmul.f32 v47, v47;
	v22 =	vadd.f32 v62, v22  }
0x208: {  	[dreg:$0x16] =	wrdreg s23;
	v12 =	vld [tilespmem:s1+$0x0];
	v7 =	vadd.f32 v27, v7;
	v16 =	vadd.f32 v16, v41  }
0x209: {  	s23 =	sadd.s32 s16, s29;
	s2 =	rddreg [dreg:$0x13];
	v41 =	vld [tilespmem:s5+$0x0];
	v9 =	vadd.f32 v60, v29;
	v22 =	vadd.f32 v58, v22  }
0x20a: {  	s29 =	rddreg [dreg:$0xd];
	s1 =	sadd.s32 s24, s2;
	v4 =	vmov v29;
	v29 =	vld [tilespmem:s23+$0x0];
	v46 =	vadd.f32 v57, v38;
	v18 =	vadd.f32 v16, v18  }
0x20b: {  	s8 =	sadd.s32 s18, s29;
	s23 =	smov.u32 s18;
	s18 =	sadd.s32 s14, s1;
	[tilespmem:s20+$0x300] =	vst v16;
	v16 =	vmul.f32 v16, v16;
	v9 =	vadd.f32 v11, v9;
	v56 =	vadd.f32 v15, v30;
	v15 =	vld [tilespmem:s6+$0x80]  }
0x20c: {  	s22 =	sadd.s32 s22, s1;
	v53 =	vadd.f32 v53, v4;
	v47 =	vadd.f32 v59, v4;
	v60 =	vld [tilespmem:s18+$0x0]  }
0x20d: {  	s0 =	sadd.s32 s17, s8;
	v20 =	vadd.f32 v16, v20;
	v16 =	vadd.f32 v61, v38;
	[tilespmem:s12+$0x0] =	vst v9;
	v61 =	vld [tilespmem:s22+$0x0]  }
0x20e: {  	v11 =	vadd.f32 v63, v56;
	v62 =	vadd.f32 v49, v41;
	v63 =	vld [tilespmem:s0+$0x0]  }
0x20f: {  	v55 =	vld [tilespmem:s3+$0x80];
	v49 =	vadd.f32 v43, v41;
	v6 =	vmov v41;
	v12 =	vadd.f32 v12, v16  }
0x210: {  	s31 =	sadd.s32 s19, s8;
	v27 =	vmul.f32 v27, v27;
	v56 =	vld [tilespmem:s3+$0x100];
	v43 =	vadd.f32 v51, v6;
	[tilespmem:s3+$0x0] =	vst v11;
	v16 =	vadd.f32 v29, v62  }
0x211: {  	s29 =	sadd.s32 s16, s8;
	s8 =	sadd.s32 s25, s8;
	v29 =	vadd.f32 v15, v38;
	v15 =	vmul.f32 v24, v24;
	v51 =	vld [tilespmem:s31+$0x0];
	[tilespmem:s6+$0x0] =	vst v12;
	v50 =	vadd.f32 v60, v50  }
0x212: {  	s15 =	rddreg [dreg:$0xe];
	v22 =	vadd.f32 v27, v22;
	v52 =	vld [tilespmem:s8+$0x0];
	v40 =	vadd.f32 v61, v45  }
0x213: {  	s24 =	rddreg [dreg:$0x15];
	v61 =	vld [tilespmem:s4+$0x0];
	v20 =	vadd.f32 v15, v20;
	v15 =	vadd.f32 v63, v53;
	[tilespmem:s20+$0x380] =	vst v50;
	s20 =	smov.u32 s11  }
0x214: {  	s5 =	sadd.s32 s23, s15;
	v5 =	vmov v30;
	s18 =	sadd.s32 s24, s1;
	s24 =	smov.u32 s17;
	v35 =	vadd.f32 v50, v35;
	v50 =	vmul.f32 v50, v50;
	[tilespmem:s20+$0x0] =	vst v16;
	v58 =	vld [tilespmem:s20+$0x100]  }
0x215: {  	v30 =	vadd.f32 v55, v5;
	s22 =	sadd.s32 s24, s5;
	v18 =	vadd.f32 v24, v18;
	v62 =	vld [tilespmem:s29+$0x0];
	[tilespmem:s12+$0x80] =	vst v15  }
0x216: {  	v41 =	vadd.f32 v56, v5;
	v63 =	vmul.f32 v16, v16;
	[tilespmem:s21+$0x380] =	vst v40;
	s21 =	smov.u32 s3;
	v48 =	vadd.f32 v50, v48;
	v57 =	vld [tilespmem:s22+$0x0]  }
0x217: {  	v60 =	vmul.f32 v40, v40;
	v35 =	vadd.f32 v40, v35;
	v27 =	vld [tilespmem:s21+$0x180];
	v30 =	vadd.f32 v51, v30  }
0x218: {  	s26 =	sadd.s32 s25, s5;
	s17 =	smov.u32 s25;
	s25 =	sld [smem:$0x7DF];
	v24 =	vadd.f32 v63, v23;
	v50 =	vld [tilespmem:s20+$0x180];
	v23 =	vadd.f32 v52, v29;
	v29 =	vmul.f32 v11, v11  }
0x219: {  	v48 =	vadd.f32 v60, v48;
	v31 =	vadd.f32 v61, v31;
	v60 =	vld [tilespmem:s12+$0x180];
	[tilespmem:s21+$0x80] =	vst v30  }
0x21a: {  	s30 =	sadd.s32 s19, s5;
	v51 =	vld [tilespmem:s12+$0x200];
	[tilespmem:s6+$0x80] =	vst v23;
	v59 =	vadd.f32 v29, v24;
	v49 =	vadd.f32 v62, v49  }
0x21b: {  	s15 =	sadd.s32 s13, s1;
	s1 =	rddreg [dreg:$0xf];
	v40 =	vadd.f32 v58, v6;
	v61 =	vld [tilespmem:s30+$0x0];
	v29 =	vmul.f32 v31, v31;
	[tilespmem:s25+$0x300] =	vst v31;
	v24 =	vadd.f32 v57, v47  }
0x21c: {  	v44 =	vmul.f32 v42, v42;
	s28 =	sadd.s32 s16, s5;
	s0 =	sadd.s32 s23, s1;
	v18 =	vadd.f32 v31, v18;
	v27 =	vadd.f32 v27, v5;
	v31 =	vld [tilespmem:s26+$0x0];
	[tilespmem:s20+$0x80] =	vst v49  }
0x21d: {  	s8 =	sadd.s32 s24, s0;
	v20 =	vadd.f32 v29, v20;
	v28 =	vadd.f32 v49, v28;
	v49 =	vmul.f32 v49, v49;
	v62 =	vld [tilespmem:s28+$0x0];
	[tilespmem:s12+$0x100] =	vst v24  }
0x21e: {  	v18 =	vadd.f32 v42, v18;
	v60 =	vadd.f32 v60, v4;
	v57 =	vld [tilespmem:s8+$0x0]  }
0x21f: {  	v63 =	vmul.f32 v12, v12;
	v58 =	vld [tilespmem:s21+$0x200];
	v20 =	vadd.f32 v44, v20;
	v25 =	vadd.f32 v49, v25  }
0x220: {  	v29 =	vadd.f32 v30, v28;
	v28 =	vmul.f32 v30, v30;
	v41 =	vadd.f32 v61, v41;
	v61 =	vld [tilespmem:s15+$0x0]  }
0x221: {  	s14 =	smov.u32 s19;
	v47 =	vld [tilespmem:s6+$0x180];
	v30 =	vadd.f32 v63, v59;
	v63 =	vadd.f32 v26, v3  }
0x222: {  	s2 =	sadd.s32 s14, s0;
	v49 =	vld [tilespmem:s20+$0x280];
	v31 =	vadd.f32 v31, v46;
	v25 =	vadd.f32 v28, v25;
	[tilespmem:s21+$0x100] =	vst v41  }
0x223: {  	s13 =	smov.u32 s16;
	s28 =	rddreg [dreg:$0x10];
	v3 =	vmovc v38;
	v40 =	vadd.f32 v62, v40;
	v62 =	vmul.f32 v23, v23;
	v28 =	vadd.f32 v57, v60;
	v60 =	vld [tilespmem:s2+$0x0]  }
0x224: {  	s19 =	sadd.s32 s17, s0;
	s11 =	sadd.s32 s13, s0;
	s0 =	sadd.s32 s23, s28;
	v54 =	vadd.f32 v58, v5;
	v34 =	vadd.f32 v34, v3;
	[tilespmem:s6+$0x100] =	vst v31;
	v57 =	vld [tilespmem:s6+$0x280]  }
0x225: {  	s8 =	sadd.s32 s24, s0;
	v61 =	vadd.f32 v61, v63;
	v59 =	vmul.f32 v40, v40;
	v25 =	vadd.f32 v62, v25;
	v62 =	vld [tilespmem:s19+$0x0];
	[tilespmem:s12+$0x180] =	vst v28  }
0x226: {  	v38 =	vadd.f32 v47, v3;
	v26 =	vadd.f32 v40, v39;
	v58 =	vld [tilespmem:s8+$0x0]  }
0x227: {  	v63 =	vld [tilespmem:s21+$0x280];
	[tilespmem:s20+$0x100] =	vst v40;
	v35 =	vadd.f32 v61, v35;
	v19 =	vadd.f32 v59, v19;
	v59 =	vmul.f32 v61, v61  }
0x228: {  	v55 =	vld [tilespmem:s11+$0x0];
	v26 =	vadd.f32 v41, v26;
	v41 =	vmul.f32 v41, v41;
	v39 =	vadd.f32 v60, v27  }
0x229: {  	v27 =	vadd.f32 v51, v4;
	v51 =	vld [tilespmem:s12+$0x280];
	v42 =	vadd.f32 v59, v48  }
0x22a: {  	s29 =	sadd.s32 s13, s0;
	s30 =	sadd.s32 s17, s0;
	s0 =	sadd.s32 s14, s0;
	v48 =	vld [tilespmem:s20+$0x300];
	v19 =	vadd.f32 v41, v19;
	v38 =	vadd.f32 v62, v38;
	[tilespmem:s21+$0x180] =	vst v39  }
0x22b: {  	s31 =	smov.u32 s6;
	s15 =	rddreg [dreg:$0x11];
	[tilespmem:s25+$0x380] =	vst v61;
	v60 =	vmul.f32 v31, v31;
	v56 =	vadd.f32 v58, v27;
	v27 =	vadd.f32 v50, v6;
	v61 =	vld [tilespmem:s0+$0x0]  }
0x22c: {  	s2 =	sadd.s32 s23, s15;
	v40 =	vadd.f32 v49, v6;
	v53 =	vadd.f32 v63, v5;
	v63 =	vld [tilespmem:s31+$0x300];
	[tilespmem:s31+$0x180] =	vst v38  }
0x22d: {  	s25 =	sadd.s32 s24, s2;
	v62 =	vmul.f32 v15, v15;
	v19 =	vadd.f32 v60, v19;
	v60 =	vld [tilespmem:s30+$0x0];
	[tilespmem:s12+$0x200] =	vst v56;
	v27 =	vadd.f32 v55, v27  }
0x22e: {  	v47 =	vadd.f32 v57, v3;
	v46 =	vadd.f32 v31, v26;
	v26 =	vld [tilespmem:s25+$0x0]  }
0x22f: {  	v32 =	vmul.f32 v13, v13;
	v25 =	vadd.f32 v62, v25;
	v41 =	vadd.f32 v48, v6;
	v48 =	vld [tilespmem:s18+$0x0];
	[tilespmem:s20+$0x180] =	vst v27  }
0x230: {  	v37 =	vadd.f32 v27, v37;
	v27 =	vmul.f32 v27, v27;
	v57 =	vld [tilespmem:s29+$0x0];
	v61 =	vadd.f32 v61, v54  }
0x231: {  	s9 =	sadd.s32 $0x4, s9;
	v45 =	vld [tilespmem:s12+$0x380];
	v44 =	vmul.f32 v28, v28;
	v62 =	vadd.f32 v51, v4;
	v31 =	vadd.f32 v63, v3  }
0x232: {  	s16 =	sadd.s32 s13, s2;
	s19 =	sadd.s32 s17, s2;
	s2 =	sadd.s32 s14, s2;
	v63 =	vmul.f32 v39, v39;
	v54 =	vld [tilespmem:s12+$0x300];
	v33 =	vadd.f32 v27, v33;
	v55 =	vadd.f32 v60, v34;
	[tilespmem:s21+$0x200] =	vst v61  }
0x233: {  	s7 =	sadd.s32 $0x200, s7;
	p0 =	slt.u32 s9, $0x2C;
	[dreg:$0x15] =	wrdreg s24;
	v59 =	vmul.f32 v24, v24;
	v27 =	vadd.f32 v26, v62;
	v58 =	vld [tilespmem:s2+$0x0];
	v26 =	vmul.f32 v14, v14;
	v14 =	vmovc v61  }
.Ltmp6:
0x234: {  	s10 =	sadd.s32 $0x40, s10;
	s28 =	rddreg [dreg:$0x12];
	v49 =	vld [tilespmem:s21+$0x300];
	v60 =	vadd.f32 v63, v33;
	v61 =	vmul.f32 v38, v38;
	v36 =	vadd.f32 v48, v36;
	[tilespmem:s31+$0x200] =	vst v55;
	(pc) =	sbr.rel @p0 .LBB2_7-.Ltmp6, $4  }
0x235: {  	s22 =	smov.u32 s14;
	s26 =	rddreg [dreg:$0x14];
	s1 =	sadd.s32 s23, s28;
	v63 =	vmul.f32 v17, v17;
	v50 =	vld [tilespmem:s19+$0x0];
	v34 =	vadd.f32 v57, v43;
	v62 =	vadd.f32 v26, v21  }
0x236: {  	s3 =	sadd.s32 s14, s1;
	s4 =	sadd.s32 s17, s1;
	v19 =	vadd.f32 v59, v19;
	v13 =	vmovc v56;
	s29 =	sadd.s32 s24, s1;
	v17 =	vmov v55;
	[tilespmem:s12+$0x280] =	vst v27;
	v33 =	vadd.f32 v61, v60;
	v26 =	vld [tilespmem:s31+$0x380]  }
0x237: {  	s15 =	sadd.s32 s13, s1;
	s14 =	smov.u32 s13;
	s30 =	rddreg [dreg:$0x16];
	v35 =	vadd.f32 v36, v35;
	v48 =	vmul.f32 v36, v36;
	v43 =	vld [tilespmem:s29+$0x0];
	[tilespmem:s20+$0x200] =	vst v34;
	v52 =	vadd.f32 v63, v62  }
0x238: {  	s13 =	smov.u32 s17;
	s24 =	smov.u32 s23;
	s23 =	smov.u32 s12;
	[tilespmem:s30+$0x380] =	vst v36;
	v21 =	vmul.f32 v34, v34;
	v51 =	vld [tilespmem:s16+$0x0];
	v36 =	vadd.f32 v58, v53;
	v53 =	vadd.f32 v54, v4  }
0x239: {  	v10 =	vadd.f32 v16, v10  }
0x23a: {  	v8 =	vadd.f32 v34, v8  }
0x23b: {  	v49 =	vadd.f32 v49, v5;
	v10 =	vadd.f32 v11, v10  }
0x23c: {  	[tilespmem:s21+$0x280] =	vst v36;
	v11 =	vadd.f32 v32, v52;
	v8 =	vadd.f32 v14, v8  }
0x23d: {  	v16 =	vld [tilespmem:s3+$0x0];
	v56 =	vadd.f32 v43, v53;
	v10 =	vadd.f32 v12, v10  }
0x23e: {  	v58 =	vld [tilespmem:s20+$0x380];
	v12 =	vadd.f32 v50, v47;
	v40 =	vadd.f32 v51, v40  }
0x23f: {  	v57 =	vmul.f32 v9, v9;
	v8 =	vadd.f32 v17, v8;
	v11 =	vadd.f32 v21, v11  }
0x240: {  	v9 =	vadd.f32 v9, v10;
	[tilespmem:s20+$0x280] =	vst v40;
	v10 =	vadd.f32 v23, v29  }
0x241: {  	v14 =	vmul.f32 v14, v14;
	v23 =	vadd.f32 v57, v30;
	v7 =	vadd.f32 v40, v7;
	v29 =	vld [tilespmem:s15+$0x0]  }
0x242: {  	[tilespmem:s23+$0x300] =	vst v56;
	v16 =	vadd.f32 v16, v49;
	(xrf2) =	vadd.scan.msk.f32 $0xffff, v9;
	v10 =	vadd.f32 v15, v10  }
0x243: {  	v6 =	vadd.f32 v58, v6;
	[tilespmem:s31+$0x280] =	vst v12;
	v7 =	vadd.f32 v36, v7;
	(xrf2) =	vadd.scan.msk.f32 $0xffff, v23  }
0x244: {  	v8 =	vadd.f32 v13, v8;
	[tilespmem:s21+$0x300] =	vst v16;
	v23 =	vadd.f32 v39, v37;
	(xrf2) =	vadd.scan.msk.f32 $0xffff, v10  }
0x245: {  	v30 =	vld [tilespmem:s21+$0x380];
	v10 =	vadd.f32 v24, v46;
	v24 =	vmul.f32 v40, v40;
	v7 =	vadd.f32 v12, v7;
	(xrf2) =	vadd.scan.msk.f32 $0xffff, v25  }
0x246: {  	s0 =	rddreg [dreg:$0x13];
	v23 =	vadd.f32 v38, v23;
	v25 =	vadd.f32 v29, v41  }
0x247: {  	v11 =	vadd.f32 v14, v11;
	s0 =	sadd.s32 s24, s0;
	v22 =	vadd.f32 v24, v22;
	v24 =	vmul.f32 v36, v36;
	v29 =	vld [tilespmem:s4+$0x0];
	(xrf2) =	vadd.scan.msk.f32 $0xffff, v10  }
0x248: {  	s1 =	sadd.s32 s14, s0;
	v23 =	vadd.f32 v28, v23;
	v28 =	vadd.f32 v27, v7;
	[tilespmem:s20+$0x300] =	vst v25;
	v7 =	vmul.f32 v25, v25  }
0x249: {  	v14 =	vmul.f32 v17, v17;
	v9 =	vadd.f32 v48, v42;
	s3 =	sadd.s32 s22, s0;
	(xrf2) =	vadd.scan.msk.f32 $0xffff, v19;
	v22 =	vadd.f32 v24, v22;
	v24 =	vld [tilespmem:s1+$0x0]  }
0x24a: {  	v5 =	vadd.f32 v30, v5;
	v30 =	vld [tilespmem:s3+$0x0];
	v7 =	vadd.f32 v7, v20  }
0x24b: {  	v15 =	vadd.f32 v44, v33;
	v11 =	vadd.f32 v14, v11;
	v20 =	vmul.f32 v16, v16  }
0x24c: {  	v10 =	vadd.f32 v25, v18;
	v19 =	vadd.f32 v29, v31;
	v59, _, _ =	vpop (xrf2)  }
0x24d: {  	v18 =	vadd.f32 v20, v7;
	(v2sf) =	vpush v59, $0xF;
	v60, _, _ =	vpop (xrf2)  }
0x24e: {  	(v2sf) =	vpush v60, $0xF;
	v6 =	vadd.f32 v24, v6;
	v7, _, _ =	vpop (xrf2)  }
0x24f: {  	v13 =	vmul.f32 v13, v13;
	(v2sf) =	vpush v7, $0xF;
	v20, _, _ =	vpop (xrf2);
	v7 =	vadd.f32 v30, v5  }
0x250: {  	v5 =	vmul.f32 v12, v12;
	(v2sf) =	vpush v20, $0xF;
	v20 =	vmul.f32 v6, v6  }
0x251: {  	v4 =	vadd.f32 v45, v4;
	v11 =	vadd.f32 v13, v11;
	s4 =	sadd.s32 s13, s0;
	(xrf2) =	vadd.scan.msk.f32 $0xffff, v23;
	[tilespmem:s31+$0x300] =	vst v19  }
0x252: {  	(xrf2) =	vadd.scan.msk.f32 $0xffff, v15;
	s5 =	rddreg [dreg:$0x15];
	v14, _, _ =	vpop (xrf2);
	v5 =	vadd.f32 v5, v22;
	v22 =	vld [tilespmem:s4+$0x0];
	v15 =	vmul.f32 v7, v7;
	v9 =	vadd.f32 v20, v9  }
0x253: {  	v10 =	vadd.f32 v16, v10;
	s0 =	sadd.s32 s5, s0;
	(v2sf) =	vpush v14, $0xF;
	v14, _, _ =	vpop (xrf2)  }
0x254: {  	v16 =	vmul.f32 v27, v27;
	(xrf2) =	vadd.scan.msk.f32 $0xffff, v8;
	(v2sf) =	vpush v14, $0xF;
	v9 =	vadd.f32 v15, v9;
	v15 =	vld [tilespmem:s0+$0x0]  }
0x255: {  	v3 =	vadd.f32 v26, v3;
	(xrf2) =	vadd.scan.msk.f32 $0xffff, v11;
	v12 =	vadd.f32 v6, v35  }
0x256: {  	v10 =	vadd.f32 v19, v10;
	v17 =	vmul.f32 v19, v19;
	v5 =	vadd.f32 v16, v5  }
0x257: {  	(xrf2) =	vadd.scan.msk.f32 $0xffff, v28;
	v12 =	vadd.f32 v7, v12;
	v3 =	vadd.f32 v22, v3  }
0x258: {  	v13 =	vmul.f32 v56, v56;
	v10 =	vadd.f32 v56, v10;
	v14 =	vadd.f32 v17, v18;
	(xrf2) =	vadd.scan.msk.f32 $0xffff, v5  }
0x259: {  	v11 =	vadd.f32 v3, v12;
	v8 =	vadd.f32 v15, v4  }
0x25a: {  	(xrf2) =	vadd.scan.msk.f32 $0xffff, v10;
	v4 =	vadd.f32 v13, v14  }
0x25b: {  	v12, _, _ =	vpop (xrf2);
	v5 =	vadd.f32 v8, v11  }
0x25c: {  	v16 =	vmul.f32 v3, v3;
	(xrf2) =	vadd.scan.msk.f32 $0xffff, v4;
	s6 =	spop (v2sf);
	(v2sf) =	vpush v12, $0xF;
	v12, _, _ =	vpop (xrf2)  }
0x25d: {  	s7 =	spop (v2sf);
	(v2sf) =	vpush v12, $0xF  }
0x25e: {  	v9 =	vadd.f32 v16, v9;
	v13 =	vmul.f32 v8, v8;
	v4, _, _ =	vpop (xrf2)  }
0x25f: {  	s4 =	smul.f32 $1.302083370e-03, s6;
	(xrf2) =	vadd.scan.msk.f32 $0xffff, v5;
	s2 =	spop (v2sf);
	(v2sf) =	vpush v4, $0xF;
	v5, _, _ =	vpop (xrf2)  }
0x260: {  	v9 =	vadd.f32 v13, v9;
	s0 =	smul.f32 $1.302083370e-03, s7;
	s9 =	spop (v2sf);
	(v2sf) =	vpush v5, $0xF  }
0x261: {  	s8 =	smul.f32 s4, s4;
	v4, _, _ =	vpop (xrf2)  }
0x262: {  	s6 =	smul.f32 $1.302083370e-03, s2;
	(xrf2) =	vadd.scan.msk.f32 $0xffff, v9;
	s12 =	spop (v2sf);
	v5, _, _ =	vpop (xrf2);
	(v2sf) =	vpush v4, $0xF  }
0x263: {  	s2 =	smul.f32 $1.302083370e-03, s9;
	s13 =	spop (v2sf);
	(v2sf) =	vpush v5, $0xF  }
0x264: {  	s10 =	smul.f32 s6, s6;
	s0 =	ssub.f32 s0, s8;
	v4, _, _ =	vpop (xrf2)  }
0x265: {  	s7 =	smul.f32 $1.302083370e-03, s12;
	(v2sf) =	vpush v4, $0xF  }
0x266: {  	s11 =	ssub.f32 s2, s10;
	s0 =	smax.f32 s0, $0.0e+00;
	v5, _, _ =	vpop (xrf2)  }
0x267: {  	s0 =	sadd.f32 $9.999999970e-07, s0;
	(v2sf) =	vpush v5, $0xF  }
0x268: {  	s14 =	smul.f32 s7, s7;
	s1 =	smax.f32 s11, $0.0e+00  }
0x269: {  	s1 =	sadd.f32 $9.999999970e-07, s1;
	v9 =	vmov s0;
	s0 =	smul.f32 $1.302083370e-03, s13;
	v4, _, _ =	vpop (xrf2)  }
0x26a: {  	(v2sf) =	vpush v4, $0xF  }
0x26b: {  	v10 =	vshrl.u32 v9, $0x1;
	v11 =	vmov s1;
	s0 =	ssub.f32 s0, s14;
	s15 =	spop (v2sf)  }
0x26c: {  	v9 =	vmul.f32 $5.000000000e-01, v9;
	v5 =	vshrl.u32 v11, $0x1;
	v11 =	vmul.f32 $5.000000000e-01, v11;
	v4, _, _ =	vpop (xrf2);
	s16 =	spop (v2sf);
	s9 =	smul.f32 $1.302083370e-03, s15  }
0x26d: {  	v10 =	vsub.s32 $0x5F3759DF, v10;
	v5 =	vsub.s32 $0x5F3759DF, v5;
	s0 =	smax.f32 s0, $0.0e+00;
	(v2sf) =	vpush v4, $0xF;
	s17 =	smul.f32 $1.302083370e-03, s16  }
0x26e: {  	v4 =	vmul.f32 v10, v9;
	v12 =	vmul.f32 v5, v11;
	s22 =	spop (v2sf);
	s18 =	smul.f32 s9, s9  }
0x26f: {  	s11 =	smul.f32 $1.302083370e-03, s22;
	s24 =	spop (v2sf)  }
0x270: {  	s0 =	sadd.f32 $9.999999970e-07, s0;
	v4 =	vmul.f32 v10, v4;
	v12 =	vmul.f32 v5, v12;
	s29 =	smul.f32 $1.302083370e-03, s24  }
0x271: {  	s25 =	spop (v2sf);
	s5 =	smul.f32 s11, s11  }
0x272: {  	v13 =	vmov s0;
	v4 =	vsub.f32 $1.500000000e+00, v4;
	v12 =	vsub.f32 $1.500000000e+00, v12;
	s28 =	spop (v2sf);
	s12 =	smul.f32 $1.302083370e-03, s25  }
0x273: {  	v14 =	vshrl.u32 v13, $0x1;
	v13 =	vmul.f32 $5.000000000e-01, v13;
	s19 =	ssub.f32 s17, s18;
	s1 =	smul.f32 $1.302083370e-03, s28  }
0x274: {  	v4 =	vmul.f32 v10, v4;
	v5 =	vmul.f32 v5, v12;
	v10 =	vsub.s32 $0x5F3759DF, v14;
	s30 =	spop (v2sf);
	s10 =	smul.f32 s12, s12  }
0x275: {  	v12 =	vmul.f32 v10, v13;
	s0 =	smax.f32 s19, $0.0e+00;
	s28 =	smul.f32 $1.302083370e-03, s30  }
0x276: {  	v14 =	vmul.f32 v4, v9;
	v15 =	vmul.f32 v5, v11;
	s0 =	sadd.f32 $9.999999970e-07, s0;
	s8 =	spop (v2sf)  }
0x277: {  	v12 =	vmul.f32 v10, v12;
	s1 =	ssub.f32 s1, s10;
	s30 =	smul.f32 s28, s28  }
0x278: {  	v14 =	vmul.f32 v14, v4;
	v15 =	vmul.f32 v15, v5;
	v16 =	vmov s0;
	s0 =	ssub.f32 s29, s5;
	s29 =	smul.f32 $1.302083370e-03, s8  }
0x279: {  	v12 =	vsub.f32 $1.500000000e+00, v12;
	v17 =	vshrl.u32 v16, $0x1;
	v16 =	vmul.f32 $5.000000000e-01, v16;
	s13 =	spop (v2sf);
	s1 =	smax.f32 s1, $0.0e+00  }
0x27a: {  	v14 =	vsub.f32 $1.500000000e+00, v14;
	v15 =	vsub.f32 $1.500000000e+00, v15;
	v17 =	vsub.s32 $0x5F3759DF, v17;
	s14 =	smul.f32 $1.302083370e-03, s13;
	s2 =	ssub.f32 s29, s30  }
0x27b: {  	v10 =	vmul.f32 v10, v12;
	v12 =	vmul.f32 v17, v16;
	s8 =	sadd.f32 $9.999999970e-07, s1  }
0x27c: {  	v4 =	vmul.f32 v14, v4;
	v5 =	vmul.f32 v15, v5;
	s24 =	spop (v2sf);
	s25 =	smul.f32 s14, s14  }
0x27d: {  	v14 =	vmul.f32 v10, v13;
	v12 =	vmul.f32 v17, v12;
	s10 =	smax.f32 s2, $0.0e+00;
	s3 =	smul.f32 $1.302083370e-03, s24  }
0x27e: {  	v18 =	vmov s8;
	v9 =	vmul.f32 v4, v9;
	v11 =	vmul.f32 v5, v11;
	s15 =	sadd.f32 $9.999999970e-07, s10  }
0x27f: {  	v21 =	vshrl.u32 v18, $0x1;
	v18 =	vmul.f32 $5.000000000e-01, v18;
	v14 =	vmul.f32 v14, v10;
	s3 =	ssub.f32 s3, s25  }
0x280: {  	v12 =	vsub.f32 $1.500000000e+00, v12;
	v9 =	vmul.f32 v9, v4;
	v11 =	vmul.f32 v11, v5  }
0x281: {  	v21 =	vsub.s32 $0x5F3759DF, v21;
	v22 =	vmov s15;
	v14 =	vsub.f32 $1.500000000e+00, v14;
	s3 =	smax.f32 s3, $0.0e+00  }
0x282: {  	s0 =	smax.f32 s0, $0.0e+00;
	v23 =	vmul.f32 v21, v18;
	v9 =	vsub.f32 $1.500000000e+00, v9;
	v11 =	vsub.f32 $1.500000000e+00, v11;
	s3 =	sadd.f32 $9.999999970e-07, s3  }
0x283: {  	s0 =	sadd.f32 $9.999999970e-07, s0;
	v12 =	vmul.f32 v17, v12;
	v24 =	vshrl.u32 v22, $0x1;
	v14 =	vmul.f32 v14, v10  }
0x284: {  	v4 =	vmul.f32 v9, v4;
	v5 =	vmul.f32 v11, v5;
	v9 =	vmov s3  }
0x285: {  	v11 =	vmul.f32 v14, v13;
	v13 =	vmov s0;
	v15 =	vshrl.u32 v9, $0x1  }
0x286: {  	v17 =	vmul.f32 $5.000000000e-01, v9;
	v9 =	vshrl.u32 v13, $0x1;
	v13 =	vmul.f32 $5.000000000e-01, v13  }
0x287: {  	v22 =	vmul.f32 $5.000000000e-01, v22;
	v15 =	vsub.s32 $0x5F3759DF, v15;
	v9 =	vsub.s32 $0x5F3759DF, v9  }
0x288: {  	v19 =	vmul.f32 v15, v17;
	v20 =	vmul.f32 v9, v13  }
0x289: {  	[tilespmem:s20+$0x380] =	vst v6;
	v6 =	vmul.f32 v21, v23;
	v10 =	vmul.f32 v12, v16  }
0x28a: {  	v24 =	vsub.s32 $0x5F3759DF, v24;
	v19 =	vmul.f32 v15, v19;
	v20 =	vmul.f32 v9, v20  }
0x28b: {  	s16 =	simm.s32 $0x0;
	v23 =	vmul.f32 v24, v22;
	v10 =	vmul.f32 v10, v12  }
0x28c: {  	[tilespmem:s21+$0x380] =	vst v7;
	s0 =	sand.u32 $0x1C00, s16;
	v7 =	vmul.f32 v11, v14;
	v19 =	vsub.f32 $1.500000000e+00, v19;
	v11 =	vsub.f32 $1.500000000e+00, v20  }
0x28d: {  	[tilespmem:s31+$0x380] =	vst v3;
	s17 =	sand.u32 $0x40, s16;
	v6 =	vsub.f32 $1.500000000e+00, v6;
	s18 =	sadd.s32 s0, s26;
	v3 =	vsub.f32 $1.500000000e+00, v10;
	v10 =	vmul.f32 v24, v23  }
0x28e: {  	[tilespmem:s23+$0x380] =	vst v8;
	s2 =	sadd.s32 s17, s18;
	v15 =	vmul.f32 v15, v19;
	v11 =	vmul.f32 v9, v11  }
0x28f: {  	v19 =	vmul.f32 v3, v12;
	v12 =	vmul.f32 v21, v6;
	v3 =	vsub.f32 $1.500000000e+00, v10;
	v21 =	vld [tilespmem:s2+$0x0]  }
0x290: {  	v26 =	vld [tilespmem:s2+$0x100];
	v8 =	vmul.f32 v15, v17;
	v6 =	vmul.f32 v11, v13  }
0x291: {  	v30 =	vld [tilespmem:s2+$0x200];
	v10 =	vmul.f32 v12, v18;
	v23 =	vmul.f32 v24, v3  }
0x292: {  	v31 =	vld [tilespmem:s2+$0x300];
	v7 =	vsub.f32 $1.500000000e+00, v7;
	v16 =	vmul.f32 v19, v16;
	v9 =	vmul.f32 v8, v15  }
0x293: {  	s19 =	sor.u32 $0x30, s17;
	v24 =	vld [tilespmem:s2+$0x80];
	v8 =	vmov s4;
	v6 =	vmul.f32 v6, v11;
	v10 =	vmul.f32 v10, v12  }
0x294: {  	s20 =	sor.u32 $0x6200, s0;
	s1 =	sadd.s32 s19, s18;
	v61 =	vld [tilespmem:s2+$0x380];
	v27 =	vmul.f32 v23, v22;
	v16 =	vmul.f32 v16, v19;
	v21 =	vsub.f32 v21, v8  }
0x295: {  	s22 =	sor.u32 $0x6280, s0;
	s21 =	sor.u32 s19, s20;
	v20 =	vld [tilespmem:s1+$0x380];
	v25 =	vsub.f32 $1.500000000e+00, v9;
	v9 =	vmov s6;
	v28 =	vsub.f32 $1.500000000e+00, v6  }
0x296: {  	s23 =	sor.u32 $0x10, s17;
	s0 =	sor.u32 s19, s22;
	v3 =	vld [tilespmem:s21+$0x0];
	v29 =	vsub.f32 $1.500000000e+00, v10;
	v27 =	vmul.f32 v27, v23;
	v10 =	vmov s7  }
0x297: {  	v6 =	vld [tilespmem:s0+$0x0];
	v16 =	vsub.f32 $1.500000000e+00, v16;
	s7 =	sadd.s32 s23, s18;
	v15 =	vmul.f32 v25, v15;
	v28 =	vmul.f32 v28, v11  }
0x298: {  	v48 =	vld [tilespmem:s7+$0x180];
	v24 =	vsub.f32 v24, v9;
	v11 =	vmul.f32 v7, v14;
	v7 =	vmul.f32 v29, v12  }
0x299: {  	v62 =	vld [tilespmem:s7+$0x80];
	v26 =	vsub.f32 v26, v10;
	v14 =	vsub.f32 $1.500000000e+00, v27;
	v17 =	vmul.f32 v15, v17  }
0x29a: {  	s24 =	sor.u32 $0x20, s17;
	v49 =	vld [tilespmem:s7+$0x200];
	v12 =	vmov s9;
	v29 =	vmul.f32 v28, v13;
	v18 =	vmul.f32 v7, v18  }
0x29b: {  	v50 =	vld [tilespmem:s7+$0x280];
	s9 =	sadd.s32 s24, s18;
	v23 =	vmul.f32 v14, v23;
	v13 =	vmul.f32 v16, v19;
	v14 =	vmov s14  }
0x29c: {  	v53 =	vld [tilespmem:s9+$0x200];
	v20 =	vsub.f32 v20, v14;
	v17 =	vmul.f32 v17, v15;
	v16 =	vmul.f32 v29, v28  }
0x29d: {  	v63 =	vld [tilespmem:s7+$0x100];
	v18 =	vmul.f32 v18, v7;
	v19 =	vmul.f32 v23, v22;
	v59 =	vsub.f32 v48, v12  }
0x29e: {  	v21 =	vmul.f32 v21, v4;
	v29 =	vld [tilespmem:s7+$0x0];
	v17 =	vsub.f32 $1.500000000e+00, v17;
	v22 =	vsub.f32 $1.500000000e+00, v16  }
0x29f: {  	v25 =	vld [tilespmem:s2+$0x180];
	v16 =	vmov s11;
	v46 =	vsub.f32 $1.500000000e+00, v18;
	v47 =	vmul.f32 v19, v23  }
0x2a0: {  	v51 =	vld [tilespmem:s7+$0x300];
	v18 =	vmov s12;
	v33 =	vmul.f32 v59, v13;
	v60 =	vsub.f32 v49, v16  }
0x2a1: {  	v54 =	vld [tilespmem:s7+$0x380];
	v35 =	vsub.f32 v50, v18;
	v59 =	vsub.f32 v53, v16;
	v15 =	vmul.f32 v17, v15  }
0x2a2: {  	v27 =	vld [tilespmem:s2+$0x280];
	v17 =	vmul.f32 v22, v28;
	v19 =	vmul.f32 v46, v7;
	v7 =	vsub.f32 $1.500000000e+00, v47  }
0x2a3: {  	v56 =	vld [tilespmem:s9+$0x0];
	v29 =	vsub.f32 v29, v8;
	v22 =	vmul.f32 v20, v15;
	v20 =	vmov s28  }
0x2a4: {  	v49 =	vld [tilespmem:s1+$0x280];
	v7 =	vmul.f32 v7, v23;
	v23 =	vmul.f32 v24, v5;
	v24 =	vsub.f32 v25, v12  }
0x2a5: {  	v46 =	vld [tilespmem:s9+$0x280];
	v25 =	vsub.f32 v30, v16;
	v30 =	vsub.f32 v61, v14;
	v32 =	vmul.f32 v60, v17  }
0x2a6: {  	v61 =	vld [tilespmem:s9+$0x300];
	v35 =	vmul.f32 v35, v19;
	v41 =	vmul.f32 v59, v17;
	v28 =	vsub.f32 v31, v20  }
0x2a7: {  	v57 =	vld [tilespmem:s9+$0x80];
	v29 =	vmul.f32 v29, v4;
	v31 =	vsub.f32 v63, v10;
	v22 =	vmul.f32 v22, v3  }
0x2a8: {  	v58 =	vld [tilespmem:s9+$0x100];
	v36 =	vsub.f32 v51, v20;
	v24 =	vmul.f32 v24, v13;
	v25 =	vmul.f32 v25, v17  }
0x2a9: {  	v52 =	vld [tilespmem:s9+$0x180];
	v55 =	vadd.f32 v22, v6;
	v22 =	vmul.f32 v26, v11;
	v26 =	vsub.f32 v27, v18  }
0x2aa: {  	v48 =	vld [tilespmem:s9+$0x380];
	v49 =	vsub.f32 v49, v18;
	v31 =	vmul.f32 v31, v11;
	v34 =	vmul.f32 v36, v7  }
0x2ab: {  	v51 =	vld [tilespmem:s1+$0x180];
	v60 =	vsub.f32 v46, v18;
	v61 =	vsub.f32 v61, v20;
	v27 =	vmul.f32 v26, v19  }
0x2ac: {  	v63 =	vld [tilespmem:s1+$0x0];
	v26 =	vmul.f32 v28, v7;
	v28 =	vmul.f32 v30, v15;
	v30 =	vsub.f32 v62, v9  }
0x2ad: {  	v49 =	vmul.f32 v49, v19;
	v62 =	vsub.f32 v54, v14;
	v54 =	vsub.f32 v56, v8;
	v56 =	vld [tilespmem:s1+$0x80]  }
0x2ae: {  	v50 =	vld [tilespmem:s1+$0x100];
	v44 =	vmul.f32 v60, v19;
	[tilespmem:s1+$0x380] =	vst v55;
	v55 =	vsub.f32 v57, v9;
	v57 =	vsub.f32 v58, v10  }
0x2af: {  	v58 =	vsub.f32 v52, v12;
	v52 =	vld [tilespmem:s1+$0x200];
	v43 =	vmul.f32 v61, v7;
	v30 =	vmul.f32 v30, v5  }
0x2b0: {  	s25 =	sor.u32 s17, s20;
	v61 =	vsub.f32 v51, v12;
	v37 =	vmul.f32 v62, v15;
	v39 =	vmul.f32 v57, v11;
	v57 =	vld [tilespmem:s1+$0x300]  }
0x2b1: {  	v36 =	vmul.f32 v54, v4;
	v38 =	vmul.f32 v55, v5;
	v62 =	vsub.f32 v63, v8;
	v54 =	vld [tilespmem:s25+$0x0]  }
0x2b2: {  	s28 =	sor.u32 s23, s20;
	v40 =	vmul.f32 v58, v13;
	v63 =	vsub.f32 v48, v14;
	v42 =	vsub.f32 v56, v9  }
0x2b3: {  	s29 =	sor.u32 s24, s20;
	v53 =	vld [tilespmem:s28+$0x0];
	v50 =	vsub.f32 v50, v10;
	v47 =	vmul.f32 v61, v13;
	v60 =	vmul.f32 v62, v4  }
0x2b4: {  	s30 =	sor.u32 s17, s22;
	v46 =	vld [tilespmem:s29+$0x0];
	v45 =	vmul.f32 v63, v15;
	v42 =	vmul.f32 v42, v5  }
0x2b5: {  	s3 =	sor.u32 s24, s22;
	v51 =	vld [tilespmem:s30+$0x0];
	v62 =	vmul.f32 v50, v11;
	v63 =	vsub.f32 v52, v16;
	v58 =	vmul.f32 v60, v3  }
0x2b6: {  	s31 =	sor.u32 s23, s22;
	v52 =	vsub.f32 v57, v20;
	v50 =	vmul.f32 v21, v54;
	v21 =	vld [tilespmem:s3+$0x0];
	v56 =	vmul.f32 v42, v3  }
0x2b7: {  	s10 =	simm.s32 $0x40;
	s4 =	simm.s32 $0x0;
	s6 =	simm.s32 $0x200;
	v55 =	vmul.f32 v62, v3;
	v48 =	vmul.f32 v63, v17;
	v57 =	vadd.f32 v58, v6;
	v42 =	vld [tilespmem:s31+$0x0]  }
.LBB2_9:
0x2b8: {  	s0 =	sand.u32 $0x40, s10;
	s5 =	sand.u32 $0x1C00, s6;
	s4 =	sadd.s32 $0x4, s4;
	v23 =	vmul.f32 v23, v54;
	v56 =	vadd.f32 v56, v6;
	v58 =	vmul.f32 v52, v7  }
0x2b9: {  	v22 =	vmul.f32 v22, v54;
	v24 =	vmul.f32 v24, v54;
	v52 =	vadd.f32 v55, v6;
	s8 =	sadd.s32 s5, s26;
	s16 =	sor.u32 $0x30, s0;
	p0 =	slt.u32 s4, $0x2C;
	[tilespmem:s1+$0x0] =	vst v57  }
0x2ba: {  	v25 =	vmul.f32 v25, v54;
	v27 =	vmul.f32 v27, v54;
	s14 =	sor.u32 $0x10, s0;
	s17 =	sor.u32 $0x20, s0;
	s12 =	sadd.s32 s16, s8;
	v50 =	vadd.f32 v50, v51;
	[tilespmem:s1+$0x80] =	vst v56  }
0x2bb: {  	v26 =	vmul.f32 v26, v54;
	v28 =	vmul.f32 v28, v54;
	s3 =	sadd.s32 s0, s8;
	s11 =	sadd.s32 s14, s8;
	s13 =	sadd.s32 s17, s8;
	v23 =	vadd.f32 v23, v51;
	v55 =	vld [tilespmem:s12+$0x380];
	[tilespmem:s1+$0x100] =	vst v52  }
0x2bc: {  	v29 =	vmul.f32 v29, v53;
	v30 =	vmul.f32 v30, v53;
	v22 =	vadd.f32 v22, v51;
	v52 =	vld [tilespmem:s3+$0x0];
	[tilespmem:s2+$0x0] =	vst v50  }
0x2bd: {  	v31 =	vmul.f32 v31, v53;
	v33 =	vmul.f32 v33, v53;
	s8 =	sor.u32 $0x6200, s5;
	v50 =	vld [tilespmem:s3+$0x80];
	[tilespmem:s2+$0x80] =	vst v23;
	v23 =	vadd.f32 v24, v51  }
0x2be: {  	v32 =	vmul.f32 v32, v53;
	v35 =	vmul.f32 v35, v53;
	s20 =	sor.u32 s0, s8;
	s15 =	sor.u32 s14, s8;
	s18 =	sor.u32 s16, s8;
	v24 =	vld [tilespmem:s3+$0x100];
	[tilespmem:s2+$0x100] =	vst v22;
	v22 =	vadd.f32 v25, v51  }
0x2bf: {  	v34 =	vmul.f32 v34, v53;
	v37 =	vmul.f32 v37, v53;
	s5 =	sor.u32 $0x6280, s5;
	s19 =	sor.u32 s17, s8;
	v54 =	vld [tilespmem:s18+$0x0];
	[tilespmem:s2+$0x180] =	vst v23;
	v23 =	vadd.f32 v27, v51  }
0x2c0: {  	v36 =	vmul.f32 v36, v46;
	v38 =	vmul.f32 v38, v46;
	s14 =	sor.u32 s14, s5;
	s18 =	sor.u32 s0, s5;
	s0 =	sor.u32 s16, s5;
	v25 =	vld [tilespmem:s3+$0x180];
	v27 =	vsub.f32 v55, v14;
	[tilespmem:s2+$0x200] =	vst v22  }
0x2c1: {  	v39 =	vmul.f32 v39, v46;
	v40 =	vmul.f32 v40, v46;
	s16 =	sor.u32 s17, s5;
	v22 =	vsub.f32 v52, v8;
	v52 =	vld [tilespmem:s0+$0x0];
	[tilespmem:s2+$0x280] =	vst v23  }
0x2c2: {  	v41 =	vmul.f32 v41, v46;
	v23 =	vsub.f32 v50, v9;
	v53 =	vld [tilespmem:s3+$0x200];
	v27 =	vmul.f32 v27, v15  }
0x2c3: {  	v44 =	vmul.f32 v44, v46;
	v50 =	vmul.f32 v22, v4;
	v22 =	vsub.f32 v24, v10;
	v55 =	vld [tilespmem:s3+$0x280]  }
0x2c4: {  	v26 =	vadd.f32 v26, v51;
	v23 =	vmul.f32 v23, v5;
	v56 =	vld [tilespmem:s3+$0x300];
	v24 =	vmul.f32 v27, v54  }
0x2c5: {  	v43 =	vmul.f32 v43, v46;
	v22 =	vmul.f32 v22, v11;
	v25 =	vsub.f32 v25, v12;
	v57 =	vld [tilespmem:s3+$0x380]  }
0x2c6: {  	v45 =	vmul.f32 v45, v46;
	v46 =	vmul.f32 v47, v3;
	v59 =	vld [tilespmem:s11+$0x0];
	v27 =	vadd.f32 v24, v52;
	[tilespmem:s2+$0x300] =	vst v26  }
0x2c7: {  	v48 =	vmul.f32 v48, v3;
	v24 =	vmul.f32 v25, v13;
	v25 =	vsub.f32 v53, v16;
	v47 =	vld [tilespmem:s11+$0x80]  }
0x2c8: {  	v49 =	vmul.f32 v49, v3;
	v26 =	vsub.f32 v55, v18;
	v53 =	vld [tilespmem:s11+$0x100];
	[tilespmem:s12+$0x380] =	vst v27;
	v55 =	vmul.f32 v58, v3  }
0x2c9: {  	v28 =	vadd.f32 v28, v51;
	v3 =	vmovc v54;
	v25 =	vmul.f32 v25, v17;
	v56 =	vsub.f32 v56, v20;
	v58 =	vld [tilespmem:s11+$0x180]  }
0x2ca: {  	v29 =	vadd.f32 v29, v42;
	v27 =	vmul.f32 v26, v19;
	v51 =	vsub.f32 v57, v14;
	v54 =	vld [tilespmem:s11+$0x200]  }
0x2cb: {  	v30 =	vadd.f32 v30, v42;
	v26 =	vmul.f32 v56, v7;
	v56 =	vsub.f32 v59, v8;
	v57 =	vld [tilespmem:s11+$0x280];
	[tilespmem:s2+$0x380] =	vst v28;
	s2 =	smov.u32 s3  }
0x2cc: {  	v31 =	vadd.f32 v31, v42;
	v28 =	vmul.f32 v51, v15;
	v47 =	vsub.f32 v47, v9;
	v51 =	vld [tilespmem:s11+$0x300];
	[tilespmem:s7+$0x0] =	vst v29  }
0x2cd: {  	v33 =	vadd.f32 v33, v42;
	v29 =	vmul.f32 v56, v4;
	v53 =	vsub.f32 v53, v10;
	v56 =	vld [tilespmem:s11+$0x380];
	[tilespmem:s7+$0x80] =	vst v30  }
0x2ce: {  	v32 =	vadd.f32 v32, v42;
	v30 =	vmul.f32 v47, v5;
	v47 =	vsub.f32 v58, v12;
	v58 =	vld [tilespmem:s13+$0x0];
	[tilespmem:s7+$0x100] =	vst v31  }
0x2cf: {  	v35 =	vadd.f32 v35, v42;
	v31 =	vmul.f32 v53, v11;
	v53 =	vsub.f32 v54, v16;
	v54 =	vld [tilespmem:s13+$0x80];
	[tilespmem:s7+$0x180] =	vst v33  }
0x2d0: {  	v34 =	vadd.f32 v34, v42;
	v33 =	vmul.f32 v47, v13;
	v47 =	vsub.f32 v57, v18;
	v57 =	vld [tilespmem:s13+$0x100];
	[tilespmem:s7+$0x200] =	vst v32  }
0x2d1: {  	v37 =	vadd.f32 v37, v42;
	v32 =	vmul.f32 v53, v17;
	v51 =	vsub.f32 v51, v20;
	v53 =	vld [tilespmem:s13+$0x180];
	[tilespmem:s7+$0x280] =	vst v35  }
0x2d2: {  	v36 =	vadd.f32 v36, v21;
	v35 =	vmul.f32 v47, v19;
	v42 =	vsub.f32 v56, v14;
	v47 =	vld [tilespmem:s13+$0x200];
	[tilespmem:s7+$0x300] =	vst v34  }
0x2d3: {  	v38 =	vadd.f32 v38, v21;
	v34 =	vmul.f32 v51, v7;
	v51 =	vsub.f32 v58, v8;
	v56 =	vld [tilespmem:s13+$0x280];
	[tilespmem:s7+$0x380] =	vst v37;
	s7 =	smov.u32 s11  }
0x2d4: {  	v39 =	vadd.f32 v39, v21;
	v37 =	vmul.f32 v42, v15;
	v42 =	vsub.f32 v54, v9;
	v54 =	vld [tilespmem:s13+$0x300];
	[tilespmem:s9+$0x0] =	vst v36  }
0x2d5: {  	v40 =	vadd.f32 v40, v21;
	v36 =	vmul.f32 v51, v4;
	v51 =	vsub.f32 v57, v10;
	v57 =	vld [tilespmem:s13+$0x380];
	[tilespmem:s9+$0x80] =	vst v38  }
0x2d6: {  	v41 =	vadd.f32 v41, v21;
	v38 =	vmul.f32 v42, v5;
	v42 =	vsub.f32 v53, v12;
	v53 =	vld [tilespmem:s12+$0x0];
	[tilespmem:s9+$0x100] =	vst v39  }
0x2d7: {  	v44 =	vadd.f32 v44, v21;
	v39 =	vmul.f32 v51, v11;
	v47 =	vsub.f32 v47, v16;
	v51 =	vld [tilespmem:s12+$0x80];
	[tilespmem:s9+$0x180] =	vst v40  }
0x2d8: {  	v43 =	vadd.f32 v43, v21;
	v40 =	vmul.f32 v42, v13;
	v42 =	vsub.f32 v56, v18;
	v56 =	vld [tilespmem:s12+$0x100];
	[tilespmem:s9+$0x200] =	vst v41  }
0x2d9: {  	v21 =	vadd.f32 v45, v21;
	v41 =	vmul.f32 v47, v17;
	v47 =	vsub.f32 v54, v20;
	v58 =	vld [tilespmem:s12+$0x180];
	[tilespmem:s9+$0x280] =	vst v44  }
0x2da: {  	v46 =	vadd.f32 v46, v6;
	v44 =	vmul.f32 v42, v19;
	v42 =	vsub.f32 v57, v14;
	v57 =	vld [tilespmem:s12+$0x200];
	[tilespmem:s9+$0x300] =	vst v43  }
0x2db: {  	v43 =	vmul.f32 v47, v7;
	v47 =	vsub.f32 v53, v8;
	v59 =	vld [tilespmem:s12+$0x280];
	[tilespmem:s9+$0x380] =	vst v21;
	v21 =	vadd.f32 v48, v6;
	s9 =	smov.u32 s13  }
0x2dc: {  	v45 =	vmul.f32 v42, v15;
	v42 =	vsub.f32 v51, v9;
	v60 =	vld [tilespmem:s12+$0x300];
	[tilespmem:s1+$0x180] =	vst v46;
	v46 =	vadd.f32 v49, v6  }
0x2dd: {  	v54 =	vld [tilespmem:s20+$0x0];
	v47 =	vmul.f32 v47, v4;
	v48 =	vsub.f32 v56, v10;
	[tilespmem:s1+$0x200] =	vst v21;
	v21 =	vadd.f32 v55, v6  }
.Ltmp7:
0x2de: {  	v6 =	vmov v52;
	v53 =	vld [tilespmem:s15+$0x0];
	v42 =	vmul.f32 v42, v5;
	v49 =	vsub.f32 v58, v12;
	[tilespmem:s1+$0x280] =	vst v46;
	(pc) =	sbr.rel @p0 .LBB2_9-.Ltmp7, $4  }
0x2df: {  	v46 =	vld [tilespmem:s19+$0x0];
	v58 =	vmul.f32 v47, v3;
	v48 =	vmul.f32 v48, v11;
	v52 =	vsub.f32 v57, v16;
	[tilespmem:s1+$0x300] =	vst v21;
	s1 =	smov.u32 s12  }
0x2e0: {  	v51 =	vld [tilespmem:s18+$0x0];
	v56 =	vmul.f32 v42, v3;
	v47 =	vmul.f32 v49, v13;
	v49 =	vsub.f32 v59, v18  }
0x2e1: {  	v42 =	vld [tilespmem:s14+$0x0];
	v55 =	vmul.f32 v48, v3;
	v48 =	vmul.f32 v52, v17;
	v52 =	vsub.f32 v60, v20  }
0x2e2: {  	s6 =	sadd.s32 $0x200, s6;
	s10 =	sadd.s32 $0x40, s10;
	v57 =	vadd.f32 v58, v6;
	v50 =	vmul.f32 v50, v54;
	v21 =	vld [tilespmem:s16+$0x0];
	v49 =	vmul.f32 v49, v19  }
0x2e3: {  	v4 =	vadd.f32 v56, v6  }
0x2e4: {  	v5 =	vmul.f32 v23, v54;
	v8 =	vadd.f32 v55, v6;
	[tilespmem:s1+$0x0] =	vst v57  }
0x2e5: {  	v9 =	vmul.f32 v22, v54;
	v10 =	vadd.f32 v50, v51;
	[tilespmem:s1+$0x80] =	vst v4  }
0x2e6: {  	v63 =	vmul.f32 v24, v54;
	v5 =	vadd.f32 v5, v51;
	[tilespmem:s1+$0x100] =	vst v8  }
0x2e7: {  	v12 =	vmul.f32 v25, v54;
	v9 =	vadd.f32 v9, v51;
	[tilespmem:s2+$0x0] =	vst v10  }
0x2e8: {  	v13 =	vmul.f32 v27, v54;
	v4 =	vadd.f32 v63, v51;
	[tilespmem:s2+$0x80] =	vst v5  }
0x2e9: {  	v15 =	vmul.f32 v28, v54;
	v8 =	vadd.f32 v12, v51;
	[tilespmem:s2+$0x100] =	vst v9  }
0x2ea: {  	v56 =	vmul.f32 v47, v3;
	v16 =	vadd.f32 v13, v51;
	[tilespmem:s2+$0x180] =	vst v4  }
0x2eb: {  	v58 =	vmul.f32 v48, v3;
	v19 =	vadd.f32 v15, v51;
	[tilespmem:s2+$0x200] =	vst v8  }
0x2ec: {  	v17 =	vmul.f32 v29, v53;
	v61 =	vadd.f32 v56, v6;
	[tilespmem:s2+$0x280] =	vst v16  }
0x2ed: {  	v18 =	vmul.f32 v30, v53;
	v62 =	vadd.f32 v58, v6;
	[tilespmem:s2+$0x380] =	vst v19  }
0x2ee: {  	v20 =	vmul.f32 v31, v53;
	v22 =	vadd.f32 v17, v42;
	[tilespmem:s1+$0x180] =	vst v61  }
0x2ef: {  	v23 =	vmul.f32 v33, v53;
	v24 =	vadd.f32 v18, v42;
	[tilespmem:s1+$0x200] =	vst v62  }
0x2f0: {  	v14 =	vmul.f32 v26, v54;
	v25 =	vmul.f32 v32, v53;
	v26 =	vadd.f32 v20, v42;
	[tilespmem:s7+$0x0] =	vst v22  }
0x2f1: {  	v27 =	vmul.f32 v35, v53;
	v28 =	vadd.f32 v23, v42;
	[tilespmem:s7+$0x80] =	vst v24  }
0x2f2: {  	v29 =	vmul.f32 v34, v53;
	v30 =	vadd.f32 v25, v42;
	[tilespmem:s7+$0x100] =	vst v26  }
0x2f3: {  	v31 =	vmul.f32 v37, v53;
	v32 =	vadd.f32 v27, v42;
	[tilespmem:s7+$0x180] =	vst v28  }
0x2f4: {  	v34 =	vadd.f32 v29, v42;
	[tilespmem:s7+$0x200] =	vst v30  }
0x2f5: {  	v33 =	vmul.f32 v36, v46;
	v36 =	vadd.f32 v31, v42;
	[tilespmem:s7+$0x280] =	vst v32  }
0x2f6: {  	v35 =	vmul.f32 v38, v46;
	v5 =	vadd.f32 v14, v51;
	[tilespmem:s7+$0x300] =	vst v34  }
0x2f7: {  	v37 =	vmul.f32 v39, v46;
	v38 =	vadd.f32 v33, v21;
	[tilespmem:s7+$0x380] =	vst v36  }
0x2f8: {  	v39 =	vmul.f32 v40, v46;
	v40 =	vadd.f32 v35, v21;
	[tilespmem:s2+$0x300] =	vst v5  }
0x2f9: {  	v41 =	vmul.f32 v41, v46;
	v42 =	vadd.f32 v37, v21;
	[tilespmem:s9+$0x0] =	vst v38  }
0x2fa: {  	v44 =	vmul.f32 v44, v46;
	v50 =	vadd.f32 v39, v21;
	[tilespmem:s9+$0x80] =	vst v40  }
0x2fb: {  	v54 =	vmul.f32 v45, v46;
	v53 =	vadd.f32 v41, v21;
	[tilespmem:s9+$0x100] =	vst v42  }
0x2fc: {  	v51 =	vmul.f32 v43, v46;
	v55 =	vadd.f32 v44, v21;
	[tilespmem:s9+$0x180] =	vst v50  }
0x2fd: {  	v59 =	vadd.f32 v54, v21;
	[tilespmem:s9+$0x200] =	vst v53  }
0x2fe: {  	v57 =	vadd.f32 v51, v21;
	[tilespmem:s9+$0x280] =	vst v55  }
0x2ff: {  	[tilespmem:s9+$0x380] =	vst v59  }
0x300: {  	[tilespmem:s9+$0x300] =	vst v57  }
0x301: {  	s9 =	sld [smem:$0x7E0];
	_ =	sdelay $0x2  }
0x302: {  	v7 =	vmul.f32 v52, v7;
	s9 =	sadd.s32 $0x1, s9  }
0x303: {  	v60 =	vmul.f32 v49, v3;
	p0 =	seq.s32 s9, $0x4  }
.Ltmp8:
0x304: {  	v3 =	vmul.f32 v7, v3;
	(pc) =	sbr.rel @!p0 .LBB2_6-.Ltmp8, $4  }
0x305: {  	v63 =	vadd.f32 v60, v6  }
0x306: {  	v3 =	vadd.f32 v3, v6  }
0x307: {  	[tilespmem:s1+$0x280] =	vst v63  }
0x308: {  	[tilespmem:s1+$0x300] =	vst v3  }
.Ltmp9:
0x309: {  	(pc) =	sbr.rel .LBB2_19-.Ltmp9, $3  }
0x30a: {  	_ =	sdelay $0x1  }
0x30b: {  	s1 =	rddreg [dreg:$0x6]  }
0x30c: {  	s7 =	sld [smem:$0x7E4];
	s0 =	smov.u32 s1  }
.LBB2_12:
0x30d: {  	s4 =	simm.s32 $0x0  }
0x30e: {  	s3 =	smul.u32 $0x6000, s0;
	s1 =	sld [smem:$0x7E2];
	s18 =	sand.u32 $0x1C00, s4  }
0x30f: {  	[smem:$0x7DE] =	sst s0;
	s6 =	sand.u32 $0x40, s4;
	s5 =	sadd.s32 $0x4800, s18  }
0x310: {  	s0 =	sshra.s32 s3, $0x2;
	s14 =	sor.u32 $0x10, s6;
	s2 =	sor.u32 s6, s5  }
0x311: {  	s12 =	sor.u32 $0x30, s6;
	s22 =	sadd.s32 s0, s1;
	s7 =	sor.u32 s14, s5;
	v4 =	vld [tilespmem:s2+$0x0]  }
0x312: {  	s1 =	sor.u32 s12, s5;
	s0 =	sadd.s32 s18, s22;
	v5 =	vld [tilespmem:s7+$0x0]  }
0x313: {  	v11 =	vld [tilespmem:s1+$0x0];
	s9 =	sadd.s32 s14, s0  }
0x314: {  	s13 =	sadd.s32 s6, s0;
	v3 =	vld [tilespmem:s9+$0x0]  }
0x315: {  	s2 =	sor.u32 $0x20, s6;
	s7 =	sadd.s32 s12, s0;
	v6 =	vld [tilespmem:s13+$0x0]  }
0x316: {  	s10 =	sadd.s32 s2, s0;
	v7 =	vld [tilespmem:s7+$0x0]  }
0x317: {  	s8 =	sor.u32 s2, s5;
	v9 =	vld [tilespmem:s10+$0x0]  }
0x318: {  	v10 =	vld [tilespmem:s8+$0x0];
	_ =	sdelay $0x1  }
0x319: {  	v8 =	vadd.f32 v3, v5;
	v3 =	vld [tilespmem:s13+$0x80]  }
0x31a: {  	v20 =	vadd.f32 v6, v4;
	v4 =	vld [tilespmem:s9+$0x80]  }
0x31b: {  	s11 =	sadd.s32 $0x4880, s18;
	v5 =	vadd.f32 v7, v11;
	v7 =	vld [tilespmem:s7+$0x80]  }
0x31c: {  	s15 =	sor.u32 s14, s11;
	v9 =	vadd.f32 v9, v10;
	v10 =	vld [tilespmem:s10+$0x80];
	[tilespmem:s9+$0x0] =	vst v8  }
0x31d: {  	s3 =	sor.u32 s6, s11;
	[tilespmem:s13+$0x0] =	vst v20;
	v6 =	vld [tilespmem:s15+$0x0]  }
0x31e: {  	s0 =	sor.u32 s12, s11;
	[tilespmem:s7+$0x0] =	vst v5;
	v12 =	vld [tilespmem:s3+$0x0]  }
0x31f: {  	s16 =	sor.u32 s2, s11;
	[tilespmem:s10+$0x0] =	vst v9;
	v13 =	vld [tilespmem:s0+$0x0]  }
0x320: {  	v11 =	vld [tilespmem:s16+$0x0];
	_ =	sdelay $0x1  }
0x321: {  	v18 =	vadd.f32 v4, v6;
	v4 =	vld [tilespmem:s13+$0x100]  }
0x322: {  	v21 =	vadd.f32 v3, v12;
	v3 =	vld [tilespmem:s9+$0x100]  }
0x323: {  	s17 =	sadd.s32 $0x4900, s18;
	v14 =	vadd.f32 v7, v13;
	v7 =	vld [tilespmem:s7+$0x100]  }
0x324: {  	s19 =	sor.u32 s14, s17;
	v22 =	vadd.f32 v10, v11;
	v10 =	vld [tilespmem:s10+$0x100];
	[tilespmem:s9+$0x80] =	vst v18  }
0x325: {  	s20 =	sor.u32 s6, s17;
	[tilespmem:s13+$0x80] =	vst v21;
	v6 =	vld [tilespmem:s19+$0x0]  }
0x326: {  	s21 =	sor.u32 s2, s17;
	[tilespmem:s10+$0x80] =	vst v22;
	v15 =	vld [tilespmem:s20+$0x0]  }
0x327: {  	s0 =	sor.u32 s12, s17;
	[tilespmem:s7+$0x80] =	vst v14;
	v11 =	vld [tilespmem:s21+$0x0]  }
0x328: {  	v13 =	vld [tilespmem:s0+$0x0];
	_ =	sdelay $0x2  }
0x329: {  	v12 =	vadd.f32 v3, v6;
	v3 =	vld [tilespmem:s9+$0x180]  }
0x32a: {  	v26 =	vadd.f32 v4, v15;
	v4 =	vld [tilespmem:s13+$0x180]  }
0x32b: {  	s23 =	sadd.s32 $0x4980, s18;
	v11 =	vadd.f32 v10, v11;
	v10 =	vadd.f32 v7, v13;
	v7 =	vld [tilespmem:s7+$0x180]  }
0x32c: {  	s24 =	sor.u32 s14, s23;
	v13 =	vld [tilespmem:s10+$0x180];
	[tilespmem:s9+$0x100] =	vst v12  }
0x32d: {  	s25 =	sor.u32 s6, s23;
	[tilespmem:s13+$0x100] =	vst v26;
	v6 =	vld [tilespmem:s24+$0x0]  }
0x32e: {  	s26 =	sor.u32 s2, s23;
	[tilespmem:s10+$0x100] =	vst v11;
	v15 =	vld [tilespmem:s25+$0x0]  }
0x32f: {  	s0 =	sor.u32 s12, s23;
	[tilespmem:s7+$0x100] =	vst v10;
	v16 =	vld [tilespmem:s26+$0x0]  }
0x330: {  	v17 =	vld [tilespmem:s0+$0x0];
	_ =	sdelay $0x2  }
0x331: {  	v19 =	vadd.f32 v3, v6;
	v3 =	vld [tilespmem:s13+$0x200]  }
0x332: {  	v27 =	vadd.f32 v4, v15;
	v4 =	vld [tilespmem:s9+$0x200]  }
0x333: {  	s28 =	sadd.s32 $0x4A00, s18;
	v24 =	vadd.f32 v13, v16;
	v13 =	vadd.f32 v7, v17;
	v7 =	vld [tilespmem:s7+$0x200]  }
0x334: {  	s29 =	sor.u32 s14, s28;
	v16 =	vld [tilespmem:s10+$0x200];
	[tilespmem:s9+$0x180] =	vst v19  }
0x335: {  	s31 =	sor.u32 s6, s28;
	[tilespmem:s13+$0x180] =	vst v27;
	v6 =	vld [tilespmem:s29+$0x0]  }
0x336: {  	s4 =	sor.u32 s2, s28;
	[tilespmem:s10+$0x180] =	vst v24;
	v15 =	vld [tilespmem:s31+$0x0]  }
0x337: {  	s0 =	sor.u32 s12, s28;
	[tilespmem:s7+$0x180] =	vst v13;
	v23 =	vld [tilespmem:s4+$0x0]  }
0x338: {  	v25 =	vld [tilespmem:s0+$0x0];
	_ =	sdelay $0x1  }
0x339: {  	v28 =	vld [tilespmem:s10+$0x280]  }
0x33a: {  	v17 =	vadd.f32 v4, v6;
	v4 =	vld [tilespmem:s9+$0x280]  }
0x33b: {  	s5 =	sadd.s32 $0x4A80, s18;
	v29 =	vadd.f32 v3, v15;
	v15 =	vld [tilespmem:s13+$0x280]  }
0x33c: {  	s8 =	sor.u32 s14, s5;
	v6 =	vadd.f32 v16, v23;
	v3 =	vadd.f32 v7, v25;
	v7 =	vld [tilespmem:s7+$0x280];
	[tilespmem:s9+$0x200] =	vst v17  }
0x33d: {  	s11 =	sor.u32 s6, s5;
	[tilespmem:s13+$0x200] =	vst v29;
	v30 =	vld [tilespmem:s8+$0x0]  }
0x33e: {  	s15 =	sor.u32 s2, s5;
	[tilespmem:s10+$0x200] =	vst v6;
	v16 =	vld [tilespmem:s11+$0x0]  }
0x33f: {  	s0 =	sor.u32 s12, s5;
	[tilespmem:s7+$0x200] =	vst v3;
	v23 =	vld [tilespmem:s15+$0x0]  }
0x340: {  	v31 =	vld [tilespmem:s0+$0x0]  }
0x341: {  	v32 =	vld [tilespmem:s13+$0x300]  }
0x342: {  	v57 =	vld [tilespmem:s9+$0x300];
	v25 =	vadd.f32 v4, v30  }
0x343: {  	v58 =	vld [tilespmem:s7+$0x300];
	s16 =	sadd.s32 $0x4B00, s18;
	v30 =	vadd.f32 v15, v16  }
0x344: {  	v43 =	vld [tilespmem:s10+$0x300];
	s17 =	sor.u32 s14, s16;
	v15 =	vadd.f32 v28, v23;
	[tilespmem:s9+$0x280] =	vst v25  }
0x345: {  	v60 =	vmul.f32 v21, v21;
	s19 =	sor.u32 s6, s16;
	s20 =	simm.s32 $0x200;
	v4 =	vadd.f32 v7, v31;
	v7 =	vimm.f32 $0.0e+00;
	[tilespmem:s13+$0x280] =	vst v30;
	v23 =	vld [tilespmem:s17+$0x0]  }
0x346: {  	s3 =	sand.u32 $0x1C00, s20;
	v48 =	vmul.f32 v27, v27;
	s4 =	simm.s32 $0x40;
	s5 =	sor.u32 s2, s16;
	v33 =	vadd.f32 v20, v7;
	v21 =	vadd.f32 v21, v7;
	[tilespmem:s10+$0x280] =	vst v15;
	v28 =	vld [tilespmem:s19+$0x0]  }
0x347: {  	s21 =	sor.u32 s12, s16;
	s8 =	sadd.s32 $0x4800, s3;
	v31 =	vmul.f32 v20, v20;
	v45 =	vadd.f32 v26, v7;
	v27 =	vadd.f32 v27, v7;
	[tilespmem:s7+$0x280] =	vst v4;
	s19 =	sand.u32 $0x40, s4;
	v16 =	vld [tilespmem:s5+$0x0]  }
0x348: {  	s23 =	sadd.s32 s3, s22;
	v26 =	vmul.f32 v26, v26;
	v52 =	vadd.f32 v48, v7;
	v59 =	vadd.f32 v29, v7;
	v20 =	vld [tilespmem:s21+$0x0];
	s4 =	sor.u32 s19, s8  }
0x349: {  	v34 =	vmul.f32 v8, v8;
	v31 =	vadd.f32 v31, v7;
	v8 =	vadd.f32 v8, v33;
	s0 =	sor.u32 $0x10, s19;
	s21 =	sadd.s32 s19, s23;
	v37 =	vld [tilespmem:s4+$0x0]  }
0x34a: {  	v53 =	vmul.f32 v19, v19;
	v39 =	vadd.f32 v18, v21;
	v26 =	vadd.f32 v26, v7;
	s1 =	sor.u32 $0x30, s19;
	s15 =	sadd.s32 s0, s23;
	v40 =	vld [tilespmem:s21+$0x0]  }
0x34b: {  	v46 =	vmul.f32 v12, v12;
	v12 =	vadd.f32 v12, v45;
	v27 =	vadd.f32 v19, v27;
	s20 =	sadd.s32 s1, s23;
	v35 =	vld [tilespmem:s15+$0x0]  }
0x34c: {  	v61 =	vmul.f32 v9, v9;
	v55 =	vadd.f32 v53, v52;
	v31 =	vadd.f32 v34, v31;
	s24 =	sor.u32 s0, s8;
	v36 =	vld [tilespmem:s20+$0x0]  }
0x34d: {  	v62 =	vmul.f32 v18, v18;
	v8 =	vadd.f32 v9, v8;
	v9 =	vadd.f32 v60, v7;
	s25 =	sor.u32 s1, s8;
	v38 =	vld [tilespmem:s24+$0x0]  }
0x34e: {  	v50 =	vmul.f32 v11, v11;
	v26 =	vadd.f32 v46, v26;
	v11 =	vadd.f32 v11, v12;
	v44 =	vld [tilespmem:s25+$0x0]  }
0x34f: {  	v60 =	vmul.f32 v30, v30;
	v30 =	vadd.f32 v30, v7;
	v31 =	vadd.f32 v61, v31;
	v47 =	vld [tilespmem:s15+$0x80]  }
0x350: {  	v63 =	vmul.f32 v5, v5;
	v48 =	vld [tilespmem:s15+$0x100];
	v21 =	vadd.f32 v5, v8;
	v5 =	vadd.f32 v62, v9  }
0x351: {  	v56 =	vmul.f32 v24, v24;
	v53 =	vld [tilespmem:s20+$0x100];
	v9 =	vadd.f32 v22, v39;
	v12 =	vadd.f32 v50, v26  }
0x352: {  	s4 =	sor.u32 $0x20, s19;
	v46 =	vld [tilespmem:s15+$0x200];
	v26 =	vmul.f32 v10, v10;
	v19 =	vadd.f32 v10, v11;
	v10 =	vadd.f32 v24, v27  }
0x353: {  	s8 =	sor.u32 s4, s8;
	v39 =	vld [tilespmem:s21+$0x100];
	v24 =	vadd.f32 v56, v55;
	v18 =	vadd.f32 v63, v31  }
0x354: {  	s16 =	sadd.s32 s4, s23;
	v8 =	vmul.f32 v22, v22;
	v49 =	vld [tilespmem:s8+$0x0];
	v28 =	vadd.f32 v32, v28;
	v55 =	vadd.f32 v43, v16  }
0x355: {  	v62 =	vld [tilespmem:s16+$0x80];
	v33 =	vadd.f32 v58, v20;
	v37 =	vadd.f32 v40, v37  }
0x356: {  	s11 =	sadd.s32 $0x4880, s3;
	v27 =	vmul.f32 v13, v13;
	v31 =	vld [tilespmem:s21+$0x80];
	v8 =	vadd.f32 v8, v5;
	v5 =	vadd.f32 v14, v9  }
0x357: {  	v29 =	vmul.f32 v29, v29;
	s28 =	sor.u32 s19, s11;
	v12 =	vadd.f32 v26, v12;
	v26 =	vld [tilespmem:s16+$0x0];
	v11 =	vadd.f32 v13, v10;
	[tilespmem:s21+$0x0] =	vst v37  }
0x358: {  	v10 =	vadd.f32 v27, v24;
	v22 =	vadd.f32 v35, v38;
	v54 =	vld [tilespmem:s28+$0x0]  }
0x359: {  	v56 =	vld [tilespmem:s16+$0x100];
	v13 =	vadd.f32 v29, v7;
	v27 =	vadd.f32 v17, v59;
	v17 =	vmul.f32 v17, v17  }
0x35a: {  	v41 =	vmul.f32 v14, v14;
	s26 =	sor.u32 s0, s11;
	v24 =	vld [tilespmem:s13+$0x380];
	v52 =	vadd.f32 v28, v7;
	v14 =	vadd.f32 v36, v44;
	[tilespmem:s15+$0x0] =	vst v22  }
0x35b: {  	s5 =	sadd.s32 $0x4B80, s18;
	[tilespmem:s13+$0x300] =	vst v28;
	v28 =	vmul.f32 v28, v28;
	v63 =	vadd.f32 v17, v13;
	v13 =	vadd.f32 v60, v7;
	v51 =	vld [tilespmem:s26+$0x0]  }
0x35c: {  	s6 =	sor.u32 s6, s5;
	v29 =	vld [tilespmem:s20+$0x80];
	v17 =	vmul.f32 v25, v25;
	v25 =	vadd.f32 v25, v30;
	v26 =	vadd.f32 v26, v49  }
0x35d: {  	s29 =	sor.u32 s1, s11;
	v61 =	vld [tilespmem:s6+$0x0];
	v27 =	vadd.f32 v6, v27;
	[tilespmem:s20+$0x0] =	vst v14;
	v31 =	vadd.f32 v31, v54  }
0x35e: {  	s31 =	sadd.s32 $0x4900, s3;
	s11 =	sor.u32 s4, s11;
	v6 =	vmul.f32 v6, v6;
	v28 =	vadd.f32 v28, v7;
	v44 =	vadd.f32 v17, v13;
	v42 =	vld [tilespmem:s29+$0x0];
	[tilespmem:s16+$0x0] =	vst v26  }
0x35f: {  	s18 =	sor.u32 s19, s31;
	v17 =	vadd.f32 v57, v23;
	v25 =	vadd.f32 v15, v25;
	v49 =	vmul.f32 v15, v15;
	v30 =	vld [tilespmem:s11+$0x0];
	[tilespmem:s21+$0x80] =	vst v31  }
0x360: {  	v20 =	vmul.f32 v3, v3;
	v6 =	vadd.f32 v6, v63;
	v34 =	vadd.f32 v47, v51;
	v51 =	vld [tilespmem:s18+$0x0]  }
0x361: {  	v58 =	vld [tilespmem:s15+$0x180];
	v21 =	vadd.f32 v37, v21;
	v23 =	vmul.f32 v4, v4;
	v50 =	vadd.f32 v49, v44  }
0x362: {  	s17 =	sor.u32 s0, s31;
	v9 =	vld [tilespmem:s21+$0x200];
	v16 =	vadd.f32 v4, v25;
	v59 =	vadd.f32 v20, v6;
	v54 =	vmul.f32 v17, v17;
	[tilespmem:s15+$0x80] =	vst v34  }
0x363: {  	v15 =	vadd.f32 v23, v50;
	v29 =	vadd.f32 v29, v42;
	v45 =	vld [tilespmem:s17+$0x0]  }
0x364: {  	v13 =	vld [tilespmem:s16+$0x280];
	v4 =	vmul.f32 v55, v55;
	v28 =	vadd.f32 v54, v28;
	v23 =	vadd.f32 v62, v30  }
0x365: {  	s23 =	sor.u32 s1, s31;
	v6 =	vld [tilespmem:s21+$0x180];
	v20 =	vadd.f32 v24, v61;
	v61 =	vmul.f32 v37, v37;
	[tilespmem:s20+$0x80] =	vst v29;
	v25 =	vadd.f32 v39, v51  }
0x366: {  	s24 =	sadd.s32 $0x4980, s3;
	s6 =	sor.u32 s4, s31;
	v27 =	vadd.f32 v3, v27;
	v24 =	vmul.f32 v33, v33;
	v30 =	vld [tilespmem:s23+$0x0];
	v4 =	vadd.f32 v4, v28;
	[tilespmem:s16+$0x80] =	vst v23  }
0x367: {  	s26 =	sor.u32 s19, s24;
	v21 =	vadd.f32 v22, v21;
	v18 =	vadd.f32 v61, v18;
	v57 =	vld [tilespmem:s6+$0x0];
	[tilespmem:s21+$0x100] =	vst v25  }
0x368: {  	v3 =	vadd.f32 v24, v4;
	v24 =	vmul.f32 v22, v22;
	v32 =	vadd.f32 v48, v45;
	v28 =	vld [tilespmem:s26+$0x0]  }
0x369: {  	s2 =	sor.u32 s2, s5;
	[tilespmem:s10+$0x300] =	vst v55;
	v8 =	vadd.f32 v41, v8;
	v63 =	vld [tilespmem:s16+$0x180];
	v21 =	vadd.f32 v26, v21  }
0x36a: {  	s25 =	sor.u32 s0, s24;
	v42 =	vadd.f32 v17, v52;
	v47 =	vld [tilespmem:s2+$0x0];
	v18 =	vadd.f32 v24, v18;
	v24 =	vmul.f32 v26, v26;
	[tilespmem:s15+$0x100] =	vst v32  }
0x36b: {  	v26 =	vmul.f32 v31, v31;
	v31 =	vadd.f32 v31, v5;
	v30 =	vadd.f32 v53, v30;
	v60 =	vld [tilespmem:s25+$0x0]  }
0x36c: {  	v54 =	vld [tilespmem:s20+$0x200];
	v18 =	vadd.f32 v24, v18;
	v24 =	vmul.f32 v14, v14;
	v36 =	vadd.f32 v56, v57  }
0x36d: {  	s28 =	sor.u32 s1, s24;
	v22 =	vld [tilespmem:s20+$0x180];
	v19 =	vadd.f32 v25, v19;
	v25 =	vmul.f32 v25, v25;
	[tilespmem:s20+$0x100] =	vst v30;
	v28 =	vadd.f32 v6, v28  }
0x36e: {  	s29 =	sadd.s32 $0x4A00, s3;
	s6 =	sor.u32 s4, s24;
	v8 =	vadd.f32 v26, v8;
	v62 =	vld [tilespmem:s28+$0x0];
	v5 =	vadd.f32 v24, v18;
	[tilespmem:s16+$0x100] =	vst v36  }
0x36f: {  	s8 =	sor.u32 s19, s29;
	v18 =	vadd.f32 v34, v31;
	v12 =	vadd.f32 v25, v12;
	v25 =	vmul.f32 v32, v32;
	v45 =	vld [tilespmem:s6+$0x0];
	[tilespmem:s21+$0x180] =	vst v28  }
0x370: {  	v6 =	vadd.f32 v14, v21;
	v14 =	vmul.f32 v34, v34;
	v38 =	vadd.f32 v58, v60;
	v21 =	vld [tilespmem:s8+$0x0]  }
0x371: {  	v42 =	vadd.f32 v55, v42;
	v55 =	vld [tilespmem:s10+$0x380];
	v12 =	vadd.f32 v25, v12;
	v25 =	vmul.f32 v36, v36  }
0x372: {  	s31 =	sor.u32 s0, s29;
	v51 =	vld [tilespmem:s21+$0x280];
	v18 =	vadd.f32 v23, v18;
	v8 =	vadd.f32 v14, v8;
	v14 =	vmul.f32 v23, v23;
	[tilespmem:s15+$0x180] =	vst v38  }
0x373: {  	[tilespmem:s7+$0x300] =	vst v33;
	s11 =	sor.u32 s12, s5;
	v12 =	vadd.f32 v25, v12;
	v22 =	vadd.f32 v22, v62;
	v48 =	vld [tilespmem:s31+$0x0]  }
0x374: {  	v49 =	vmul.f32 v29, v29;
	v26 =	vld [tilespmem:s11+$0x0];
	v11 =	vadd.f32 v28, v11;
	v14 =	vadd.f32 v14, v8  }
0x375: {  	v31 =	vld [tilespmem:s15+$0x280];
	v24 =	vadd.f32 v63, v45;
	v21 =	vadd.f32 v9, v21  }
0x376: {  	v56 =	vld [tilespmem:s15+$0x300];
	v9 =	vadd.f32 v49, v14;
	v14 =	vadd.f32 v32, v19;
	v19 =	vmul.f32 v28, v28  }
0x377: {  	s12 =	sor.u32 s4, s29;
	v25 =	vmul.f32 v30, v30;
	v23 =	vld [tilespmem:s16+$0x200];
	v8 =	vadd.f32 v29, v18;
	v53 =	vadd.f32 v38, v11;
	[tilespmem:s16+$0x180] =	vst v24  }
0x378: {  	s6 =	sor.u32 s1, s29;
	[tilespmem:s20+$0x180] =	vst v22;
	v29 =	vld [tilespmem:s12+$0x0];
	v18 =	vadd.f32 v46, v48;
	v10 =	vadd.f32 v19, v10;
	v19 =	vmul.f32 v38, v38  }
0x379: {  	s17 =	sadd.s32 $0x4A80, s3;
	v50 =	vld [tilespmem:s6+$0x0];
	v11 =	vadd.f32 v25, v12;
	v12 =	vadd.f32 v24, v53  }
0x37a: {  	s18 =	sor.u32 s0, s17;
	v25 =	vld [tilespmem:s9+$0x380];
	v14 =	vadd.f32 v36, v14;
	[tilespmem:s15+$0x200] =	vst v18;
	v10 =	vadd.f32 v19, v10;
	v19 =	vmul.f32 v24, v24  }
0x37b: {  	s23 =	sor.u32 s19, s17;
	v4 =	vadd.f32 v33, v42;
	v12 =	vadd.f32 v22, v12;
	[tilespmem:s21+$0x200] =	vst v21;
	v52 =	vld [tilespmem:s18+$0x0]  }
0x37c: {  	[tilespmem:s9+$0x300] =	vst v17;
	s5 =	sor.u32 s14, s5;
	v28 =	vld [tilespmem:s23+$0x0];
	v14 =	vadd.f32 v30, v14;
	v10 =	vadd.f32 v19, v10;
	v19 =	vmul.f32 v21, v21  }
0x37d: {  	v17 =	vmul.f32 v22, v22;
	v24 =	vadd.f32 v21, v27;
	v23 =	vadd.f32 v23, v29;
	v29 =	vld [tilespmem:s5+$0x0]  }
0x37e: {  	v58 =	vld [tilespmem:s21+$0x300];
	v27 =	vmul.f32 v18, v18;
	v21 =	vadd.f32 v19, v59;
	v19 =	vadd.f32 v54, v50  }
0x37f: {  	s24 =	sor.u32 s4, s17;
	v30 =	vld [tilespmem:s7+$0x380];
	[tilespmem:s16+$0x200] =	vst v23;
	v10 =	vadd.f32 v17, v10;
	v17 =	vadd.f32 v18, v24  }
0x380: {  	v18 =	vld [tilespmem:s24+$0x0];
	v31 =	vadd.f32 v31, v52;
	v24 =	vadd.f32 v27, v21  }
0x381: {  	s2 =	sor.u32 s1, s17;
	v57 =	vmul.f32 v20, v20;
	v22 =	vld [tilespmem:s20+$0x280];
	[tilespmem:s20+$0x200] =	vst v19;
	v21 =	vadd.f32 v23, v17;
	v17 =	vadd.f32 v51, v28  }
0x382: {  	s25 =	sadd.s32 $0x4B00, s3;
	v59 =	vadd.f32 v20, v7;
	v29 =	vadd.f32 v25, v29;
	v27 =	vmul.f32 v23, v23;
	v28 =	vld [tilespmem:s2+$0x0];
	[tilespmem:s15+$0x280] =	vst v31  }
0x383: {  	s26 =	sor.u32 s0, s25;
	v23 =	vadd.f32 v57, v7;
	v7 =	vld [tilespmem:s20+$0x380];
	[tilespmem:s21+$0x280] =	vst v17;
	v16 =	vadd.f32 v17, v16;
	v17 =	vmul.f32 v17, v17  }
0x384: {  	v61 =	vadd.f32 v55, v47;
	s28 =	sor.u32 s19, s25;
	v60 =	vadd.f32 v30, v26;
	v26 =	vld [tilespmem:s26+$0x0]  }
0x385: {  	[tilespmem:s13+$0x380] =	vst v20;
	v30 =	vld [tilespmem:s28+$0x0];
	v25 =	vadd.f32 v13, v18;
	v15 =	vadd.f32 v17, v15;
	v17 =	vmul.f32 v29, v29  }
0x386: {  	[tilespmem:s9+$0x380] =	vst v29;
	v13 =	vld [tilespmem:s15+$0x380];
	v29 =	vadd.f32 v29, v59;
	v18 =	vadd.f32 v31, v16;
	v31 =	vmul.f32 v31, v31  }
0x387: {  	v62 =	vmul.f32 v61, v61;
	s31 =	sor.u32 s4, s25;
	[tilespmem:s16+$0x280] =	vst v25;
	v20 =	vadd.f32 v22, v28;
	v22 =	vld [tilespmem:s20+$0x300];
	v28 =	vadd.f32 v17, v23  }
0x388: {  	s30 =	simm.s32 $0x4;
	s14 =	simm.s32 $0x400;
	[tilespmem:s10+$0x380] =	vst v61;
	s29 =	sadd.s32 $0x4B80, s3;
	v33 =	vmul.f32 v60, v60;
	v63 =	vadd.f32 v61, v29;
	v17 =	vadd.f32 v31, v15;
	v29 =	vld [tilespmem:s31+$0x0]  }
0x389: {  	s13 =	sor.u32 s4, s29;
	s6 =	sor.u32 s19, s29;
	s5 =	sor.u32 s1, s25;
	v16 =	vmul.f32 v25, v25;
	v23 =	vadd.f32 v56, v26;
	v26 =	vld [tilespmem:s16+$0x300];
	[tilespmem:s20+$0x280] =	vst v20;
	v32 =	vadd.f32 v62, v28  }
0x38a: {  	s1 =	sor.u32 s1, s29;
	s2 =	sor.u32 s0, s29;
	[tilespmem:s7+$0x380] =	vst v60;
	s7 =	simm.s32 $0x80;
	v31 =	vadd.f32 v58, v30;
	v30 =	vmul.f32 v20, v20;
	v15 =	vadd.f32 v60, v63;
	v28 =	vld [tilespmem:s5+$0x0]  }
.LBB2_13:
0x38b: {  	s0 =	sand.u32 $0x40, s7;
	s25 =	sand.u32 $0x1C00, s14;
	v48 =	vld [tilespmem:s21+$0x380]  }
0x38c: {  	v25 =	vadd.f32 v25, v18;
	v34 =	vadd.f32 v16, v17;
	v16 =	vld [tilespmem:s16+$0x380];
	s5 =	sadd.s32 s25, s22;
	s23 =	sor.u32 $0x10, s0;
	[tilespmem:s21+$0x300] =	vst v31  }
0x38d: {  	[dreg:$0x1c] =	wrdreg s2;
	s24 =	sor.u32 $0x30, s0;
	v4 =	vadd.f32 v31, v4;
	v31 =	vmul.f32 v31, v31;
	s4 =	sadd.s32 s23, s5;
	v49 =	vld [tilespmem:s6+$0x0]  }
0x38e: {  	[dreg:$0x19] =	wrdreg s16;
	s8 =	sadd.s32 $0x4800, s25;
	v24 =	vadd.f32 v27, v24;
	s18 =	sadd.s32 s24, s5;
	v20 =	vadd.f32 v20, v25;
	v27 =	vld [tilespmem:s4+$0x0]  }
0x38f: {  	[dreg:$0x18] =	wrdreg s20;
	s2 =	sor.u32 s0, s8;
	v18 =	vadd.f32 v30, v34;
	v3 =	vadd.f32 v31, v3;
	v31 =	vld [tilespmem:s18+$0x0]  }
0x390: {  	[dreg:$0x17] =	wrdreg s15;
	[tilespmem:s15+$0x300] =	vst v23;
	s17 =	sadd.s32 $0x4900, s25;
	s15 =	sadd.s32 s0, s5;
	v30 =	vmul.f32 v23, v23;
	v4 =	vadd.f32 v23, v4;
	v25 =	vld [tilespmem:s2+$0x0];
	v26 =	vadd.f32 v26, v29  }
0x391: {  	s11 =	sadd.s32 $0x4980, s25;
	s26 =	sor.u32 s0, s17;
	s3 =	sor.u32 s23, s17;
	v23 =	vmul.f32 v19, v19;
	v19 =	vadd.f32 v19, v21;
	v21 =	vld [tilespmem:s15+$0x200];
	v28 =	vadd.f32 v22, v28  }
0x392: {  	s31 =	sor.u32 s0, s11;
	s28 =	sor.u32 s23, s11;
	s10 =	sor.u32 s23, s8;
	v36 =	vld [tilespmem:s18+$0x80];
	v3 =	vadd.f32 v30, v3;
	v30 =	vmul.f32 v26, v26;
	v4 =	vadd.f32 v26, v4  }
0x393: {  	s9 =	sor.u32 s24, s8;
	s2 =	sor.u32 s24, s17;
	[tilespmem:s16+$0x300] =	vst v26;
	s16 =	sor.u32 $0x20, s0;
	v26 =	vld [tilespmem:s10+$0x0];
	v22 =	vadd.f32 v48, v49  }
0x394: {  	[tilespmem:s20+$0x300] =	vst v28;
	s6 =	sor.u32 s16, s8;
	s20 =	sor.u32 s16, s17;
	s17 =	sadd.s32 $0x4A00, s25;
	v3 =	vadd.f32 v30, v3;
	v30 =	vmul.f32 v28, v28;
	v4 =	vadd.f32 v28, v4;
	v28 =	vld [tilespmem:s15+$0x0]  }
0x395: {  	v56 =	vld [tilespmem:s4+$0x100];
	s29 =	sor.u32 s16, s11;
	s8 =	sor.u32 s24, s11;
	s11 =	sor.u32 s0, s17  }
0x396: {  	v51 =	vld [tilespmem:s9+$0x0];
	s12 =	sor.u32 s16, s17;
	[smem:$0x7D8] =	sst s11;
	[tilespmem:s21+$0x380] =	vst v22;
	s21 =	sadd.s32 $0x4A80, s25  }
0x397: {  	v29 =	vld [tilespmem:s15+$0x80];
	s19 =	sadd.s32 s16, s5;
	[smem:$0x7D9] =	sst s12;
	s12 =	sor.u32 s0, s21  }
0x398: {  	s9 =	sadd.s32 $0x4880, s25;
	v50 =	vld [tilespmem:s19+$0x0];
	[smem:$0x7DC] =	sst s12;
	s12 =	sor.u32 s16, s21;
	v26 =	vadd.f32 v27, v26  }
0x399: {  	v52 =	vld [tilespmem:s6+$0x0];
	s11 =	sor.u32 s23, s17;
	[dreg:$0x1e] =	wrdreg s12;
	s12 =	sor.u32 s24, s21;
	v28 =	vadd.f32 v28, v25  }
0x39a: {  	s17 =	sor.u32 s24, s17;
	v27 =	vld [tilespmem:s4+$0x80];
	[smem:$0x7DD] =	sst s12;
	s12 =	sor.u32 s23, s9;
	[tilespmem:s4+$0x0] =	vst v26  }
0x39b: {  	[smem:$0x7DA] =	sst s17;
	s17 =	sor.u32 s23, s21;
	s21 =	sor.u32 s0, s9;
	v31 =	vadd.f32 v31, v51;
	v35 =	vld [tilespmem:s12+$0x0];
	[tilespmem:s15+$0x0] =	vst v28;
	v6 =	vadd.f32 v28, v6  }
0x39c: {  	v28 =	vmul.f32 v28, v28;
	v53 =	vld [tilespmem:s21+$0x0]  }
0x39d: {  	v60 =	vld [tilespmem:s4+$0x180];
	s5 =	smov.u32 s1;
	s1 =	sor.u32 s24, s9;
	[tilespmem:s18+$0x0] =	vst v31;
	v6 =	vadd.f32 v26, v6  }
0x39e: {  	v54 =	vld [tilespmem:s1+$0x0];
	v5 =	vadd.f32 v28, v5;
	v26 =	vmul.f32 v26, v26;
	v28 =	vadd.f32 v50, v52  }
0x39f: {  	v55 =	vld [tilespmem:s19+$0x80]  }
0x3a0: {  	s9 =	sor.u32 s16, s9;
	v25 =	vld [tilespmem:s13+$0x0];
	v5 =	vadd.f32 v26, v5;
	v27 =	vadd.f32 v27, v35;
	[tilespmem:s19+$0x0] =	vst v28  }
0x3a1: {  	v26 =	vmul.f32 v28, v28;
	v6 =	vadd.f32 v28, v6;
	v28 =	vld [tilespmem:s9+$0x0];
	v29 =	vadd.f32 v29, v53  }
0x3a2: {  	v17 =	vadd.f32 v33, v32;
	v3 =	vadd.f32 v30, v3;
	v30 =	vld [tilespmem:s15+$0x100];
	s21 =	smov.u32 s15;
	[tilespmem:s4+$0x80] =	vst v27  }
0x3a3: {  	v32 =	vadd.f32 v36, v54;
	v37 =	vld [tilespmem:s3+$0x0];
	[tilespmem:s21+$0x80] =	vst v29;
	v8 =	vadd.f32 v29, v8;
	v29 =	vmul.f32 v29, v29  }
0x3a4: {  	v58 =	vld [tilespmem:s26+$0x0]  }
0x3a5: {  	v41 =	vld [tilespmem:s18+$0x180];
	v57 =	vmul.f32 v31, v31;
	v6 =	vadd.f32 v31, v6;
	[tilespmem:s18+$0x80] =	vst v32;
	v9 =	vadd.f32 v29, v9  }
0x3a6: {  	v31 =	vld [tilespmem:s2+$0x0];
	v8 =	vadd.f32 v27, v8;
	v27 =	vmul.f32 v27, v27;
	v28 =	vadd.f32 v55, v28  }
0x3a7: {  	v29 =	vld [tilespmem:s18+$0x100]  }
0x3a8: {  	v59 =	vld [tilespmem:s19+$0x100];
	v9 =	vadd.f32 v27, v9;
	v27 =	vadd.f32 v56, v37;
	[tilespmem:s19+$0x80] =	vst v28  }
0x3a9: {  	v61 =	vmul.f32 v28, v28;
	v8 =	vadd.f32 v28, v8;
	v28 =	vld [tilespmem:s20+$0x0];
	v30 =	vadd.f32 v30, v58  }
0x3aa: {  	v62 =	vld [tilespmem:s21+$0x180];
	[tilespmem:s4+$0x100] =	vst v27  }
0x3ab: {  	v40 =	vld [tilespmem:s28+$0x0];
	[tilespmem:s21+$0x100] =	vst v30;
	v14 =	vadd.f32 v30, v14  }
0x3ac: {  	v29 =	vadd.f32 v29, v31;
	v30 =	vmul.f32 v30, v30;
	v31 =	vld [tilespmem:s31+$0x0]  }
0x3ad: {  	v43 =	vld [tilespmem:s4+$0x200];
	v14 =	vadd.f32 v27, v14  }
0x3ae: {  	v38 =	vld [tilespmem:s18+$0x280];
	v11 =	vadd.f32 v30, v11;
	v27 =	vmul.f32 v27, v27;
	v28 =	vadd.f32 v59, v28  }
0x3af: {  	v49 =	vld [tilespmem:s4+$0x280]  }
0x3b0: {  	v42 =	vld [tilespmem:s19+$0x180];
	v11 =	vadd.f32 v27, v11;
	v27 =	vadd.f32 v60, v40;
	[tilespmem:s19+$0x100] =	vst v28  }
0x3b1: {  	s10 =	sadd.s32 $0x4B00, s25;
	s9 =	sld [smem:$0x7D8];
	[tilespmem:s18+$0x100] =	vst v29;
	v44 =	vmul.f32 v28, v28;
	v14 =	vadd.f32 v28, v14;
	v28 =	vld [tilespmem:s29+$0x0];
	v31 =	vadd.f32 v62, v31  }
0x3b2: {  	v24 =	vadd.f32 v23, v24;
	v23 =	vmul.f32 v22, v22;
	[smem:$0x7DB] =	sst s17;
	s17 =	sor.u32 s23, s10;
	v30 =	vld [tilespmem:s8+$0x0];
	[tilespmem:s4+$0x180] =	vst v27  }
0x3b3: {  	[dreg:$0x1d] =	wrdreg s17;
	s17 =	sor.u32 s0, s10;
	v47 =	vld [tilespmem:s11+$0x0];
	[tilespmem:s21+$0x180] =	vst v31;
	v12 =	vadd.f32 v31, v12;
	v31 =	vmul.f32 v31, v31  }
0x3b4: {  	v15 =	vadd.f32 v22, v15;
	v17 =	vadd.f32 v23, v17;
	[dreg:$0x1f] =	wrdreg s17;
	s17 =	sor.u32 s16, s10;
	v48 =	vld [tilespmem:s9+$0x0]  }
0x3b5: {  	[dreg:$0x1b] =	wrdreg s17;
	v50 =	vld [tilespmem:s21+$0x280];
	v5 =	vadd.f32 v26, v5;
	v10 =	vadd.f32 v31, v10  }
0x3b6: {  	s17 =	sor.u32 s24, s10;
	s10 =	sld [smem:$0x7D9];
	v46 =	vld [tilespmem:s5+$0x0];
	v12 =	vadd.f32 v27, v12;
	v27 =	vmul.f32 v27, v27;
	v28 =	vadd.f32 v42, v28  }
0x3b7: {  	v45 =	vmul.f32 v29, v29;
	v14 =	vadd.f32 v29, v14;
	v29 =	vld [tilespmem:s18+$0x200];
	v30 =	vadd.f32 v41, v30;
	s11 =	sld [smem:$0x7DA]  }
0x3b8: {  	s12 =	sld [smem:$0x7DB];
	v31 =	vld [tilespmem:s19+$0x200];
	v10 =	vadd.f32 v27, v10;
	v27 =	vadd.f32 v43, v47;
	[tilespmem:s19+$0x180] =	vst v28  }
0x3b9: {  	s15 =	sld [smem:$0x7DC];
	[tilespmem:s18+$0x180] =	vst v30;
	v51 =	vmul.f32 v28, v28;
	v12 =	vadd.f32 v28, v12;
	v28 =	vld [tilespmem:s10+$0x0];
	v21 =	vadd.f32 v21, v48  }
0x3ba: {  	v63 =	vmul.f32 v32, v32;
	v5 =	vadd.f32 v57, v5;
	v9 =	vadd.f32 v61, v9;
	v53 =	vld [tilespmem:s11+$0x0];
	[tilespmem:s4+$0x200] =	vst v27  }
0x3bb: {  	v8 =	vadd.f32 v32, v8;
	v54 =	vld [tilespmem:s12+$0x0];
	[tilespmem:s21+$0x200] =	vst v21;
	v19 =	vadd.f32 v21, v19;
	v21 =	vmul.f32 v21, v21  }
0x3bc: {  	s25 =	sadd.s32 $0x4B80, s25;
	v9 =	vadd.f32 v63, v9;
	v52 =	vmul.f32 v30, v30;
	v12 =	vadd.f32 v30, v12;
	v30 =	vld [tilespmem:s15+$0x0]  }
0x3bd: {  	v22 =	vld [tilespmem:s18+$0x300];
	s13 =	sor.u32 s16, s25;
	s16 =	rddreg [dreg:$0x1c];
	v21 =	vadd.f32 v21, v24;
	v55 =	vadd.f32 v27, v19;
	v19 =	vmul.f32 v27, v27  }
0x3be: {  	[dreg:$0x1a] =	wrdreg s17;
	v60 =	vadd.f32 v16, v25;
	v27 =	vadd.f32 v31, v28;
	v28 =	vld [tilespmem:s16+$0x0]  }
0x3bf: {  	v26 =	vld [tilespmem:s19+$0x280];
	s20 =	sld [smem:$0x7DD];
	v24 =	vadd.f32 v19, v21;
	v19 =	vadd.f32 v29, v53  }
0x3c0: {  	s17 =	rddreg [dreg:$0x1e];
	v56 =	vld [tilespmem:s21+$0x300];
	v11 =	vadd.f32 v44, v11;
	v10 =	vadd.f32 v51, v10;
	[tilespmem:s19+$0x200] =	vst v27  }
0x3c1: {  	v29 =	vadd.f32 v49, v54;
	v57 =	vld [tilespmem:s17+$0x0];
	v30 =	vadd.f32 v50, v30;
	[tilespmem:s18+$0x200] =	vst v19  }
0x3c2: {  	s6 =	sor.u32 s0, s25;
	v59 =	vadd.f32 v7, v46;
	v11 =	vadd.f32 v45, v11;
	v58 =	vld [tilespmem:s20+$0x0]  }
0x3c3: {  	s24 =	sor.u32 s24, s25;
	s25 =	sor.u32 s23, s25;
	s23 =	rddreg [dreg:$0x1d];
	v10 =	vadd.f32 v52, v10;
	v31 =	vld [tilespmem:s4+$0x300];
	[tilespmem:s4+$0x280] =	vst v29;
	v13 =	vadd.f32 v13, v28;
	v7 =	vmul.f32 v30, v30  }
0x3c4: {  	s30 =	sadd.s32 $0x4, s30;
	s1 =	smov.u32 s24;
	s24 =	rddreg [dreg:$0x1f];
	v63 =	vmul.f32 v60, v60;
	v21 =	vadd.f32 v27, v55;
	[tilespmem:s21+$0x280] =	vst v30;
	v20 =	vadd.f32 v30, v20;
	v30 =	vld [tilespmem:s23+$0x0]  }
0x3c5: {  	p0 =	slt.u32 s30, $0x2C;
	s2 =	smov.u32 s25;
	s25 =	rddreg [dreg:$0x17];
	v28 =	vld [tilespmem:s24+$0x0];
	v15 =	vadd.f32 v13, v15;
	v16 =	vmul.f32 v13, v13;
	v61 =	vadd.f32 v7, v18  }
.Ltmp10:
0x3c6: {  	s26 =	rddreg [dreg:$0x19];
	s15 =	smov.u32 s4;
	[tilespmem:s25+$0x380] =	vst v13;
	v7 =	vld [tilespmem:s18+$0x380];
	v18 =	vadd.f32 v29, v20;
	v29 =	vmul.f32 v29, v29;
	v25 =	vadd.f32 v26, v57;
	(pc) =	sbr.rel @p0 .LBB2_13-.Ltmp10, $4  }
0x3c7: {  	s28 =	rddreg [dreg:$0x1b];
	v33 =	vmul.f32 v59, v59;
	s16 =	smov.u32 s19;
	[tilespmem:s26+$0x380] =	vst v60;
	v13 =	vld [tilespmem:s15+$0x380];
	v62 =	vadd.f32 v16, v17;
	v20 =	vadd.f32 v38, v58  }
0x3c8: {  	s31 =	rddreg [dreg:$0x18];
	v27 =	vmul.f32 v27, v27;
	v26 =	vld [tilespmem:s16+$0x300];
	v15 =	vadd.f32 v60, v15;
	[tilespmem:s16+$0x280] =	vst v25;
	v17 =	vadd.f32 v29, v61  }
0x3c9: {  	s29 =	rddreg [dreg:$0x1a];
	v16 =	vmul.f32 v25, v25;
	v23 =	vadd.f32 v31, v30;
	v29 =	vld [tilespmem:s28+$0x0];
	v32 =	vadd.f32 v63, v62;
	[tilespmem:s18+$0x280] =	vst v20  }
0x3ca: {  	s14 =	sadd.s32 $0x200, s14;
	s7 =	sadd.s32 $0x40, s7;
	s20 =	smov.u32 s18;
	v15 =	vadd.f32 v59, v15;
	v31 =	vadd.f32 v56, v28;
	v30 =	vmul.f32 v20, v20;
	v28 =	vld [tilespmem:s29+$0x0];
	[tilespmem:s31+$0x380] =	vst v59  }
0x3cb: {  	(xrf2) =	vadd.scan.msk.f32 $0xffff, v6  }
0x3cc: {  	(xrf2) =	vadd.scan.msk.f32 $0xffff, v5  }
0x3cd: {  	(xrf2) =	vadd.scan.msk.f32 $0xffff, v8  }
0x3ce: {  	(xrf2) =	vadd.scan.msk.f32 $0xffff, v9;
	_ =	sdelay $0x3  }
0x3cf: {  	v5 =	vadd.f32 v16, v17  }
0x3d0: {  	[tilespmem:s21+$0x300] =	vst v31;
	v4 =	vadd.f32 v31, v4;
	v16 =	vadd.f32 v27, v24;
	(xrf2) =	vadd.scan.msk.f32 $0xffff, v14  }
0x3d1: {  	v8 =	vmul.f32 v31, v31;
	v9 =	vadd.f32 v33, v32;
	v24 =	vadd.f32 v26, v29;
	v14 =	vld [tilespmem:s21+$0x380];
	(xrf2) =	vadd.scan.msk.f32 $0xffff, v11  }
0x3d2: {  	v5 =	vadd.f32 v30, v5;
	v4 =	vadd.f32 v23, v4;
	v11 =	vld [tilespmem:s6+$0x0];
	v6, _, _ =	vpop (xrf2)  }
0x3d3: {  	v3 =	vadd.f32 v8, v3;
	(v2sf) =	vpush v6, $0xF;
	v6, _, _ =	vpop (xrf2)  }
0x3d4: {  	[tilespmem:s15+$0x300] =	vst v23;
	(v2sf) =	vpush v6, $0xF;
	v6 =	vadd.f32 v25, v18;
	v17, _, _ =	vpop (xrf2);
	v18 =	vmul.f32 v23, v23  }
0x3d5: {  	[tilespmem:s16+$0x300] =	vst v24;
	(xrf2) =	vadd.scan.msk.f32 $0xffff, v12;
	v12 =	vadd.f32 v22, v28;
	v23 =	vld [tilespmem:s2+$0x0];
	(v2sf) =	vpush v17, $0xF;
	v8, _, _ =	vpop (xrf2)  }
0x3d6: {  	(xrf2) =	vadd.scan.msk.f32 $0xffff, v10;
	v10 =	vmul.f32 v24, v24;
	v17 =	vld [tilespmem:s16+$0x380];
	(v2sf) =	vpush v8, $0xF;
	v18 =	vadd.f32 v18, v3  }
0x3d7: {  	v8 =	vmul.f32 v19, v19;
	v20 =	vadd.f32 v20, v6;
	v3 =	vadd.f32 v14, v11;
	v6 =	vld [tilespmem:s13+$0x0]  }
0x3d8: {  	v4 =	vadd.f32 v24, v4;
	[tilespmem:s20+$0x300] =	vst v12;
	v14 =	vadd.f32 v19, v21  }
0x3d9: {  	v11 =	vadd.f32 v8, v16;
	v10 =	vadd.f32 v10, v18;
	v16 =	vmul.f32 v3, v3;
	v18 =	vld [tilespmem:s1+$0x0]  }
0x3da: {  	v15 =	vadd.f32 v3, v15;
	v8 =	vadd.f32 v13, v23;
	v13, _, _ =	vpop (xrf2)  }
0x3db: {  	v9 =	vadd.f32 v16, v9;
	(v2sf) =	vpush v13, $0xF;
	v13, _, _ =	vpop (xrf2)  }
0x3dc: {  	(xrf2) =	vadd.scan.msk.f32 $0xffff, v14;
	v6 =	vadd.f32 v17, v6;
	v16 =	vmul.f32 v8, v8;
	(v2sf) =	vpush v13, $0xF  }
0x3dd: {  	v4 =	vadd.f32 v12, v4;
	(xrf2) =	vadd.scan.msk.f32 $0xffff, v11;
	v13 =	vmul.f32 v12, v12;
	v12 =	vadd.f32 v8, v15  }
0x3de: {  	v7 =	vadd.f32 v7, v18;
	v9 =	vadd.f32 v16, v9;
	v14 =	vmul.f32 v6, v6  }
0x3df: {  	(xrf2) =	vadd.scan.msk.f32 $0xffff, v20;
	v11 =	vadd.f32 v6, v12  }
0x3e0: {  	(xrf2) =	vadd.scan.msk.f32 $0xffff, v5;
	v10 =	vadd.f32 v13, v10;
	v9 =	vadd.f32 v14, v9;
	v13 =	vmul.f32 v7, v7  }
0x3e1: {  	v12, _, _ =	vpop (xrf2);
	v5 =	vadd.f32 v7, v11  }
0x3e2: {  	(xrf2) =	vadd.scan.msk.f32 $0xffff, v4;
	v4 =	vadd.f32 v13, v9;
	s0 =	spop (v2sf);
	(v2sf) =	vpush v12, $0xF;
	v12, _, _ =	vpop (xrf2)  }
0x3e3: {  	(xrf2) =	vadd.scan.msk.f32 $0xffff, v10;
	s4 =	smul.f32 $1.302083370e-03, s0;
	s30 =	spop (v2sf);
	(v2sf) =	vpush v12, $0xF  }
0x3e4: {  	(xrf2) =	vadd.scan.msk.f32 $0xffff, v5;
	s0 =	smul.f32 $1.302083370e-03, s30  }
0x3e5: {  	s3 =	spop (v2sf);
	s31 =	smul.f32 s4, s4  }
0x3e6: {  	(xrf2) =	vadd.scan.msk.f32 $0xffff, v4;
	s6 =	smul.f32 $1.302083370e-03, s3;
	s5 =	spop (v2sf);
	v4, _, _ =	vpop (xrf2)  }
0x3e7: {  	s2 =	smul.f32 $1.302083370e-03, s5;
	v5, _, _ =	vpop (xrf2);
	(v2sf) =	vpush v4, $0xF  }
0x3e8: {  	s3 =	smul.f32 s6, s6;
	(v2sf) =	vpush v5, $0xF  }
0x3e9: {  	s0 =	ssub.f32 s0, s31;
	v4, _, _ =	vpop (xrf2)  }
0x3ea: {  	v5, _, _ =	vpop (xrf2);
	s7 =	ssub.f32 s2, s3;
	s8 =	spop (v2sf);
	(v2sf) =	vpush v4, $0xF  }
0x3eb: {  	s0 =	smax.f32 s0, $0.0e+00;
	s9 =	spop (v2sf);
	(v2sf) =	vpush v5, $0xF  }
0x3ec: {  	v4, _, _ =	vpop (xrf2);
	s0 =	sadd.f32 $9.999999970e-07, s0  }
0x3ed: {  	v5, _, _ =	vpop (xrf2);
	s1 =	smax.f32 s7, $0.0e+00;
	s7 =	smul.f32 $1.302083370e-03, s8;
	(v2sf) =	vpush v4, $0xF  }
0x3ee: {  	v4, _, _ =	vpop (xrf2);
	v9 =	vmov s0;
	s0 =	smul.f32 $1.302083370e-03, s9;
	(v2sf) =	vpush v5, $0xF  }
0x3ef: {  	s10 =	smul.f32 s7, s7;
	(v2sf) =	vpush v4, $0xF  }
0x3f0: {  	s1 =	sadd.f32 $9.999999970e-07, s1  }
0x3f1: {  	s0 =	ssub.f32 s0, s10;
	s11 =	spop (v2sf)  }
0x3f2: {  	v10 =	vshrl.u32 v9, $0x1;
	v11 =	vmov s1;
	s12 =	spop (v2sf);
	s9 =	smul.f32 $1.302083370e-03, s11  }
0x3f3: {  	v9 =	vmul.f32 $5.000000000e-01, v9;
	v4, _, _ =	vpop (xrf2);
	v5 =	vshrl.u32 v11, $0x1;
	v11 =	vmul.f32 $5.000000000e-01, v11;
	s13 =	smul.f32 $1.302083370e-03, s12  }
0x3f4: {  	v10 =	vsub.s32 $0x5F3759DF, v10;
	v5 =	vsub.s32 $0x5F3759DF, v5;
	(v2sf) =	vpush v4, $0xF;
	s0 =	smax.f32 s0, $0.0e+00;
	s14 =	smul.f32 s9, s9  }
0x3f5: {  	v4 =	vmul.f32 v10, v9;
	v12 =	vmul.f32 v5, v11;
	s0 =	sadd.f32 $9.999999970e-07, s0  }
0x3f6: {  	s18 =	spop (v2sf);
	s17 =	ssub.f32 s13, s14  }
0x3f7: {  	v4 =	vmul.f32 v10, v4;
	v12 =	vmul.f32 v5, v12;
	s19 =	spop (v2sf);
	s11 =	smul.f32 $1.302083370e-03, s18  }
0x3f8: {  	v13 =	vmov s0;
	s2 =	smul.f32 $1.302083370e-03, s19;
	s0 =	smax.f32 s17, $0.0e+00  }
0x3f9: {  	v4 =	vsub.f32 $1.500000000e+00, v4;
	v12 =	vsub.f32 $1.500000000e+00, v12;
	s23 =	spop (v2sf);
	s10 =	smul.f32 s11, s11  }
0x3fa: {  	v14 =	vshrl.u32 v13, $0x1;
	v13 =	vmul.f32 $5.000000000e-01, v13;
	s0 =	sadd.f32 $9.999999970e-07, s0;
	s24 =	spop (v2sf)  }
0x3fb: {  	v4 =	vmul.f32 v10, v4;
	v5 =	vmul.f32 v5, v12;
	v10 =	vsub.s32 $0x5F3759DF, v14;
	s1 =	smul.f32 $1.302083370e-03, s24  }
0x3fc: {  	v12 =	vmul.f32 v10, v13;
	s8 =	spop (v2sf);
	v16 =	vmov s0;
	s0 =	smul.f32 $1.302083370e-03, s23  }
0x3fd: {  	v14 =	vmul.f32 v4, v9;
	v15 =	vmul.f32 v5, v11;
	s12 =	spop (v2sf);
	s8 =	smul.f32 $1.302083370e-03, s8  }
0x3fe: {  	v12 =	vmul.f32 v10, v12;
	s25 =	spop (v2sf);
	s30 =	smul.f32 $1.302083370e-03, s12  }
0x3ff: {  	v14 =	vmul.f32 v14, v4;
	v15 =	vmul.f32 v15, v5;
	s5 =	smul.f32 $1.302083370e-03, s25  }
0x400: {  	v12 =	vsub.f32 $1.500000000e+00, v12;
	v17 =	vshrl.u32 v16, $0x1;
	v16 =	vmul.f32 $5.000000000e-01, v16;
	s29 =	smul.f32 s0, s0  }
0x401: {  	s2 =	ssub.f32 s2, s10;
	v14 =	vsub.f32 $1.500000000e+00, v14;
	v15 =	vsub.f32 $1.500000000e+00, v15;
	v17 =	vsub.s32 $0x5F3759DF, v17;
	s31 =	smul.f32 s8, s8  }
0x402: {  	v10 =	vmul.f32 v10, v12;
	v12 =	vmul.f32 v17, v16;
	s28 =	smul.f32 s5, s5;
	s1 =	ssub.f32 s1, s29  }
0x403: {  	v4 =	vmul.f32 v14, v4;
	v5 =	vmul.f32 v15, v5;
	s10 =	ssub.f32 s30, s31;
	s26 =	spop (v2sf)  }
0x404: {  	v14 =	vmul.f32 v10, v13;
	v12 =	vmul.f32 v17, v12;
	s3 =	smul.f32 $1.302083370e-03, s26;
	s1 =	smax.f32 s1, $0.0e+00  }
0x405: {  	v9 =	vmul.f32 v4, v9;
	s12 =	smax.f32 s10, $0.0e+00;
	s1 =	sadd.f32 $9.999999970e-07, s1  }
0x406: {  	v11 =	vmul.f32 v5, v11;
	v14 =	vmul.f32 v14, v10;
	v12 =	vsub.f32 $1.500000000e+00, v12;
	s13 =	sadd.f32 $9.999999970e-07, s12  }
0x407: {  	s3 =	ssub.f32 s3, s28;
	v9 =	vmul.f32 v9, v4  }
0x408: {  	v11 =	vmul.f32 v11, v5;
	v14 =	vsub.f32 $1.500000000e+00, v14;
	v12 =	vmul.f32 v17, v12  }
0x409: {  	v18 =	vmov s1;
	v22 =	vmov s13;
	v9 =	vsub.f32 $1.500000000e+00, v9;
	s3 =	smax.f32 s3, $0.0e+00  }
0x40a: {  	s2 =	smax.f32 s2, $0.0e+00;
	v11 =	vsub.f32 $1.500000000e+00, v11;
	v21 =	vshrl.u32 v18, $0x1;
	v18 =	vmul.f32 $5.000000000e-01, v18;
	s3 =	sadd.f32 $9.999999970e-07, s3  }
0x40b: {  	s2 =	sadd.f32 $9.999999970e-07, s2;
	v24 =	vshrl.u32 v22, $0x1;
	v22 =	vmul.f32 $5.000000000e-01, v22;
	v14 =	vmul.f32 v14, v10  }
0x40c: {  	v4 =	vmul.f32 v9, v4;
	v5 =	vmul.f32 v11, v5;
	v9 =	vmov s3  }
0x40d: {  	v11 =	vmul.f32 v14, v13;
	v13 =	vmov s2;
	v15 =	vshrl.u32 v9, $0x1  }
0x40e: {  	v17 =	vmul.f32 $5.000000000e-01, v9;
	v9 =	vshrl.u32 v13, $0x1;
	v13 =	vmul.f32 $5.000000000e-01, v13  }
0x40f: {  	v10 =	vmul.f32 v12, v16;
	v15 =	vsub.s32 $0x5F3759DF, v15;
	v9 =	vsub.s32 $0x5F3759DF, v9  }
0x410: {  	v21 =	vsub.s32 $0x5F3759DF, v21;
	v19 =	vmul.f32 v15, v17;
	v20 =	vmul.f32 v9, v13  }
0x411: {  	v23 =	vmul.f32 v21, v18;
	v10 =	vmul.f32 v10, v12  }
0x412: {  	v24 =	vsub.s32 $0x5F3759DF, v24;
	v19 =	vmul.f32 v15, v19;
	v20 =	vmul.f32 v9, v20  }
0x413: {  	[tilespmem:s21+$0x380] =	vst v3;
	s14 =	simm.s32 $0x0;
	v3 =	vmul.f32 v21, v23;
	v23 =	vmul.f32 v24, v22  }
0x414: {  	[tilespmem:s15+$0x380] =	vst v8;
	s18 =	sand.u32 $0x1C00, s14;
	s17 =	sand.u32 $0x40, s14;
	v11 =	vmul.f32 v11, v14;
	v19 =	vsub.f32 $1.500000000e+00, v19;
	v8 =	vsub.f32 $1.500000000e+00, v20  }
0x415: {  	[tilespmem:s16+$0x380] =	vst v6;
	s19 =	sadd.s32 s18, s22;
	s21 =	sor.u32 $0x30, s17;
	v6 =	vsub.f32 $1.500000000e+00, v10;
	v3 =	vsub.f32 $1.500000000e+00, v3;
	v10 =	vmul.f32 v24, v23  }
0x416: {  	[tilespmem:s20+$0x380] =	vst v7;
	s1 =	sadd.s32 s21, s19;
	v11 =	vsub.f32 $1.500000000e+00, v11;
	v15 =	vmul.f32 v15, v19;
	v7 =	vmul.f32 v9, v8  }
0x417: {  	v56 =	vld [tilespmem:s1+$0x80];
	s2 =	sadd.s32 s17, s19;
	v19 =	vmul.f32 v6, v12;
	v12 =	vmul.f32 v21, v3  }
0x418: {  	v11 =	vmul.f32 v11, v14;
	v3 =	vsub.f32 $1.500000000e+00, v10;
	v21 =	vld [tilespmem:s2+$0x0];
	v8 =	vmul.f32 v15, v17  }
0x419: {  	v26 =	vld [tilespmem:s2+$0x100];
	v6 =	vmul.f32 v7, v13;
	v10 =	vmul.f32 v12, v18  }
0x41a: {  	v31 =	vld [tilespmem:s2+$0x300];
	v23 =	vmul.f32 v24, v3;
	v16 =	vmul.f32 v19, v16  }
0x41b: {  	v62 =	vld [tilespmem:s2+$0x380];
	v9 =	vmul.f32 v8, v15;
	v6 =	vmul.f32 v6, v7  }
0x41c: {  	s23 =	sor.u32 $0x6200, s18;
	v20 =	vld [tilespmem:s1+$0x380];
	v8 =	vmov s4;
	v10 =	vmul.f32 v10, v12;
	v27 =	vmul.f32 v23, v22  }
0x41d: {  	s14 =	sor.u32 s21, s23;
	s25 =	sor.u32 $0x10, s17;
	v24 =	vld [tilespmem:s2+$0x80];
	v16 =	vmul.f32 v16, v19;
	v21 =	vsub.f32 v21, v8;
	v25 =	vsub.f32 $1.500000000e+00, v9  }
0x41e: {  	v3 =	vld [tilespmem:s14+$0x0];
	v28 =	vsub.f32 $1.500000000e+00, v6;
	v29 =	vsub.f32 $1.500000000e+00, v10;
	v10 =	vmov s7;
	s7 =	sadd.s32 s25, s19  }
0x41f: {  	v9 =	vmov s6;
	v27 =	vmul.f32 v27, v23;
	v34 =	vld [tilespmem:s7+$0x100];
	v21 =	vmul.f32 v21, v4  }
0x420: {  	s26 =	sor.u32 $0x20, s17;
	v16 =	vsub.f32 $1.500000000e+00, v16;
	v37 =	vld [tilespmem:s7+$0x180];
	v15 =	vmul.f32 v25, v15;
	v7 =	vmul.f32 v28, v7  }
0x421: {  	v39 =	vld [tilespmem:s7+$0x380];
	v29 =	vmul.f32 v29, v12;
	v14 =	vsub.f32 $1.500000000e+00, v27;
	v12 =	vmov s9;
	s9 =	sadd.s32 s26, s19  }
0x422: {  	v24 =	vsub.f32 v24, v9;
	v41 =	vld [tilespmem:s9+$0x0];
	v17 =	vmul.f32 v15, v17;
	v30 =	vmul.f32 v7, v13  }
0x423: {  	v42 =	vld [tilespmem:s9+$0x80];
	v18 =	vmul.f32 v29, v18;
	v23 =	vmul.f32 v14, v23;
	v14 =	vmov s5  }
0x424: {  	v43 =	vld [tilespmem:s9+$0x100];
	v13 =	vmul.f32 v16, v19;
	v20 =	vsub.f32 v20, v14;
	v17 =	vmul.f32 v17, v15  }
0x425: {  	s3 =	sor.u32 $0x6280, s18;
	v38 =	vld [tilespmem:s7+$0x200];
	v16 =	vmul.f32 v30, v7;
	v18 =	vmul.f32 v18, v29;
	v50 =	vsub.f32 v34, v10  }
0x426: {  	s24 =	sor.u32 s21, s3;
	v45 =	vld [tilespmem:s9+$0x200];
	v19 =	vmul.f32 v23, v22;
	v51 =	vsub.f32 v37, v12;
	v53 =	vsub.f32 v39, v14  }
0x427: {  	v6 =	vld [tilespmem:s24+$0x0];
	v17 =	vsub.f32 $1.500000000e+00, v17;
	v22 =	vsub.f32 $1.500000000e+00, v16;
	v16 =	vmov s11  }
0x428: {  	v48 =	vld [tilespmem:s7+$0x280];
	v35 =	vsub.f32 $1.500000000e+00, v18;
	v36 =	vmul.f32 v19, v23;
	v54 =	vsub.f32 v41, v8  }
0x429: {  	v30 =	vld [tilespmem:s7+$0x0];
	v18 =	vmov s0;
	v55 =	vsub.f32 v42, v9;
	v57 =	vsub.f32 v43, v10  }
0x42a: {  	v49 =	vld [tilespmem:s7+$0x300];
	v33 =	vmul.f32 v51, v13;
	v42 =	vsub.f32 v56, v9;
	v52 =	vsub.f32 v38, v16  }
0x42b: {  	v25 =	vld [tilespmem:s2+$0x180];
	v59 =	vsub.f32 v45, v16;
	v15 =	vmul.f32 v17, v15;
	v17 =	vmul.f32 v22, v7  }
0x42c: {  	v28 =	vld [tilespmem:s2+$0x200];
	v19 =	vmul.f32 v35, v29;
	v22 =	vsub.f32 $1.500000000e+00, v36;
	v38 =	vmul.f32 v55, v5  }
0x42d: {  	v27 =	vld [tilespmem:s2+$0x280];
	v35 =	vsub.f32 v48, v18;
	v39 =	vmul.f32 v57, v11;
	v42 =	vmul.f32 v42, v5  }
0x42e: {  	v63 =	vld [tilespmem:s7+$0x80];
	v30 =	vsub.f32 v30, v8;
	v7 =	vmul.f32 v20, v15;
	v20 =	vmov s8  }
0x42f: {  	v44 =	vld [tilespmem:s9+$0x180];
	v32 =	vmul.f32 v52, v17;
	v35 =	vmul.f32 v35, v19;
	v36 =	vsub.f32 v49, v20  }
0x430: {  	v46 =	vld [tilespmem:s9+$0x280];
	v29 =	vmul.f32 v7, v3;
	v7 =	vmul.f32 v22, v23;
	v22 =	vsub.f32 v26, v10  }
0x431: {  	v47 =	vld [tilespmem:s9+$0x300];
	v23 =	vmul.f32 v24, v5;
	v24 =	vsub.f32 v25, v12;
	v25 =	vsub.f32 v28, v16  }
0x432: {  	v51 =	vld [tilespmem:s1+$0x180];
	v37 =	vmul.f32 v53, v15;
	v26 =	vsub.f32 v27, v18;
	v28 =	vsub.f32 v31, v20  }
0x433: {  	v41 =	vmul.f32 v59, v17;
	v49 =	vld [tilespmem:s1+$0x0];
	v40 =	vadd.f32 v29, v6;
	v29 =	vsub.f32 v62, v14  }
0x434: {  	v48 =	vld [tilespmem:s9+$0x380];
	v31 =	vsub.f32 v63, v9;
	v27 =	vmul.f32 v26, v19;
	v26 =	vmul.f32 v28, v7  }
0x435: {  	v60 =	vsub.f32 v46, v18;
	v57 =	vld [tilespmem:s1+$0x300];
	v28 =	vmul.f32 v29, v15;
	v29 =	vmul.f32 v30, v4  }
0x436: {  	v58 =	vsub.f32 v44, v12;
	v30 =	vmul.f32 v31, v5;
	v31 =	vmul.f32 v50, v11;
	v50 =	vld [tilespmem:s1+$0x100]  }
0x437: {  	v52 =	vld [tilespmem:s1+$0x200];
	v44 =	vmul.f32 v60, v19;
	v56 =	vmul.f32 v42, v3;
	v61 =	vsub.f32 v47, v20  }
0x438: {  	s28 =	sor.u32 s17, s23;
	v22 =	vmul.f32 v22, v11;
	v24 =	vmul.f32 v24, v13;
	v62 =	vsub.f32 v49, v8;
	v49 =	vld [tilespmem:s1+$0x280]  }
0x439: {  	v63 =	vsub.f32 v48, v14;
	v34 =	vmul.f32 v36, v7;
	v36 =	vmul.f32 v54, v4;
	v54 =	vld [tilespmem:s28+$0x0]  }
0x43a: {  	s4 =	sor.u32 s26, s23;
	v25 =	vmul.f32 v25, v17;
	v43 =	vmul.f32 v61, v7;
	v61 =	vsub.f32 v51, v12  }
0x43b: {  	s29 =	sor.u32 s25, s23;
	v46 =	vld [tilespmem:s4+$0x0];
	v45 =	vmul.f32 v63, v15;
	v60 =	vmul.f32 v62, v4;
	v50 =	vsub.f32 v50, v10  }
0x43c: {  	s30 =	sor.u32 s17, s3;
	v53 =	vld [tilespmem:s29+$0x0];
	v63 =	vsub.f32 v52, v16;
	[tilespmem:s1+$0x380] =	vst v40;
	v40 =	vmul.f32 v58, v13;
	v47 =	vmul.f32 v61, v13  }
0x43d: {  	s31 =	sor.u32 s25, s3;
	v51 =	vld [tilespmem:s30+$0x0];
	v58 =	vmul.f32 v60, v3;
	v49 =	vsub.f32 v49, v18;
	v62 =	vmul.f32 v50, v11  }
0x43e: {  	s0 =	sor.u32 s26, s3;
	v42 =	vld [tilespmem:s31+$0x0];
	v52 =	vsub.f32 v57, v20;
	v48 =	vmul.f32 v63, v17;
	v50 =	vmul.f32 v21, v54  }
0x43f: {  	s10 =	simm.s32 $0x40;
	s6 =	simm.s32 $0x200;
	s4 =	simm.s32 $0x0;
	v57 =	vadd.f32 v58, v6;
	v21 =	vld [tilespmem:s0+$0x0];
	v49 =	vmul.f32 v49, v19;
	v55 =	vmul.f32 v62, v3  }
.LBB2_15:
0x440: {  	s3 =	sand.u32 $0x40, s10;
	s5 =	sand.u32 $0x1C00, s6;
	s4 =	sadd.s32 $0x4, s4;
	v23 =	vmul.f32 v23, v54;
	v56 =	vadd.f32 v56, v6;
	v58 =	vmul.f32 v52, v7  }
0x441: {  	v22 =	vmul.f32 v22, v54;
	v24 =	vmul.f32 v24, v54;
	v52 =	vadd.f32 v55, v6;
	s8 =	sadd.s32 s5, s22;
	s16 =	sor.u32 $0x30, s3;
	p0 =	slt.u32 s4, $0x2C;
	[tilespmem:s1+$0x0] =	vst v57  }
0x442: {  	v25 =	vmul.f32 v25, v54;
	v27 =	vmul.f32 v27, v54;
	s14 =	sor.u32 $0x10, s3;
	s17 =	sor.u32 $0x20, s3;
	s12 =	sadd.s32 s16, s8;
	v50 =	vadd.f32 v50, v51;
	[tilespmem:s1+$0x80] =	vst v56  }
0x443: {  	v26 =	vmul.f32 v26, v54;
	v28 =	vmul.f32 v28, v54;
	s0 =	sadd.s32 s3, s8;
	s11 =	sadd.s32 s14, s8;
	s13 =	sadd.s32 s17, s8;
	v23 =	vadd.f32 v23, v51;
	v55 =	vld [tilespmem:s12+$0x380];
	[tilespmem:s1+$0x100] =	vst v52  }
0x444: {  	v29 =	vmul.f32 v29, v53;
	v30 =	vmul.f32 v30, v53;
	v22 =	vadd.f32 v22, v51;
	v52 =	vld [tilespmem:s0+$0x0];
	[tilespmem:s2+$0x0] =	vst v50  }
0x445: {  	v31 =	vmul.f32 v31, v53;
	v33 =	vmul.f32 v33, v53;
	s8 =	sor.u32 $0x6200, s5;
	v50 =	vld [tilespmem:s0+$0x80];
	[tilespmem:s2+$0x80] =	vst v23;
	v23 =	vadd.f32 v24, v51  }
0x446: {  	v32 =	vmul.f32 v32, v53;
	v35 =	vmul.f32 v35, v53;
	s20 =	sor.u32 s3, s8;
	s15 =	sor.u32 s14, s8;
	s18 =	sor.u32 s16, s8;
	v24 =	vld [tilespmem:s0+$0x100];
	[tilespmem:s2+$0x100] =	vst v22;
	v22 =	vadd.f32 v25, v51  }
0x447: {  	v34 =	vmul.f32 v34, v53;
	v37 =	vmul.f32 v37, v53;
	s5 =	sor.u32 $0x6280, s5;
	s19 =	sor.u32 s17, s8;
	v54 =	vld [tilespmem:s18+$0x0];
	[tilespmem:s2+$0x180] =	vst v23;
	v23 =	vadd.f32 v27, v51  }
0x448: {  	v36 =	vmul.f32 v36, v46;
	v38 =	vmul.f32 v38, v46;
	s14 =	sor.u32 s14, s5;
	s18 =	sor.u32 s3, s5;
	s3 =	sor.u32 s16, s5;
	v25 =	vld [tilespmem:s0+$0x180];
	v27 =	vsub.f32 v55, v14;
	[tilespmem:s2+$0x200] =	vst v22  }
0x449: {  	v39 =	vmul.f32 v39, v46;
	v40 =	vmul.f32 v40, v46;
	s16 =	sor.u32 s17, s5;
	v22 =	vsub.f32 v52, v8;
	v52 =	vld [tilespmem:s3+$0x0];
	[tilespmem:s2+$0x280] =	vst v23  }
0x44a: {  	v41 =	vmul.f32 v41, v46;
	v23 =	vsub.f32 v50, v9;
	v53 =	vld [tilespmem:s0+$0x200];
	v27 =	vmul.f32 v27, v15  }
0x44b: {  	v44 =	vmul.f32 v44, v46;
	v50 =	vmul.f32 v22, v4;
	v22 =	vsub.f32 v24, v10;
	v55 =	vld [tilespmem:s0+$0x280]  }
0x44c: {  	v26 =	vadd.f32 v26, v51;
	v23 =	vmul.f32 v23, v5;
	v56 =	vld [tilespmem:s0+$0x300];
	v24 =	vmul.f32 v27, v54  }
0x44d: {  	v43 =	vmul.f32 v43, v46;
	v22 =	vmul.f32 v22, v11;
	v25 =	vsub.f32 v25, v12;
	v57 =	vld [tilespmem:s0+$0x380]  }
0x44e: {  	v45 =	vmul.f32 v45, v46;
	v46 =	vmul.f32 v47, v3;
	v59 =	vld [tilespmem:s11+$0x0];
	v27 =	vadd.f32 v24, v52;
	[tilespmem:s2+$0x300] =	vst v26  }
0x44f: {  	v48 =	vmul.f32 v48, v3;
	v24 =	vmul.f32 v25, v13;
	v25 =	vsub.f32 v53, v16;
	v47 =	vld [tilespmem:s11+$0x80]  }
0x450: {  	v49 =	vmul.f32 v49, v3;
	v26 =	vsub.f32 v55, v18;
	v53 =	vld [tilespmem:s11+$0x100];
	[tilespmem:s12+$0x380] =	vst v27;
	v55 =	vmul.f32 v58, v3  }
0x451: {  	v28 =	vadd.f32 v28, v51;
	v3 =	vmovc v54;
	v25 =	vmul.f32 v25, v17;
	v56 =	vsub.f32 v56, v20;
	v58 =	vld [tilespmem:s11+$0x180]  }
0x452: {  	v29 =	vadd.f32 v29, v42;
	v27 =	vmul.f32 v26, v19;
	v51 =	vsub.f32 v57, v14;
	v54 =	vld [tilespmem:s11+$0x200]  }
0x453: {  	v30 =	vadd.f32 v30, v42;
	v26 =	vmul.f32 v56, v7;
	v56 =	vsub.f32 v59, v8;
	v57 =	vld [tilespmem:s11+$0x280];
	[tilespmem:s2+$0x380] =	vst v28;
	s2 =	smov.u32 s0  }
0x454: {  	v31 =	vadd.f32 v31, v42;
	v28 =	vmul.f32 v51, v15;
	v47 =	vsub.f32 v47, v9;
	v51 =	vld [tilespmem:s11+$0x300];
	[tilespmem:s7+$0x0] =	vst v29  }
0x455: {  	v33 =	vadd.f32 v33, v42;
	v29 =	vmul.f32 v56, v4;
	v53 =	vsub.f32 v53, v10;
	v56 =	vld [tilespmem:s11+$0x380];
	[tilespmem:s7+$0x80] =	vst v30  }
0x456: {  	v32 =	vadd.f32 v32, v42;
	v30 =	vmul.f32 v47, v5;
	v47 =	vsub.f32 v58, v12;
	v58 =	vld [tilespmem:s13+$0x0];
	[tilespmem:s7+$0x100] =	vst v31  }
0x457: {  	v35 =	vadd.f32 v35, v42;
	v31 =	vmul.f32 v53, v11;
	v53 =	vsub.f32 v54, v16;
	v54 =	vld [tilespmem:s13+$0x80];
	[tilespmem:s7+$0x180] =	vst v33  }
0x458: {  	v34 =	vadd.f32 v34, v42;
	v33 =	vmul.f32 v47, v13;
	v47 =	vsub.f32 v57, v18;
	v57 =	vld [tilespmem:s13+$0x100];
	[tilespmem:s7+$0x200] =	vst v32  }
0x459: {  	v37 =	vadd.f32 v37, v42;
	v32 =	vmul.f32 v53, v17;
	v51 =	vsub.f32 v51, v20;
	v53 =	vld [tilespmem:s13+$0x180];
	[tilespmem:s7+$0x280] =	vst v35  }
0x45a: {  	v36 =	vadd.f32 v36, v21;
	v35 =	vmul.f32 v47, v19;
	v42 =	vsub.f32 v56, v14;
	v47 =	vld [tilespmem:s13+$0x200];
	[tilespmem:s7+$0x300] =	vst v34  }
0x45b: {  	v38 =	vadd.f32 v38, v21;
	v34 =	vmul.f32 v51, v7;
	v51 =	vsub.f32 v58, v8;
	v56 =	vld [tilespmem:s13+$0x280];
	[tilespmem:s7+$0x380] =	vst v37;
	s7 =	smov.u32 s11  }
0x45c: {  	v39 =	vadd.f32 v39, v21;
	v37 =	vmul.f32 v42, v15;
	v42 =	vsub.f32 v54, v9;
	v54 =	vld [tilespmem:s13+$0x300];
	[tilespmem:s9+$0x0] =	vst v36  }
0x45d: {  	v40 =	vadd.f32 v40, v21;
	v36 =	vmul.f32 v51, v4;
	v51 =	vsub.f32 v57, v10;
	v57 =	vld [tilespmem:s13+$0x380];
	[tilespmem:s9+$0x80] =	vst v38  }
0x45e: {  	v41 =	vadd.f32 v41, v21;
	v38 =	vmul.f32 v42, v5;
	v42 =	vsub.f32 v53, v12;
	v53 =	vld [tilespmem:s12+$0x0];
	[tilespmem:s9+$0x100] =	vst v39  }
0x45f: {  	v44 =	vadd.f32 v44, v21;
	v39 =	vmul.f32 v51, v11;
	v47 =	vsub.f32 v47, v16;
	v51 =	vld [tilespmem:s12+$0x80];
	[tilespmem:s9+$0x180] =	vst v40  }
0x460: {  	v43 =	vadd.f32 v43, v21;
	v40 =	vmul.f32 v42, v13;
	v42 =	vsub.f32 v56, v18;
	v56 =	vld [tilespmem:s12+$0x100];
	[tilespmem:s9+$0x200] =	vst v41  }
0x461: {  	v21 =	vadd.f32 v45, v21;
	v41 =	vmul.f32 v47, v17;
	v47 =	vsub.f32 v54, v20;
	v58 =	vld [tilespmem:s12+$0x180];
	[tilespmem:s9+$0x280] =	vst v44  }
0x462: {  	v46 =	vadd.f32 v46, v6;
	v44 =	vmul.f32 v42, v19;
	v42 =	vsub.f32 v57, v14;
	v57 =	vld [tilespmem:s12+$0x200];
	[tilespmem:s9+$0x300] =	vst v43  }
0x463: {  	v43 =	vmul.f32 v47, v7;
	v47 =	vsub.f32 v53, v8;
	v59 =	vld [tilespmem:s12+$0x280];
	[tilespmem:s9+$0x380] =	vst v21;
	v21 =	vadd.f32 v48, v6;
	s9 =	smov.u32 s13  }
0x464: {  	v45 =	vmul.f32 v42, v15;
	v42 =	vsub.f32 v51, v9;
	v60 =	vld [tilespmem:s12+$0x300];
	[tilespmem:s1+$0x180] =	vst v46;
	v46 =	vadd.f32 v49, v6  }
0x465: {  	v54 =	vld [tilespmem:s20+$0x0];
	v47 =	vmul.f32 v47, v4;
	v48 =	vsub.f32 v56, v10;
	[tilespmem:s1+$0x200] =	vst v21;
	v21 =	vadd.f32 v55, v6  }
.Ltmp11:
0x466: {  	v6 =	vmov v52;
	v53 =	vld [tilespmem:s15+$0x0];
	v42 =	vmul.f32 v42, v5;
	v49 =	vsub.f32 v58, v12;
	[tilespmem:s1+$0x280] =	vst v46;
	(pc) =	sbr.rel @p0 .LBB2_15-.Ltmp11, $4  }
0x467: {  	v46 =	vld [tilespmem:s19+$0x0];
	v58 =	vmul.f32 v47, v3;
	v48 =	vmul.f32 v48, v11;
	v52 =	vsub.f32 v57, v16;
	[tilespmem:s1+$0x300] =	vst v21;
	s1 =	smov.u32 s12  }
0x468: {  	v51 =	vld [tilespmem:s18+$0x0];
	v56 =	vmul.f32 v42, v3;
	v47 =	vmul.f32 v49, v13;
	v49 =	vsub.f32 v59, v18  }
0x469: {  	v42 =	vld [tilespmem:s14+$0x0];
	v55 =	vmul.f32 v48, v3;
	v48 =	vmul.f32 v52, v17;
	v52 =	vsub.f32 v60, v20  }
0x46a: {  	s6 =	sadd.s32 $0x200, s6;
	s10 =	sadd.s32 $0x40, s10;
	v57 =	vadd.f32 v58, v6;
	v50 =	vmul.f32 v50, v54;
	v21 =	vld [tilespmem:s16+$0x0];
	v49 =	vmul.f32 v49, v19  }
0x46b: {  	v4 =	vadd.f32 v56, v6  }
0x46c: {  	v5 =	vmul.f32 v23, v54;
	v8 =	vadd.f32 v55, v6;
	[tilespmem:s1+$0x0] =	vst v57  }
0x46d: {  	v9 =	vmul.f32 v22, v54;
	v10 =	vadd.f32 v50, v51;
	[tilespmem:s1+$0x80] =	vst v4  }
0x46e: {  	v63 =	vmul.f32 v24, v54;
	v5 =	vadd.f32 v5, v51;
	[tilespmem:s1+$0x100] =	vst v8  }
0x46f: {  	v12 =	vmul.f32 v25, v54;
	v9 =	vadd.f32 v9, v51;
	[tilespmem:s2+$0x0] =	vst v10  }
0x470: {  	v13 =	vmul.f32 v27, v54;
	v4 =	vadd.f32 v63, v51;
	[tilespmem:s2+$0x80] =	vst v5  }
0x471: {  	v15 =	vmul.f32 v28, v54;
	v8 =	vadd.f32 v12, v51;
	[tilespmem:s2+$0x100] =	vst v9  }
0x472: {  	v56 =	vmul.f32 v47, v3;
	v16 =	vadd.f32 v13, v51;
	[tilespmem:s2+$0x180] =	vst v4  }
0x473: {  	v58 =	vmul.f32 v48, v3;
	v19 =	vadd.f32 v15, v51;
	[tilespmem:s2+$0x200] =	vst v8  }
0x474: {  	v17 =	vmul.f32 v29, v53;
	v61 =	vadd.f32 v56, v6;
	[tilespmem:s2+$0x280] =	vst v16  }
0x475: {  	v18 =	vmul.f32 v30, v53;
	v62 =	vadd.f32 v58, v6;
	[tilespmem:s2+$0x380] =	vst v19  }
0x476: {  	v20 =	vmul.f32 v31, v53;
	v22 =	vadd.f32 v17, v42;
	[tilespmem:s1+$0x180] =	vst v61  }
0x477: {  	v23 =	vmul.f32 v33, v53;
	v24 =	vadd.f32 v18, v42;
	[tilespmem:s1+$0x200] =	vst v62  }
0x478: {  	v14 =	vmul.f32 v26, v54;
	v25 =	vmul.f32 v32, v53;
	v26 =	vadd.f32 v20, v42;
	[tilespmem:s7+$0x0] =	vst v22  }
0x479: {  	v27 =	vmul.f32 v35, v53;
	v28 =	vadd.f32 v23, v42;
	[tilespmem:s7+$0x80] =	vst v24  }
0x47a: {  	v29 =	vmul.f32 v34, v53;
	v30 =	vadd.f32 v25, v42;
	[tilespmem:s7+$0x100] =	vst v26  }
0x47b: {  	v31 =	vmul.f32 v37, v53;
	v32 =	vadd.f32 v27, v42;
	[tilespmem:s7+$0x180] =	vst v28  }
0x47c: {  	v34 =	vadd.f32 v29, v42;
	[tilespmem:s7+$0x200] =	vst v30  }
0x47d: {  	v33 =	vmul.f32 v36, v46;
	v36 =	vadd.f32 v31, v42;
	[tilespmem:s7+$0x280] =	vst v32  }
0x47e: {  	v35 =	vmul.f32 v38, v46;
	v5 =	vadd.f32 v14, v51;
	[tilespmem:s7+$0x300] =	vst v34  }
0x47f: {  	v37 =	vmul.f32 v39, v46;
	v38 =	vadd.f32 v33, v21;
	[tilespmem:s7+$0x380] =	vst v36  }
0x480: {  	v39 =	vmul.f32 v40, v46;
	v40 =	vadd.f32 v35, v21;
	[tilespmem:s2+$0x300] =	vst v5  }
0x481: {  	v41 =	vmul.f32 v41, v46;
	v42 =	vadd.f32 v37, v21;
	[tilespmem:s9+$0x0] =	vst v38  }
0x482: {  	v44 =	vmul.f32 v44, v46;
	v50 =	vadd.f32 v39, v21;
	[tilespmem:s9+$0x80] =	vst v40  }
0x483: {  	v54 =	vmul.f32 v45, v46;
	v53 =	vadd.f32 v41, v21;
	[tilespmem:s9+$0x100] =	vst v42  }
0x484: {  	v51 =	vmul.f32 v43, v46;
	v55 =	vadd.f32 v44, v21;
	[tilespmem:s9+$0x180] =	vst v50  }
0x485: {  	v59 =	vadd.f32 v54, v21;
	[tilespmem:s9+$0x200] =	vst v53  }
0x486: {  	v57 =	vadd.f32 v51, v21;
	[tilespmem:s9+$0x280] =	vst v55  }
0x487: {  	[tilespmem:s9+$0x380] =	vst v59  }
0x488: {  	[tilespmem:s9+$0x300] =	vst v57  }
0x489: {  	s0 =	sld [smem:$0x7DE];
	_ =	sdelay $0x2  }
0x48a: {  	v7 =	vmul.f32 v52, v7;
	s0 =	sadd.s32 $0x1, s0  }
0x48b: {  	v60 =	vmul.f32 v49, v3;
	p0 =	sne.s32 s0, $0x4  }
.Ltmp12:
0x48c: {  	v3 =	vmul.f32 v7, v3;
	(pc) =	sbr.rel @p0 .LBB2_12-.Ltmp12, $4  }
0x48d: {  	v63 =	vadd.f32 v60, v6  }
0x48e: {  	v3 =	vadd.f32 v3, v6  }
0x48f: {  	[tilespmem:s1+$0x280] =	vst v63  }
0x490: {  	[tilespmem:s1+$0x300] =	vst v3  }
0x491: {  	s0 =	sld [smem:$0x7ED]  }
0x492: {  	s1 =	sld [smem:$0x7E3];
	_ =	sdelay $0x2  }
0x493: {  	s0 =	sadd.s32 s1, s0  }
0x494: {  	p1 =	slt.s32 s0, $0x1400  }
0x495: {  	p0 =	slt.s32 @!p1 s0, $0x2800  }
0x496: {  	p0 =	por p1, p0  }
0x497: {  	p2 =	sgt.s32 @!p0 s0, $0x3BFF  }
0x498: {  	p2 =	por p0, !p2  }
.Ltmp13:
0x499: {  	_ = 	snop;
	(pc) =	sbr.rel @!p2 .LBB2_20-.Ltmp13, $2  }
0x49a: {  	_ = 	snop  }
0x49b: {  	s7 =	sld [smem:$0x7E4];
	_ =	sdelay $0x2  }
.Ltmp14:
0x49c: {  	s2 =	rddreg [dreg:$0x8];
	(pc) =	sbr.rel .LBB2_19-.Ltmp14, $4  }
0x49d: {  	s0 =	rddreg [dreg:$0x7]  }
0x49e: {  	s1 =	rddreg [dreg:$0x9]  }
0x49f: {  	s2 =	smov.u32 @p1 s0;
	s0 =	smov.u32 s1  }
0x4a0: {  	s0 =	smov.u32 @p0 s2;
	s1 =	smov.u32 @p0 s2  }
.LBB2_22:
0x4a1: {  	_ =	sfence.sel $0x180000  }
0x4a2: {  	[bflag:$0x0] =	sbarrier.arrive $0xFFFF  }
0x4a3: {  	_ =	strace $0x90000047  }
0x4a4: {  	s0 =	stileid.u32;
	[bflag:$0x2] =	sbarrier.arrive $0xFFFF  }
0x4a5: {  	p0 =	sne.s32 s0, $0x0;
	s0 =	rddreg [dreg:$0xa]  }
0x4a6: {  	s0 =	sadd.s32 @!p0 $0x100000, s0  }
0x4a7: {  	[sflag:s0] =	ssyncadd.tile.s32 @!p0 $0x1;
	_ =	shalt  }
.Lfunc_end2:
_tile_overlayer_lowered:
.L_overlay_start_2:
0x4a8: {  	(tag) =	ssettag $0x2  }
0x4a9: {  	s0 =	rddreg [dreg:$0x0];
	s2 =	stileid.u32  }
0x4aa: {  	s1 =	rddreg [dreg:$0x1];
	p0 =	sne.s32 s2, $0x0  }
0x4ab: {  	s3 =	rddreg [dreg:$0x2];
	[bflag:$0x3] =	sbarrier.arrive $0xFFFF;
	s2 =	simm.s32 @!p0 $0x1C03  }
0x4ac: {  	[timem:s3], [sflag:s2] =	dma.local @!p0 [hbm:s0], s1  }
0x4ad: {  	s0 =	simm.s32 @!p0 $0x3  }
0x4ae: {  	_ =	swait.ge @!p0 [sflag:s0], s1  }
0x4af: {  	s1 =	ssub.s32 @!p0 $0x0, s1;
	[sflag:s0] =	ssyncset.done @!p0 $0x0  }
0x4b0: {  	[sflag:s0] =	ssyncadd.s32 @!p0 s1  }
0x4b1: {  	[bflag:$0x3] =	sbarrier.arrive $0xFFFF  }
0x4b2: {  	_ =	shalt  }

</sc_bundles>
